<compile_context>
chip_gen: v7x
topology: tpu7x:2x2x1
jax: 0.10.2.dev20260603
libtpu: 0.0.44.dev20260713+nightly
codegen_flags: <defaults>
</compile_context>

<pallas_src>
import functools

import jax
import jax.numpy as jnp
from jax import lax
from jax.experimental import pallas as pl
from jax.experimental.pallas import tpu as pltpu
from jax.experimental.pallas import tpu_sc as plsc

_NC = 2
_NS = 16
_NW = _NC * _NS
_IDXS_PER_DMA = 128
_DMAS_PER_CHUNK = 8


def _sc_linearize(table_t, tail2, f, v, d):
    cw = 3328
    wn = 30
    mesh = plsc.VectorSubcoreMesh(core_axis_name="c", subcore_axis_name="s")

    @functools.partial(
        pl.kernel,
        out_type=jax.ShapeDtypeStruct((f * v * d,), jnp.float32),
        mesh=mesh,
        compiler_params=pltpu.CompilerParams(
            use_tc_tiling_on_sc=True, needs_layout_passes=False),
        scratch_types=[
            pltpu.VMEM((16, cw), jnp.float32),
            pltpu.VMEM((cw * d,), jnp.float32),
            pltpu.VMEM((104, 128), jnp.float32),
            pltpu.SemaphoreType.DMA,
        ],
    )
    def lin_k(t_hbm, tail_hbm, o_hbm, slab, outv, tailv, sem):
        wid = lax.axis_index("s") * _NC + lax.axis_index("c")
        lanes = lax.iota(jnp.int32, 16)

        def do_task(fi, col0, cwi):
            cps = []
            for half in range(2):
                cps.append(pltpu.async_copy(
                    t_hbm.at[pl.ds(fi * 16 + half * 8, 8), pl.ds(col0, cwi)],
                    slab.at[pl.ds(half * 8, 8), pl.ds(0, cwi)], sem))
            for half in range(2):
                cps[half].wait()

                def gbody(g, carry3, h=half):
                    tgt = g * 256 + lanes * 16 + h * 8
                    for dd in range(8):
                        vals = slab[h * 8 + dd, pl.ds(g * 16, 16)]
                        plsc.store_scatter(outv, [tgt + dd], vals)
                    return carry3

                lax.fori_loop(0, cwi // 16, gbody, 0, unroll=4)
            base = (fi * v + col0) * d
            pltpu.sync_copy(outv.at[pl.ds(0, cwi * d)],
                            o_hbm.at[pl.ds(base, cwi * d)])

        def fbody(fi, carry):
            def wbody(w, carry2):
                t = fi * (wn + 1) + w

                @pl.when((t & 31) == wid)
                def _():
                    do_task(fi, w * cw, cw)

                return carry2

            lax.fori_loop(0, wn, wbody, carry)
            t = fi * (wn + 1) + wn

            @pl.when((t & 31) == wid)
            def _():
                do_task(fi, wn * cw, 128)

            return carry

        lax.fori_loop(0, f, fbody, 0)

        @pl.when(wid == 31)
        def _():
            pltpu.sync_copy(tail_hbm, tailv)

            def tbody(fi, carry):
                for jg in range(2):
                    jj = jg * 16 + lanes
                    for dd in range(d):
                        sflat = (fi * 16 + dd) * 32 + jj
                        vals = plsc.load_gather(
                            tailv, [sflat >> 7, sflat & 127])
                        plsc.store_scatter(outv, [jj * 16 + dd], vals)
                base = (fi * v + (v - 32)) * d
                pltpu.sync_copy(outv.at[pl.ds(0, 32 * d)],
                                o_hbm.at[pl.ds(base, 32 * d)])
                return carry

            lax.fori_loop(0, f, tbody, 0)

    return lin_k(table_t, tail2)


def _sc_gather(table_flat, idx3, n_rows, d):
    rpw = n_rows // _NW
    n_dma = rpw // _IDXS_PER_DMA
    chunk_rows = _IDXS_PER_DMA * _DMAS_PER_CHUNK
    n_chunks = n_dma // _DMAS_PER_CHUNK
    mesh = plsc.VectorSubcoreMesh(core_axis_name="c", subcore_axis_name="s")

    @functools.partial(
        pl.kernel,
        out_type=jax.ShapeDtypeStruct((n_rows, d), jnp.float32),
        mesh=mesh,
        compiler_params=pltpu.CompilerParams(use_tc_tiling_on_sc=False),
        scratch_types=[
            pltpu.VMEM((n_dma, _IDXS_PER_DMA), jnp.int32),
            pltpu.VMEM((chunk_rows, d), jnp.float32),
            pltpu.SemaphoreType.DMA,
        ],
    )
    def gather_k(table_hbm, idx_hbm, out_hbm, idx_v, rows_v, gsem):
        wid = lax.axis_index("s") * _NC + lax.axis_index("c")
        row0 = wid * rpw
        pltpu.sync_copy(idx_hbm.at[wid], idx_v)

        def chunk_body(c, carry):
            copies = []
            for m in range(_DMAS_PER_CHUNK):
                cp = pltpu.async_copy(
                    table_hbm.at[idx_v.at[c * _DMAS_PER_CHUNK + m]],
                    rows_v.at[pl.ds(m * _IDXS_PER_DMA, _IDXS_PER_DMA)],
                    gsem,
                )
                copies.append(cp)
            for cp in copies:
                cp.wait()
            off = pl.multiple_of(row0 + c * chunk_rows, chunk_rows)
            pltpu.sync_copy(rows_v, out_hbm.at[pl.ds(off, chunk_rows)])
            return carry

        lax.fori_loop(0, n_chunks, chunk_body, 0)

    return gather_k(table_flat, idx3)


def _tc_mlp(x, w1, b1, wp, bp, bt):
    b, d_in = x.shape
    h = w1.shape[1]

    def mlp_k(x_ref, w1_ref, b1_ref, wp_ref, bp_ref, o_ref):
        acc = jnp.dot(x_ref[...], w1_ref[...], preferred_element_type=jnp.float32)
        acc = jnp.maximum(acc + b1_ref[...], 0.0)
        out = jnp.dot(acc, wp_ref[...], preferred_element_type=jnp.float32)
        o_ref[...] = jax.nn.sigmoid(out + bp_ref[...])

    return pl.pallas_call(
        mlp_k,
        grid=(b // bt,),
        in_specs=[
            pl.BlockSpec((bt, d_in), lambda i: (i, 0)),
            pl.BlockSpec((d_in, h), lambda i: (0, 0)),
            pl.BlockSpec((1, h), lambda i: (0, 0)),
            pl.BlockSpec((h, 1), lambda i: (0, 0)),
            pl.BlockSpec((1, 1), lambda i: (0, 0)),
        ],
        out_specs=pl.BlockSpec((bt, 1), lambda i: (i, 0)),
        out_shape=jax.ShapeDtypeStruct((b, 1), jnp.float32),
    )(x, w1, b1, wp, bp)


def kernel(x_categorical, tables, W1, b1, Wp, bp):
    f, v, d = tables.shape
    b = x_categorical.shape[0]
    h = W1.shape[1]
    n_rows = b * f
    flat_idx = x_categorical + (jnp.arange(f, dtype=jnp.int32) * v)[None, :]
    idx3 = flat_idx.reshape(_NW, (n_rows // _NW) // _IDXS_PER_DMA, _IDXS_PER_DMA)
    table_t = tables.transpose(0, 2, 1).reshape(f * d, v)
    tail2 = (tables[:, v - 32:, :].transpose(0, 2, 1)
             .reshape(f * d * 32 // 128, 128))
    table_flat = _sc_linearize(table_t, tail2, f, v, d).reshape(f * v, d)
    emb = _sc_gather(table_flat, idx3, n_rows, d)
    x = emb.reshape(b, f * d)
    return _tc_mlp(x, W1, b1.reshape(1, h), Wp, bp.reshape(1, 1), 2048)

# --- scband reference (transcript-rebuilt; emitter-appended) ---
"""Pipeline reference for scband-entity-cat-89017492176970 (READ-ONLY COPY).

The authoritative reference and input builder live on the scoring server;
editing this copy changes nothing except your own understanding.
"""

import jax, jax.numpy as jnp
import numpy as np

B = 16384
F = 26
V = 100000
D = 16
H = 512
O = 1
IN = F * D  # 416, num_numerical_cols = 0


def setup_inputs(seed: int = 0) -> dict:
    key = jax.random.key(seed)
    k0, k1, k2, k3 = jax.random.split(key, 4)
    x_categorical = jax.random.randint(k0, (B, F), 0, V, dtype=jnp.int32)
    # Embedding tables, init normal(std=0.01) as in _init_weight_
    tables = 0.01 * jax.random.normal(k1, (F, V, D), dtype=jnp.float32)
    # Linear(416 -> 512), xavier_normal
    std1 = np.sqrt(2.0 / (IN + H))
    W1 = std1 * jax.random.normal(k2, (IN, H), dtype=jnp.float32)
    b1 = jnp.zeros((H,), dtype=jnp.float32)
    # predict Linear(512 -> 1), kaiming_normal(a=1) => std = sqrt(2/(1+a^2)/fan_in) = sqrt(1/512)
    stdp = np.sqrt(1.0 / H)
    Wp = stdp * jax.random.normal(k3, (H, O), dtype=jnp.float32)
    bp = jnp.zeros((O,), dtype=jnp.float32)
    return {"x_categorical": x_categorical, "tables": tables, "W1": W1, "b1": b1, "Wp": Wp, "bp": bp}


def reference(x_categorical, tables, W1, b1, Wp, bp):
    # per-field embedding lookup then concat along feature dim
    # tables: [F, V, D], x_categorical: [B, F] -> emb: [B, F, D]
    emb = tables[jnp.arange(F)[None, :], x_categorical]
    x = emb.reshape(emb.shape[0], F * D)
    # MLP layer: Linear + ReLU (dropout is identity at inference)
    x = jnp.maximum(x @ W1 + b1, 0.0)
    # predict layer + sigmoid
    x = x @ Wp + bp
    return jax.nn.sigmoid(x)

if __name__ == "__main__":
    import jax
    _d = setup_inputs()
    print(jax.jit(kernel)(*tuple(_d.values())))

</pallas_src>

<mosaic_0001>
#map = affine_map<(d0, d1) -> (0, 0)>
#map1 = affine_map<(d0, d1) -> (0)>
module attributes {stable_mosaic.version = 14 : i64} {
  func.func @lin_k(%arg0: i32, %arg1: i32, %arg2: memref<416x100000xf32, #tpu.memory_space<hbm>>, %arg3: memref<104x128xf32, #tpu.memory_space<hbm>>, %arg4: memref<41600000xf32, #tpu.memory_space<hbm>>, %arg5: memref<16x3328xf32, #tpu.memory_space<vmem>>, %arg6: memref<53248xf32, #tpu.memory_space<vmem>>, %arg7: memref<104x128xf32, #tpu.memory_space<vmem>>, %arg8: memref<!tpu.dma_semaphore, #tpu.memory_space<semaphore_mem>>) attributes {dimension_semantics = [#tpu.dimension_semantics<core_parallel>, #tpu.dimension_semantics<subcore_parallel>], iteration_bounds = array<i64: 2, 16>, scalar_prefetch = 0 : i64, scratch_operands = 4 : i64, tpu.core_type = #tpu.core_type<sc_vector_subcore>, window_params = [{transform_indices = #map}, {transform_indices = #map}, {transform_indices = #map1}]} {
    %mul3A = arith.constant 2 : i32
    %mul3A_0 = arith.muli %arg1, %mul3A : i32
    %add3A = arith.addi %mul3A_0, %arg0 : i32
    %iota3A = tpu.iota {dimensions = array<i32: 0>} : vector<16xi32>
    %scan3A = arith.constant 0 : i32
    %scan3A_1 = arith.constant 0 : i32
    %scan3A_2 = arith.constant 26 : i32
    %scan3A_3 = arith.addi %scan3A_1, %scan3A_2 : i32
    %scan3A_4 = arith.constant 1 : i32
    scf.for %scan3A_8 = %scan3A_1 to %scan3A_3 step %scan3A_4  : i32 {
      %scan3A_9 = arith.constant 0 : i32
      %scan3A_10 = arith.constant 30 : i32
      %scan3A_11 = arith.addi %scan3A_9, %scan3A_10 : i32
      %scan3A_12 = arith.constant 1 : i32
      scf.for %scan3A_23 = %scan3A_9 to %scan3A_11 step %scan3A_12  : i32 {
        %mul3A_24 = arith.constant 31 : i32
        %mul3A_25 = arith.muli %scan3A_8, %mul3A_24 : i32
        %add3A_26 = arith.addi %mul3A_25, %scan3A_23 : i32
        %and3A_27 = arith.constant 31 : i32
        %and3A_28 = arith.andi %add3A_26, %and3A_27 : i32
        %eq3A_29 = arith.cmpi eq, %and3A_28, %add3A : i32
        %convert_element_type3A_30 = arith.extui %eq3A_29 : i1 to i32
        %cond3A_31 = arith.constant 0 : i32
        %cond3A_32 = arith.cmpi ne, %convert_element_type3A_30, %cond3A_31 : i32
        scf.if %cond3A_32 {
          %mul3A_33 = arith.constant 3328 : i32
          %mul3A_34 = arith.muli %scan3A_23, %mul3A_33 : i32
          %mul3A_35 = arith.constant 16 : i32
          %mul3A_36 = arith.muli %scan3A_8, %mul3A_35 : i32
          %add3A_37 = arith.constant 0 : i32
          %add3A_38 = arith.addi %mul3A_36, %add3A_37 : i32
          %dma_start3A = arith.constant 0 : i32
          %dma_start3A_39 = arith.constant 0 : i32
          %dma_start3A_40 = tpu.memref_slice %arg5[%dma_start3A, %dma_start3A_39] : memref<16x3328xf32, #tpu.memory_space<vmem>> -> memref<8x3328xf32, #tpu.memory_space<vmem>>
          %dma_start3A_41 = tpu.memref_slice %arg2[%add3A_38, %mul3A_34] : memref<416x100000xf32, #tpu.memory_space<hbm>> -> memref<8x3328xf32, #tpu.memory_space<hbm>>
          %dma_start3A_42 = arith.constant 0 : i32
          %dma_start3A_43 = arith.constant 0 : i32
          %dma_start3A_44 = tpu.memref_slice %arg5[%dma_start3A_42, %dma_start3A_43] : memref<16x3328xf32, #tpu.memory_space<vmem>> -> memref<8x3328xf32, #tpu.memory_space<vmem>>
          %dma_start3A_45 = tpu.memref_slice %arg2[%add3A_38, %mul3A_34] : memref<416x100000xf32, #tpu.memory_space<hbm>> -> memref<8x3328xf32, #tpu.memory_space<hbm>>
          tpu.enqueue_dma source(%dma_start3A_45 : memref<8x3328xf32, #tpu.memory_space<hbm>>) target(%dma_start3A_44 : memref<8x3328xf32, #tpu.memory_space<vmem>>) target_semaphore(%arg8 : memref<!tpu.dma_semaphore, #tpu.memory_space<semaphore_mem>>)
          %mul3A_46 = arith.constant 16 : i32
          %mul3A_47 = arith.muli %scan3A_8, %mul3A_46 : i32
          %add3A_48 = arith.constant 8 : i32
          %add3A_49 = arith.addi %mul3A_47, %add3A_48 : i32
          %dma_start3A_50 = arith.constant 8 : i32
          %dma_start3A_51 = arith.constant 0 : i32
          %dma_start3A_52 = tpu.memref_slice %arg5[%dma_start3A_50, %dma_start3A_51] : memref<16x3328xf32, #tpu.memory_space<vmem>> -> memref<8x3328xf32, #tpu.memory_space<vmem>>
          %dma_start3A_53 = tpu.memref_slice %arg2[%add3A_49, %mul3A_34] : memref<416x100000xf32, #tpu.memory_space<hbm>> -> memref<8x3328xf32, #tpu.memory_space<hbm>>
          %dma_start3A_54 = arith.constant 8 : i32
          %dma_start3A_55 = arith.constant 0 : i32
          %dma_start3A_56 = tpu.memref_slice %arg5[%dma_start3A_54, %dma_start3A_55] : memref<16x3328xf32, #tpu.memory_space<vmem>> -> memref<8x3328xf32, #tpu.memory_space<vmem>>
          %dma_start3A_57 = tpu.memref_slice %arg2[%add3A_49, %mul3A_34] : memref<416x100000xf32, #tpu.memory_space<hbm>> -> memref<8x3328xf32, #tpu.memory_space<hbm>>
          tpu.enqueue_dma source(%dma_start3A_57 : memref<8x3328xf32, #tpu.memory_space<hbm>>) target(%dma_start3A_56 : memref<8x3328xf32, #tpu.memory_space<vmem>>) target_semaphore(%arg8 : memref<!tpu.dma_semaphore, #tpu.memory_space<semaphore_mem>>)
          %dma_wait3A = arith.constant 0 : i32
          %dma_wait3A_58 = arith.constant 0 : i32
          %dma_wait3A_59 = tpu.memref_slice %arg5[%dma_wait3A, %dma_wait3A_58] : memref<16x3328xf32, #tpu.memory_space<vmem>> -> memref<8x3328xf32, #tpu.memory_space<vmem>>
          %dma_wait3A_60 = tpu.memref_slice %arg2[%add3A_38, %mul3A_34] : memref<416x100000xf32, #tpu.memory_space<hbm>> -> memref<8x3328xf32, #tpu.memory_space<hbm>>
          %dma_wait3A_61 = arith.constant 0 : i32
          %dma_wait3A_62 = arith.constant 0 : i32
          %dma_wait3A_63 = tpu.memref_slice %arg5[%dma_wait3A_61, %dma_wait3A_62] : memref<16x3328xf32, #tpu.memory_space<vmem>> -> memref<8x3328xf32, #tpu.memory_space<vmem>>
          %dma_wait3A_64 = tpu.memref_slice %arg2[%add3A_38, %mul3A_34] : memref<416x100000xf32, #tpu.memory_space<hbm>> -> memref<8x3328xf32, #tpu.memory_space<hbm>>
          tpu.wait_dma2 semaphore(%arg8 : memref<!tpu.dma_semaphore, #tpu.memory_space<semaphore_mem>>) src(%dma_wait3A_64 : memref<8x3328xf32, #tpu.memory_space<hbm>>) dst(%dma_wait3A_63 : memref<8x3328xf32, #tpu.memory_space<vmem>>)
          %scan3A_65 = arith.constant 0 : i32
          %scan3A_66 = arith.constant 0 : i32
          %scan3A_67 = arith.constant 208 : i32
          %scan3A_68 = arith.addi %scan3A_66, %scan3A_67 : i32
          %scan3A_69 = arith.constant 4 : i32
          scf.for %scan3A_90 = %scan3A_66 to %scan3A_68 step %scan3A_69  : i32 {
            %mul3A_91 = arith.constant 256 : i32
            %mul3A_92 = arith.muli %scan3A_90, %mul3A_91 : i32
            %mul3A_93 = arith.constant 16 : i32
            %mul3A_94 = vector.broadcast %mul3A_93 : i32 to vector<16xi32>
            %mul3A_95 = arith.muli %iota3A, %mul3A_94 : vector<16xi32>
            %add3A_96 = vector.broadcast %mul3A_92 : i32 to vector<16xi32>
            %add3A_97 = arith.addi %add3A_96, %mul3A_95 : vector<16xi32>
            %add3A_98 = arith.constant 0 : i32
            %add3A_99 = vector.broadcast %add3A_98 : i32 to vector<16xi32>
            %add3A_100 = arith.addi %add3A_97, %add3A_99 : vector<16xi32>
            %mul3A_101 = arith.constant 16 : i32
            %mul3A_102 = arith.muli %scan3A_90, %mul3A_101 : i32
            %get3A = arith.constant 0 : i32
            %get3A_103 = arith.index_cast %get3A : i32 to index
            %get3A_104 = arith.index_cast %mul3A_102 : i32 to index
            %get3A_105 = tpu.vector_load %arg5[%get3A_103, %get3A_104] {strides = array<i32>} : memref<16x3328xf32, #tpu.memory_space<vmem>>, vector<16xf32>,
            %add3A_106 = arith.constant 0 : i32
            %add3A_107 = vector.broadcast %add3A_106 : i32 to vector<16xi32>
            %add3A_108 = arith.addi %add3A_100, %add3A_107 : vector<16xi32>
            tpu.vector_store_idx %arg6[%add3A_108], %get3A_105 : memref<53248xf32, #tpu.memory_space<vmem>>[vector<16xi32>], vector<16xf32>,
            %mul3A_109 = arith.constant 16 : i32
            %mul3A_110 = arith.muli %scan3A_90, %mul3A_109 : i32
            %get3A_111 = arith.constant 1 : i32
            %get3A_112 = arith.index_cast %get3A_111 : i32 to index
            %get3A_113 = arith.index_cast %mul3A_110 : i32 to index
            %get3A_114 = tpu.vector_load %arg5[%get3A_112, %get3A_113] {strides = array<i32>} : memref<16x3328xf32, #tpu.memory_space<vmem>>, vector<16xf32>,
            %add3A_115 = arith.constant 1 : i32
            %add3A_116 = vector.broadcast %add3A_115 : i32 to vector<16xi32>
            %add3A_117 = arith.addi %add3A_100, %add3A_116 : vector<16xi32>
            tpu.vector_store_idx %arg6[%add3A_117], %get3A_114 : memref<53248xf32, #tpu.memory_space<vmem>>[vector<16xi32>], vector<16xf32>,
            %mul3A_118 = arith.constant 16 : i32
            %mul3A_119 = arith.muli %scan3A_90, %mul3A_118 : i32
            %get3A_120 = arith.constant 2 : i32
            %get3A_121 = arith.index_cast %get3A_120 : i32 to index
            %get3A_122 = arith.index_cast %mul3A_119 : i32 to index
            %get3A_123 = tpu.vector_load %arg5[%get3A_121, %get3A_122] {strides = array<i32>} : memref<16x3328xf32, #tpu.memory_space<vmem>>, vector<16xf32>,
            %add3A_124 = arith.constant 2 : i32
            %add3A_125 = vector.broadcast %add3A_124 : i32 to vector<16xi32>
            %add3A_126 = arith.addi %add3A_100, %add3A_125 : vector<16xi32>
            tpu.vector_store_idx %arg6[%add3A_126], %get3A_123 : memref<53248xf32, #tpu.memory_space<vmem>>[vector<16xi32>], vector<16xf32>,
            %mul3A_127 = arith.constant 16 : i32
            %mul3A_128 = arith.muli %scan3A_90, %mul3A_127 : i32
            %get3A_129 = arith.constant 3 : i32
            %get3A_130 = arith.index_cast %get3A_129 : i32 to index
            %get3A_131 = arith.index_cast %mul3A_128 : i32 to index
            %get3A_132 = tpu.vector_load %arg5[%get3A_130, %get3A_131] {strides = array<i32>} : memref<16x3328xf32, #tpu.memory_space<vmem>>, vector<16xf32>,
            %add3A_133 = arith.constant 3 : i32
            %add3A_134 = vector.broadcast %add3A_133 : i32 to vector<16xi32>
            %add3A_135 = arith.addi %add3A_100, %add3A_134 : vector<16xi32>
            tpu.vector_store_idx %arg6[%add3A_135], %get3A_132 : memref<53248xf32, #tpu.memory_space<vmem>>[vector<16xi32>], vector<16xf32>,
            %mul3A_136 = arith.constant 16 : i32
            %mul3A_137 = arith.muli %scan3A_90, %mul3A_136 : i32
            %get3A_138 = arith.constant 4 : i32
            %get3A_139 = arith.index_cast %get3A_138 : i32 to index
            %get3A_140 = arith.index_cast %mul3A_137 : i32 to index
            %get3A_141 = tpu.vector_load %arg5[%get3A_139, %get3A_140] {strides = array<i32>} : memref<16x3328xf32, #tpu.memory_space<vmem>>, vector<16xf32>,
            %add3A_142 = arith.constant 4 : i32
            %add3A_143 = vector.broadcast %add3A_142 : i32 to vector<16xi32>
            %add3A_144 = arith.addi %add3A_100, %add3A_143 : vector<16xi32>
            tpu.vector_store_idx %arg6[%add3A_144], %get3A_141 : memref<53248xf32, #tpu.memory_space<vmem>>[vector<16xi32>], vector<16xf32>,
            %mul3A_145 = arith.constant 16 : i32
            %mul3A_146 = arith.muli %scan3A_90, %mul3A_145 : i32
            %get3A_147 = arith.constant 5 : i32
            %get3A_148 = arith.index_cast %get3A_147 : i32 to index
            %get3A_149 = arith.index_cast %mul3A_146 : i32 to index
            %get3A_150 = tpu.vector_load %arg5[%get3A_148, %get3A_149] {strides = array<i32>} : memref<16x3328xf32, #tpu.memory_space<vmem>>, vector<16xf32>,
            %add3A_151 = arith.constant 5 : i32
            %add3A_152 = vector.broadcast %add3A_151 : i32 to vector<16xi32>
            %add3A_153 = arith.addi %add3A_100, %add3A_152 : vector<16xi32>
            tpu.vector_store_idx %arg6[%add3A_153], %get3A_150 : memref<53248xf32, #tpu.memory_space<vmem>>[vector<16xi32>], vector<16xf32>,
            %mul3A_154 = arith.constant 16 : i32
            %mul3A_155 = arith.muli %scan3A_90, %mul3A_154 : i32
            %get3A_156 = arith.constant 6 : i32
            %get3A_157 = arith.index_cast %get3A_156 : i32 to index
            %get3A_158 = arith.index_cast %mul3A_155 : i32 to index
            %get3A_159 = tpu.vector_load %arg5[%get3A_157, %get3A_158] {strides = array<i32>} : memref<16x3328xf32, #tpu.memory_space<vmem>>, vector<16xf32>,
            %add3A_160 = arith.constant 6 : i32
            %add3A_161 = vector.broadcast %add3A_160 : i32 to vector<16xi32>
            %add3A_162 = arith.addi %add3A_100, %add3A_161 : vector<16xi32>
            tpu.vector_store_idx %arg6[%add3A_162], %get3A_159 : memref<53248xf32, #tpu.memory_space<vmem>>[vector<16xi32>], vector<16xf32>,
            %mul3A_163 = arith.constant 16 : i32
            %mul3A_164 = arith.muli %scan3A_90, %mul3A_163 : i32
            %get3A_165 = arith.constant 7 : i32
            %get3A_166 = arith.index_cast %get3A_165 : i32 to index
            %get3A_167 = arith.index_cast %mul3A_164 : i32 to index
            %get3A_168 = tpu.vector_load %arg5[%get3A_166, %get3A_167] {strides = array<i32>} : memref<16x3328xf32, #tpu.memory_space<vmem>>, vector<16xf32>,
            %add3A_169 = arith.constant 7 : i32
            %add3A_170 = vector.broadcast %add3A_169 : i32 to vector<16xi32>
            %add3A_171 = arith.addi %add3A_100, %add3A_170 : vector<16xi32>
            tpu.vector_store_idx %arg6[%add3A_171], %get3A_168 : memref<53248xf32, #tpu.memory_space<vmem>>[vector<16xi32>], vector<16xf32>,
            %scan3A_172 = arith.constant 1 : i32
            %scan3A_173 = arith.addi %scan3A_90, %scan3A_172 : i32
            %mul3A_174 = arith.constant 256 : i32
            %mul3A_175 = arith.muli %scan3A_173, %mul3A_174 : i32
            %mul3A_176 = arith.constant 16 : i32
            %mul3A_177 = vector.broadcast %mul3A_176 : i32 to vector<16xi32>
            %mul3A_178 = arith.muli %iota3A, %mul3A_177 : vector<16xi32>
            %add3A_179 = vector.broadcast %mul3A_175 : i32 to vector<16xi32>
            %add3A_180 = arith.addi %add3A_179, %mul3A_178 : vector<16xi32>
            %add3A_181 = arith.constant 0 : i32
            %add3A_182 = vector.broadcast %add3A_181 : i32 to vector<16xi32>
            %add3A_183 = arith.addi %add3A_180, %add3A_182 : vector<16xi32>
            %mul3A_184 = arith.constant 16 : i32
            %mul3A_185 = arith.muli %scan3A_173, %mul3A_184 : i32
            %get3A_186 = arith.constant 0 : i32
            %get3A_187 = arith.index_cast %get3A_186 : i32 to index
            %get3A_188 = arith.index_cast %mul3A_185 : i32 to index
            %get3A_189 = tpu.vector_load %arg5[%get3A_187, %get3A_188] {strides = array<i32>} : memref<16x3328xf32, #tpu.memory_space<vmem>>, vector<16xf32>,
            %add3A_190 = arith.constant 0 : i32
            %add3A_191 = vector.broadcast %add3A_190 : i32 to vector<16xi32>
            %add3A_192 = arith.addi %add3A_183, %add3A_191 : vector<16xi32>
            tpu.vector_store_idx %arg6[%add3A_192], %get3A_189 : memref<53248xf32, #tpu.memory_space<vmem>>[vector<16xi32>], vector<16xf32>,
            %mul3A_193 = arith.constant 16 : i32
            %mul3A_194 = arith.muli %scan3A_173, %mul3A_193 : i32
            %get3A_195 = arith.constant 1 : i32
            %get3A_196 = arith.index_cast %get3A_195 : i32 to index
            %get3A_197 = arith.index_cast %mul3A_194 : i32 to index
            %get3A_198 = tpu.vector_load %arg5[%get3A_196, %get3A_197] {strides = array<i32>} : memref<16x3328xf32, #tpu.memory_space<vmem>>, vector<16xf32>,
            %add3A_199 = arith.constant 1 : i32
            %add3A_200 = vector.broadcast %add3A_199 : i32 to vector<16xi32>
            %add3A_201 = arith.addi %add3A_183, %add3A_200 : vector<16xi32>
            tpu.vector_store_idx %arg6[%add3A_201], %get3A_198 : memref<53248xf32, #tpu.memory_space<vmem>>[vector<16xi32>], vector<16xf32>,
            %mul3A_202 = arith.constant 16 : i32
            %mul3A_203 = arith.muli %scan3A_173, %mul3A_202 : i32
            %get3A_204 = arith.constant 2 : i32
            %get3A_205 = arith.index_cast %get3A_204 : i32 to index
            %get3A_206 = arith.index_cast %mul3A_203 : i32 to index
            %get3A_207 = tpu.vector_load %arg5[%get3A_205, %get3A_206] {strides = array<i32>} : memref<16x3328xf32, #tpu.memory_space<vmem>>, vector<16xf32>,
            %add3A_208 = arith.constant 2 : i32
            %add3A_209 = vector.broadcast %add3A_208 : i32 to vector<16xi32>
            %add3A_210 = arith.addi %add3A_183, %add3A_209 : vector<16xi32>
            tpu.vector_store_idx %arg6[%add3A_210], %get3A_207 : memref<53248xf32, #tpu.memory_space<vmem>>[vector<16xi32>], vector<16xf32>,
            %mul3A_211 = arith.constant 16 : i32
            %mul3A_212 = arith.muli %scan3A_173, %mul3A_211 : i32
            %get3A_213 = arith.constant 3 : i32
            %get3A_214 = arith.index_cast %get3A_213 : i32 to index
            %get3A_215 = arith.index_cast %mul3A_212 : i32 to index
            %get3A_216 = tpu.vector_load %arg5[%get3A_214, %get3A_215] {strides = array<i32>} : memref<16x3328xf32, #tpu.memory_space<vmem>>, vector<16xf32>,
            %add3A_217 = arith.constant 3 : i32
            %add3A_218 = vector.broadcast %add3A_217 : i32 to vector<16xi32>
            %add3A_219 = arith.addi %add3A_183, %add3A_218 : vector<16xi32>
            tpu.vector_store_idx %arg6[%add3A_219], %get3A_216 : memref<53248xf32, #tpu.memory_space<vmem>>[vector<16xi32>], vector<16xf32>,
            %mul3A_220 = arith.constant 16 : i32
            %mul3A_221 = arith.muli %scan3A_173, %mul3A_220 : i32
            %get3A_222 = arith.constant 4 : i32
            %get3A_223 = arith.index_cast %get3A_222 : i32 to index
            %get3A_224 = arith.index_cast %mul3A_221 : i32 to index
            %get3A_225 = tpu.vector_load %arg5[%get3A_223, %get3A_224] {strides = array<i32>} : memref<16x3328xf32, #tpu.memory_space<vmem>>, vector<16xf32>,
            %add3A_226 = arith.constant 4 : i32
            %add3A_227 = vector.broadcast %add3A_226 : i32 to vector<16xi32>
            %add3A_228 = arith.addi %add3A_183, %add3A_227 : vector<16xi32>
            tpu.vector_store_idx %arg6[%add3A_228], %get3A_225 : memref<53248xf32, #tpu.memory_space<vmem>>[vector<16xi32>], vector<16xf32>,
            %mul3A_229 = arith.constant 16 : i32
            %mul3A_230 = arith.muli %scan3A_173, %mul3A_229 : i32
            %get3A_231 = arith.constant 5 : i32
            %get3A_232 = arith.index_cast %get3A_231 : i32 to index
            %get3A_233 = arith.index_cast %mul3A_230 : i32 to index
            %get3A_234 = tpu.vector_load %arg5[%get3A_232, %get3A_233] {strides = array<i32>} : memref<16x3328xf32, #tpu.memory_space<vmem>>, vector<16xf32>,
            %add3A_235 = arith.constant 5 : i32
            %add3A_236 = vector.broadcast %add3A_235 : i32 to vector<16xi32>
            %add3A_237 = arith.addi %add3A_183, %add3A_236 : vector<16xi32>
            tpu.vector_store_idx %arg6[%add3A_237], %get3A_234 : memref<53248xf32, #tpu.memory_space<vmem>>[vector<16xi32>], vector<16xf32>,
            %mul3A_238 = arith.constant 16 : i32
            %mul3A_239 = arith.muli %scan3A_173, %mul3A_238 : i32
            %get3A_240 = arith.constant 6 : i32
            %get3A_241 = arith.index_cast %get3A_240 : i32 to index
            %get3A_242 = arith.index_cast %mul3A_239 : i32 to index
            %get3A_243 = tpu.vector_load %arg5[%get3A_241, %get3A_242] {strides = array<i32>} : memref<16x3328xf32, #tpu.memory_space<vmem>>, vector<16xf32>,
            %add3A_244 = arith.constant 6 : i32
            %add3A_245 = vector.broadcast %add3A_244 : i32 to vector<16xi32>
            %add3A_246 = arith.addi %add3A_183, %add3A_245 : vector<16xi32>
            tpu.vector_store_idx %arg6[%add3A_246], %get3A_243 : memref<53248xf32, #tpu.memory_space<vmem>>[vector<16xi32>], vector<16xf32>,
            %mul3A_247 = arith.constant 16 : i32
            %mul3A_248 = arith.muli %scan3A_173, %mul3A_247 : i32
            %get3A_249 = arith.constant 7 : i32
            %get3A_250 = arith.index_cast %get3A_249 : i32 to index
            %get3A_251 = arith.index_cast %mul3A_248 : i32 to index
            %get3A_252 = tpu.vector_load %arg5[%get3A_250, %get3A_251] {strides = array<i32>} : memref<16x3328xf32, #tpu.memory_space<vmem>>, vector<16xf32>,
            %add3A_253 = arith.constant 7 : i32
            %add3A_254 = vector.broadcast %add3A_253 : i32 to vector<16xi32>
            %add3A_255 = arith.addi %add3A_183, %add3A_254 : vector<16xi32>
            tpu.vector_store_idx %arg6[%add3A_255], %get3A_252 : memref<53248xf32, #tpu.memory_space<vmem>>[vector<16xi32>], vector<16xf32>,
            %scan3A_256 = arith.constant 2 : i32
            %scan3A_257 = arith.addi %scan3A_90, %scan3A_256 : i32
            %mul3A_258 = arith.constant 256 : i32
            %mul3A_259 = arith.muli %scan3A_257, %mul3A_258 : i32
            %mul3A_260 = arith.constant 16 : i32
            %mul3A_261 = vector.broadcast %mul3A_260 : i32 to vector<16xi32>
            %mul3A_262 = arith.muli %iota3A, %mul3A_261 : vector<16xi32>
            %add3A_263 = vector.broadcast %mul3A_259 : i32 to vector<16xi32>
            %add3A_264 = arith.addi %add3A_263, %mul3A_262 : vector<16xi32>
            %add3A_265 = arith.constant 0 : i32
            %add3A_266 = vector.broadcast %add3A_265 : i32 to vector<16xi32>
            %add3A_267 = arith.addi %add3A_264, %add3A_266 : vector<16xi32>
            %mul3A_268 = arith.constant 16 : i32
            %mul3A_269 = arith.muli %scan3A_257, %mul3A_268 : i32
            %get3A_270 = arith.constant 0 : i32
            %get3A_271 = arith.index_cast %get3A_270 : i32 to index
            %get3A_272 = arith.index_cast %mul3A_269 : i32 to index
            %get3A_273 = tpu.vector_load %arg5[%get3A_271, %get3A_272] {strides = array<i32>} : memref<16x3328xf32, #tpu.memory_space<vmem>>, vector<16xf32>,
            %add3A_274 = arith.constant 0 : i32
            %add3A_275 = vector.broadcast %add3A_274 : i32 to vector<16xi32>
            %add3A_276 = arith.addi %add3A_267, %add3A_275 : vector<16xi32>
            tpu.vector_store_idx %arg6[%add3A_276], %get3A_273 : memref<53248xf32, #tpu.memory_space<vmem>>[vector<16xi32>], vector<16xf32>,
            %mul3A_277 = arith.constant 16 : i32
            %mul3A_278 = arith.muli %scan3A_257, %mul3A_277 : i32
            %get3A_279 = arith.constant 1 : i32
            %get3A_280 = arith.index_cast %get3A_279 : i32 to index
            %get3A_281 = arith.index_cast %mul3A_278 : i32 to index
            %get3A_282 = tpu.vector_load %arg5[%get3A_280, %get3A_281] {strides = array<i32>} : memref<16x3328xf32, #tpu.memory_space<vmem>>, vector<16xf32>,
            %add3A_283 = arith.constant 1 : i32
            %add3A_284 = vector.broadcast %add3A_283 : i32 to vector<16xi32>
            %add3A_285 = arith.addi %add3A_267, %add3A_284 : vector<16xi32>
            tpu.vector_store_idx %arg6[%add3A_285], %get3A_282 : memref<53248xf32, #tpu.memory_space<vmem>>[vector<16xi32>], vector<16xf32>,
            %mul3A_286 = arith.constant 16 : i32
            %mul3A_287 = arith.muli %scan3A_257, %mul3A_286 : i32
            %get3A_288 = arith.constant 2 : i32
            %get3A_289 = arith.index_cast %get3A_288 : i32 to index
            %get3A_290 = arith.index_cast %mul3A_287 : i32 to index
            %get3A_291 = tpu.vector_load %arg5[%get3A_289, %get3A_290] {strides = array<i32>} : memref<16x3328xf32, #tpu.memory_space<vmem>>, vector<16xf32>,
            %add3A_292 = arith.constant 2 : i32
            %add3A_293 = vector.broadcast %add3A_292 : i32 to vector<16xi32>
            %add3A_294 = arith.addi %add3A_267, %add3A_293 : vector<16xi32>
            tpu.vector_store_idx %arg6[%add3A_294], %get3A_291 : memref<53248xf32, #tpu.memory_space<vmem>>[vector<16xi32>], vector<16xf32>,
            %mul3A_295 = arith.constant 16 : i32
            %mul3A_296 = arith.muli %scan3A_257, %mul3A_295 : i32
            %get3A_297 = arith.constant 3 : i32
            %get3A_298 = arith.index_cast %get3A_297 : i32 to index
            %get3A_299 = arith.index_cast %mul3A_296 : i32 to index
            %get3A_300 = tpu.vector_load %arg5[%get3A_298, %get3A_299] {strides = array<i32>} : memref<16x3328xf32, #tpu.memory_space<vmem>>, vector<16xf32>,
            %add3A_301 = arith.constant 3 : i32
            %add3A_302 = vector.broadcast %add3A_301 : i32 to vector<16xi32>
            %add3A_303 = arith.addi %add3A_267, %add3A_302 : vector<16xi32>
            tpu.vector_store_idx %arg6[%add3A_303], %get3A_300 : memref<53248xf32, #tpu.memory_space<vmem>>[vector<16xi32>], vector<16xf32>,
            %mul3A_304 = arith.constant 16 : i32
            %mul3A_305 = arith.muli %scan3A_257, %mul3A_304 : i32
            %get3A_306 = arith.constant 4 : i32
            %get3A_307 = arith.index_cast %get3A_306 : i32 to index
            %get3A_308 = arith.index_cast %mul3A_305 : i32 to index
            %get3A_309 = tpu.vector_load %arg5[%get3A_307, %get3A_308] {strides = array<i32>} : memref<16x3328xf32, #tpu.memory_space<vmem>>, vector<16xf32>,
            %add3A_310 = arith.constant 4 : i32
            %add3A_311 = vector.broadcast %add3A_310 : i32 to vector<16xi32>
            %add3A_312 = arith.addi %add3A_267, %add3A_311 : vector<16xi32>
            tpu.vector_store_idx %arg6[%add3A_312], %get3A_309 : memref<53248xf32, #tpu.memory_space<vmem>>[vector<16xi32>], vector<16xf32>,
            %mul3A_313 = arith.constant 16 : i32
            %mul3A_314 = arith.muli %scan3A_257, %mul3A_313 : i32
            %get3A_315 = arith.constant 5 : i32
            %get3A_316 = arith.index_cast %get3A_315 : i32 to index
            %get3A_317 = arith.index_cast %mul3A_314 : i32 to index
            %get3A_318 = tpu.vector_load %arg5[%get3A_316, %get3A_317] {strides = array<i32>} : memref<16x3328xf32, #tpu.memory_space<vmem>>, vector<16xf32>,
            %add3A_319 = arith.constant 5 : i32
            %add3A_320 = vector.broadcast %add3A_319 : i32 to vector<16xi32>
            %add3A_321 = arith.addi %add3A_267, %add3A_320 : vector<16xi32>
            tpu.vector_store_idx %arg6[%add3A_321], %get3A_318 : memref<53248xf32, #tpu.memory_space<vmem>>[vector<16xi32>], vector<16xf32>,
            %mul3A_322 = arith.constant 16 : i32
            %mul3A_323 = arith.muli %scan3A_257, %mul3A_322 : i32
            %get3A_324 = arith.constant 6 : i32
            %get3A_325 = arith.index_cast %get3A_324 : i32 to index
            %get3A_326 = arith.index_cast %mul3A_323 : i32 to index
            %get3A_327 = tpu.vector_load %arg5[%get3A_325, %get3A_326] {strides = array<i32>} : memref<16x3328xf32, #tpu.memory_space<vmem>>, vector<16xf32>,
            %add3A_328 = arith.constant 6 : i32
            %add3A_329 = vector.broadcast %add3A_328 : i32 to vector<16xi32>
            %add3A_330 = arith.addi %add3A_267, %add3A_329 : vector<16xi32>
            tpu.vector_store_idx %arg6[%add3A_330], %get3A_327 : memref<53248xf32, #tpu.memory_space<vmem>>[vector<16xi32>], vector<16xf32>,
            %mul3A_331 = arith.constant 16 : i32
            %mul3A_332 = arith.muli %scan3A_257, %mul3A_331 : i32
            %get3A_333 = arith.constant 7 : i32
            %get3A_334 = arith.index_cast %get3A_333 : i32 to index
            %get3A_335 = arith.index_cast %mul3A_332 : i32 to index
            %get3A_336 = tpu.vector_load %arg5[%get3A_334, %get3A_335] {strides = array<i32>} : memref<16x3328xf32, #tpu.memory_space<vmem>>, vector<16xf32>,
            %add3A_337 = arith.constant 7 : i32
            %add3A_338 = vector.broadcast %add3A_337 : i32 to vector<16xi32>
            %add3A_339 = arith.addi %add3A_267, %add3A_338 : vector<16xi32>
            tpu.vector_store_idx %arg6[%add3A_339], %get3A_336 : memref<53248xf32, #tpu.memory_space<vmem>>[vector<16xi32>], vector<16xf32>,
            %scan3A_340 = arith.constant 3 : i32
            %scan3A_341 = arith.addi %scan3A_90, %scan3A_340 : i32
            %mul3A_342 = arith.constant 256 : i32
            %mul3A_343 = arith.muli %scan3A_341, %mul3A_342 : i32
            %mul3A_344 = arith.constant 16 : i32
            %mul3A_345 = vector.broadcast %mul3A_344 : i32 to vector<16xi32>
            %mul3A_346 = arith.muli %iota3A, %mul3A_345 : vector<16xi32>
            %add3A_347 = vector.broadcast %mul3A_343 : i32 to vector<16xi32>
            %add3A_348 = arith.addi %add3A_347, %mul3A_346 : vector<16xi32>
            %add3A_349 = arith.constant 0 : i32
            %add3A_350 = vector.broadcast %add3A_349 : i32 to vector<16xi32>
            %add3A_351 = arith.addi %add3A_348, %add3A_350 : vector<16xi32>
            %mul3A_352 = arith.constant 16 : i32
            %mul3A_353 = arith.muli %scan3A_341, %mul3A_352 : i32
            %get3A_354 = arith.constant 0 : i32
            %get3A_355 = arith.index_cast %get3A_354 : i32 to index
            %get3A_356 = arith.index_cast %mul3A_353 : i32 to index
            %get3A_357 = tpu.vector_load %arg5[%get3A_355, %get3A_356] {strides = array<i32>} : memref<16x3328xf32, #tpu.memory_space<vmem>>, vector<16xf32>,
            %add3A_358 = arith.constant 0 : i32
            %add3A_359 = vector.broadcast %add3A_358 : i32 to vector<16xi32>
            %add3A_360 = arith.addi %add3A_351, %add3A_359 : vector<16xi32>
            tpu.vector_store_idx %arg6[%add3A_360], %get3A_357 : memref<53248xf32, #tpu.memory_space<vmem>>[vector<16xi32>], vector<16xf32>,
            %mul3A_361 = arith.constant 16 : i32
            %mul3A_362 = arith.muli %scan3A_341, %mul3A_361 : i32
            %get3A_363 = arith.constant 1 : i32
            %get3A_364 = arith.index_cast %get3A_363 : i32 to index
            %get3A_365 = arith.index_cast %mul3A_362 : i32 to index
            %get3A_366 = tpu.vector_load %arg5[%get3A_364, %get3A_365] {strides = array<i32>} : memref<16x3328xf32, #tpu.memory_space<vmem>>, vector<16xf32>,
            %add3A_367 = arith.constant 1 : i32
            %add3A_368 = vector.broadcast %add3A_367 : i32 to vector<16xi32>
            %add3A_369 = arith.addi %add3A_351, %add3A_368 : vector<16xi32>
            tpu.vector_store_idx %arg6[%add3A_369], %get3A_366 : memref<53248xf32, #tpu.memory_space<vmem>>[vector<16xi32>], vector<16xf32>,
            %mul3A_370 = arith.constant 16 : i32
            %mul3A_371 = arith.muli %scan3A_341, %mul3A_370 : i32
            %get3A_372 = arith.constant 2 : i32
            %get3A_373 = arith.index_cast %get3A_372 : i32 to index
            %get3A_374 = arith.index_cast %mul3A_371 : i32 to index
            %get3A_375 = tpu.vector_load %arg5[%get3A_373, %get3A_374] {strides = array<i32>} : memref<16x3328xf32, #tpu.memory_space<vmem>>, vector<16xf32>,
            %add3A_376 = arith.constant 2 : i32
            %add3A_377 = vector.broadcast %add3A_376 : i32 to vector<16xi32>
            %add3A_378 = arith.addi %add3A_351, %add3A_377 : vector<16xi32>
            tpu.vector_store_idx %arg6[%add3A_378], %get3A_375 : memref<53248xf32, #tpu.memory_space<vmem>>[vector<16xi32>], vector<16xf32>,
            %mul3A_379 = arith.constant 16 : i32
            %mul3A_380 = arith.muli %scan3A_341, %mul3A_379 : i32
            %get3A_381 = arith.constant 3 : i32
            %get3A_382 = arith.index_cast %get3A_381 : i32 to index
            %get3A_383 = arith.index_cast %mul3A_380 : i32 to index
            %get3A_384 = tpu.vector_load %arg5[%get3A_382, %get3A_383] {strides = array<i32>} : memref<16x3328xf32, #tpu.memory_space<vmem>>, vector<16xf32>,
            %add3A_385 = arith.constant 3 : i32
            %add3A_386 = vector.broadcast %add3A_385 : i32 to vector<16xi32>
            %add3A_387 = arith.addi %add3A_351, %add3A_386 : vector<16xi32>
            tpu.vector_store_idx %arg6[%add3A_387], %get3A_384 : memref<53248xf32, #tpu.memory_space<vmem>>[vector<16xi32>], vector<16xf32>,
            %mul3A_388 = arith.constant 16 : i32
            %mul3A_389 = arith.muli %scan3A_341, %mul3A_388 : i32
            %get3A_390 = arith.constant 4 : i32
            %get3A_391 = arith.index_cast %get3A_390 : i32 to index
            %get3A_392 = arith.index_cast %mul3A_389 : i32 to index
            %get3A_393 = tpu.vector_load %arg5[%get3A_391, %get3A_392] {strides = array<i32>} : memref<16x3328xf32, #tpu.memory_space<vmem>>, vector<16xf32>,
            %add3A_394 = arith.constant 4 : i32
            %add3A_395 = vector.broadcast %add3A_394 : i32 to vector<16xi32>
            %add3A_396 = arith.addi %add3A_351, %add3A_395 : vector<16xi32>
            tpu.vector_store_idx %arg6[%add3A_396], %get3A_393 : memref<53248xf32, #tpu.memory_space<vmem>>[vector<16xi32>], vector<16xf32>,
            %mul3A_397 = arith.constant 16 : i32
            %mul3A_398 = arith.muli %scan3A_341, %mul3A_397 : i32
            %get3A_399 = arith.constant 5 : i32
            %get3A_400 = arith.index_cast %get3A_399 : i32 to index
            %get3A_401 = arith.index_cast %mul3A_398 : i32 to index
            %get3A_402 = tpu.vector_load %arg5[%get3A_400, %get3A_401] {strides = array<i32>} : memref<16x3328xf32, #tpu.memory_space<vmem>>, vector<16xf32>,
            %add3A_403 = arith.constant 5 : i32
            %add3A_404 = vector.broadcast %add3A_403 : i32 to vector<16xi32>
            %add3A_405 = arith.addi %add3A_351, %add3A_404 : vector<16xi32>
            tpu.vector_store_idx %arg6[%add3A_405], %get3A_402 : memref<53248xf32, #tpu.memory_space<vmem>>[vector<16xi32>], vector<16xf32>,
            %mul3A_406 = arith.constant 16 : i32
            %mul3A_407 = arith.muli %scan3A_341, %mul3A_406 : i32
            %get3A_408 = arith.constant 6 : i32
            %get3A_409 = arith.index_cast %get3A_408 : i32 to index
            %get3A_410 = arith.index_cast %mul3A_407 : i32 to index
            %get3A_411 = tpu.vector_load %arg5[%get3A_409, %get3A_410] {strides = array<i32>} : memref<16x3328xf32, #tpu.memory_space<vmem>>, vector<16xf32>,
            %add3A_412 = arith.constant 6 : i32
            %add3A_413 = vector.broadcast %add3A_412 : i32 to vector<16xi32>
            %add3A_414 = arith.addi %add3A_351, %add3A_413 : vector<16xi32>
            tpu.vector_store_idx %arg6[%add3A_414], %get3A_411 : memref<53248xf32, #tpu.memory_space<vmem>>[vector<16xi32>], vector<16xf32>,
            %mul3A_415 = arith.constant 16 : i32
            %mul3A_416 = arith.muli %scan3A_341, %mul3A_415 : i32
            %get3A_417 = arith.constant 7 : i32
            %get3A_418 = arith.index_cast %get3A_417 : i32 to index
            %get3A_419 = arith.index_cast %mul3A_416 : i32 to index
            %get3A_420 = tpu.vector_load %arg5[%get3A_418, %get3A_419] {strides = array<i32>} : memref<16x3328xf32, #tpu.memory_space<vmem>>, vector<16xf32>,
            %add3A_421 = arith.constant 7 : i32
            %add3A_422 = vector.broadcast %add3A_421 : i32 to vector<16xi32>
            %add3A_423 = arith.addi %add3A_351, %add3A_422 : vector<16xi32>
            tpu.vector_store_idx %arg6[%add3A_423], %get3A_420 : memref<53248xf32, #tpu.memory_space<vmem>>[vector<16xi32>], vector<16xf32>,
          }
          %scan3A_70 = arith.constant 208 : i32
          %dma_wait3A_71 = arith.constant 8 : i32
          %dma_wait3A_72 = arith.constant 0 : i32
          %dma_wait3A_73 = tpu.memref_slice %arg5[%dma_wait3A_71, %dma_wait3A_72] : memref<16x3328xf32, #tpu.memory_space<vmem>> -> memref<8x3328xf32, #tpu.memory_space<vmem>>
          %dma_wait3A_74 = tpu.memref_slice %arg2[%add3A_49, %mul3A_34] : memref<416x100000xf32, #tpu.memory_space<hbm>> -> memref<8x3328xf32, #tpu.memory_space<hbm>>
          %dma_wait3A_75 = arith.constant 8 : i32
          %dma_wait3A_76 = arith.constant 0 : i32
          %dma_wait3A_77 = tpu.memref_slice %arg5[%dma_wait3A_75, %dma_wait3A_76] : memref<16x3328xf32, #tpu.memory_space<vmem>> -> memref<8x3328xf32, #tpu.memory_space<vmem>>
          %dma_wait3A_78 = tpu.memref_slice %arg2[%add3A_49, %mul3A_34] : memref<416x100000xf32, #tpu.memory_space<hbm>> -> memref<8x3328xf32, #tpu.memory_space<hbm>>
          tpu.wait_dma2 semaphore(%arg8 : memref<!tpu.dma_semaphore, #tpu.memory_space<semaphore_mem>>) src(%dma_wait3A_78 : memref<8x3328xf32, #tpu.memory_space<hbm>>) dst(%dma_wait3A_77 : memref<8x3328xf32, #tpu.memory_space<vmem>>)
          %scan3A_79 = arith.constant 0 : i32
          %scan3A_80 = arith.constant 0 : i32
          %scan3A_81 = arith.constant 208 : i32
          %scan3A_82 = arith.addi %scan3A_80, %scan3A_81 : i32
          %scan3A_83 = arith.constant 4 : i32
          scf.for %scan3A_90 = %scan3A_80 to %scan3A_82 step %scan3A_83  : i32 {
            %mul3A_91 = arith.constant 256 : i32
            %mul3A_92 = arith.muli %scan3A_90, %mul3A_91 : i32
            %mul3A_93 = arith.constant 16 : i32
            %mul3A_94 = vector.broadcast %mul3A_93 : i32 to vector<16xi32>
            %mul3A_95 = arith.muli %iota3A, %mul3A_94 : vector<16xi32>
            %add3A_96 = vector.broadcast %mul3A_92 : i32 to vector<16xi32>
            %add3A_97 = arith.addi %add3A_96, %mul3A_95 : vector<16xi32>
            %add3A_98 = arith.constant 8 : i32
            %add3A_99 = vector.broadcast %add3A_98 : i32 to vector<16xi32>
            %add3A_100 = arith.addi %add3A_97, %add3A_99 : vector<16xi32>
            %mul3A_101 = arith.constant 16 : i32
            %mul3A_102 = arith.muli %scan3A_90, %mul3A_101 : i32
            %get3A = arith.constant 8 : i32
            %get3A_103 = arith.index_cast %get3A : i32 to index
            %get3A_104 = arith.index_cast %mul3A_102 : i32 to index
            %get3A_105 = tpu.vector_load %arg5[%get3A_103, %get3A_104] {strides = array<i32>} : memref<16x3328xf32, #tpu.memory_space<vmem>>, vector<16xf32>,
            %add3A_106 = arith.constant 0 : i32
            %add3A_107 = vector.broadcast %add3A_106 : i32 to vector<16xi32>
            %add3A_108 = arith.addi %add3A_100, %add3A_107 : vector<16xi32>
            tpu.vector_store_idx %arg6[%add3A_108], %get3A_105 : memref<53248xf32, #tpu.memory_space<vmem>>[vector<16xi32>], vector<16xf32>,
            %mul3A_109 = arith.constant 16 : i32
            %mul3A_110 = arith.muli %scan3A_90, %mul3A_109 : i32
            %get3A_111 = arith.constant 9 : i32
            %get3A_112 = arith.index_cast %get3A_111 : i32 to index
            %get3A_113 = arith.index_cast %mul3A_110 : i32 to index
            %get3A_114 = tpu.vector_load %arg5[%get3A_112, %get3A_113] {strides = array<i32>} : memref<16x3328xf32, #tpu.memory_space<vmem>>, vector<16xf32>,
            %add3A_115 = arith.constant 1 : i32
            %add3A_116 = vector.broadcast %add3A_115 : i32 to vector<16xi32>
            %add3A_117 = arith.addi %add3A_100, %add3A_116 : vector<16xi32>
            tpu.vector_store_idx %arg6[%add3A_117], %get3A_114 : memref<53248xf32, #tpu.memory_space<vmem>>[vector<16xi32>], vector<16xf32>,
            %mul3A_118 = arith.constant 16 : i32
            %mul3A_119 = arith.muli %scan3A_90, %mul3A_118 : i32
            %get3A_120 = arith.constant 10 : i32
            %get3A_121 = arith.index_cast %get3A_120 : i32 to index
            %get3A_122 = arith.index_cast %mul3A_119 : i32 to index
            %get3A_123 = tpu.vector_load %arg5[%get3A_121, %get3A_122] {strides = array<i32>} : memref<16x3328xf32, #tpu.memory_space<vmem>>, vector<16xf32>,
            %add3A_124 = arith.constant 2 : i32
            %add3A_125 = vector.broadcast %add3A_124 : i32 to vector<16xi32>
            %add3A_126 = arith.addi %add3A_100, %add3A_125 : vector<16xi32>
            tpu.vector_store_idx %arg6[%add3A_126], %get3A_123 : memref<53248xf32, #tpu.memory_space<vmem>>[vector<16xi32>], vector<16xf32>,
            %mul3A_127 = arith.constant 16 : i32
            %mul3A_128 = arith.muli %scan3A_90, %mul3A_127 : i32
            %get3A_129 = arith.constant 11 : i32
            %get3A_130 = arith.index_cast %get3A_129 : i32 to index
            %get3A_131 = arith.index_cast %mul3A_128 : i32 to index
            %get3A_132 = tpu.vector_load %arg5[%get3A_130, %get3A_131] {strides = array<i32>} : memref<16x3328xf32, #tpu.memory_space<vmem>>, vector<16xf32>,
            %add3A_133 = arith.constant 3 : i32
            %add3A_134 = vector.broadcast %add3A_133 : i32 to vector<16xi32>
            %add3A_135 = arith.addi %add3A_100, %add3A_134 : vector<16xi32>
            tpu.vector_store_idx %arg6[%add3A_135], %get3A_132 : memref<53248xf32, #tpu.memory_space<vmem>>[vector<16xi32>], vector<16xf32>,
            %mul3A_136 = arith.constant 16 : i32
            %mul3A_137 = arith.muli %scan3A_90, %mul3A_136 : i32
            %get3A_138 = arith.constant 12 : i32
            %get3A_139 = arith.index_cast %get3A_138 : i32 to index
            %get3A_140 = arith.index_cast %mul3A_137 : i32 to index
            %get3A_141 = tpu.vector_load %arg5[%get3A_139, %get3A_140] {strides = array<i32>} : memref<16x3328xf32, #tpu.memory_space<vmem>>, vector<16xf32>,
            %add3A_142 = arith.constant 4 : i32
            %add3A_143 = vector.broadcast %add3A_142 : i32 to vector<16xi32>
            %add3A_144 = arith.addi %add3A_100, %add3A_143 : vector<16xi32>
            tpu.vector_store_idx %arg6[%add3A_144], %get3A_141 : memref<53248xf32, #tpu.memory_space<vmem>>[vector<16xi32>], vector<16xf32>,
            %mul3A_145 = arith.constant 16 : i32
            %mul3A_146 = arith.muli %scan3A_90, %mul3A_145 : i32
            %get3A_147 = arith.constant 13 : i32
            %get3A_148 = arith.index_cast %get3A_147 : i32 to index
            %get3A_149 = arith.index_cast %mul3A_146 : i32 to index
            %get3A_150 = tpu.vector_load %arg5[%get3A_148, %get3A_149] {strides = array<i32>} : memref<16x3328xf32, #tpu.memory_space<vmem>>, vector<16xf32>,
            %add3A_151 = arith.constant 5 : i32
            %add3A_152 = vector.broadcast %add3A_151 : i32 to vector<16xi32>
            %add3A_153 = arith.addi %add3A_100, %add3A_152 : vector<16xi32>
            tpu.vector_store_idx %arg6[%add3A_153], %get3A_150 : memref<53248xf32, #tpu.memory_space<vmem>>[vector<16xi32>], vector<16xf32>,
            %mul3A_154 = arith.constant 16 : i32
            %mul3A_155 = arith.muli %scan3A_90, %mul3A_154 : i32
            %get3A_156 = arith.constant 14 : i32
            %get3A_157 = arith.index_cast %get3A_156 : i32 to index
            %get3A_158 = arith.index_cast %mul3A_155 : i32 to index
            %get3A_159 = tpu.vector_load %arg5[%get3A_157, %get3A_158] {strides = array<i32>} : memref<16x3328xf32, #tpu.memory_space<vmem>>, vector<16xf32>,
            %add3A_160 = arith.constant 6 : i32
            %add3A_161 = vector.broadcast %add3A_160 : i32 to vector<16xi32>
            %add3A_162 = arith.addi %add3A_100, %add3A_161 : vector<16xi32>
            tpu.vector_store_idx %arg6[%add3A_162], %get3A_159 : memref<53248xf32, #tpu.memory_space<vmem>>[vector<16xi32>], vector<16xf32>,
            %mul3A_163 = arith.constant 16 : i32
            %mul3A_164 = arith.muli %scan3A_90, %mul3A_163 : i32
            %get3A_165 = arith.constant 15 : i32
            %get3A_166 = arith.index_cast %get3A_165 : i32 to index
            %get3A_167 = arith.index_cast %mul3A_164 : i32 to index
            %get3A_168 = tpu.vector_load %arg5[%get3A_166, %get3A_167] {strides = array<i32>} : memref<16x3328xf32, #tpu.memory_space<vmem>>, vector<16xf32>,
            %add3A_169 = arith.constant 7 : i32
            %add3A_170 = vector.broadcast %add3A_169 : i32 to vector<16xi32>
            %add3A_171 = arith.addi %add3A_100, %add3A_170 : vector<16xi32>
            tpu.vector_store_idx %arg6[%add3A_171], %get3A_168 : memref<53248xf32, #tpu.memory_space<vmem>>[vector<16xi32>], vector<16xf32>,
            %scan3A_172 = arith.constant 1 : i32
            %scan3A_173 = arith.addi %scan3A_90, %scan3A_172 : i32
            %mul3A_174 = arith.constant 256 : i32
            %mul3A_175 = arith.muli %scan3A_173, %mul3A_174 : i32
            %mul3A_176 = arith.constant 16 : i32
            %mul3A_177 = vector.broadcast %mul3A_176 : i32 to vector<16xi32>
            %mul3A_178 = arith.muli %iota3A, %mul3A_177 : vector<16xi32>
            %add3A_179 = vector.broadcast %mul3A_175 : i32 to vector<16xi32>
            %add3A_180 = arith.addi %add3A_179, %mul3A_178 : vector<16xi32>
            %add3A_181 = arith.constant 8 : i32
            %add3A_182 = vector.broadcast %add3A_181 : i32 to vector<16xi32>
            %add3A_183 = arith.addi %add3A_180, %add3A_182 : vector<16xi32>
            %mul3A_184 = arith.constant 16 : i32
            %mul3A_185 = arith.muli %scan3A_173, %mul3A_184 : i32
            %get3A_186 = arith.constant 8 : i32
            %get3A_187 = arith.index_cast %get3A_186 : i32 to index
            %get3A_188 = arith.index_cast %mul3A_185 : i32 to index
            %get3A_189 = tpu.vector_load %arg5[%get3A_187, %get3A_188] {strides = array<i32>} : memref<16x3328xf32, #tpu.memory_space<vmem>>, vector<16xf32>,
            %add3A_190 = arith.constant 0 : i32
            %add3A_191 = vector.broadcast %add3A_190 : i32 to vector<16xi32>
            %add3A_192 = arith.addi %add3A_183, %add3A_191 : vector<16xi32>
            tpu.vector_store_idx %arg6[%add3A_192], %get3A_189 : memref<53248xf32, #tpu.memory_space<vmem>>[vector<16xi32>], vector<16xf32>,
            %mul3A_193 = arith.constant 16 : i32
            %mul3A_194 = arith.muli %scan3A_173, %mul3A_193 : i32
            %get3A_195 = arith.constant 9 : i32
            %get3A_196 = arith.index_cast %get3A_195 : i32 to index
            %get3A_197 = arith.index_cast %mul3A_194 : i32 to index
            %get3A_198 = tpu.vector_load %arg5[%get3A_196, %get3A_197] {strides = array<i32>} : memref<16x3328xf32, #tpu.memory_space<vmem>>, vector<16xf32>,
            %add3A_199 = arith.constant 1 : i32
            %add3A_200 = vector.broadcast %add3A_199 : i32 to vector<16xi32>
            %add3A_201 = arith.addi %add3A_183, %add3A_200 : vector<16xi32>
            tpu.vector_store_idx %arg6[%add3A_201], %get3A_198 : memref<53248xf32, #tpu.memory_space<vmem>>[vector<16xi32>], vector<16xf32>,
            %mul3A_202 = arith.constant 16 : i32
            %mul3A_203 = arith.muli %scan3A_173, %mul3A_202 : i32
            %get3A_204 = arith.constant 10 : i32
            %get3A_205 = arith.index_cast %get3A_204 : i32 to index
            %get3A_206 = arith.index_cast %mul3A_203 : i32 to index
            %get3A_207 = tpu.vector_load %arg5[%get3A_205, %get3A_206] {strides = array<i32>} : memref<16x3328xf32, #tpu.memory_space<vmem>>, vector<16xf32>,
            %add3A_208 = arith.constant 2 : i32
            %add3A_209 = vector.broadcast %add3A_208 : i32 to vector<16xi32>
            %add3A_210 = arith.addi %add3A_183, %add3A_209 : vector<16xi32>
            tpu.vector_store_idx %arg6[%add3A_210], %get3A_207 : memref<53248xf32, #tpu.memory_space<vmem>>[vector<16xi32>], vector<16xf32>,
            %mul3A_211 = arith.constant 16 : i32
            %mul3A_212 = arith.muli %scan3A_173, %mul3A_211 : i32
            %get3A_213 = arith.constant 11 : i32
            %get3A_214 = arith.index_cast %get3A_213 : i32 to index
            %get3A_215 = arith.index_cast %mul3A_212 : i32 to index
            %get3A_216 = tpu.vector_load %arg5[%get3A_214, %get3A_215] {strides = array<i32>} : memref<16x3328xf32, #tpu.memory_space<vmem>>, vector<16xf32>,
            %add3A_217 = arith.constant 3 : i32
            %add3A_218 = vector.broadcast %add3A_217 : i32 to vector<16xi32>
            %add3A_219 = arith.addi %add3A_183, %add3A_218 : vector<16xi32>
            tpu.vector_store_idx %arg6[%add3A_219], %get3A_216 : memref<53248xf32, #tpu.memory_space<vmem>>[vector<16xi32>], vector<16xf32>,
            %mul3A_220 = arith.constant 16 : i32
            %mul3A_221 = arith.muli %scan3A_173, %mul3A_220 : i32
            %get3A_222 = arith.constant 12 : i32
            %get3A_223 = arith.index_cast %get3A_222 : i32 to index
            %get3A_224 = arith.index_cast %mul3A_221 : i32 to index
            %get3A_225 = tpu.vector_load %arg5[%get3A_223, %get3A_224] {strides = array<i32>} : memref<16x3328xf32, #tpu.memory_space<vmem>>, vector<16xf32>,
            %add3A_226 = arith.constant 4 : i32
            %add3A_227 = vector.broadcast %add3A_226 : i32 to vector<16xi32>
            %add3A_228 = arith.addi %add3A_183, %add3A_227 : vector<16xi32>
            tpu.vector_store_idx %arg6[%add3A_228], %get3A_225 : memref<53248xf32, #tpu.memory_space<vmem>>[vector<16xi32>], vector<16xf32>,
            %mul3A_229 = arith.constant 16 : i32
            %mul3A_230 = arith.muli %scan3A_173, %mul3A_229 : i32
            %get3A_231 = arith.constant 13 : i32
            %get3A_232 = arith.index_cast %get3A_231 : i32 to index
            %get3A_233 = arith.index_cast %mul3A_230 : i32 to index
            %get3A_234 = tpu.vector_load %arg5[%get3A_232, %get3A_233] {strides = array<i32>} : memref<16x3328xf32, #tpu.memory_space<vmem>>, vector<16xf32>,
            %add3A_235 = arith.constant 5 : i32
            %add3A_236 = vector.broadcast %add3A_235 : i32 to vector<16xi32>
            %add3A_237 = arith.addi %add3A_183, %add3A_236 : vector<16xi32>
            tpu.vector_store_idx %arg6[%add3A_237], %get3A_234 : memref<53248xf32, #tpu.memory_space<vmem>>[vector<16xi32>], vector<16xf32>,
            %mul3A_238 = arith.constant 16 : i32
            %mul3A_239 = arith.muli %scan3A_173, %mul3A_238 : i32
            %get3A_240 = arith.constant 14 : i32
            %get3A_241 = arith.index_cast %get3A_240 : i32 to index
            %get3A_242 = arith.index_cast %mul3A_239 : i32 to index
            %get3A_243 = tpu.vector_load %arg5[%get3A_241, %get3A_242] {strides = array<i32>} : memref<16x3328xf32, #tpu.memory_space<vmem>>, vector<16xf32>,
            %add3A_244 = arith.constant 6 : i32
            %add3A_245 = vector.broadcast %add3A_244 : i32 to vector<16xi32>
            %add3A_246 = arith.addi %add3A_183, %add3A_245 : vector<16xi32>
            tpu.vector_store_idx %arg6[%add3A_246], %get3A_243 : memref<53248xf32, #tpu.memory_space<vmem>>[vector<16xi32>], vector<16xf32>,
            %mul3A_247 = arith.constant 16 : i32
            %mul3A_248 = arith.muli %scan3A_173, %mul3A_247 : i32
            %get3A_249 = arith.constant 15 : i32
            %get3A_250 = arith.index_cast %get3A_249 : i32 to index
            %get3A_251 = arith.index_cast %mul3A_248 : i32 to index
            %get3A_252 = tpu.vector_load %arg5[%get3A_250, %get3A_251] {strides = array<i32>} : memref<16x3328xf32, #tpu.memory_space<vmem>>, vector<16xf32>,
            %add3A_253 = arith.constant 7 : i32
            %add3A_254 = vector.broadcast %add3A_253 : i32 to vector<16xi32>
            %add3A_255 = arith.addi %add3A_183, %add3A_254 : vector<16xi32>
            tpu.vector_store_idx %arg6[%add3A_255], %get3A_252 : memref<53248xf32, #tpu.memory_space<vmem>>[vector<16xi32>], vector<16xf32>,
            %scan3A_256 = arith.constant 2 : i32
            %scan3A_257 = arith.addi %scan3A_90, %scan3A_256 : i32
            %mul3A_258 = arith.constant 256 : i32
            %mul3A_259 = arith.muli %scan3A_257, %mul3A_258 : i32
            %mul3A_260 = arith.constant 16 : i32
            %mul3A_261 = vector.broadcast %mul3A_260 : i32 to vector<16xi32>
            %mul3A_262 = arith.muli %iota3A, %mul3A_261 : vector<16xi32>
            %add3A_263 = vector.broadcast %mul3A_259 : i32 to vector<16xi32>
            %add3A_264 = arith.addi %add3A_263, %mul3A_262 : vector<16xi32>
            %add3A_265 = arith.constant 8 : i32
            %add3A_266 = vector.broadcast %add3A_265 : i32 to vector<16xi32>
            %add3A_267 = arith.addi %add3A_264, %add3A_266 : vector<16xi32>
            %mul3A_268 = arith.constant 16 : i32
            %mul3A_269 = arith.muli %scan3A_257, %mul3A_268 : i32
            %get3A_270 = arith.constant 8 : i32
            %get3A_271 = arith.index_cast %get3A_270 : i32 to index
            %get3A_272 = arith.index_cast %mul3A_269 : i32 to index
            %get3A_273 = tpu.vector_load %arg5[%get3A_271, %get3A_272] {strides = array<i32>} : memref<16x3328xf32, #tpu.memory_space<vmem>>, vector<16xf32>,
            %add3A_274 = arith.constant 0 : i32
            %add3A_275 = vector.broadcast %add3A_274 : i32 to vector<16xi32>
            %add3A_276 = arith.addi %add3A_267, %add3A_275 : vector<16xi32>
            tpu.vector_store_idx %arg6[%add3A_276], %get3A_273 : memref<53248xf32, #tpu.memory_space<vmem>>[vector<16xi32>], vector<16xf32>,
            %mul3A_277 = arith.constant 16 : i32
            %mul3A_278 = arith.muli %scan3A_257, %mul3A_277 : i32
            %get3A_279 = arith.constant 9 : i32
            %get3A_280 = arith.index_cast %get3A_279 : i32 to index
            %get3A_281 = arith.index_cast %mul3A_278 : i32 to index
            %get3A_282 = tpu.vector_load %arg5[%get3A_280, %get3A_281] {strides = array<i32>} : memref<16x3328xf32, #tpu.memory_space<vmem>>, vector<16xf32>,
            %add3A_283 = arith.constant 1 : i32
            %add3A_284 = vector.broadcast %add3A_283 : i32 to vector<16xi32>
            %add3A_285 = arith.addi %add3A_267, %add3A_284 : vector<16xi32>
            tpu.vector_store_idx %arg6[%add3A_285], %get3A_282 : memref<53248xf32, #tpu.memory_space<vmem>>[vector<16xi32>], vector<16xf32>,
            %mul3A_286 = arith.constant 16 : i32
            %mul3A_287 = arith.muli %scan3A_257, %mul3A_286 : i32
            %get3A_288 = arith.constant 10 : i32
            %get3A_289 = arith.index_cast %get3A_288 : i32 to index
            %get3A_290 = arith.index_cast %mul3A_287 : i32 to index
            %get3A_291 = tpu.vector_load %arg5[%get3A_289, %get3A_290] {strides = array<i32>} : memref<16x3328xf32, #tpu.memory_space<vmem>>, vector<16xf32>,
            %add3A_292 = arith.constant 2 : i32
            %add3A_293 = vector.broadcast %add3A_292 : i32 to vector<16xi32>
            %add3A_294 = arith.addi %add3A_267, %add3A_293 : vector<16xi32>
            tpu.vector_store_idx %arg6[%add3A_294], %get3A_291 : memref<53248xf32, #tpu.memory_space<vmem>>[vector<16xi32>], vector<16xf32>,
            %mul3A_295 = arith.constant 16 : i32
            %mul3A_296 = arith.muli %scan3A_257, %mul3A_295 : i32
            %get3A_297 = arith.constant 11 : i32
            %get3A_298 = arith.index_cast %get3A_297 : i32 to index
            %get3A_299 = arith.index_cast %mul3A_296 : i32 to index
            %get3A_300 = tpu.vector_load %arg5[%get3A_298, %get3A_299] {strides = array<i32>} : memref<16x3328xf32, #tpu.memory_space<vmem>>, vector<16xf32>,
            %add3A_301 = arith.constant 3 : i32
            %add3A_302 = vector.broadcast %add3A_301 : i32 to vector<16xi32>
            %add3A_303 = arith.addi %add3A_267, %add3A_302 : vector<16xi32>
            tpu.vector_store_idx %arg6[%add3A_303], %get3A_300 : memref<53248xf32, #tpu.memory_space<vmem>>[vector<16xi32>], vector<16xf32>,
            %mul3A_304 = arith.constant 16 : i32
            %mul3A_305 = arith.muli %scan3A_257, %mul3A_304 : i32
            %get3A_306 = arith.constant 12 : i32
            %get3A_307 = arith.index_cast %get3A_306 : i32 to index
            %get3A_308 = arith.index_cast %mul3A_305 : i32 to index
            %get3A_309 = tpu.vector_load %arg5[%get3A_307, %get3A_308] {strides = array<i32>} : memref<16x3328xf32, #tpu.memory_space<vmem>>, vector<16xf32>,
            %add3A_310 = arith.constant 4 : i32
            %add3A_311 = vector.broadcast %add3A_310 : i32 to vector<16xi32>
            %add3A_312 = arith.addi %add3A_267, %add3A_311 : vector<16xi32>
            tpu.vector_store_idx %arg6[%add3A_312], %get3A_309 : memref<53248xf32, #tpu.memory_space<vmem>>[vector<16xi32>], vector<16xf32>,
            %mul3A_313 = arith.constant 16 : i32
            %mul3A_314 = arith.muli %scan3A_257, %mul3A_313 : i32
            %get3A_315 = arith.constant 13 : i32
            %get3A_316 = arith.index_cast %get3A_315 : i32 to index
            %get3A_317 = arith.index_cast %mul3A_314 : i32 to index
            %get3A_318 = tpu.vector_load %arg5[%get3A_316, %get3A_317] {strides = array<i32>} : memref<16x3328xf32, #tpu.memory_space<vmem>>, vector<16xf32>,
            %add3A_319 = arith.constant 5 : i32
            %add3A_320 = vector.broadcast %add3A_319 : i32 to vector<16xi32>
            %add3A_321 = arith.addi %add3A_267, %add3A_320 : vector<16xi32>
            tpu.vector_store_idx %arg6[%add3A_321], %get3A_318 : memref<53248xf32, #tpu.memory_space<vmem>>[vector<16xi32>], vector<16xf32>,
            %mul3A_322 = arith.constant 16 : i32
            %mul3A_323 = arith.muli %scan3A_257, %mul3A_322 : i32
            %get3A_324 = arith.constant 14 : i32
            %get3A_325 = arith.index_cast %get3A_324 : i32 to index
            %get3A_326 = arith.index_cast %mul3A_323 : i32 to index
            %get3A_327 = tpu.vector_load %arg5[%get3A_325, %get3A_326] {strides = array<i32>} : memref<16x3328xf32, #tpu.memory_space<vmem>>, vector<16xf32>,
            %add3A_328 = arith.constant 6 : i32
            %add3A_329 = vector.broadcast %add3A_328 : i32 to vector<16xi32>
            %add3A_330 = arith.addi %add3A_267, %add3A_329 : vector<16xi32>
            tpu.vector_store_idx %arg6[%add3A_330], %get3A_327 : memref<53248xf32, #tpu.memory_space<vmem>>[vector<16xi32>], vector<16xf32>,
            %mul3A_331 = arith.constant 16 : i32
            %mul3A_332 = arith.muli %scan3A_257, %mul3A_331 : i32
            %get3A_333 = arith.constant 15 : i32
            %get3A_334 = arith.index_cast %get3A_333 : i32 to index
            %get3A_335 = arith.index_cast %mul3A_332 : i32 to index
            %get3A_336 = tpu.vector_load %arg5[%get3A_334, %get3A_335] {strides = array<i32>} : memref<16x3328xf32, #tpu.memory_space<vmem>>, vector<16xf32>,
            %add3A_337 = arith.constant 7 : i32
            %add3A_338 = vector.broadcast %add3A_337 : i32 to vector<16xi32>
            %add3A_339 = arith.addi %add3A_267, %add3A_338 : vector<16xi32>
            tpu.vector_store_idx %arg6[%add3A_339], %get3A_336 : memref<53248xf32, #tpu.memory_space<vmem>>[vector<16xi32>], vector<16xf32>,
            %scan3A_340 = arith.constant 3 : i32
            %scan3A_341 = arith.addi %scan3A_90, %scan3A_340 : i32
            %mul3A_342 = arith.constant 256 : i32
            %mul3A_343 = arith.muli %scan3A_341, %mul3A_342 : i32
            %mul3A_344 = arith.constant 16 : i32
            %mul3A_345 = vector.broadcast %mul3A_344 : i32 to vector<16xi32>
            %mul3A_346 = arith.muli %iota3A, %mul3A_345 : vector<16xi32>
            %add3A_347 = vector.broadcast %mul3A_343 : i32 to vector<16xi32>
            %add3A_348 = arith.addi %add3A_347, %mul3A_346 : vector<16xi32>
            %add3A_349 = arith.constant 8 : i32
            %add3A_350 = vector.broadcast %add3A_349 : i32 to vector<16xi32>
            %add3A_351 = arith.addi %add3A_348, %add3A_350 : vector<16xi32>
            %mul3A_352 = arith.constant 16 : i32
            %mul3A_353 = arith.muli %scan3A_341, %mul3A_352 : i32
            %get3A_354 = arith.constant 8 : i32
            %get3A_355 = arith.index_cast %get3A_354 : i32 to index
            %get3A_356 = arith.index_cast %mul3A_353 : i32 to index
            %get3A_357 = tpu.vector_load %arg5[%get3A_355, %get3A_356] {strides = array<i32>} : memref<16x3328xf32, #tpu.memory_space<vmem>>, vector<16xf32>,
            %add3A_358 = arith.constant 0 : i32
            %add3A_359 = vector.broadcast %add3A_358 : i32 to vector<16xi32>
            %add3A_360 = arith.addi %add3A_351, %add3A_359 : vector<16xi32>
            tpu.vector_store_idx %arg6[%add3A_360], %get3A_357 : memref<53248xf32, #tpu.memory_space<vmem>>[vector<16xi32>], vector<16xf32>,
            %mul3A_361 = arith.constant 16 : i32
            %mul3A_362 = arith.muli %scan3A_341, %mul3A_361 : i32
            %get3A_363 = arith.constant 9 : i32
            %get3A_364 = arith.index_cast %get3A_363 : i32 to index
            %get3A_365 = arith.index_cast %mul3A_362 : i32 to index
            %get3A_366 = tpu.vector_load %arg5[%get3A_364, %get3A_365] {strides = array<i32>} : memref<16x3328xf32, #tpu.memory_space<vmem>>, vector<16xf32>,
            %add3A_367 = arith.constant 1 : i32
            %add3A_368 = vector.broadcast %add3A_367 : i32 to vector<16xi32>
            %add3A_369 = arith.addi %add3A_351, %add3A_368 : vector<16xi32>
            tpu.vector_store_idx %arg6[%add3A_369], %get3A_366 : memref<53248xf32, #tpu.memory_space<vmem>>[vector<16xi32>], vector<16xf32>,
            %mul3A_370 = arith.constant 16 : i32
            %mul3A_371 = arith.muli %scan3A_341, %mul3A_370 : i32
            %get3A_372 = arith.constant 10 : i32
            %get3A_373 = arith.index_cast %get3A_372 : i32 to index
            %get3A_374 = arith.index_cast %mul3A_371 : i32 to index
            %get3A_375 = tpu.vector_load %arg5[%get3A_373, %get3A_374] {strides = array<i32>} : memref<16x3328xf32, #tpu.memory_space<vmem>>, vector<16xf32>,
            %add3A_376 = arith.constant 2 : i32
            %add3A_377 = vector.broadcast %add3A_376 : i32 to vector<16xi32>
            %add3A_378 = arith.addi %add3A_351, %add3A_377 : vector<16xi32>
            tpu.vector_store_idx %arg6[%add3A_378], %get3A_375 : memref<53248xf32, #tpu.memory_space<vmem>>[vector<16xi32>], vector<16xf32>,
            %mul3A_379 = arith.constant 16 : i32
            %mul3A_380 = arith.muli %scan3A_341, %mul3A_379 : i32
            %get3A_381 = arith.constant 11 : i32
            %get3A_382 = arith.index_cast %get3A_381 : i32 to index
            %get3A_383 = arith.index_cast %mul3A_380 : i32 to index
            %get3A_384 = tpu.vector_load %arg5[%get3A_382, %get3A_383] {strides = array<i32>} : memref<16x3328xf32, #tpu.memory_space<vmem>>, vector<16xf32>,
            %add3A_385 = arith.constant 3 : i32
            %add3A_386 = vector.broadcast %add3A_385 : i32 to vector<16xi32>
            %add3A_387 = arith.addi %add3A_351, %add3A_386 : vector<16xi32>
            tpu.vector_store_idx %arg6[%add3A_387], %get3A_384 : memref<53248xf32, #tpu.memory_space<vmem>>[vector<16xi32>], vector<16xf32>,
            %mul3A_388 = arith.constant 16 : i32
            %mul3A_389 = arith.muli %scan3A_341, %mul3A_388 : i32
            %get3A_390 = arith.constant 12 : i32
            %get3A_391 = arith.index_cast %get3A_390 : i32 to index
            %get3A_392 = arith.index_cast %mul3A_389 : i32 to index
            %get3A_393 = tpu.vector_load %arg5[%get3A_391, %get3A_392] {strides = array<i32>} : memref<16x3328xf32, #tpu.memory_space<vmem>>, vector<16xf32>,
            %add3A_394 = arith.constant 4 : i32
            %add3A_395 = vector.broadcast %add3A_394 : i32 to vector<16xi32>
            %add3A_396 = arith.addi %add3A_351, %add3A_395 : vector<16xi32>
            tpu.vector_store_idx %arg6[%add3A_396], %get3A_393 : memref<53248xf32, #tpu.memory_space<vmem>>[vector<16xi32>], vector<16xf32>,
            %mul3A_397 = arith.constant 16 : i32
            %mul3A_398 = arith.muli %scan3A_341, %mul3A_397 : i32
            %get3A_399 = arith.constant 13 : i32
            %get3A_400 = arith.index_cast %get3A_399 : i32 to index
            %get3A_401 = arith.index_cast %mul3A_398 : i32 to index
            %get3A_402 = tpu.vector_load %arg5[%get3A_400, %get3A_401] {strides = array<i32>} : memref<16x3328xf32, #tpu.memory_space<vmem>>, vector<16xf32>,
            %add3A_403 = arith.constant 5 : i32
            %add3A_404 = vector.broadcast %add3A_403 : i32 to vector<16xi32>
            %add3A_405 = arith.addi %add3A_351, %add3A_404 : vector<16xi32>
            tpu.vector_store_idx %arg6[%add3A_405], %get3A_402 : memref<53248xf32, #tpu.memory_space<vmem>>[vector<16xi32>], vector<16xf32>,
            %mul3A_406 = arith.constant 16 : i32
            %mul3A_407 = arith.muli %scan3A_341, %mul3A_406 : i32
            %get3A_408 = arith.constant 14 : i32
            %get3A_409 = arith.index_cast %get3A_408 : i32 to index
            %get3A_410 = arith.index_cast %mul3A_407 : i32 to index
            %get3A_411 = tpu.vector_load %arg5[%get3A_409, %get3A_410] {strides = array<i32>} : memref<16x3328xf32, #tpu.memory_space<vmem>>, vector<16xf32>,
            %add3A_412 = arith.constant 6 : i32
            %add3A_413 = vector.broadcast %add3A_412 : i32 to vector<16xi32>
            %add3A_414 = arith.addi %add3A_351, %add3A_413 : vector<16xi32>
            tpu.vector_store_idx %arg6[%add3A_414], %get3A_411 : memref<53248xf32, #tpu.memory_space<vmem>>[vector<16xi32>], vector<16xf32>,
            %mul3A_415 = arith.constant 16 : i32
            %mul3A_416 = arith.muli %scan3A_341, %mul3A_415 : i32
            %get3A_417 = arith.constant 15 : i32
            %get3A_418 = arith.index_cast %get3A_417 : i32 to index
            %get3A_419 = arith.index_cast %mul3A_416 : i32 to index
            %get3A_420 = tpu.vector_load %arg5[%get3A_418, %get3A_419] {strides = array<i32>} : memref<16x3328xf32, #tpu.memory_space<vmem>>, vector<16xf32>,
            %add3A_421 = arith.constant 7 : i32
            %add3A_422 = vector.broadcast %add3A_421 : i32 to vector<16xi32>
            %add3A_423 = arith.addi %add3A_351, %add3A_422 : vector<16xi32>
            tpu.vector_store_idx %arg6[%add3A_423], %get3A_420 : memref<53248xf32, #tpu.memory_space<vmem>>[vector<16xi32>], vector<16xf32>,
          }
          %scan3A_84 = arith.constant 208 : i32
          %mul3A_85 = arith.constant 100000 : i32
          %mul3A_86 = arith.muli %scan3A_8, %mul3A_85 : i32
          %add3A_87 = arith.addi %mul3A_86, %mul3A_34 : i32
          %mul3A_88 = arith.constant 16 : i32
          %mul3A_89 = arith.muli %add3A_87, %mul3A_88 : i32
          "tpu.region"() ({
            %run_scoped3A = tpu.sem_alloc : memref<!tpu.dma_semaphore, #tpu.memory_space<semaphore_mem>>
            %dma_start3A_90 = arith.constant 0 : i32
            %dma_start3A_91 = tpu.memref_slice %arg6[%dma_start3A_90] : memref<53248xf32, #tpu.memory_space<vmem>> -> memref<53248xf32, #tpu.memory_space<vmem>>
            %dma_start3A_92 = tpu.memref_slice %arg4[%mul3A_89] : memref<41600000xf32, #tpu.memory_space<hbm>> -> memref<53248xf32, #tpu.memory_space<hbm>>
            %dma_start3A_93 = tpu.memref_slice %arg4[%mul3A_89] : memref<41600000xf32, #tpu.memory_space<hbm>> -> memref<53248xf32, #tpu.memory_space<hbm>>
            %dma_start3A_94 = arith.constant 0 : i32
            %dma_start3A_95 = tpu.memref_slice %arg6[%dma_start3A_94] : memref<53248xf32, #tpu.memory_space<vmem>> -> memref<53248xf32, #tpu.memory_space<vmem>>
            tpu.enqueue_dma source(%dma_start3A_95 : memref<53248xf32, #tpu.memory_space<vmem>>) target(%dma_start3A_93 : memref<53248xf32, #tpu.memory_space<hbm>>) target_semaphore(%run_scoped3A : memref<!tpu.dma_semaphore, #tpu.memory_space<semaphore_mem>>)
            %dma_wait3A_96 = arith.constant 0 : i32
            %dma_wait3A_97 = tpu.memref_slice %arg6[%dma_wait3A_96] : memref<53248xf32, #tpu.memory_space<vmem>> -> memref<53248xf32, #tpu.memory_space<vmem>>
            %dma_wait3A_98 = tpu.memref_slice %arg4[%mul3A_89] : memref<41600000xf32, #tpu.memory_space<hbm>> -> memref<53248xf32, #tpu.memory_space<hbm>>
            %dma_wait3A_99 = tpu.memref_slice %arg4[%mul3A_89] : memref<41600000xf32, #tpu.memory_space<hbm>> -> memref<53248xf32, #tpu.memory_space<hbm>>
            %dma_wait3A_100 = arith.constant 0 : i32
            %dma_wait3A_101 = tpu.memref_slice %arg6[%dma_wait3A_100] : memref<53248xf32, #tpu.memory_space<vmem>> -> memref<53248xf32, #tpu.memory_space<vmem>>
            tpu.wait_dma2 semaphore(%run_scoped3A : memref<!tpu.dma_semaphore, #tpu.memory_space<semaphore_mem>>) src(%dma_wait3A_101 : memref<53248xf32, #tpu.memory_space<vmem>>) dst(%dma_wait3A_99 : memref<53248xf32, #tpu.memory_space<hbm>>)
            tpu.yield
          }) : () -> ()
        } else {
        }
      }
      %scan3A_13 = arith.constant 30 : i32
      %mul3A_14 = arith.constant 31 : i32
      %mul3A_15 = arith.muli %scan3A_8, %mul3A_14 : i32
      %add3A_16 = arith.constant 30 : i32
      %add3A_17 = arith.addi %mul3A_15, %add3A_16 : i32
      %and3A = arith.constant 31 : i32
      %and3A_18 = arith.andi %add3A_17, %and3A : i32
      %eq3A_19 = arith.cmpi eq, %and3A_18, %add3A : i32
      %convert_element_type3A_20 = arith.extui %eq3A_19 : i1 to i32
      %cond3A_21 = arith.constant 0 : i32
      %cond3A_22 = arith.cmpi ne, %convert_element_type3A_20, %cond3A_21 : i32
      scf.if %cond3A_22 {
        %mul3A_23 = arith.constant 16 : i32
        %mul3A_24 = arith.muli %scan3A_8, %mul3A_23 : i32
        %add3A_25 = arith.constant 0 : i32
        %add3A_26 = arith.addi %mul3A_24, %add3A_25 : i32
        %dma_start3A = arith.constant 0 : i32
        %dma_start3A_27 = arith.constant 0 : i32
        %dma_start3A_28 = tpu.memref_slice %arg5[%dma_start3A, %dma_start3A_27] : memref<16x3328xf32, #tpu.memory_space<vmem>> -> memref<8x128xf32, #tpu.memory_space<vmem>>
        %dma_start3A_29 = arith.constant 99840 : i32
        %dma_start3A_30 = tpu.memref_slice %arg2[%add3A_26, %dma_start3A_29] : memref<416x100000xf32, #tpu.memory_space<hbm>> -> memref<8x128xf32, #tpu.memory_space<hbm>>
        %dma_start3A_31 = arith.constant 0 : i32
        %dma_start3A_32 = arith.constant 0 : i32
        %dma_start3A_33 = tpu.memref_slice %arg5[%dma_start3A_31, %dma_start3A_32] : memref<16x3328xf32, #tpu.memory_space<vmem>> -> memref<8x128xf32, #tpu.memory_space<vmem>>
        %dma_start3A_34 = arith.constant 99840 : i32
        %dma_start3A_35 = tpu.memref_slice %arg2[%add3A_26, %dma_start3A_34] : memref<416x100000xf32, #tpu.memory_space<hbm>> -> memref<8x128xf32, #tpu.memory_space<hbm>>
        tpu.enqueue_dma source(%dma_start3A_35 : memref<8x128xf32, #tpu.memory_space<hbm>>) target(%dma_start3A_33 : memref<8x128xf32, #tpu.memory_space<vmem>>) target_semaphore(%arg8 : memref<!tpu.dma_semaphore, #tpu.memory_space<semaphore_mem>>)
        %mul3A_36 = arith.constant 16 : i32
        %mul3A_37 = arith.muli %scan3A_8, %mul3A_36 : i32
        %add3A_38 = arith.constant 8 : i32
        %add3A_39 = arith.addi %mul3A_37, %add3A_38 : i32
        %dma_start3A_40 = arith.constant 8 : i32
        %dma_start3A_41 = arith.constant 0 : i32
        %dma_start3A_42 = tpu.memref_slice %arg5[%dma_start3A_40, %dma_start3A_41] : memref<16x3328xf32, #tpu.memory_space<vmem>> -> memref<8x128xf32, #tpu.memory_space<vmem>>
        %dma_start3A_43 = arith.constant 99840 : i32
        %dma_start3A_44 = tpu.memref_slice %arg2[%add3A_39, %dma_start3A_43] : memref<416x100000xf32, #tpu.memory_space<hbm>> -> memref<8x128xf32, #tpu.memory_space<hbm>>
        %dma_start3A_45 = arith.constant 8 : i32
        %dma_start3A_46 = arith.constant 0 : i32
        %dma_start3A_47 = tpu.memref_slice %arg5[%dma_start3A_45, %dma_start3A_46] : memref<16x3328xf32, #tpu.memory_space<vmem>> -> memref<8x128xf32, #tpu.memory_space<vmem>>
        %dma_start3A_48 = arith.constant 99840 : i32
        %dma_start3A_49 = tpu.memref_slice %arg2[%add3A_39, %dma_start3A_48] : memref<416x100000xf32, #tpu.memory_space<hbm>> -> memref<8x128xf32, #tpu.memory_space<hbm>>
        tpu.enqueue_dma source(%dma_start3A_49 : memref<8x128xf32, #tpu.memory_space<hbm>>) target(%dma_start3A_47 : memref<8x128xf32, #tpu.memory_space<vmem>>) target_semaphore(%arg8 : memref<!tpu.dma_semaphore, #tpu.memory_space<semaphore_mem>>)
        %dma_wait3A = arith.constant 0 : i32
        %dma_wait3A_50 = arith.constant 0 : i32
        %dma_wait3A_51 = tpu.memref_slice %arg5[%dma_wait3A, %dma_wait3A_50] : memref<16x3328xf32, #tpu.memory_space<vmem>> -> memref<8x128xf32, #tpu.memory_space<vmem>>
        %dma_wait3A_52 = arith.constant 99840 : i32
        %dma_wait3A_53 = tpu.memref_slice %arg2[%add3A_26, %dma_wait3A_52] : memref<416x100000xf32, #tpu.memory_space<hbm>> -> memref<8x128xf32, #tpu.memory_space<hbm>>
        %dma_wait3A_54 = arith.constant 0 : i32
        %dma_wait3A_55 = arith.constant 0 : i32
        %dma_wait3A_56 = tpu.memref_slice %arg5[%dma_wait3A_54, %dma_wait3A_55] : memref<16x3328xf32, #tpu.memory_space<vmem>> -> memref<8x128xf32, #tpu.memory_space<vmem>>
        %dma_wait3A_57 = arith.constant 99840 : i32
        %dma_wait3A_58 = tpu.memref_slice %arg2[%add3A_26, %dma_wait3A_57] : memref<416x100000xf32, #tpu.memory_space<hbm>> -> memref<8x128xf32, #tpu.memory_space<hbm>>
        tpu.wait_dma2 semaphore(%arg8 : memref<!tpu.dma_semaphore, #tpu.memory_space<semaphore_mem>>) src(%dma_wait3A_58 : memref<8x128xf32, #tpu.memory_space<hbm>>) dst(%dma_wait3A_56 : memref<8x128xf32, #tpu.memory_space<vmem>>)
        %scan3A_59 = arith.constant 0 : i32
        %scan3A_60 = arith.constant 0 : i32
        %scan3A_61 = arith.constant 8 : i32
        %scan3A_62 = arith.addi %scan3A_60, %scan3A_61 : i32
        %scan3A_63 = arith.constant 4 : i32
        scf.for %scan3A_87 = %scan3A_60 to %scan3A_62 step %scan3A_63  : i32 {
          %mul3A_88 = arith.constant 256 : i32
          %mul3A_89 = arith.muli %scan3A_87, %mul3A_88 : i32
          %mul3A_90 = arith.constant 16 : i32
          %mul3A_91 = vector.broadcast %mul3A_90 : i32 to vector<16xi32>
          %mul3A_92 = arith.muli %iota3A, %mul3A_91 : vector<16xi32>
          %add3A_93 = vector.broadcast %mul3A_89 : i32 to vector<16xi32>
          %add3A_94 = arith.addi %add3A_93, %mul3A_92 : vector<16xi32>
          %add3A_95 = arith.constant 0 : i32
          %add3A_96 = vector.broadcast %add3A_95 : i32 to vector<16xi32>
          %add3A_97 = arith.addi %add3A_94, %add3A_96 : vector<16xi32>
          %mul3A_98 = arith.constant 16 : i32
          %mul3A_99 = arith.muli %scan3A_87, %mul3A_98 : i32
          %get3A = arith.constant 0 : i32
          %get3A_100 = arith.index_cast %get3A : i32 to index
          %get3A_101 = arith.index_cast %mul3A_99 : i32 to index
          %get3A_102 = tpu.vector_load %arg5[%get3A_100, %get3A_101] {strides = array<i32>} : memref<16x3328xf32, #tpu.memory_space<vmem>>, vector<16xf32>,
          %add3A_103 = arith.constant 0 : i32
          %add3A_104 = vector.broadcast %add3A_103 : i32 to vector<16xi32>
          %add3A_105 = arith.addi %add3A_97, %add3A_104 : vector<16xi32>
          tpu.vector_store_idx %arg6[%add3A_105], %get3A_102 : memref<53248xf32, #tpu.memory_space<vmem>>[vector<16xi32>], vector<16xf32>,
          %mul3A_106 = arith.constant 16 : i32
          %mul3A_107 = arith.muli %scan3A_87, %mul3A_106 : i32
          %get3A_108 = arith.constant 1 : i32
          %get3A_109 = arith.index_cast %get3A_108 : i32 to index
          %get3A_110 = arith.index_cast %mul3A_107 : i32 to index
          %get3A_111 = tpu.vector_load %arg5[%get3A_109, %get3A_110] {strides = array<i32>} : memref<16x3328xf32, #tpu.memory_space<vmem>>, vector<16xf32>,
          %add3A_112 = arith.constant 1 : i32
          %add3A_113 = vector.broadcast %add3A_112 : i32 to vector<16xi32>
          %add3A_114 = arith.addi %add3A_97, %add3A_113 : vector<16xi32>
          tpu.vector_store_idx %arg6[%add3A_114], %get3A_111 : memref<53248xf32, #tpu.memory_space<vmem>>[vector<16xi32>], vector<16xf32>,
          %mul3A_115 = arith.constant 16 : i32
          %mul3A_116 = arith.muli %scan3A_87, %mul3A_115 : i32
          %get3A_117 = arith.constant 2 : i32
          %get3A_118 = arith.index_cast %get3A_117 : i32 to index
          %get3A_119 = arith.index_cast %mul3A_116 : i32 to index
          %get3A_120 = tpu.vector_load %arg5[%get3A_118, %get3A_119] {strides = array<i32>} : memref<16x3328xf32, #tpu.memory_space<vmem>>, vector<16xf32>,
          %add3A_121 = arith.constant 2 : i32
          %add3A_122 = vector.broadcast %add3A_121 : i32 to vector<16xi32>
          %add3A_123 = arith.addi %add3A_97, %add3A_122 : vector<16xi32>
          tpu.vector_store_idx %arg6[%add3A_123], %get3A_120 : memref<53248xf32, #tpu.memory_space<vmem>>[vector<16xi32>], vector<16xf32>,
          %mul3A_124 = arith.constant 16 : i32
          %mul3A_125 = arith.muli %scan3A_87, %mul3A_124 : i32
          %get3A_126 = arith.constant 3 : i32
          %get3A_127 = arith.index_cast %get3A_126 : i32 to index
          %get3A_128 = arith.index_cast %mul3A_125 : i32 to index
          %get3A_129 = tpu.vector_load %arg5[%get3A_127, %get3A_128] {strides = array<i32>} : memref<16x3328xf32, #tpu.memory_space<vmem>>, vector<16xf32>,
          %add3A_130 = arith.constant 3 : i32
          %add3A_131 = vector.broadcast %add3A_130 : i32 to vector<16xi32>
          %add3A_132 = arith.addi %add3A_97, %add3A_131 : vector<16xi32>
          tpu.vector_store_idx %arg6[%add3A_132], %get3A_129 : memref<53248xf32, #tpu.memory_space<vmem>>[vector<16xi32>], vector<16xf32>,
          %mul3A_133 = arith.constant 16 : i32
          %mul3A_134 = arith.muli %scan3A_87, %mul3A_133 : i32
          %get3A_135 = arith.constant 4 : i32
          %get3A_136 = arith.index_cast %get3A_135 : i32 to index
          %get3A_137 = arith.index_cast %mul3A_134 : i32 to index
          %get3A_138 = tpu.vector_load %arg5[%get3A_136, %get3A_137] {strides = array<i32>} : memref<16x3328xf32, #tpu.memory_space<vmem>>, vector<16xf32>,
          %add3A_139 = arith.constant 4 : i32
          %add3A_140 = vector.broadcast %add3A_139 : i32 to vector<16xi32>
          %add3A_141 = arith.addi %add3A_97, %add3A_140 : vector<16xi32>
          tpu.vector_store_idx %arg6[%add3A_141], %get3A_138 : memref<53248xf32, #tpu.memory_space<vmem>>[vector<16xi32>], vector<16xf32>,
          %mul3A_142 = arith.constant 16 : i32
          %mul3A_143 = arith.muli %scan3A_87, %mul3A_142 : i32
          %get3A_144 = arith.constant 5 : i32
          %get3A_145 = arith.index_cast %get3A_144 : i32 to index
          %get3A_146 = arith.index_cast %mul3A_143 : i32 to index
          %get3A_147 = tpu.vector_load %arg5[%get3A_145, %get3A_146] {strides = array<i32>} : memref<16x3328xf32, #tpu.memory_space<vmem>>, vector<16xf32>,
          %add3A_148 = arith.constant 5 : i32
          %add3A_149 = vector.broadcast %add3A_148 : i32 to vector<16xi32>
          %add3A_150 = arith.addi %add3A_97, %add3A_149 : vector<16xi32>
          tpu.vector_store_idx %arg6[%add3A_150], %get3A_147 : memref<53248xf32, #tpu.memory_space<vmem>>[vector<16xi32>], vector<16xf32>,
          %mul3A_151 = arith.constant 16 : i32
          %mul3A_152 = arith.muli %scan3A_87, %mul3A_151 : i32
          %get3A_153 = arith.constant 6 : i32
          %get3A_154 = arith.index_cast %get3A_153 : i32 to index
          %get3A_155 = arith.index_cast %mul3A_152 : i32 to index
          %get3A_156 = tpu.vector_load %arg5[%get3A_154, %get3A_155] {strides = array<i32>} : memref<16x3328xf32, #tpu.memory_space<vmem>>, vector<16xf32>,
          %add3A_157 = arith.constant 6 : i32
          %add3A_158 = vector.broadcast %add3A_157 : i32 to vector<16xi32>
          %add3A_159 = arith.addi %add3A_97, %add3A_158 : vector<16xi32>
          tpu.vector_store_idx %arg6[%add3A_159], %get3A_156 : memref<53248xf32, #tpu.memory_space<vmem>>[vector<16xi32>], vector<16xf32>,
          %mul3A_160 = arith.constant 16 : i32
          %mul3A_161 = arith.muli %scan3A_87, %mul3A_160 : i32
          %get3A_162 = arith.constant 7 : i32
          %get3A_163 = arith.index_cast %get3A_162 : i32 to index
          %get3A_164 = arith.index_cast %mul3A_161 : i32 to index
          %get3A_165 = tpu.vector_load %arg5[%get3A_163, %get3A_164] {strides = array<i32>} : memref<16x3328xf32, #tpu.memory_space<vmem>>, vector<16xf32>,
          %add3A_166 = arith.constant 7 : i32
          %add3A_167 = vector.broadcast %add3A_166 : i32 to vector<16xi32>
          %add3A_168 = arith.addi %add3A_97, %add3A_167 : vector<16xi32>
          tpu.vector_store_idx %arg6[%add3A_168], %get3A_165 : memref<53248xf32, #tpu.memory_space<vmem>>[vector<16xi32>], vector<16xf32>,
          %scan3A_169 = arith.constant 1 : i32
          %scan3A_170 = arith.addi %scan3A_87, %scan3A_169 : i32
          %mul3A_171 = arith.constant 256 : i32
          %mul3A_172 = arith.muli %scan3A_170, %mul3A_171 : i32
          %mul3A_173 = arith.constant 16 : i32
          %mul3A_174 = vector.broadcast %mul3A_173 : i32 to vector<16xi32>
          %mul3A_175 = arith.muli %iota3A, %mul3A_174 : vector<16xi32>
          %add3A_176 = vector.broadcast %mul3A_172 : i32 to vector<16xi32>
          %add3A_177 = arith.addi %add3A_176, %mul3A_175 : vector<16xi32>
          %add3A_178 = arith.constant 0 : i32
          %add3A_179 = vector.broadcast %add3A_178 : i32 to vector<16xi32>
          %add3A_180 = arith.addi %add3A_177, %add3A_179 : vector<16xi32>
          %mul3A_181 = arith.constant 16 : i32
          %mul3A_182 = arith.muli %scan3A_170, %mul3A_181 : i32
          %get3A_183 = arith.constant 0 : i32
          %get3A_184 = arith.index_cast %get3A_183 : i32 to index
          %get3A_185 = arith.index_cast %mul3A_182 : i32 to index
          %get3A_186 = tpu.vector_load %arg5[%get3A_184, %get3A_185] {strides = array<i32>} : memref<16x3328xf32, #tpu.memory_space<vmem>>, vector<16xf32>,
          %add3A_187 = arith.constant 0 : i32
          %add3A_188 = vector.broadcast %add3A_187 : i32 to vector<16xi32>
          %add3A_189 = arith.addi %add3A_180, %add3A_188 : vector<16xi32>
          tpu.vector_store_idx %arg6[%add3A_189], %get3A_186 : memref<53248xf32, #tpu.memory_space<vmem>>[vector<16xi32>], vector<16xf32>,
          %mul3A_190 = arith.constant 16 : i32
          %mul3A_191 = arith.muli %scan3A_170, %mul3A_190 : i32
          %get3A_192 = arith.constant 1 : i32
          %get3A_193 = arith.index_cast %get3A_192 : i32 to index
          %get3A_194 = arith.index_cast %mul3A_191 : i32 to index
          %get3A_195 = tpu.vector_load %arg5[%get3A_193, %get3A_194] {strides = array<i32>} : memref<16x3328xf32, #tpu.memory_space<vmem>>, vector<16xf32>,
          %add3A_196 = arith.constant 1 : i32
          %add3A_197 = vector.broadcast %add3A_196 : i32 to vector<16xi32>
          %add3A_198 = arith.addi %add3A_180, %add3A_197 : vector<16xi32>
          tpu.vector_store_idx %arg6[%add3A_198], %get3A_195 : memref<53248xf32, #tpu.memory_space<vmem>>[vector<16xi32>], vector<16xf32>,
          %mul3A_199 = arith.constant 16 : i32
          %mul3A_200 = arith.muli %scan3A_170, %mul3A_199 : i32
          %get3A_201 = arith.constant 2 : i32
          %get3A_202 = arith.index_cast %get3A_201 : i32 to index
          %get3A_203 = arith.index_cast %mul3A_200 : i32 to index
          %get3A_204 = tpu.vector_load %arg5[%get3A_202, %get3A_203] {strides = array<i32>} : memref<16x3328xf32, #tpu.memory_space<vmem>>, vector<16xf32>,
          %add3A_205 = arith.constant 2 : i32
          %add3A_206 = vector.broadcast %add3A_205 : i32 to vector<16xi32>
          %add3A_207 = arith.addi %add3A_180, %add3A_206 : vector<16xi32>
          tpu.vector_store_idx %arg6[%add3A_207], %get3A_204 : memref<53248xf32, #tpu.memory_space<vmem>>[vector<16xi32>], vector<16xf32>,
          %mul3A_208 = arith.constant 16 : i32
          %mul3A_209 = arith.muli %scan3A_170, %mul3A_208 : i32
          %get3A_210 = arith.constant 3 : i32
          %get3A_211 = arith.index_cast %get3A_210 : i32 to index
          %get3A_212 = arith.index_cast %mul3A_209 : i32 to index
          %get3A_213 = tpu.vector_load %arg5[%get3A_211, %get3A_212] {strides = array<i32>} : memref<16x3328xf32, #tpu.memory_space<vmem>>, vector<16xf32>,
          %add3A_214 = arith.constant 3 : i32
          %add3A_215 = vector.broadcast %add3A_214 : i32 to vector<16xi32>
          %add3A_216 = arith.addi %add3A_180, %add3A_215 : vector<16xi32>
          tpu.vector_store_idx %arg6[%add3A_216], %get3A_213 : memref<53248xf32, #tpu.memory_space<vmem>>[vector<16xi32>], vector<16xf32>,
          %mul3A_217 = arith.constant 16 : i32
          %mul3A_218 = arith.muli %scan3A_170, %mul3A_217 : i32
          %get3A_219 = arith.constant 4 : i32
          %get3A_220 = arith.index_cast %get3A_219 : i32 to index
          %get3A_221 = arith.index_cast %mul3A_218 : i32 to index
          %get3A_222 = tpu.vector_load %arg5[%get3A_220, %get3A_221] {strides = array<i32>} : memref<16x3328xf32, #tpu.memory_space<vmem>>, vector<16xf32>,
          %add3A_223 = arith.constant 4 : i32
          %add3A_224 = vector.broadcast %add3A_223 : i32 to vector<16xi32>
          %add3A_225 = arith.addi %add3A_180, %add3A_224 : vector<16xi32>
          tpu.vector_store_idx %arg6[%add3A_225], %get3A_222 : memref<53248xf32, #tpu.memory_space<vmem>>[vector<16xi32>], vector<16xf32>,
          %mul3A_226 = arith.constant 16 : i32
          %mul3A_227 = arith.muli %scan3A_170, %mul3A_226 : i32
          %get3A_228 = arith.constant 5 : i32
          %get3A_229 = arith.index_cast %get3A_228 : i32 to index
          %get3A_230 = arith.index_cast %mul3A_227 : i32 to index
          %get3A_231 = tpu.vector_load %arg5[%get3A_229, %get3A_230] {strides = array<i32>} : memref<16x3328xf32, #tpu.memory_space<vmem>>, vector<16xf32>,
          %add3A_232 = arith.constant 5 : i32
          %add3A_233 = vector.broadcast %add3A_232 : i32 to vector<16xi32>
          %add3A_234 = arith.addi %add3A_180, %add3A_233 : vector<16xi32>
          tpu.vector_store_idx %arg6[%add3A_234], %get3A_231 : memref<53248xf32, #tpu.memory_space<vmem>>[vector<16xi32>], vector<16xf32>,
          %mul3A_235 = arith.constant 16 : i32
          %mul3A_236 = arith.muli %scan3A_170, %mul3A_235 : i32
          %get3A_237 = arith.constant 6 : i32
          %get3A_238 = arith.index_cast %get3A_237 : i32 to index
          %get3A_239 = arith.index_cast %mul3A_236 : i32 to index
          %get3A_240 = tpu.vector_load %arg5[%get3A_238, %get3A_239] {strides = array<i32>} : memref<16x3328xf32, #tpu.memory_space<vmem>>, vector<16xf32>,
          %add3A_241 = arith.constant 6 : i32
          %add3A_242 = vector.broadcast %add3A_241 : i32 to vector<16xi32>
          %add3A_243 = arith.addi %add3A_180, %add3A_242 : vector<16xi32>
          tpu.vector_store_idx %arg6[%add3A_243], %get3A_240 : memref<53248xf32, #tpu.memory_space<vmem>>[vector<16xi32>], vector<16xf32>,
          %mul3A_244 = arith.constant 16 : i32
          %mul3A_245 = arith.muli %scan3A_170, %mul3A_244 : i32
          %get3A_246 = arith.constant 7 : i32
          %get3A_247 = arith.index_cast %get3A_246 : i32 to index
          %get3A_248 = arith.index_cast %mul3A_245 : i32 to index
          %get3A_249 = tpu.vector_load %arg5[%get3A_247, %get3A_248] {strides = array<i32>} : memref<16x3328xf32, #tpu.memory_space<vmem>>, vector<16xf32>,
          %add3A_250 = arith.constant 7 : i32
          %add3A_251 = vector.broadcast %add3A_250 : i32 to vector<16xi32>
          %add3A_252 = arith.addi %add3A_180, %add3A_251 : vector<16xi32>
          tpu.vector_store_idx %arg6[%add3A_252], %get3A_249 : memref<53248xf32, #tpu.memory_space<vmem>>[vector<16xi32>], vector<16xf32>,
          %scan3A_253 = arith.constant 2 : i32
          %scan3A_254 = arith.addi %scan3A_87, %scan3A_253 : i32
          %mul3A_255 = arith.constant 256 : i32
          %mul3A_256 = arith.muli %scan3A_254, %mul3A_255 : i32
          %mul3A_257 = arith.constant 16 : i32
          %mul3A_258 = vector.broadcast %mul3A_257 : i32 to vector<16xi32>
          %mul3A_259 = arith.muli %iota3A, %mul3A_258 : vector<16xi32>
          %add3A_260 = vector.broadcast %mul3A_256 : i32 to vector<16xi32>
          %add3A_261 = arith.addi %add3A_260, %mul3A_259 : vector<16xi32>
          %add3A_262 = arith.constant 0 : i32
          %add3A_263 = vector.broadcast %add3A_262 : i32 to vector<16xi32>
          %add3A_264 = arith.addi %add3A_261, %add3A_263 : vector<16xi32>
          %mul3A_265 = arith.constant 16 : i32
          %mul3A_266 = arith.muli %scan3A_254, %mul3A_265 : i32
          %get3A_267 = arith.constant 0 : i32
          %get3A_268 = arith.index_cast %get3A_267 : i32 to index
          %get3A_269 = arith.index_cast %mul3A_266 : i32 to index
          %get3A_270 = tpu.vector_load %arg5[%get3A_268, %get3A_269] {strides = array<i32>} : memref<16x3328xf32, #tpu.memory_space<vmem>>, vector<16xf32>,
          %add3A_271 = arith.constant 0 : i32
          %add3A_272 = vector.broadcast %add3A_271 : i32 to vector<16xi32>
          %add3A_273 = arith.addi %add3A_264, %add3A_272 : vector<16xi32>
          tpu.vector_store_idx %arg6[%add3A_273], %get3A_270 : memref<53248xf32, #tpu.memory_space<vmem>>[vector<16xi32>], vector<16xf32>,
          %mul3A_274 = arith.constant 16 : i32
          %mul3A_275 = arith.muli %scan3A_254, %mul3A_274 : i32
          %get3A_276 = arith.constant 1 : i32
          %get3A_277 = arith.index_cast %get3A_276 : i32 to index
          %get3A_278 = arith.index_cast %mul3A_275 : i32 to index
          %get3A_279 = tpu.vector_load %arg5[%get3A_277, %get3A_278] {strides = array<i32>} : memref<16x3328xf32, #tpu.memory_space<vmem>>, vector<16xf32>,
          %add3A_280 = arith.constant 1 : i32
          %add3A_281 = vector.broadcast %add3A_280 : i32 to vector<16xi32>
          %add3A_282 = arith.addi %add3A_264, %add3A_281 : vector<16xi32>
          tpu.vector_store_idx %arg6[%add3A_282], %get3A_279 : memref<53248xf32, #tpu.memory_space<vmem>>[vector<16xi32>], vector<16xf32>,
          %mul3A_283 = arith.constant 16 : i32
          %mul3A_284 = arith.muli %scan3A_254, %mul3A_283 : i32
          %get3A_285 = arith.constant 2 : i32
          %get3A_286 = arith.index_cast %get3A_285 : i32 to index
          %get3A_287 = arith.index_cast %mul3A_284 : i32 to index
          %get3A_288 = tpu.vector_load %arg5[%get3A_286, %get3A_287] {strides = array<i32>} : memref<16x3328xf32, #tpu.memory_space<vmem>>, vector<16xf32>,
          %add3A_289 = arith.constant 2 : i32
          %add3A_290 = vector.broadcast %add3A_289 : i32 to vector<16xi32>
          %add3A_291 = arith.addi %add3A_264, %add3A_290 : vector<16xi32>
          tpu.vector_store_idx %arg6[%add3A_291], %get3A_288 : memref<53248xf32, #tpu.memory_space<vmem>>[vector<16xi32>], vector<16xf32>,
          %mul3A_292 = arith.constant 16 : i32
          %mul3A_293 = arith.muli %scan3A_254, %mul3A_292 : i32
          %get3A_294 = arith.constant 3 : i32
          %get3A_295 = arith.index_cast %get3A_294 : i32 to index
          %get3A_296 = arith.index_cast %mul3A_293 : i32 to index
          %get3A_297 = tpu.vector_load %arg5[%get3A_295, %get3A_296] {strides = array<i32>} : memref<16x3328xf32, #tpu.memory_space<vmem>>, vector<16xf32>,
          %add3A_298 = arith.constant 3 : i32
          %add3A_299 = vector.broadcast %add3A_298 : i32 to vector<16xi32>
          %add3A_300 = arith.addi %add3A_264, %add3A_299 : vector<16xi32>
          tpu.vector_store_idx %arg6[%add3A_300], %get3A_297 : memref<53248xf32, #tpu.memory_space<vmem>>[vector<16xi32>], vector<16xf32>,
          %mul3A_301 = arith.constant 16 : i32
          %mul3A_302 = arith.muli %scan3A_254, %mul3A_301 : i32
          %get3A_303 = arith.constant 4 : i32
          %get3A_304 = arith.index_cast %get3A_303 : i32 to index
          %get3A_305 = arith.index_cast %mul3A_302 : i32 to index
          %get3A_306 = tpu.vector_load %arg5[%get3A_304, %get3A_305] {strides = array<i32>} : memref<16x3328xf32, #tpu.memory_space<vmem>>, vector<16xf32>,
          %add3A_307 = arith.constant 4 : i32
          %add3A_308 = vector.broadcast %add3A_307 : i32 to vector<16xi32>
          %add3A_309 = arith.addi %add3A_264, %add3A_308 : vector<16xi32>
          tpu.vector_store_idx %arg6[%add3A_309], %get3A_306 : memref<53248xf32, #tpu.memory_space<vmem>>[vector<16xi32>], vector<16xf32>,
          %mul3A_310 = arith.constant 16 : i32
          %mul3A_311 = arith.muli %scan3A_254, %mul3A_310 : i32
          %get3A_312 = arith.constant 5 : i32
          %get3A_313 = arith.index_cast %get3A_312 : i32 to index
          %get3A_314 = arith.index_cast %mul3A_311 : i32 to index
          %get3A_315 = tpu.vector_load %arg5[%get3A_313, %get3A_314] {strides = array<i32>} : memref<16x3328xf32, #tpu.memory_space<vmem>>, vector<16xf32>,
          %add3A_316 = arith.constant 5 : i32
          %add3A_317 = vector.broadcast %add3A_316 : i32 to vector<16xi32>
          %add3A_318 = arith.addi %add3A_264, %add3A_317 : vector<16xi32>
          tpu.vector_store_idx %arg6[%add3A_318], %get3A_315 : memref<53248xf32, #tpu.memory_space<vmem>>[vector<16xi32>], vector<16xf32>,
          %mul3A_319 = arith.constant 16 : i32
          %mul3A_320 = arith.muli %scan3A_254, %mul3A_319 : i32
          %get3A_321 = arith.constant 6 : i32
          %get3A_322 = arith.index_cast %get3A_321 : i32 to index
          %get3A_323 = arith.index_cast %mul3A_320 : i32 to index
          %get3A_324 = tpu.vector_load %arg5[%get3A_322, %get3A_323] {strides = array<i32>} : memref<16x3328xf32, #tpu.memory_space<vmem>>, vector<16xf32>,
          %add3A_325 = arith.constant 6 : i32
          %add3A_326 = vector.broadcast %add3A_325 : i32 to vector<16xi32>
          %add3A_327 = arith.addi %add3A_264, %add3A_326 : vector<16xi32>
          tpu.vector_store_idx %arg6[%add3A_327], %get3A_324 : memref<53248xf32, #tpu.memory_space<vmem>>[vector<16xi32>], vector<16xf32>,
          %mul3A_328 = arith.constant 16 : i32
          %mul3A_329 = arith.muli %scan3A_254, %mul3A_328 : i32
          %get3A_330 = arith.constant 7 : i32
          %get3A_331 = arith.index_cast %get3A_330 : i32 to index
          %get3A_332 = arith.index_cast %mul3A_329 : i32 to index
          %get3A_333 = tpu.vector_load %arg5[%get3A_331, %get3A_332] {strides = array<i32>} : memref<16x3328xf32, #tpu.memory_space<vmem>>, vector<16xf32>,
          %add3A_334 = arith.constant 7 : i32
          %add3A_335 = vector.broadcast %add3A_334 : i32 to vector<16xi32>
          %add3A_336 = arith.addi %add3A_264, %add3A_335 : vector<16xi32>
          tpu.vector_store_idx %arg6[%add3A_336], %get3A_333 : memref<53248xf32, #tpu.memory_space<vmem>>[vector<16xi32>], vector<16xf32>,
          %scan3A_337 = arith.constant 3 : i32
          %scan3A_338 = arith.addi %scan3A_87, %scan3A_337 : i32
          %mul3A_339 = arith.constant 256 : i32
          %mul3A_340 = arith.muli %scan3A_338, %mul3A_339 : i32
          %mul3A_341 = arith.constant 16 : i32
          %mul3A_342 = vector.broadcast %mul3A_341 : i32 to vector<16xi32>
          %mul3A_343 = arith.muli %iota3A, %mul3A_342 : vector<16xi32>
          %add3A_344 = vector.broadcast %mul3A_340 : i32 to vector<16xi32>
          %add3A_345 = arith.addi %add3A_344, %mul3A_343 : vector<16xi32>
          %add3A_346 = arith.constant 0 : i32
          %add3A_347 = vector.broadcast %add3A_346 : i32 to vector<16xi32>
          %add3A_348 = arith.addi %add3A_345, %add3A_347 : vector<16xi32>
          %mul3A_349 = arith.constant 16 : i32
          %mul3A_350 = arith.muli %scan3A_338, %mul3A_349 : i32
          %get3A_351 = arith.constant 0 : i32
          %get3A_352 = arith.index_cast %get3A_351 : i32 to index
          %get3A_353 = arith.index_cast %mul3A_350 : i32 to index
          %get3A_354 = tpu.vector_load %arg5[%get3A_352, %get3A_353] {strides = array<i32>} : memref<16x3328xf32, #tpu.memory_space<vmem>>, vector<16xf32>,
          %add3A_355 = arith.constant 0 : i32
          %add3A_356 = vector.broadcast %add3A_355 : i32 to vector<16xi32>
          %add3A_357 = arith.addi %add3A_348, %add3A_356 : vector<16xi32>
          tpu.vector_store_idx %arg6[%add3A_357], %get3A_354 : memref<53248xf32, #tpu.memory_space<vmem>>[vector<16xi32>], vector<16xf32>,
          %mul3A_358 = arith.constant 16 : i32
          %mul3A_359 = arith.muli %scan3A_338, %mul3A_358 : i32
          %get3A_360 = arith.constant 1 : i32
          %get3A_361 = arith.index_cast %get3A_360 : i32 to index
          %get3A_362 = arith.index_cast %mul3A_359 : i32 to index
          %get3A_363 = tpu.vector_load %arg5[%get3A_361, %get3A_362] {strides = array<i32>} : memref<16x3328xf32, #tpu.memory_space<vmem>>, vector<16xf32>,
          %add3A_364 = arith.constant 1 : i32
          %add3A_365 = vector.broadcast %add3A_364 : i32 to vector<16xi32>
          %add3A_366 = arith.addi %add3A_348, %add3A_365 : vector<16xi32>
          tpu.vector_store_idx %arg6[%add3A_366], %get3A_363 : memref<53248xf32, #tpu.memory_space<vmem>>[vector<16xi32>], vector<16xf32>,
          %mul3A_367 = arith.constant 16 : i32
          %mul3A_368 = arith.muli %scan3A_338, %mul3A_367 : i32
          %get3A_369 = arith.constant 2 : i32
          %get3A_370 = arith.index_cast %get3A_369 : i32 to index
          %get3A_371 = arith.index_cast %mul3A_368 : i32 to index
          %get3A_372 = tpu.vector_load %arg5[%get3A_370, %get3A_371] {strides = array<i32>} : memref<16x3328xf32, #tpu.memory_space<vmem>>, vector<16xf32>,
          %add3A_373 = arith.constant 2 : i32
          %add3A_374 = vector.broadcast %add3A_373 : i32 to vector<16xi32>
          %add3A_375 = arith.addi %add3A_348, %add3A_374 : vector<16xi32>
          tpu.vector_store_idx %arg6[%add3A_375], %get3A_372 : memref<53248xf32, #tpu.memory_space<vmem>>[vector<16xi32>], vector<16xf32>,
          %mul3A_376 = arith.constant 16 : i32
          %mul3A_377 = arith.muli %scan3A_338, %mul3A_376 : i32
          %get3A_378 = arith.constant 3 : i32
          %get3A_379 = arith.index_cast %get3A_378 : i32 to index
          %get3A_380 = arith.index_cast %mul3A_377 : i32 to index
          %get3A_381 = tpu.vector_load %arg5[%get3A_379, %get3A_380] {strides = array<i32>} : memref<16x3328xf32, #tpu.memory_space<vmem>>, vector<16xf32>,
          %add3A_382 = arith.constant 3 : i32
          %add3A_383 = vector.broadcast %add3A_382 : i32 to vector<16xi32>
          %add3A_384 = arith.addi %add3A_348, %add3A_383 : vector<16xi32>
          tpu.vector_store_idx %arg6[%add3A_384], %get3A_381 : memref<53248xf32, #tpu.memory_space<vmem>>[vector<16xi32>], vector<16xf32>,
          %mul3A_385 = arith.constant 16 : i32
          %mul3A_386 = arith.muli %scan3A_338, %mul3A_385 : i32
          %get3A_387 = arith.constant 4 : i32
          %get3A_388 = arith.index_cast %get3A_387 : i32 to index
          %get3A_389 = arith.index_cast %mul3A_386 : i32 to index
          %get3A_390 = tpu.vector_load %arg5[%get3A_388, %get3A_389] {strides = array<i32>} : memref<16x3328xf32, #tpu.memory_space<vmem>>, vector<16xf32>,
          %add3A_391 = arith.constant 4 : i32
          %add3A_392 = vector.broadcast %add3A_391 : i32 to vector<16xi32>
          %add3A_393 = arith.addi %add3A_348, %add3A_392 : vector<16xi32>
          tpu.vector_store_idx %arg6[%add3A_393], %get3A_390 : memref<53248xf32, #tpu.memory_space<vmem>>[vector<16xi32>], vector<16xf32>,
          %mul3A_394 = arith.constant 16 : i32
          %mul3A_395 = arith.muli %scan3A_338, %mul3A_394 : i32
          %get3A_396 = arith.constant 5 : i32
          %get3A_397 = arith.index_cast %get3A_396 : i32 to index
          %get3A_398 = arith.index_cast %mul3A_395 : i32 to index
          %get3A_399 = tpu.vector_load %arg5[%get3A_397, %get3A_398] {strides = array<i32>} : memref<16x3328xf32, #tpu.memory_space<vmem>>, vector<16xf32>,
          %add3A_400 = arith.constant 5 : i32
          %add3A_401 = vector.broadcast %add3A_400 : i32 to vector<16xi32>
          %add3A_402 = arith.addi %add3A_348, %add3A_401 : vector<16xi32>
          tpu.vector_store_idx %arg6[%add3A_402], %get3A_399 : memref<53248xf32, #tpu.memory_space<vmem>>[vector<16xi32>], vector<16xf32>,
          %mul3A_403 = arith.constant 16 : i32
          %mul3A_404 = arith.muli %scan3A_338, %mul3A_403 : i32
          %get3A_405 = arith.constant 6 : i32
          %get3A_406 = arith.index_cast %get3A_405 : i32 to index
          %get3A_407 = arith.index_cast %mul3A_404 : i32 to index
          %get3A_408 = tpu.vector_load %arg5[%get3A_406, %get3A_407] {strides = array<i32>} : memref<16x3328xf32, #tpu.memory_space<vmem>>, vector<16xf32>,
          %add3A_409 = arith.constant 6 : i32
          %add3A_410 = vector.broadcast %add3A_409 : i32 to vector<16xi32>
          %add3A_411 = arith.addi %add3A_348, %add3A_410 : vector<16xi32>
          tpu.vector_store_idx %arg6[%add3A_411], %get3A_408 : memref<53248xf32, #tpu.memory_space<vmem>>[vector<16xi32>], vector<16xf32>,
          %mul3A_412 = arith.constant 16 : i32
          %mul3A_413 = arith.muli %scan3A_338, %mul3A_412 : i32
          %get3A_414 = arith.constant 7 : i32
          %get3A_415 = arith.index_cast %get3A_414 : i32 to index
          %get3A_416 = arith.index_cast %mul3A_413 : i32 to index
          %get3A_417 = tpu.vector_load %arg5[%get3A_415, %get3A_416] {strides = array<i32>} : memref<16x3328xf32, #tpu.memory_space<vmem>>, vector<16xf32>,
          %add3A_418 = arith.constant 7 : i32
          %add3A_419 = vector.broadcast %add3A_418 : i32 to vector<16xi32>
          %add3A_420 = arith.addi %add3A_348, %add3A_419 : vector<16xi32>
          tpu.vector_store_idx %arg6[%add3A_420], %get3A_417 : memref<53248xf32, #tpu.memory_space<vmem>>[vector<16xi32>], vector<16xf32>,
        }
        %scan3A_64 = arith.constant 8 : i32
        %dma_wait3A_65 = arith.constant 8 : i32
        %dma_wait3A_66 = arith.constant 0 : i32
        %dma_wait3A_67 = tpu.memref_slice %arg5[%dma_wait3A_65, %dma_wait3A_66] : memref<16x3328xf32, #tpu.memory_space<vmem>> -> memref<8x128xf32, #tpu.memory_space<vmem>>
        %dma_wait3A_68 = arith.constant 99840 : i32
        %dma_wait3A_69 = tpu.memref_slice %arg2[%add3A_39, %dma_wait3A_68] : memref<416x100000xf32, #tpu.memory_space<hbm>> -> memref<8x128xf32, #tpu.memory_space<hbm>>
        %dma_wait3A_70 = arith.constant 8 : i32
        %dma_wait3A_71 = arith.constant 0 : i32
        %dma_wait3A_72 = tpu.memref_slice %arg5[%dma_wait3A_70, %dma_wait3A_71] : memref<16x3328xf32, #tpu.memory_space<vmem>> -> memref<8x128xf32, #tpu.memory_space<vmem>>
        %dma_wait3A_73 = arith.constant 99840 : i32
        %dma_wait3A_74 = tpu.memref_slice %arg2[%add3A_39, %dma_wait3A_73] : memref<416x100000xf32, #tpu.memory_space<hbm>> -> memref<8x128xf32, #tpu.memory_space<hbm>>
        tpu.wait_dma2 semaphore(%arg8 : memref<!tpu.dma_semaphore, #tpu.memory_space<semaphore_mem>>) src(%dma_wait3A_74 : memref<8x128xf32, #tpu.memory_space<hbm>>) dst(%dma_wait3A_72 : memref<8x128xf32, #tpu.memory_space<vmem>>)
        %scan3A_75 = arith.constant 0 : i32
        %scan3A_76 = arith.constant 0 : i32
        %scan3A_77 = arith.constant 8 : i32
        %scan3A_78 = arith.addi %scan3A_76, %scan3A_77 : i32
        %scan3A_79 = arith.constant 4 : i32
        scf.for %scan3A_87 = %scan3A_76 to %scan3A_78 step %scan3A_79  : i32 {
          %mul3A_88 = arith.constant 256 : i32
          %mul3A_89 = arith.muli %scan3A_87, %mul3A_88 : i32
          %mul3A_90 = arith.constant 16 : i32
          %mul3A_91 = vector.broadcast %mul3A_90 : i32 to vector<16xi32>
          %mul3A_92 = arith.muli %iota3A, %mul3A_91 : vector<16xi32>
          %add3A_93 = vector.broadcast %mul3A_89 : i32 to vector<16xi32>
          %add3A_94 = arith.addi %add3A_93, %mul3A_92 : vector<16xi32>
          %add3A_95 = arith.constant 8 : i32
          %add3A_96 = vector.broadcast %add3A_95 : i32 to vector<16xi32>
          %add3A_97 = arith.addi %add3A_94, %add3A_96 : vector<16xi32>
          %mul3A_98 = arith.constant 16 : i32
          %mul3A_99 = arith.muli %scan3A_87, %mul3A_98 : i32
          %get3A = arith.constant 8 : i32
          %get3A_100 = arith.index_cast %get3A : i32 to index
          %get3A_101 = arith.index_cast %mul3A_99 : i32 to index
          %get3A_102 = tpu.vector_load %arg5[%get3A_100, %get3A_101] {strides = array<i32>} : memref<16x3328xf32, #tpu.memory_space<vmem>>, vector<16xf32>,
          %add3A_103 = arith.constant 0 : i32
          %add3A_104 = vector.broadcast %add3A_103 : i32 to vector<16xi32>
          %add3A_105 = arith.addi %add3A_97, %add3A_104 : vector<16xi32>
          tpu.vector_store_idx %arg6[%add3A_105], %get3A_102 : memref<53248xf32, #tpu.memory_space<vmem>>[vector<16xi32>], vector<16xf32>,
          %mul3A_106 = arith.constant 16 : i32
          %mul3A_107 = arith.muli %scan3A_87, %mul3A_106 : i32
          %get3A_108 = arith.constant 9 : i32
          %get3A_109 = arith.index_cast %get3A_108 : i32 to index
          %get3A_110 = arith.index_cast %mul3A_107 : i32 to index
          %get3A_111 = tpu.vector_load %arg5[%get3A_109, %get3A_110] {strides = array<i32>} : memref<16x3328xf32, #tpu.memory_space<vmem>>, vector<16xf32>,
          %add3A_112 = arith.constant 1 : i32
          %add3A_113 = vector.broadcast %add3A_112 : i32 to vector<16xi32>
          %add3A_114 = arith.addi %add3A_97, %add3A_113 : vector<16xi32>
          tpu.vector_store_idx %arg6[%add3A_114], %get3A_111 : memref<53248xf32, #tpu.memory_space<vmem>>[vector<16xi32>], vector<16xf32>,
          %mul3A_115 = arith.constant 16 : i32
          %mul3A_116 = arith.muli %scan3A_87, %mul3A_115 : i32
          %get3A_117 = arith.constant 10 : i32
          %get3A_118 = arith.index_cast %get3A_117 : i32 to index
          %get3A_119 = arith.index_cast %mul3A_116 : i32 to index
          %get3A_120 = tpu.vector_load %arg5[%get3A_118, %get3A_119] {strides = array<i32>} : memref<16x3328xf32, #tpu.memory_space<vmem>>, vector<16xf32>,
          %add3A_121 = arith.constant 2 : i32
          %add3A_122 = vector.broadcast %add3A_121 : i32 to vector<16xi32>
          %add3A_123 = arith.addi %add3A_97, %add3A_122 : vector<16xi32>
          tpu.vector_store_idx %arg6[%add3A_123], %get3A_120 : memref<53248xf32, #tpu.memory_space<vmem>>[vector<16xi32>], vector<16xf32>,
          %mul3A_124 = arith.constant 16 : i32
          %mul3A_125 = arith.muli %scan3A_87, %mul3A_124 : i32
          %get3A_126 = arith.constant 11 : i32
          %get3A_127 = arith.index_cast %get3A_126 : i32 to index
          %get3A_128 = arith.index_cast %mul3A_125 : i32 to index
          %get3A_129 = tpu.vector_load %arg5[%get3A_127, %get3A_128] {strides = array<i32>} : memref<16x3328xf32, #tpu.memory_space<vmem>>, vector<16xf32>,
          %add3A_130 = arith.constant 3 : i32
          %add3A_131 = vector.broadcast %add3A_130 : i32 to vector<16xi32>
          %add3A_132 = arith.addi %add3A_97, %add3A_131 : vector<16xi32>
          tpu.vector_store_idx %arg6[%add3A_132], %get3A_129 : memref<53248xf32, #tpu.memory_space<vmem>>[vector<16xi32>], vector<16xf32>,
          %mul3A_133 = arith.constant 16 : i32
          %mul3A_134 = arith.muli %scan3A_87, %mul3A_133 : i32
          %get3A_135 = arith.constant 12 : i32
          %get3A_136 = arith.index_cast %get3A_135 : i32 to index
          %get3A_137 = arith.index_cast %mul3A_134 : i32 to index
          %get3A_138 = tpu.vector_load %arg5[%get3A_136, %get3A_137] {strides = array<i32>} : memref<16x3328xf32, #tpu.memory_space<vmem>>, vector<16xf32>,
          %add3A_139 = arith.constant 4 : i32
          %add3A_140 = vector.broadcast %add3A_139 : i32 to vector<16xi32>
          %add3A_141 = arith.addi %add3A_97, %add3A_140 : vector<16xi32>
          tpu.vector_store_idx %arg6[%add3A_141], %get3A_138 : memref<53248xf32, #tpu.memory_space<vmem>>[vector<16xi32>], vector<16xf32>,
          %mul3A_142 = arith.constant 16 : i32
          %mul3A_143 = arith.muli %scan3A_87, %mul3A_142 : i32
          %get3A_144 = arith.constant 13 : i32
          %get3A_145 = arith.index_cast %get3A_144 : i32 to index
          %get3A_146 = arith.index_cast %mul3A_143 : i32 to index
          %get3A_147 = tpu.vector_load %arg5[%get3A_145, %get3A_146] {strides = array<i32>} : memref<16x3328xf32, #tpu.memory_space<vmem>>, vector<16xf32>,
          %add3A_148 = arith.constant 5 : i32
          %add3A_149 = vector.broadcast %add3A_148 : i32 to vector<16xi32>
          %add3A_150 = arith.addi %add3A_97, %add3A_149 : vector<16xi32>
          tpu.vector_store_idx %arg6[%add3A_150], %get3A_147 : memref<53248xf32, #tpu.memory_space<vmem>>[vector<16xi32>], vector<16xf32>,
          %mul3A_151 = arith.constant 16 : i32
          %mul3A_152 = arith.muli %scan3A_87, %mul3A_151 : i32
          %get3A_153 = arith.constant 14 : i32
          %get3A_154 = arith.index_cast %get3A_153 : i32 to index
          %get3A_155 = arith.index_cast %mul3A_152 : i32 to index
          %get3A_156 = tpu.vector_load %arg5[%get3A_154, %get3A_155] {strides = array<i32>} : memref<16x3328xf32, #tpu.memory_space<vmem>>, vector<16xf32>,
          %add3A_157 = arith.constant 6 : i32
          %add3A_158 = vector.broadcast %add3A_157 : i32 to vector<16xi32>
          %add3A_159 = arith.addi %add3A_97, %add3A_158 : vector<16xi32>
          tpu.vector_store_idx %arg6[%add3A_159], %get3A_156 : memref<53248xf32, #tpu.memory_space<vmem>>[vector<16xi32>], vector<16xf32>,
          %mul3A_160 = arith.constant 16 : i32
          %mul3A_161 = arith.muli %scan3A_87, %mul3A_160 : i32
          %get3A_162 = arith.constant 15 : i32
          %get3A_163 = arith.index_cast %get3A_162 : i32 to index
          %get3A_164 = arith.index_cast %mul3A_161 : i32 to index
          %get3A_165 = tpu.vector_load %arg5[%get3A_163, %get3A_164] {strides = array<i32>} : memref<16x3328xf32, #tpu.memory_space<vmem>>, vector<16xf32>,
          %add3A_166 = arith.constant 7 : i32
          %add3A_167 = vector.broadcast %add3A_166 : i32 to vector<16xi32>
          %add3A_168 = arith.addi %add3A_97, %add3A_167 : vector<16xi32>
          tpu.vector_store_idx %arg6[%add3A_168], %get3A_165 : memref<53248xf32, #tpu.memory_space<vmem>>[vector<16xi32>], vector<16xf32>,
          %scan3A_169 = arith.constant 1 : i32
          %scan3A_170 = arith.addi %scan3A_87, %scan3A_169 : i32
          %mul3A_171 = arith.constant 256 : i32
          %mul3A_172 = arith.muli %scan3A_170, %mul3A_171 : i32
          %mul3A_173 = arith.constant 16 : i32
          %mul3A_174 = vector.broadcast %mul3A_173 : i32 to vector<16xi32>
          %mul3A_175 = arith.muli %iota3A, %mul3A_174 : vector<16xi32>
          %add3A_176 = vector.broadcast %mul3A_172 : i32 to vector<16xi32>
          %add3A_177 = arith.addi %add3A_176, %mul3A_175 : vector<16xi32>
          %add3A_178 = arith.constant 8 : i32
          %add3A_179 = vector.broadcast %add3A_178 : i32 to vector<16xi32>
          %add3A_180 = arith.addi %add3A_177, %add3A_179 : vector<16xi32>
          %mul3A_181 = arith.constant 16 : i32
          %mul3A_182 = arith.muli %scan3A_170, %mul3A_181 : i32
          %get3A_183 = arith.constant 8 : i32
          %get3A_184 = arith.index_cast %get3A_183 : i32 to index
          %get3A_185 = arith.index_cast %mul3A_182 : i32 to index
          %get3A_186 = tpu.vector_load %arg5[%get3A_184, %get3A_185] {strides = array<i32>} : memref<16x3328xf32, #tpu.memory_space<vmem>>, vector<16xf32>,
          %add3A_187 = arith.constant 0 : i32
          %add3A_188 = vector.broadcast %add3A_187 : i32 to vector<16xi32>
          %add3A_189 = arith.addi %add3A_180, %add3A_188 : vector<16xi32>
          tpu.vector_store_idx %arg6[%add3A_189], %get3A_186 : memref<53248xf32, #tpu.memory_space<vmem>>[vector<16xi32>], vector<16xf32>,
          %mul3A_190 = arith.constant 16 : i32
          %mul3A_191 = arith.muli %scan3A_170, %mul3A_190 : i32
          %get3A_192 = arith.constant 9 : i32
          %get3A_193 = arith.index_cast %get3A_192 : i32 to index
          %get3A_194 = arith.index_cast %mul3A_191 : i32 to index
          %get3A_195 = tpu.vector_load %arg5[%get3A_193, %get3A_194] {strides = array<i32>} : memref<16x3328xf32, #tpu.memory_space<vmem>>, vector<16xf32>,
          %add3A_196 = arith.constant 1 : i32
          %add3A_197 = vector.broadcast %add3A_196 : i32 to vector<16xi32>
          %add3A_198 = arith.addi %add3A_180, %add3A_197 : vector<16xi32>
          tpu.vector_store_idx %arg6[%add3A_198], %get3A_195 : memref<53248xf32, #tpu.memory_space<vmem>>[vector<16xi32>], vector<16xf32>,
          %mul3A_199 = arith.constant 16 : i32
          %mul3A_200 = arith.muli %scan3A_170, %mul3A_199 : i32
          %get3A_201 = arith.constant 10 : i32
          %get3A_202 = arith.index_cast %get3A_201 : i32 to index
          %get3A_203 = arith.index_cast %mul3A_200 : i32 to index
          %get3A_204 = tpu.vector_load %arg5[%get3A_202, %get3A_203] {strides = array<i32>} : memref<16x3328xf32, #tpu.memory_space<vmem>>, vector<16xf32>,
          %add3A_205 = arith.constant 2 : i32
          %add3A_206 = vector.broadcast %add3A_205 : i32 to vector<16xi32>
          %add3A_207 = arith.addi %add3A_180, %add3A_206 : vector<16xi32>
          tpu.vector_store_idx %arg6[%add3A_207], %get3A_204 : memref<53248xf32, #tpu.memory_space<vmem>>[vector<16xi32>], vector<16xf32>,
          %mul3A_208 = arith.constant 16 : i32
          %mul3A_209 = arith.muli %scan3A_170, %mul3A_208 : i32
          %get3A_210 = arith.constant 11 : i32
          %get3A_211 = arith.index_cast %get3A_210 : i32 to index
          %get3A_212 = arith.index_cast %mul3A_209 : i32 to index
          %get3A_213 = tpu.vector_load %arg5[%get3A_211, %get3A_212] {strides = array<i32>} : memref<16x3328xf32, #tpu.memory_space<vmem>>, vector<16xf32>,
          %add3A_214 = arith.constant 3 : i32
          %add3A_215 = vector.broadcast %add3A_214 : i32 to vector<16xi32>
          %add3A_216 = arith.addi %add3A_180, %add3A_215 : vector<16xi32>
          tpu.vector_store_idx %arg6[%add3A_216], %get3A_213 : memref<53248xf32, #tpu.memory_space<vmem>>[vector<16xi32>], vector<16xf32>,
          %mul3A_217 = arith.constant 16 : i32
          %mul3A_218 = arith.muli %scan3A_170, %mul3A_217 : i32
          %get3A_219 = arith.constant 12 : i32
          %get3A_220 = arith.index_cast %get3A_219 : i32 to index
          %get3A_221 = arith.index_cast %mul3A_218 : i32 to index
          %get3A_222 = tpu.vector_load %arg5[%get3A_220, %get3A_221] {strides = array<i32>} : memref<16x3328xf32, #tpu.memory_space<vmem>>, vector<16xf32>,
          %add3A_223 = arith.constant 4 : i32
          %add3A_224 = vector.broadcast %add3A_223 : i32 to vector<16xi32>
          %add3A_225 = arith.addi %add3A_180, %add3A_224 : vector<16xi32>
          tpu.vector_store_idx %arg6[%add3A_225], %get3A_222 : memref<53248xf32, #tpu.memory_space<vmem>>[vector<16xi32>], vector<16xf32>,
          %mul3A_226 = arith.constant 16 : i32
          %mul3A_227 = arith.muli %scan3A_170, %mul3A_226 : i32
          %get3A_228 = arith.constant 13 : i32
          %get3A_229 = arith.index_cast %get3A_228 : i32 to index
          %get3A_230 = arith.index_cast %mul3A_227 : i32 to index
          %get3A_231 = tpu.vector_load %arg5[%get3A_229, %get3A_230] {strides = array<i32>} : memref<16x3328xf32, #tpu.memory_space<vmem>>, vector<16xf32>,
          %add3A_232 = arith.constant 5 : i32
          %add3A_233 = vector.broadcast %add3A_232 : i32 to vector<16xi32>
          %add3A_234 = arith.addi %add3A_180, %add3A_233 : vector<16xi32>
          tpu.vector_store_idx %arg6[%add3A_234], %get3A_231 : memref<53248xf32, #tpu.memory_space<vmem>>[vector<16xi32>], vector<16xf32>,
          %mul3A_235 = arith.constant 16 : i32
          %mul3A_236 = arith.muli %scan3A_170, %mul3A_235 : i32
          %get3A_237 = arith.constant 14 : i32
          %get3A_238 = arith.index_cast %get3A_237 : i32 to index
          %get3A_239 = arith.index_cast %mul3A_236 : i32 to index
          %get3A_240 = tpu.vector_load %arg5[%get3A_238, %get3A_239] {strides = array<i32>} : memref<16x3328xf32, #tpu.memory_space<vmem>>, vector<16xf32>,
          %add3A_241 = arith.constant 6 : i32
          %add3A_242 = vector.broadcast %add3A_241 : i32 to vector<16xi32>
          %add3A_243 = arith.addi %add3A_180, %add3A_242 : vector<16xi32>
          tpu.vector_store_idx %arg6[%add3A_243], %get3A_240 : memref<53248xf32, #tpu.memory_space<vmem>>[vector<16xi32>], vector<16xf32>,
          %mul3A_244 = arith.constant 16 : i32
          %mul3A_245 = arith.muli %scan3A_170, %mul3A_244 : i32
          %get3A_246 = arith.constant 15 : i32
          %get3A_247 = arith.index_cast %get3A_246 : i32 to index
          %get3A_248 = arith.index_cast %mul3A_245 : i32 to index
          %get3A_249 = tpu.vector_load %arg5[%get3A_247, %get3A_248] {strides = array<i32>} : memref<16x3328xf32, #tpu.memory_space<vmem>>, vector<16xf32>,
          %add3A_250 = arith.constant 7 : i32
          %add3A_251 = vector.broadcast %add3A_250 : i32 to vector<16xi32>
          %add3A_252 = arith.addi %add3A_180, %add3A_251 : vector<16xi32>
          tpu.vector_store_idx %arg6[%add3A_252], %get3A_249 : memref<53248xf32, #tpu.memory_space<vmem>>[vector<16xi32>], vector<16xf32>,
          %scan3A_253 = arith.constant 2 : i32
          %scan3A_254 = arith.addi %scan3A_87, %scan3A_253 : i32
          %mul3A_255 = arith.constant 256 : i32
          %mul3A_256 = arith.muli %scan3A_254, %mul3A_255 : i32
          %mul3A_257 = arith.constant 16 : i32
          %mul3A_258 = vector.broadcast %mul3A_257 : i32 to vector<16xi32>
          %mul3A_259 = arith.muli %iota3A, %mul3A_258 : vector<16xi32>
          %add3A_260 = vector.broadcast %mul3A_256 : i32 to vector<16xi32>
          %add3A_261 = arith.addi %add3A_260, %mul3A_259 : vector<16xi32>
          %add3A_262 = arith.constant 8 : i32
          %add3A_263 = vector.broadcast %add3A_262 : i32 to vector<16xi32>
          %add3A_264 = arith.addi %add3A_261, %add3A_263 : vector<16xi32>
          %mul3A_265 = arith.constant 16 : i32
          %mul3A_266 = arith.muli %scan3A_254, %mul3A_265 : i32
          %get3A_267 = arith.constant 8 : i32
          %get3A_268 = arith.index_cast %get3A_267 : i32 to index
          %get3A_269 = arith.index_cast %mul3A_266 : i32 to index
          %get3A_270 = tpu.vector_load %arg5[%get3A_268, %get3A_269] {strides = array<i32>} : memref<16x3328xf32, #tpu.memory_space<vmem>>, vector<16xf32>,
          %add3A_271 = arith.constant 0 : i32
          %add3A_272 = vector.broadcast %add3A_271 : i32 to vector<16xi32>
          %add3A_273 = arith.addi %add3A_264, %add3A_272 : vector<16xi32>
          tpu.vector_store_idx %arg6[%add3A_273], %get3A_270 : memref<53248xf32, #tpu.memory_space<vmem>>[vector<16xi32>], vector<16xf32>,
          %mul3A_274 = arith.constant 16 : i32
          %mul3A_275 = arith.muli %scan3A_254, %mul3A_274 : i32
          %get3A_276 = arith.constant 9 : i32
          %get3A_277 = arith.index_cast %get3A_276 : i32 to index
          %get3A_278 = arith.index_cast %mul3A_275 : i32 to index
          %get3A_279 = tpu.vector_load %arg5[%get3A_277, %get3A_278] {strides = array<i32>} : memref<16x3328xf32, #tpu.memory_space<vmem>>, vector<16xf32>,
          %add3A_280 = arith.constant 1 : i32
          %add3A_281 = vector.broadcast %add3A_280 : i32 to vector<16xi32>
          %add3A_282 = arith.addi %add3A_264, %add3A_281 : vector<16xi32>
          tpu.vector_store_idx %arg6[%add3A_282], %get3A_279 : memref<53248xf32, #tpu.memory_space<vmem>>[vector<16xi32>], vector<16xf32>,
          %mul3A_283 = arith.constant 16 : i32
          %mul3A_284 = arith.muli %scan3A_254, %mul3A_283 : i32
          %get3A_285 = arith.constant 10 : i32
          %get3A_286 = arith.index_cast %get3A_285 : i32 to index
          %get3A_287 = arith.index_cast %mul3A_284 : i32 to index
          %get3A_288 = tpu.vector_load %arg5[%get3A_286, %get3A_287] {strides = array<i32>} : memref<16x3328xf32, #tpu.memory_space<vmem>>, vector<16xf32>,
          %add3A_289 = arith.constant 2 : i32
          %add3A_290 = vector.broadcast %add3A_289 : i32 to vector<16xi32>
          %add3A_291 = arith.addi %add3A_264, %add3A_290 : vector<16xi32>
          tpu.vector_store_idx %arg6[%add3A_291], %get3A_288 : memref<53248xf32, #tpu.memory_space<vmem>>[vector<16xi32>], vector<16xf32>,
          %mul3A_292 = arith.constant 16 : i32
          %mul3A_293 = arith.muli %scan3A_254, %mul3A_292 : i32
          %get3A_294 = arith.constant 11 : i32
          %get3A_295 = arith.index_cast %get3A_294 : i32 to index
          %get3A_296 = arith.index_cast %mul3A_293 : i32 to index
          %get3A_297 = tpu.vector_load %arg5[%get3A_295, %get3A_296] {strides = array<i32>} : memref<16x3328xf32, #tpu.memory_space<vmem>>, vector<16xf32>,
          %add3A_298 = arith.constant 3 : i32
          %add3A_299 = vector.broadcast %add3A_298 : i32 to vector<16xi32>
          %add3A_300 = arith.addi %add3A_264, %add3A_299 : vector<16xi32>
          tpu.vector_store_idx %arg6[%add3A_300], %get3A_297 : memref<53248xf32, #tpu.memory_space<vmem>>[vector<16xi32>], vector<16xf32>,
          %mul3A_301 = arith.constant 16 : i32
          %mul3A_302 = arith.muli %scan3A_254, %mul3A_301 : i32
          %get3A_303 = arith.constant 12 : i32
          %get3A_304 = arith.index_cast %get3A_303 : i32 to index
          %get3A_305 = arith.index_cast %mul3A_302 : i32 to index
          %get3A_306 = tpu.vector_load %arg5[%get3A_304, %get3A_305] {strides = array<i32>} : memref<16x3328xf32, #tpu.memory_space<vmem>>, vector<16xf32>,
          %add3A_307 = arith.constant 4 : i32
          %add3A_308 = vector.broadcast %add3A_307 : i32 to vector<16xi32>
          %add3A_309 = arith.addi %add3A_264, %add3A_308 : vector<16xi32>
          tpu.vector_store_idx %arg6[%add3A_309], %get3A_306 : memref<53248xf32, #tpu.memory_space<vmem>>[vector<16xi32>], vector<16xf32>,
          %mul3A_310 = arith.constant 16 : i32
          %mul3A_311 = arith.muli %scan3A_254, %mul3A_310 : i32
          %get3A_312 = arith.constant 13 : i32
          %get3A_313 = arith.index_cast %get3A_312 : i32 to index
          %get3A_314 = arith.index_cast %mul3A_311 : i32 to index
          %get3A_315 = tpu.vector_load %arg5[%get3A_313, %get3A_314] {strides = array<i32>} : memref<16x3328xf32, #tpu.memory_space<vmem>>, vector<16xf32>,
          %add3A_316 = arith.constant 5 : i32
          %add3A_317 = vector.broadcast %add3A_316 : i32 to vector<16xi32>
          %add3A_318 = arith.addi %add3A_264, %add3A_317 : vector<16xi32>
          tpu.vector_store_idx %arg6[%add3A_318], %get3A_315 : memref<53248xf32, #tpu.memory_space<vmem>>[vector<16xi32>], vector<16xf32>,
          %mul3A_319 = arith.constant 16 : i32
          %mul3A_320 = arith.muli %scan3A_254, %mul3A_319 : i32
          %get3A_321 = arith.constant 14 : i32
          %get3A_322 = arith.index_cast %get3A_321 : i32 to index
          %get3A_323 = arith.index_cast %mul3A_320 : i32 to index
          %get3A_324 = tpu.vector_load %arg5[%get3A_322, %get3A_323] {strides = array<i32>} : memref<16x3328xf32, #tpu.memory_space<vmem>>, vector<16xf32>,
          %add3A_325 = arith.constant 6 : i32
          %add3A_326 = vector.broadcast %add3A_325 : i32 to vector<16xi32>
          %add3A_327 = arith.addi %add3A_264, %add3A_326 : vector<16xi32>
          tpu.vector_store_idx %arg6[%add3A_327], %get3A_324 : memref<53248xf32, #tpu.memory_space<vmem>>[vector<16xi32>], vector<16xf32>,
          %mul3A_328 = arith.constant 16 : i32
          %mul3A_329 = arith.muli %scan3A_254, %mul3A_328 : i32
          %get3A_330 = arith.constant 15 : i32
          %get3A_331 = arith.index_cast %get3A_330 : i32 to index
          %get3A_332 = arith.index_cast %mul3A_329 : i32 to index
          %get3A_333 = tpu.vector_load %arg5[%get3A_331, %get3A_332] {strides = array<i32>} : memref<16x3328xf32, #tpu.memory_space<vmem>>, vector<16xf32>,
          %add3A_334 = arith.constant 7 : i32
          %add3A_335 = vector.broadcast %add3A_334 : i32 to vector<16xi32>
          %add3A_336 = arith.addi %add3A_264, %add3A_335 : vector<16xi32>
          tpu.vector_store_idx %arg6[%add3A_336], %get3A_333 : memref<53248xf32, #tpu.memory_space<vmem>>[vector<16xi32>], vector<16xf32>,
          %scan3A_337 = arith.constant 3 : i32
          %scan3A_338 = arith.addi %scan3A_87, %scan3A_337 : i32
          %mul3A_339 = arith.constant 256 : i32
          %mul3A_340 = arith.muli %scan3A_338, %mul3A_339 : i32
          %mul3A_341 = arith.constant 16 : i32
          %mul3A_342 = vector.broadcast %mul3A_341 : i32 to vector<16xi32>
          %mul3A_343 = arith.muli %iota3A, %mul3A_342 : vector<16xi32>
          %add3A_344 = vector.broadcast %mul3A_340 : i32 to vector<16xi32>
          %add3A_345 = arith.addi %add3A_344, %mul3A_343 : vector<16xi32>
          %add3A_346 = arith.constant 8 : i32
          %add3A_347 = vector.broadcast %add3A_346 : i32 to vector<16xi32>
          %add3A_348 = arith.addi %add3A_345, %add3A_347 : vector<16xi32>
          %mul3A_349 = arith.constant 16 : i32
          %mul3A_350 = arith.muli %scan3A_338, %mul3A_349 : i32
          %get3A_351 = arith.constant 8 : i32
          %get3A_352 = arith.index_cast %get3A_351 : i32 to index
          %get3A_353 = arith.index_cast %mul3A_350 : i32 to index
          %get3A_354 = tpu.vector_load %arg5[%get3A_352, %get3A_353] {strides = array<i32>} : memref<16x3328xf32, #tpu.memory_space<vmem>>, vector<16xf32>,
          %add3A_355 = arith.constant 0 : i32
          %add3A_356 = vector.broadcast %add3A_355 : i32 to vector<16xi32>
          %add3A_357 = arith.addi %add3A_348, %add3A_356 : vector<16xi32>
          tpu.vector_store_idx %arg6[%add3A_357], %get3A_354 : memref<53248xf32, #tpu.memory_space<vmem>>[vector<16xi32>], vector<16xf32>,
          %mul3A_358 = arith.constant 16 : i32
          %mul3A_359 = arith.muli %scan3A_338, %mul3A_358 : i32
          %get3A_360 = arith.constant 9 : i32
          %get3A_361 = arith.index_cast %get3A_360 : i32 to index
          %get3A_362 = arith.index_cast %mul3A_359 : i32 to index
          %get3A_363 = tpu.vector_load %arg5[%get3A_361, %get3A_362] {strides = array<i32>} : memref<16x3328xf32, #tpu.memory_space<vmem>>, vector<16xf32>,
          %add3A_364 = arith.constant 1 : i32
          %add3A_365 = vector.broadcast %add3A_364 : i32 to vector<16xi32>
          %add3A_366 = arith.addi %add3A_348, %add3A_365 : vector<16xi32>
          tpu.vector_store_idx %arg6[%add3A_366], %get3A_363 : memref<53248xf32, #tpu.memory_space<vmem>>[vector<16xi32>], vector<16xf32>,
          %mul3A_367 = arith.constant 16 : i32
          %mul3A_368 = arith.muli %scan3A_338, %mul3A_367 : i32
          %get3A_369 = arith.constant 10 : i32
          %get3A_370 = arith.index_cast %get3A_369 : i32 to index
          %get3A_371 = arith.index_cast %mul3A_368 : i32 to index
          %get3A_372 = tpu.vector_load %arg5[%get3A_370, %get3A_371] {strides = array<i32>} : memref<16x3328xf32, #tpu.memory_space<vmem>>, vector<16xf32>,
          %add3A_373 = arith.constant 2 : i32
          %add3A_374 = vector.broadcast %add3A_373 : i32 to vector<16xi32>
          %add3A_375 = arith.addi %add3A_348, %add3A_374 : vector<16xi32>
          tpu.vector_store_idx %arg6[%add3A_375], %get3A_372 : memref<53248xf32, #tpu.memory_space<vmem>>[vector<16xi32>], vector<16xf32>,
          %mul3A_376 = arith.constant 16 : i32
          %mul3A_377 = arith.muli %scan3A_338, %mul3A_376 : i32
          %get3A_378 = arith.constant 11 : i32
          %get3A_379 = arith.index_cast %get3A_378 : i32 to index
          %get3A_380 = arith.index_cast %mul3A_377 : i32 to index
          %get3A_381 = tpu.vector_load %arg5[%get3A_379, %get3A_380] {strides = array<i32>} : memref<16x3328xf32, #tpu.memory_space<vmem>>, vector<16xf32>,
          %add3A_382 = arith.constant 3 : i32
          %add3A_383 = vector.broadcast %add3A_382 : i32 to vector<16xi32>
          %add3A_384 = arith.addi %add3A_348, %add3A_383 : vector<16xi32>
          tpu.vector_store_idx %arg6[%add3A_384], %get3A_381 : memref<53248xf32, #tpu.memory_space<vmem>>[vector<16xi32>], vector<16xf32>,
          %mul3A_385 = arith.constant 16 : i32
          %mul3A_386 = arith.muli %scan3A_338, %mul3A_385 : i32
          %get3A_387 = arith.constant 12 : i32
          %get3A_388 = arith.index_cast %get3A_387 : i32 to index
          %get3A_389 = arith.index_cast %mul3A_386 : i32 to index
          %get3A_390 = tpu.vector_load %arg5[%get3A_388, %get3A_389] {strides = array<i32>} : memref<16x3328xf32, #tpu.memory_space<vmem>>, vector<16xf32>,
          %add3A_391 = arith.constant 4 : i32
          %add3A_392 = vector.broadcast %add3A_391 : i32 to vector<16xi32>
          %add3A_393 = arith.addi %add3A_348, %add3A_392 : vector<16xi32>
          tpu.vector_store_idx %arg6[%add3A_393], %get3A_390 : memref<53248xf32, #tpu.memory_space<vmem>>[vector<16xi32>], vector<16xf32>,
          %mul3A_394 = arith.constant 16 : i32
          %mul3A_395 = arith.muli %scan3A_338, %mul3A_394 : i32
          %get3A_396 = arith.constant 13 : i32
          %get3A_397 = arith.index_cast %get3A_396 : i32 to index
          %get3A_398 = arith.index_cast %mul3A_395 : i32 to index
          %get3A_399 = tpu.vector_load %arg5[%get3A_397, %get3A_398] {strides = array<i32>} : memref<16x3328xf32, #tpu.memory_space<vmem>>, vector<16xf32>,
          %add3A_400 = arith.constant 5 : i32
          %add3A_401 = vector.broadcast %add3A_400 : i32 to vector<16xi32>
          %add3A_402 = arith.addi %add3A_348, %add3A_401 : vector<16xi32>
          tpu.vector_store_idx %arg6[%add3A_402], %get3A_399 : memref<53248xf32, #tpu.memory_space<vmem>>[vector<16xi32>], vector<16xf32>,
          %mul3A_403 = arith.constant 16 : i32
          %mul3A_404 = arith.muli %scan3A_338, %mul3A_403 : i32
          %get3A_405 = arith.constant 14 : i32
          %get3A_406 = arith.index_cast %get3A_405 : i32 to index
          %get3A_407 = arith.index_cast %mul3A_404 : i32 to index
          %get3A_408 = tpu.vector_load %arg5[%get3A_406, %get3A_407] {strides = array<i32>} : memref<16x3328xf32, #tpu.memory_space<vmem>>, vector<16xf32>,
          %add3A_409 = arith.constant 6 : i32
          %add3A_410 = vector.broadcast %add3A_409 : i32 to vector<16xi32>
          %add3A_411 = arith.addi %add3A_348, %add3A_410 : vector<16xi32>
          tpu.vector_store_idx %arg6[%add3A_411], %get3A_408 : memref<53248xf32, #tpu.memory_space<vmem>>[vector<16xi32>], vector<16xf32>,
          %mul3A_412 = arith.constant 16 : i32
          %mul3A_413 = arith.muli %scan3A_338, %mul3A_412 : i32
          %get3A_414 = arith.constant 15 : i32
          %get3A_415 = arith.index_cast %get3A_414 : i32 to index
          %get3A_416 = arith.index_cast %mul3A_413 : i32 to index
          %get3A_417 = tpu.vector_load %arg5[%get3A_415, %get3A_416] {strides = array<i32>} : memref<16x3328xf32, #tpu.memory_space<vmem>>, vector<16xf32>,
          %add3A_418 = arith.constant 7 : i32
          %add3A_419 = vector.broadcast %add3A_418 : i32 to vector<16xi32>
          %add3A_420 = arith.addi %add3A_348, %add3A_419 : vector<16xi32>
          tpu.vector_store_idx %arg6[%add3A_420], %get3A_417 : memref<53248xf32, #tpu.memory_space<vmem>>[vector<16xi32>], vector<16xf32>,
        }
        %scan3A_80 = arith.constant 8 : i32
        %mul3A_81 = arith.constant 100000 : i32
        %mul3A_82 = arith.muli %scan3A_8, %mul3A_81 : i32
        %add3A_83 = arith.constant 99840 : i32
        %add3A_84 = arith.addi %mul3A_82, %add3A_83 : i32
        %mul3A_85 = arith.constant 16 : i32
        %mul3A_86 = arith.muli %add3A_84, %mul3A_85 : i32
        "tpu.region"() ({
          %run_scoped3A = tpu.sem_alloc : memref<!tpu.dma_semaphore, #tpu.memory_space<semaphore_mem>>
          %dma_start3A_87 = arith.constant 0 : i32
          %dma_start3A_88 = tpu.memref_slice %arg6[%dma_start3A_87] : memref<53248xf32, #tpu.memory_space<vmem>> -> memref<2048xf32, #tpu.memory_space<vmem>>
          %dma_start3A_89 = tpu.memref_slice %arg4[%mul3A_86] : memref<41600000xf32, #tpu.memory_space<hbm>> -> memref<2048xf32, #tpu.memory_space<hbm>>
          %dma_start3A_90 = tpu.memref_slice %arg4[%mul3A_86] : memref<41600000xf32, #tpu.memory_space<hbm>> -> memref<2048xf32, #tpu.memory_space<hbm>>
          %dma_start3A_91 = arith.constant 0 : i32
          %dma_start3A_92 = tpu.memref_slice %arg6[%dma_start3A_91] : memref<53248xf32, #tpu.memory_space<vmem>> -> memref<2048xf32, #tpu.memory_space<vmem>>
          tpu.enqueue_dma source(%dma_start3A_92 : memref<2048xf32, #tpu.memory_space<vmem>>) target(%dma_start3A_90 : memref<2048xf32, #tpu.memory_space<hbm>>) target_semaphore(%run_scoped3A : memref<!tpu.dma_semaphore, #tpu.memory_space<semaphore_mem>>)
          %dma_wait3A_93 = arith.constant 0 : i32
          %dma_wait3A_94 = tpu.memref_slice %arg6[%dma_wait3A_93] : memref<53248xf32, #tpu.memory_space<vmem>> -> memref<2048xf32, #tpu.memory_space<vmem>>
          %dma_wait3A_95 = tpu.memref_slice %arg4[%mul3A_86] : memref<41600000xf32, #tpu.memory_space<hbm>> -> memref<2048xf32, #tpu.memory_space<hbm>>
          %dma_wait3A_96 = tpu.memref_slice %arg4[%mul3A_86] : memref<41600000xf32, #tpu.memory_space<hbm>> -> memref<2048xf32, #tpu.memory_space<hbm>>
          %dma_wait3A_97 = arith.constant 0 : i32
          %dma_wait3A_98 = tpu.memref_slice %arg6[%dma_wait3A_97] : memref<53248xf32, #tpu.memory_space<vmem>> -> memref<2048xf32, #tpu.memory_space<vmem>>
          tpu.wait_dma2 semaphore(%run_scoped3A : memref<!tpu.dma_semaphore, #tpu.memory_space<semaphore_mem>>) src(%dma_wait3A_98 : memref<2048xf32, #tpu.memory_space<vmem>>) dst(%dma_wait3A_96 : memref<2048xf32, #tpu.memory_space<hbm>>)
          tpu.yield
        }) : () -> ()
      } else {
      }
    }
    %scan3A_5 = arith.constant 26 : i32
    %eq3A = arith.constant 31 : i32
    %eq3A_6 = arith.cmpi eq, %add3A, %eq3A : i32
    %convert_element_type3A = arith.extui %eq3A_6 : i1 to i32
    %cond3A = arith.constant 0 : i32
    %cond3A_7 = arith.cmpi ne, %convert_element_type3A, %cond3A : i32
    scf.if %cond3A_7 {
      "tpu.region"() ({
        %run_scoped3A = tpu.sem_alloc : memref<!tpu.dma_semaphore, #tpu.memory_space<semaphore_mem>>
        tpu.enqueue_dma source(%arg3 : memref<104x128xf32, #tpu.memory_space<hbm>>) target(%arg7 : memref<104x128xf32, #tpu.memory_space<vmem>>) target_semaphore(%run_scoped3A : memref<!tpu.dma_semaphore, #tpu.memory_space<semaphore_mem>>)
        tpu.wait_dma2 semaphore(%run_scoped3A : memref<!tpu.dma_semaphore, #tpu.memory_space<semaphore_mem>>) src(%arg3 : memref<104x128xf32, #tpu.memory_space<hbm>>) dst(%arg7 : memref<104x128xf32, #tpu.memory_space<vmem>>)
        tpu.yield
      }) : () -> ()
      %scan3A_8 = arith.constant 0 : i32
      %scan3A_9 = arith.constant 0 : i32
      %scan3A_10 = arith.constant 26 : i32
      %scan3A_11 = arith.addi %scan3A_9, %scan3A_10 : i32
      %scan3A_12 = arith.constant 1 : i32
      scf.for %scan3A_14 = %scan3A_9 to %scan3A_11 step %scan3A_12  : i32 {
        %add3A_15 = arith.constant 0 : i32
        %add3A_16 = vector.broadcast %add3A_15 : i32 to vector<16xi32>
        %add3A_17 = arith.addi %add3A_16, %iota3A : vector<16xi32>
        %mul3A_18 = arith.constant 16 : i32
        %mul3A_19 = arith.muli %scan3A_14, %mul3A_18 : i32
        %add3A_20 = arith.constant 0 : i32
        %add3A_21 = arith.addi %mul3A_19, %add3A_20 : i32
        %mul3A_22 = arith.constant 32 : i32
        %mul3A_23 = arith.muli %add3A_21, %mul3A_22 : i32
        %add3A_24 = vector.broadcast %mul3A_23 : i32 to vector<16xi32>
        %add3A_25 = arith.addi %add3A_24, %add3A_17 : vector<16xi32>
        %shift_right_arithmetic3A = arith.constant 7 : i32
        %shift_right_arithmetic3A_26 = vector.broadcast %shift_right_arithmetic3A : i32 to vector<16xi32>
        %shift_right_arithmetic3A_27 = arith.shrsi %add3A_25, %shift_right_arithmetic3A_26 : vector<16xi32>
        %and3A = arith.constant 127 : i32
        %and3A_28 = vector.broadcast %and3A : i32 to vector<16xi32>
        %and3A_29 = arith.andi %add3A_25, %and3A_28 : vector<16xi32>
        %gather3A = tpu.vector_load_idx %arg7[%shift_right_arithmetic3A_27, %and3A_29] : memref<104x128xf32, #tpu.memory_space<vmem>>[vector<16xi32>, vector<16xi32>], vector<16xf32>,
        %mul3A_30 = arith.constant 16 : i32
        %mul3A_31 = vector.broadcast %mul3A_30 : i32 to vector<16xi32>
        %mul3A_32 = arith.muli %add3A_17, %mul3A_31 : vector<16xi32>
        %add3A_33 = arith.constant 0 : i32
        %add3A_34 = vector.broadcast %add3A_33 : i32 to vector<16xi32>
        %add3A_35 = arith.addi %mul3A_32, %add3A_34 : vector<16xi32>
        tpu.vector_store_idx %arg6[%add3A_35], %gather3A : memref<53248xf32, #tpu.memory_space<vmem>>[vector<16xi32>], vector<16xf32>,
        %mul3A_36 = arith.constant 16 : i32
        %mul3A_37 = arith.muli %scan3A_14, %mul3A_36 : i32
        %add3A_38 = arith.constant 1 : i32
        %add3A_39 = arith.addi %mul3A_37, %add3A_38 : i32
        %mul3A_40 = arith.constant 32 : i32
        %mul3A_41 = arith.muli %add3A_39, %mul3A_40 : i32
        %add3A_42 = vector.broadcast %mul3A_41 : i32 to vector<16xi32>
        %add3A_43 = arith.addi %add3A_42, %add3A_17 : vector<16xi32>
        %shift_right_arithmetic3A_44 = arith.constant 7 : i32
        %shift_right_arithmetic3A_45 = vector.broadcast %shift_right_arithmetic3A_44 : i32 to vector<16xi32>
        %shift_right_arithmetic3A_46 = arith.shrsi %add3A_43, %shift_right_arithmetic3A_45 : vector<16xi32>
        %and3A_47 = arith.constant 127 : i32
        %and3A_48 = vector.broadcast %and3A_47 : i32 to vector<16xi32>
        %and3A_49 = arith.andi %add3A_43, %and3A_48 : vector<16xi32>
        %gather3A_50 = tpu.vector_load_idx %arg7[%shift_right_arithmetic3A_46, %and3A_49] : memref<104x128xf32, #tpu.memory_space<vmem>>[vector<16xi32>, vector<16xi32>], vector<16xf32>,
        %mul3A_51 = arith.constant 16 : i32
        %mul3A_52 = vector.broadcast %mul3A_51 : i32 to vector<16xi32>
        %mul3A_53 = arith.muli %add3A_17, %mul3A_52 : vector<16xi32>
        %add3A_54 = arith.constant 1 : i32
        %add3A_55 = vector.broadcast %add3A_54 : i32 to vector<16xi32>
        %add3A_56 = arith.addi %mul3A_53, %add3A_55 : vector<16xi32>
        tpu.vector_store_idx %arg6[%add3A_56], %gather3A_50 : memref<53248xf32, #tpu.memory_space<vmem>>[vector<16xi32>], vector<16xf32>,
        %mul3A_57 = arith.constant 16 : i32
        %mul3A_58 = arith.muli %scan3A_14, %mul3A_57 : i32
        %add3A_59 = arith.constant 2 : i32
        %add3A_60 = arith.addi %mul3A_58, %add3A_59 : i32
        %mul3A_61 = arith.constant 32 : i32
        %mul3A_62 = arith.muli %add3A_60, %mul3A_61 : i32
        %add3A_63 = vector.broadcast %mul3A_62 : i32 to vector<16xi32>
        %add3A_64 = arith.addi %add3A_63, %add3A_17 : vector<16xi32>
        %shift_right_arithmetic3A_65 = arith.constant 7 : i32
        %shift_right_arithmetic3A_66 = vector.broadcast %shift_right_arithmetic3A_65 : i32 to vector<16xi32>
        %shift_right_arithmetic3A_67 = arith.shrsi %add3A_64, %shift_right_arithmetic3A_66 : vector<16xi32>
        %and3A_68 = arith.constant 127 : i32
        %and3A_69 = vector.broadcast %and3A_68 : i32 to vector<16xi32>
        %and3A_70 = arith.andi %add3A_64, %and3A_69 : vector<16xi32>
        %gather3A_71 = tpu.vector_load_idx %arg7[%shift_right_arithmetic3A_67, %and3A_70] : memref<104x128xf32, #tpu.memory_space<vmem>>[vector<16xi32>, vector<16xi32>], vector<16xf32>,
        %mul3A_72 = arith.constant 16 : i32
        %mul3A_73 = vector.broadcast %mul3A_72 : i32 to vector<16xi32>
        %mul3A_74 = arith.muli %add3A_17, %mul3A_73 : vector<16xi32>
        %add3A_75 = arith.constant 2 : i32
        %add3A_76 = vector.broadcast %add3A_75 : i32 to vector<16xi32>
        %add3A_77 = arith.addi %mul3A_74, %add3A_76 : vector<16xi32>
        tpu.vector_store_idx %arg6[%add3A_77], %gather3A_71 : memref<53248xf32, #tpu.memory_space<vmem>>[vector<16xi32>], vector<16xf32>,
        %mul3A_78 = arith.constant 16 : i32
        %mul3A_79 = arith.muli %scan3A_14, %mul3A_78 : i32
        %add3A_80 = arith.constant 3 : i32
        %add3A_81 = arith.addi %mul3A_79, %add3A_80 : i32
        %mul3A_82 = arith.constant 32 : i32
        %mul3A_83 = arith.muli %add3A_81, %mul3A_82 : i32
        %add3A_84 = vector.broadcast %mul3A_83 : i32 to vector<16xi32>
        %add3A_85 = arith.addi %add3A_84, %add3A_17 : vector<16xi32>
        %shift_right_arithmetic3A_86 = arith.constant 7 : i32
        %shift_right_arithmetic3A_87 = vector.broadcast %shift_right_arithmetic3A_86 : i32 to vector<16xi32>
        %shift_right_arithmetic3A_88 = arith.shrsi %add3A_85, %shift_right_arithmetic3A_87 : vector<16xi32>
        %and3A_89 = arith.constant 127 : i32
        %and3A_90 = vector.broadcast %and3A_89 : i32 to vector<16xi32>
        %and3A_91 = arith.andi %add3A_85, %and3A_90 : vector<16xi32>
        %gather3A_92 = tpu.vector_load_idx %arg7[%shift_right_arithmetic3A_88, %and3A_91] : memref<104x128xf32, #tpu.memory_space<vmem>>[vector<16xi32>, vector<16xi32>], vector<16xf32>,
        %mul3A_93 = arith.constant 16 : i32
        %mul3A_94 = vector.broadcast %mul3A_93 : i32 to vector<16xi32>
        %mul3A_95 = arith.muli %add3A_17, %mul3A_94 : vector<16xi32>
        %add3A_96 = arith.constant 3 : i32
        %add3A_97 = vector.broadcast %add3A_96 : i32 to vector<16xi32>
        %add3A_98 = arith.addi %mul3A_95, %add3A_97 : vector<16xi32>
        tpu.vector_store_idx %arg6[%add3A_98], %gather3A_92 : memref<53248xf32, #tpu.memory_space<vmem>>[vector<16xi32>], vector<16xf32>,
        %mul3A_99 = arith.constant 16 : i32
        %mul3A_100 = arith.muli %scan3A_14, %mul3A_99 : i32
        %add3A_101 = arith.constant 4 : i32
        %add3A_102 = arith.addi %mul3A_100, %add3A_101 : i32
        %mul3A_103 = arith.constant 32 : i32
        %mul3A_104 = arith.muli %add3A_102, %mul3A_103 : i32
        %add3A_105 = vector.broadcast %mul3A_104 : i32 to vector<16xi32>
        %add3A_106 = arith.addi %add3A_105, %add3A_17 : vector<16xi32>
        %shift_right_arithmetic3A_107 = arith.constant 7 : i32
        %shift_right_arithmetic3A_108 = vector.broadcast %shift_right_arithmetic3A_107 : i32 to vector<16xi32>
        %shift_right_arithmetic3A_109 = arith.shrsi %add3A_106, %shift_right_arithmetic3A_108 : vector<16xi32>
        %and3A_110 = arith.constant 127 : i32
        %and3A_111 = vector.broadcast %and3A_110 : i32 to vector<16xi32>
        %and3A_112 = arith.andi %add3A_106, %and3A_111 : vector<16xi32>
        %gather3A_113 = tpu.vector_load_idx %arg7[%shift_right_arithmetic3A_109, %and3A_112] : memref<104x128xf32, #tpu.memory_space<vmem>>[vector<16xi32>, vector<16xi32>], vector<16xf32>,
        %mul3A_114 = arith.constant 16 : i32
        %mul3A_115 = vector.broadcast %mul3A_114 : i32 to vector<16xi32>
        %mul3A_116 = arith.muli %add3A_17, %mul3A_115 : vector<16xi32>
        %add3A_117 = arith.constant 4 : i32
        %add3A_118 = vector.broadcast %add3A_117 : i32 to vector<16xi32>
        %add3A_119 = arith.addi %mul3A_116, %add3A_118 : vector<16xi32>
        tpu.vector_store_idx %arg6[%add3A_119], %gather3A_113 : memref<53248xf32, #tpu.memory_space<vmem>>[vector<16xi32>], vector<16xf32>,
        %mul3A_120 = arith.constant 16 : i32
        %mul3A_121 = arith.muli %scan3A_14, %mul3A_120 : i32
        %add3A_122 = arith.constant 5 : i32
        %add3A_123 = arith.addi %mul3A_121, %add3A_122 : i32
        %mul3A_124 = arith.constant 32 : i32
        %mul3A_125 = arith.muli %add3A_123, %mul3A_124 : i32
        %add3A_126 = vector.broadcast %mul3A_125 : i32 to vector<16xi32>
        %add3A_127 = arith.addi %add3A_126, %add3A_17 : vector<16xi32>
        %shift_right_arithmetic3A_128 = arith.constant 7 : i32
        %shift_right_arithmetic3A_129 = vector.broadcast %shift_right_arithmetic3A_128 : i32 to vector<16xi32>
        %shift_right_arithmetic3A_130 = arith.shrsi %add3A_127, %shift_right_arithmetic3A_129 : vector<16xi32>
        %and3A_131 = arith.constant 127 : i32
        %and3A_132 = vector.broadcast %and3A_131 : i32 to vector<16xi32>
        %and3A_133 = arith.andi %add3A_127, %and3A_132 : vector<16xi32>
        %gather3A_134 = tpu.vector_load_idx %arg7[%shift_right_arithmetic3A_130, %and3A_133] : memref<104x128xf32, #tpu.memory_space<vmem>>[vector<16xi32>, vector<16xi32>], vector<16xf32>,
        %mul3A_135 = arith.constant 16 : i32
        %mul3A_136 = vector.broadcast %mul3A_135 : i32 to vector<16xi32>
        %mul3A_137 = arith.muli %add3A_17, %mul3A_136 : vector<16xi32>
        %add3A_138 = arith.constant 5 : i32
        %add3A_139 = vector.broadcast %add3A_138 : i32 to vector<16xi32>
        %add3A_140 = arith.addi %mul3A_137, %add3A_139 : vector<16xi32>
        tpu.vector_store_idx %arg6[%add3A_140], %gather3A_134 : memref<53248xf32, #tpu.memory_space<vmem>>[vector<16xi32>], vector<16xf32>,
        %mul3A_141 = arith.constant 16 : i32
        %mul3A_142 = arith.muli %scan3A_14, %mul3A_141 : i32
        %add3A_143 = arith.constant 6 : i32
        %add3A_144 = arith.addi %mul3A_142, %add3A_143 : i32
        %mul3A_145 = arith.constant 32 : i32
        %mul3A_146 = arith.muli %add3A_144, %mul3A_145 : i32
        %add3A_147 = vector.broadcast %mul3A_146 : i32 to vector<16xi32>
        %add3A_148 = arith.addi %add3A_147, %add3A_17 : vector<16xi32>
        %shift_right_arithmetic3A_149 = arith.constant 7 : i32
        %shift_right_arithmetic3A_150 = vector.broadcast %shift_right_arithmetic3A_149 : i32 to vector<16xi32>
        %shift_right_arithmetic3A_151 = arith.shrsi %add3A_148, %shift_right_arithmetic3A_150 : vector<16xi32>
        %and3A_152 = arith.constant 127 : i32
        %and3A_153 = vector.broadcast %and3A_152 : i32 to vector<16xi32>
        %and3A_154 = arith.andi %add3A_148, %and3A_153 : vector<16xi32>
        %gather3A_155 = tpu.vector_load_idx %arg7[%shift_right_arithmetic3A_151, %and3A_154] : memref<104x128xf32, #tpu.memory_space<vmem>>[vector<16xi32>, vector<16xi32>], vector<16xf32>,
        %mul3A_156 = arith.constant 16 : i32
        %mul3A_157 = vector.broadcast %mul3A_156 : i32 to vector<16xi32>
        %mul3A_158 = arith.muli %add3A_17, %mul3A_157 : vector<16xi32>
        %add3A_159 = arith.constant 6 : i32
        %add3A_160 = vector.broadcast %add3A_159 : i32 to vector<16xi32>
        %add3A_161 = arith.addi %mul3A_158, %add3A_160 : vector<16xi32>
        tpu.vector_store_idx %arg6[%add3A_161], %gather3A_155 : memref<53248xf32, #tpu.memory_space<vmem>>[vector<16xi32>], vector<16xf32>,
        %mul3A_162 = arith.constant 16 : i32
        %mul3A_163 = arith.muli %scan3A_14, %mul3A_162 : i32
        %add3A_164 = arith.constant 7 : i32
        %add3A_165 = arith.addi %mul3A_163, %add3A_164 : i32
        %mul3A_166 = arith.constant 32 : i32
        %mul3A_167 = arith.muli %add3A_165, %mul3A_166 : i32
        %add3A_168 = vector.broadcast %mul3A_167 : i32 to vector<16xi32>
        %add3A_169 = arith.addi %add3A_168, %add3A_17 : vector<16xi32>
        %shift_right_arithmetic3A_170 = arith.constant 7 : i32
        %shift_right_arithmetic3A_171 = vector.broadcast %shift_right_arithmetic3A_170 : i32 to vector<16xi32>
        %shift_right_arithmetic3A_172 = arith.shrsi %add3A_169, %shift_right_arithmetic3A_171 : vector<16xi32>
        %and3A_173 = arith.constant 127 : i32
        %and3A_174 = vector.broadcast %and3A_173 : i32 to vector<16xi32>
        %and3A_175 = arith.andi %add3A_169, %and3A_174 : vector<16xi32>
        %gather3A_176 = tpu.vector_load_idx %arg7[%shift_right_arithmetic3A_172, %and3A_175] : memref<104x128xf32, #tpu.memory_space<vmem>>[vector<16xi32>, vector<16xi32>], vector<16xf32>,
        %mul3A_177 = arith.constant 16 : i32
        %mul3A_178 = vector.broadcast %mul3A_177 : i32 to vector<16xi32>
        %mul3A_179 = arith.muli %add3A_17, %mul3A_178 : vector<16xi32>
        %add3A_180 = arith.constant 7 : i32
        %add3A_181 = vector.broadcast %add3A_180 : i32 to vector<16xi32>
        %add3A_182 = arith.addi %mul3A_179, %add3A_181 : vector<16xi32>
        tpu.vector_store_idx %arg6[%add3A_182], %gather3A_176 : memref<53248xf32, #tpu.memory_space<vmem>>[vector<16xi32>], vector<16xf32>,
        %mul3A_183 = arith.constant 16 : i32
        %mul3A_184 = arith.muli %scan3A_14, %mul3A_183 : i32
        %add3A_185 = arith.constant 8 : i32
        %add3A_186 = arith.addi %mul3A_184, %add3A_185 : i32
        %mul3A_187 = arith.constant 32 : i32
        %mul3A_188 = arith.muli %add3A_186, %mul3A_187 : i32
        %add3A_189 = vector.broadcast %mul3A_188 : i32 to vector<16xi32>
        %add3A_190 = arith.addi %add3A_189, %add3A_17 : vector<16xi32>
        %shift_right_arithmetic3A_191 = arith.constant 7 : i32
        %shift_right_arithmetic3A_192 = vector.broadcast %shift_right_arithmetic3A_191 : i32 to vector<16xi32>
        %shift_right_arithmetic3A_193 = arith.shrsi %add3A_190, %shift_right_arithmetic3A_192 : vector<16xi32>
        %and3A_194 = arith.constant 127 : i32
        %and3A_195 = vector.broadcast %and3A_194 : i32 to vector<16xi32>
        %and3A_196 = arith.andi %add3A_190, %and3A_195 : vector<16xi32>
        %gather3A_197 = tpu.vector_load_idx %arg7[%shift_right_arithmetic3A_193, %and3A_196] : memref<104x128xf32, #tpu.memory_space<vmem>>[vector<16xi32>, vector<16xi32>], vector<16xf32>,
        %mul3A_198 = arith.constant 16 : i32
        %mul3A_199 = vector.broadcast %mul3A_198 : i32 to vector<16xi32>
        %mul3A_200 = arith.muli %add3A_17, %mul3A_199 : vector<16xi32>
        %add3A_201 = arith.constant 8 : i32
        %add3A_202 = vector.broadcast %add3A_201 : i32 to vector<16xi32>
        %add3A_203 = arith.addi %mul3A_200, %add3A_202 : vector<16xi32>
        tpu.vector_store_idx %arg6[%add3A_203], %gather3A_197 : memref<53248xf32, #tpu.memory_space<vmem>>[vector<16xi32>], vector<16xf32>,
        %mul3A_204 = arith.constant 16 : i32
        %mul3A_205 = arith.muli %scan3A_14, %mul3A_204 : i32
        %add3A_206 = arith.constant 9 : i32
        %add3A_207 = arith.addi %mul3A_205, %add3A_206 : i32
        %mul3A_208 = arith.constant 32 : i32
        %mul3A_209 = arith.muli %add3A_207, %mul3A_208 : i32
        %add3A_210 = vector.broadcast %mul3A_209 : i32 to vector<16xi32>
        %add3A_211 = arith.addi %add3A_210, %add3A_17 : vector<16xi32>
        %shift_right_arithmetic3A_212 = arith.constant 7 : i32
        %shift_right_arithmetic3A_213 = vector.broadcast %shift_right_arithmetic3A_212 : i32 to vector<16xi32>
        %shift_right_arithmetic3A_214 = arith.shrsi %add3A_211, %shift_right_arithmetic3A_213 : vector<16xi32>
        %and3A_215 = arith.constant 127 : i32
        %and3A_216 = vector.broadcast %and3A_215 : i32 to vector<16xi32>
        %and3A_217 = arith.andi %add3A_211, %and3A_216 : vector<16xi32>
        %gather3A_218 = tpu.vector_load_idx %arg7[%shift_right_arithmetic3A_214, %and3A_217] : memref<104x128xf32, #tpu.memory_space<vmem>>[vector<16xi32>, vector<16xi32>], vector<16xf32>,
        %mul3A_219 = arith.constant 16 : i32
        %mul3A_220 = vector.broadcast %mul3A_219 : i32 to vector<16xi32>
        %mul3A_221 = arith.muli %add3A_17, %mul3A_220 : vector<16xi32>
        %add3A_222 = arith.constant 9 : i32
        %add3A_223 = vector.broadcast %add3A_222 : i32 to vector<16xi32>
        %add3A_224 = arith.addi %mul3A_221, %add3A_223 : vector<16xi32>
        tpu.vector_store_idx %arg6[%add3A_224], %gather3A_218 : memref<53248xf32, #tpu.memory_space<vmem>>[vector<16xi32>], vector<16xf32>,
        %mul3A_225 = arith.constant 16 : i32
        %mul3A_226 = arith.muli %scan3A_14, %mul3A_225 : i32
        %add3A_227 = arith.constant 10 : i32
        %add3A_228 = arith.addi %mul3A_226, %add3A_227 : i32
        %mul3A_229 = arith.constant 32 : i32
        %mul3A_230 = arith.muli %add3A_228, %mul3A_229 : i32
        %add3A_231 = vector.broadcast %mul3A_230 : i32 to vector<16xi32>
        %add3A_232 = arith.addi %add3A_231, %add3A_17 : vector<16xi32>
        %shift_right_arithmetic3A_233 = arith.constant 7 : i32
        %shift_right_arithmetic3A_234 = vector.broadcast %shift_right_arithmetic3A_233 : i32 to vector<16xi32>
        %shift_right_arithmetic3A_235 = arith.shrsi %add3A_232, %shift_right_arithmetic3A_234 : vector<16xi32>
        %and3A_236 = arith.constant 127 : i32
        %and3A_237 = vector.broadcast %and3A_236 : i32 to vector<16xi32>
        %and3A_238 = arith.andi %add3A_232, %and3A_237 : vector<16xi32>
        %gather3A_239 = tpu.vector_load_idx %arg7[%shift_right_arithmetic3A_235, %and3A_238] : memref<104x128xf32, #tpu.memory_space<vmem>>[vector<16xi32>, vector<16xi32>], vector<16xf32>,
        %mul3A_240 = arith.constant 16 : i32
        %mul3A_241 = vector.broadcast %mul3A_240 : i32 to vector<16xi32>
        %mul3A_242 = arith.muli %add3A_17, %mul3A_241 : vector<16xi32>
        %add3A_243 = arith.constant 10 : i32
        %add3A_244 = vector.broadcast %add3A_243 : i32 to vector<16xi32>
        %add3A_245 = arith.addi %mul3A_242, %add3A_244 : vector<16xi32>
        tpu.vector_store_idx %arg6[%add3A_245], %gather3A_239 : memref<53248xf32, #tpu.memory_space<vmem>>[vector<16xi32>], vector<16xf32>,
        %mul3A_246 = arith.constant 16 : i32
        %mul3A_247 = arith.muli %scan3A_14, %mul3A_246 : i32
        %add3A_248 = arith.constant 11 : i32
        %add3A_249 = arith.addi %mul3A_247, %add3A_248 : i32
        %mul3A_250 = arith.constant 32 : i32
        %mul3A_251 = arith.muli %add3A_249, %mul3A_250 : i32
        %add3A_252 = vector.broadcast %mul3A_251 : i32 to vector<16xi32>
        %add3A_253 = arith.addi %add3A_252, %add3A_17 : vector<16xi32>
        %shift_right_arithmetic3A_254 = arith.constant 7 : i32
        %shift_right_arithmetic3A_255 = vector.broadcast %shift_right_arithmetic3A_254 : i32 to vector<16xi32>
        %shift_right_arithmetic3A_256 = arith.shrsi %add3A_253, %shift_right_arithmetic3A_255 : vector<16xi32>
        %and3A_257 = arith.constant 127 : i32
        %and3A_258 = vector.broadcast %and3A_257 : i32 to vector<16xi32>
        %and3A_259 = arith.andi %add3A_253, %and3A_258 : vector<16xi32>
        %gather3A_260 = tpu.vector_load_idx %arg7[%shift_right_arithmetic3A_256, %and3A_259] : memref<104x128xf32, #tpu.memory_space<vmem>>[vector<16xi32>, vector<16xi32>], vector<16xf32>,
        %mul3A_261 = arith.constant 16 : i32
        %mul3A_262 = vector.broadcast %mul3A_261 : i32 to vector<16xi32>
        %mul3A_263 = arith.muli %add3A_17, %mul3A_262 : vector<16xi32>
        %add3A_264 = arith.constant 11 : i32
        %add3A_265 = vector.broadcast %add3A_264 : i32 to vector<16xi32>
        %add3A_266 = arith.addi %mul3A_263, %add3A_265 : vector<16xi32>
        tpu.vector_store_idx %arg6[%add3A_266], %gather3A_260 : memref<53248xf32, #tpu.memory_space<vmem>>[vector<16xi32>], vector<16xf32>,
        %mul3A_267 = arith.constant 16 : i32
        %mul3A_268 = arith.muli %scan3A_14, %mul3A_267 : i32
        %add3A_269 = arith.constant 12 : i32
        %add3A_270 = arith.addi %mul3A_268, %add3A_269 : i32
        %mul3A_271 = arith.constant 32 : i32
        %mul3A_272 = arith.muli %add3A_270, %mul3A_271 : i32
        %add3A_273 = vector.broadcast %mul3A_272 : i32 to vector<16xi32>
        %add3A_274 = arith.addi %add3A_273, %add3A_17 : vector<16xi32>
        %shift_right_arithmetic3A_275 = arith.constant 7 : i32
        %shift_right_arithmetic3A_276 = vector.broadcast %shift_right_arithmetic3A_275 : i32 to vector<16xi32>
        %shift_right_arithmetic3A_277 = arith.shrsi %add3A_274, %shift_right_arithmetic3A_276 : vector<16xi32>
        %and3A_278 = arith.constant 127 : i32
        %and3A_279 = vector.broadcast %and3A_278 : i32 to vector<16xi32>
        %and3A_280 = arith.andi %add3A_274, %and3A_279 : vector<16xi32>
        %gather3A_281 = tpu.vector_load_idx %arg7[%shift_right_arithmetic3A_277, %and3A_280] : memref<104x128xf32, #tpu.memory_space<vmem>>[vector<16xi32>, vector<16xi32>], vector<16xf32>,
        %mul3A_282 = arith.constant 16 : i32
        %mul3A_283 = vector.broadcast %mul3A_282 : i32 to vector<16xi32>
        %mul3A_284 = arith.muli %add3A_17, %mul3A_283 : vector<16xi32>
        %add3A_285 = arith.constant 12 : i32
        %add3A_286 = vector.broadcast %add3A_285 : i32 to vector<16xi32>
        %add3A_287 = arith.addi %mul3A_284, %add3A_286 : vector<16xi32>
        tpu.vector_store_idx %arg6[%add3A_287], %gather3A_281 : memref<53248xf32, #tpu.memory_space<vmem>>[vector<16xi32>], vector<16xf32>,
        %mul3A_288 = arith.constant 16 : i32
        %mul3A_289 = arith.muli %scan3A_14, %mul3A_288 : i32
        %add3A_290 = arith.constant 13 : i32
        %add3A_291 = arith.addi %mul3A_289, %add3A_290 : i32
        %mul3A_292 = arith.constant 32 : i32
        %mul3A_293 = arith.muli %add3A_291, %mul3A_292 : i32
        %add3A_294 = vector.broadcast %mul3A_293 : i32 to vector<16xi32>
        %add3A_295 = arith.addi %add3A_294, %add3A_17 : vector<16xi32>
        %shift_right_arithmetic3A_296 = arith.constant 7 : i32
        %shift_right_arithmetic3A_297 = vector.broadcast %shift_right_arithmetic3A_296 : i32 to vector<16xi32>
        %shift_right_arithmetic3A_298 = arith.shrsi %add3A_295, %shift_right_arithmetic3A_297 : vector<16xi32>
        %and3A_299 = arith.constant 127 : i32
        %and3A_300 = vector.broadcast %and3A_299 : i32 to vector<16xi32>
        %and3A_301 = arith.andi %add3A_295, %and3A_300 : vector<16xi32>
        %gather3A_302 = tpu.vector_load_idx %arg7[%shift_right_arithmetic3A_298, %and3A_301] : memref<104x128xf32, #tpu.memory_space<vmem>>[vector<16xi32>, vector<16xi32>], vector<16xf32>,
        %mul3A_303 = arith.constant 16 : i32
        %mul3A_304 = vector.broadcast %mul3A_303 : i32 to vector<16xi32>
        %mul3A_305 = arith.muli %add3A_17, %mul3A_304 : vector<16xi32>
        %add3A_306 = arith.constant 13 : i32
        %add3A_307 = vector.broadcast %add3A_306 : i32 to vector<16xi32>
        %add3A_308 = arith.addi %mul3A_305, %add3A_307 : vector<16xi32>
        tpu.vector_store_idx %arg6[%add3A_308], %gather3A_302 : memref<53248xf32, #tpu.memory_space<vmem>>[vector<16xi32>], vector<16xf32>,
        %mul3A_309 = arith.constant 16 : i32
        %mul3A_310 = arith.muli %scan3A_14, %mul3A_309 : i32
        %add3A_311 = arith.constant 14 : i32
        %add3A_312 = arith.addi %mul3A_310, %add3A_311 : i32
        %mul3A_313 = arith.constant 32 : i32
        %mul3A_314 = arith.muli %add3A_312, %mul3A_313 : i32
        %add3A_315 = vector.broadcast %mul3A_314 : i32 to vector<16xi32>
        %add3A_316 = arith.addi %add3A_315, %add3A_17 : vector<16xi32>
        %shift_right_arithmetic3A_317 = arith.constant 7 : i32
        %shift_right_arithmetic3A_318 = vector.broadcast %shift_right_arithmetic3A_317 : i32 to vector<16xi32>
        %shift_right_arithmetic3A_319 = arith.shrsi %add3A_316, %shift_right_arithmetic3A_318 : vector<16xi32>
        %and3A_320 = arith.constant 127 : i32
        %and3A_321 = vector.broadcast %and3A_320 : i32 to vector<16xi32>
        %and3A_322 = arith.andi %add3A_316, %and3A_321 : vector<16xi32>
        %gather3A_323 = tpu.vector_load_idx %arg7[%shift_right_arithmetic3A_319, %and3A_322] : memref<104x128xf32, #tpu.memory_space<vmem>>[vector<16xi32>, vector<16xi32>], vector<16xf32>,
        %mul3A_324 = arith.constant 16 : i32
        %mul3A_325 = vector.broadcast %mul3A_324 : i32 to vector<16xi32>
        %mul3A_326 = arith.muli %add3A_17, %mul3A_325 : vector<16xi32>
        %add3A_327 = arith.constant 14 : i32
        %add3A_328 = vector.broadcast %add3A_327 : i32 to vector<16xi32>
        %add3A_329 = arith.addi %mul3A_326, %add3A_328 : vector<16xi32>
        tpu.vector_store_idx %arg6[%add3A_329], %gather3A_323 : memref<53248xf32, #tpu.memory_space<vmem>>[vector<16xi32>], vector<16xf32>,
        %mul3A_330 = arith.constant 16 : i32
        %mul3A_331 = arith.muli %scan3A_14, %mul3A_330 : i32
        %add3A_332 = arith.constant 15 : i32
        %add3A_333 = arith.addi %mul3A_331, %add3A_332 : i32
        %mul3A_334 = arith.constant 32 : i32
        %mul3A_335 = arith.muli %add3A_333, %mul3A_334 : i32
        %add3A_336 = vector.broadcast %mul3A_335 : i32 to vector<16xi32>
        %add3A_337 = arith.addi %add3A_336, %add3A_17 : vector<16xi32>
        %shift_right_arithmetic3A_338 = arith.constant 7 : i32
        %shift_right_arithmetic3A_339 = vector.broadcast %shift_right_arithmetic3A_338 : i32 to vector<16xi32>
        %shift_right_arithmetic3A_340 = arith.shrsi %add3A_337, %shift_right_arithmetic3A_339 : vector<16xi32>
        %and3A_341 = arith.constant 127 : i32
        %and3A_342 = vector.broadcast %and3A_341 : i32 to vector<16xi32>
        %and3A_343 = arith.andi %add3A_337, %and3A_342 : vector<16xi32>
        %gather3A_344 = tpu.vector_load_idx %arg7[%shift_right_arithmetic3A_340, %and3A_343] : memref<104x128xf32, #tpu.memory_space<vmem>>[vector<16xi32>, vector<16xi32>], vector<16xf32>,
        %mul3A_345 = arith.constant 16 : i32
        %mul3A_346 = vector.broadcast %mul3A_345 : i32 to vector<16xi32>
        %mul3A_347 = arith.muli %add3A_17, %mul3A_346 : vector<16xi32>
        %add3A_348 = arith.constant 15 : i32
        %add3A_349 = vector.broadcast %add3A_348 : i32 to vector<16xi32>
        %add3A_350 = arith.addi %mul3A_347, %add3A_349 : vector<16xi32>
        tpu.vector_store_idx %arg6[%add3A_350], %gather3A_344 : memref<53248xf32, #tpu.memory_space<vmem>>[vector<16xi32>], vector<16xf32>,
        %add3A_351 = arith.constant 16 : i32
        %add3A_352 = vector.broadcast %add3A_351 : i32 to vector<16xi32>
        %add3A_353 = arith.addi %add3A_352, %iota3A : vector<16xi32>
        %mul3A_354 = arith.constant 16 : i32
        %mul3A_355 = arith.muli %scan3A_14, %mul3A_354 : i32
        %add3A_356 = arith.constant 0 : i32
        %add3A_357 = arith.addi %mul3A_355, %add3A_356 : i32
        %mul3A_358 = arith.constant 32 : i32
        %mul3A_359 = arith.muli %add3A_357, %mul3A_358 : i32
        %add3A_360 = vector.broadcast %mul3A_359 : i32 to vector<16xi32>
        %add3A_361 = arith.addi %add3A_360, %add3A_353 : vector<16xi32>
        %shift_right_arithmetic3A_362 = arith.constant 7 : i32
        %shift_right_arithmetic3A_363 = vector.broadcast %shift_right_arithmetic3A_362 : i32 to vector<16xi32>
        %shift_right_arithmetic3A_364 = arith.shrsi %add3A_361, %shift_right_arithmetic3A_363 : vector<16xi32>
        %and3A_365 = arith.constant 127 : i32
        %and3A_366 = vector.broadcast %and3A_365 : i32 to vector<16xi32>
        %and3A_367 = arith.andi %add3A_361, %and3A_366 : vector<16xi32>
        %gather3A_368 = tpu.vector_load_idx %arg7[%shift_right_arithmetic3A_364, %and3A_367] : memref<104x128xf32, #tpu.memory_space<vmem>>[vector<16xi32>, vector<16xi32>], vector<16xf32>,
        %mul3A_369 = arith.constant 16 : i32
        %mul3A_370 = vector.broadcast %mul3A_369 : i32 to vector<16xi32>
        %mul3A_371 = arith.muli %add3A_353, %mul3A_370 : vector<16xi32>
        %add3A_372 = arith.constant 0 : i32
        %add3A_373 = vector.broadcast %add3A_372 : i32 to vector<16xi32>
        %add3A_374 = arith.addi %mul3A_371, %add3A_373 : vector<16xi32>
        tpu.vector_store_idx %arg6[%add3A_374], %gather3A_368 : memref<53248xf32, #tpu.memory_space<vmem>>[vector<16xi32>], vector<16xf32>,
        %mul3A_375 = arith.constant 16 : i32
        %mul3A_376 = arith.muli %scan3A_14, %mul3A_375 : i32
        %add3A_377 = arith.constant 1 : i32
        %add3A_378 = arith.addi %mul3A_376, %add3A_377 : i32
        %mul3A_379 = arith.constant 32 : i32
        %mul3A_380 = arith.muli %add3A_378, %mul3A_379 : i32
        %add3A_381 = vector.broadcast %mul3A_380 : i32 to vector<16xi32>
        %add3A_382 = arith.addi %add3A_381, %add3A_353 : vector<16xi32>
        %shift_right_arithmetic3A_383 = arith.constant 7 : i32
        %shift_right_arithmetic3A_384 = vector.broadcast %shift_right_arithmetic3A_383 : i32 to vector<16xi32>
        %shift_right_arithmetic3A_385 = arith.shrsi %add3A_382, %shift_right_arithmetic3A_384 : vector<16xi32>
        %and3A_386 = arith.constant 127 : i32
        %and3A_387 = vector.broadcast %and3A_386 : i32 to vector<16xi32>
        %and3A_388 = arith.andi %add3A_382, %and3A_387 : vector<16xi32>
        %gather3A_389 = tpu.vector_load_idx %arg7[%shift_right_arithmetic3A_385, %and3A_388] : memref<104x128xf32, #tpu.memory_space<vmem>>[vector<16xi32>, vector<16xi32>], vector<16xf32>,
        %mul3A_390 = arith.constant 16 : i32
        %mul3A_391 = vector.broadcast %mul3A_390 : i32 to vector<16xi32>
        %mul3A_392 = arith.muli %add3A_353, %mul3A_391 : vector<16xi32>
        %add3A_393 = arith.constant 1 : i32
        %add3A_394 = vector.broadcast %add3A_393 : i32 to vector<16xi32>
        %add3A_395 = arith.addi %mul3A_392, %add3A_394 : vector<16xi32>
        tpu.vector_store_idx %arg6[%add3A_395], %gather3A_389 : memref<53248xf32, #tpu.memory_space<vmem>>[vector<16xi32>], vector<16xf32>,
        %mul3A_396 = arith.constant 16 : i32
        %mul3A_397 = arith.muli %scan3A_14, %mul3A_396 : i32
        %add3A_398 = arith.constant 2 : i32
        %add3A_399 = arith.addi %mul3A_397, %add3A_398 : i32
        %mul3A_400 = arith.constant 32 : i32
        %mul3A_401 = arith.muli %add3A_399, %mul3A_400 : i32
        %add3A_402 = vector.broadcast %mul3A_401 : i32 to vector<16xi32>
        %add3A_403 = arith.addi %add3A_402, %add3A_353 : vector<16xi32>
        %shift_right_arithmetic3A_404 = arith.constant 7 : i32
        %shift_right_arithmetic3A_405 = vector.broadcast %shift_right_arithmetic3A_404 : i32 to vector<16xi32>
        %shift_right_arithmetic3A_406 = arith.shrsi %add3A_403, %shift_right_arithmetic3A_405 : vector<16xi32>
        %and3A_407 = arith.constant 127 : i32
        %and3A_408 = vector.broadcast %and3A_407 : i32 to vector<16xi32>
        %and3A_409 = arith.andi %add3A_403, %and3A_408 : vector<16xi32>
        %gather3A_410 = tpu.vector_load_idx %arg7[%shift_right_arithmetic3A_406, %and3A_409] : memref<104x128xf32, #tpu.memory_space<vmem>>[vector<16xi32>, vector<16xi32>], vector<16xf32>,
        %mul3A_411 = arith.constant 16 : i32
        %mul3A_412 = vector.broadcast %mul3A_411 : i32 to vector<16xi32>
        %mul3A_413 = arith.muli %add3A_353, %mul3A_412 : vector<16xi32>
        %add3A_414 = arith.constant 2 : i32
        %add3A_415 = vector.broadcast %add3A_414 : i32 to vector<16xi32>
        %add3A_416 = arith.addi %mul3A_413, %add3A_415 : vector<16xi32>
        tpu.vector_store_idx %arg6[%add3A_416], %gather3A_410 : memref<53248xf32, #tpu.memory_space<vmem>>[vector<16xi32>], vector<16xf32>,
        %mul3A_417 = arith.constant 16 : i32
        %mul3A_418 = arith.muli %scan3A_14, %mul3A_417 : i32
        %add3A_419 = arith.constant 3 : i32
        %add3A_420 = arith.addi %mul3A_418, %add3A_419 : i32
        %mul3A_421 = arith.constant 32 : i32
        %mul3A_422 = arith.muli %add3A_420, %mul3A_421 : i32
        %add3A_423 = vector.broadcast %mul3A_422 : i32 to vector<16xi32>
        %add3A_424 = arith.addi %add3A_423, %add3A_353 : vector<16xi32>
        %shift_right_arithmetic3A_425 = arith.constant 7 : i32
        %shift_right_arithmetic3A_426 = vector.broadcast %shift_right_arithmetic3A_425 : i32 to vector<16xi32>
        %shift_right_arithmetic3A_427 = arith.shrsi %add3A_424, %shift_right_arithmetic3A_426 : vector<16xi32>
        %and3A_428 = arith.constant 127 : i32
        %and3A_429 = vector.broadcast %and3A_428 : i32 to vector<16xi32>
        %and3A_430 = arith.andi %add3A_424, %and3A_429 : vector<16xi32>
        %gather3A_431 = tpu.vector_load_idx %arg7[%shift_right_arithmetic3A_427, %and3A_430] : memref<104x128xf32, #tpu.memory_space<vmem>>[vector<16xi32>, vector<16xi32>], vector<16xf32>,
        %mul3A_432 = arith.constant 16 : i32
        %mul3A_433 = vector.broadcast %mul3A_432 : i32 to vector<16xi32>
        %mul3A_434 = arith.muli %add3A_353, %mul3A_433 : vector<16xi32>
        %add3A_435 = arith.constant 3 : i32
        %add3A_436 = vector.broadcast %add3A_435 : i32 to vector<16xi32>
        %add3A_437 = arith.addi %mul3A_434, %add3A_436 : vector<16xi32>
        tpu.vector_store_idx %arg6[%add3A_437], %gather3A_431 : memref<53248xf32, #tpu.memory_space<vmem>>[vector<16xi32>], vector<16xf32>,
        %mul3A_438 = arith.constant 16 : i32
        %mul3A_439 = arith.muli %scan3A_14, %mul3A_438 : i32
        %add3A_440 = arith.constant 4 : i32
        %add3A_441 = arith.addi %mul3A_439, %add3A_440 : i32
        %mul3A_442 = arith.constant 32 : i32
        %mul3A_443 = arith.muli %add3A_441, %mul3A_442 : i32
        %add3A_444 = vector.broadcast %mul3A_443 : i32 to vector<16xi32>
        %add3A_445 = arith.addi %add3A_444, %add3A_353 : vector<16xi32>
        %shift_right_arithmetic3A_446 = arith.constant 7 : i32
        %shift_right_arithmetic3A_447 = vector.broadcast %shift_right_arithmetic3A_446 : i32 to vector<16xi32>
        %shift_right_arithmetic3A_448 = arith.shrsi %add3A_445, %shift_right_arithmetic3A_447 : vector<16xi32>
        %and3A_449 = arith.constant 127 : i32
        %and3A_450 = vector.broadcast %and3A_449 : i32 to vector<16xi32>
        %and3A_451 = arith.andi %add3A_445, %and3A_450 : vector<16xi32>
        %gather3A_452 = tpu.vector_load_idx %arg7[%shift_right_arithmetic3A_448, %and3A_451] : memref<104x128xf32, #tpu.memory_space<vmem>>[vector<16xi32>, vector<16xi32>], vector<16xf32>,
        %mul3A_453 = arith.constant 16 : i32
        %mul3A_454 = vector.broadcast %mul3A_453 : i32 to vector<16xi32>
        %mul3A_455 = arith.muli %add3A_353, %mul3A_454 : vector<16xi32>
        %add3A_456 = arith.constant 4 : i32
        %add3A_457 = vector.broadcast %add3A_456 : i32 to vector<16xi32>
        %add3A_458 = arith.addi %mul3A_455, %add3A_457 : vector<16xi32>
        tpu.vector_store_idx %arg6[%add3A_458], %gather3A_452 : memref<53248xf32, #tpu.memory_space<vmem>>[vector<16xi32>], vector<16xf32>,
        %mul3A_459 = arith.constant 16 : i32
        %mul3A_460 = arith.muli %scan3A_14, %mul3A_459 : i32
        %add3A_461 = arith.constant 5 : i32
        %add3A_462 = arith.addi %mul3A_460, %add3A_461 : i32
        %mul3A_463 = arith.constant 32 : i32
        %mul3A_464 = arith.muli %add3A_462, %mul3A_463 : i32
        %add3A_465 = vector.broadcast %mul3A_464 : i32 to vector<16xi32>
        %add3A_466 = arith.addi %add3A_465, %add3A_353 : vector<16xi32>
        %shift_right_arithmetic3A_467 = arith.constant 7 : i32
        %shift_right_arithmetic3A_468 = vector.broadcast %shift_right_arithmetic3A_467 : i32 to vector<16xi32>
        %shift_right_arithmetic3A_469 = arith.shrsi %add3A_466, %shift_right_arithmetic3A_468 : vector<16xi32>
        %and3A_470 = arith.constant 127 : i32
        %and3A_471 = vector.broadcast %and3A_470 : i32 to vector<16xi32>
        %and3A_472 = arith.andi %add3A_466, %and3A_471 : vector<16xi32>
        %gather3A_473 = tpu.vector_load_idx %arg7[%shift_right_arithmetic3A_469, %and3A_472] : memref<104x128xf32, #tpu.memory_space<vmem>>[vector<16xi32>, vector<16xi32>], vector<16xf32>,
        %mul3A_474 = arith.constant 16 : i32
        %mul3A_475 = vector.broadcast %mul3A_474 : i32 to vector<16xi32>
        %mul3A_476 = arith.muli %add3A_353, %mul3A_475 : vector<16xi32>
        %add3A_477 = arith.constant 5 : i32
        %add3A_478 = vector.broadcast %add3A_477 : i32 to vector<16xi32>
        %add3A_479 = arith.addi %mul3A_476, %add3A_478 : vector<16xi32>
        tpu.vector_store_idx %arg6[%add3A_479], %gather3A_473 : memref<53248xf32, #tpu.memory_space<vmem>>[vector<16xi32>], vector<16xf32>,
        %mul3A_480 = arith.constant 16 : i32
        %mul3A_481 = arith.muli %scan3A_14, %mul3A_480 : i32
        %add3A_482 = arith.constant 6 : i32
        %add3A_483 = arith.addi %mul3A_481, %add3A_482 : i32
        %mul3A_484 = arith.constant 32 : i32
        %mul3A_485 = arith.muli %add3A_483, %mul3A_484 : i32
        %add3A_486 = vector.broadcast %mul3A_485 : i32 to vector<16xi32>
        %add3A_487 = arith.addi %add3A_486, %add3A_353 : vector<16xi32>
        %shift_right_arithmetic3A_488 = arith.constant 7 : i32
        %shift_right_arithmetic3A_489 = vector.broadcast %shift_right_arithmetic3A_488 : i32 to vector<16xi32>
        %shift_right_arithmetic3A_490 = arith.shrsi %add3A_487, %shift_right_arithmetic3A_489 : vector<16xi32>
        %and3A_491 = arith.constant 127 : i32
        %and3A_492 = vector.broadcast %and3A_491 : i32 to vector<16xi32>
        %and3A_493 = arith.andi %add3A_487, %and3A_492 : vector<16xi32>
        %gather3A_494 = tpu.vector_load_idx %arg7[%shift_right_arithmetic3A_490, %and3A_493] : memref<104x128xf32, #tpu.memory_space<vmem>>[vector<16xi32>, vector<16xi32>], vector<16xf32>,
        %mul3A_495 = arith.constant 16 : i32
        %mul3A_496 = vector.broadcast %mul3A_495 : i32 to vector<16xi32>
        %mul3A_497 = arith.muli %add3A_353, %mul3A_496 : vector<16xi32>
        %add3A_498 = arith.constant 6 : i32
        %add3A_499 = vector.broadcast %add3A_498 : i32 to vector<16xi32>
        %add3A_500 = arith.addi %mul3A_497, %add3A_499 : vector<16xi32>
        tpu.vector_store_idx %arg6[%add3A_500], %gather3A_494 : memref<53248xf32, #tpu.memory_space<vmem>>[vector<16xi32>], vector<16xf32>,
        %mul3A_501 = arith.constant 16 : i32
        %mul3A_502 = arith.muli %scan3A_14, %mul3A_501 : i32
        %add3A_503 = arith.constant 7 : i32
        %add3A_504 = arith.addi %mul3A_502, %add3A_503 : i32
        %mul3A_505 = arith.constant 32 : i32
        %mul3A_506 = arith.muli %add3A_504, %mul3A_505 : i32
        %add3A_507 = vector.broadcast %mul3A_506 : i32 to vector<16xi32>
        %add3A_508 = arith.addi %add3A_507, %add3A_353 : vector<16xi32>
        %shift_right_arithmetic3A_509 = arith.constant 7 : i32
        %shift_right_arithmetic3A_510 = vector.broadcast %shift_right_arithmetic3A_509 : i32 to vector<16xi32>
        %shift_right_arithmetic3A_511 = arith.shrsi %add3A_508, %shift_right_arithmetic3A_510 : vector<16xi32>
        %and3A_512 = arith.constant 127 : i32
        %and3A_513 = vector.broadcast %and3A_512 : i32 to vector<16xi32>
        %and3A_514 = arith.andi %add3A_508, %and3A_513 : vector<16xi32>
        %gather3A_515 = tpu.vector_load_idx %arg7[%shift_right_arithmetic3A_511, %and3A_514] : memref<104x128xf32, #tpu.memory_space<vmem>>[vector<16xi32>, vector<16xi32>], vector<16xf32>,
        %mul3A_516 = arith.constant 16 : i32
        %mul3A_517 = vector.broadcast %mul3A_516 : i32 to vector<16xi32>
        %mul3A_518 = arith.muli %add3A_353, %mul3A_517 : vector<16xi32>
        %add3A_519 = arith.constant 7 : i32
        %add3A_520 = vector.broadcast %add3A_519 : i32 to vector<16xi32>
        %add3A_521 = arith.addi %mul3A_518, %add3A_520 : vector<16xi32>
        tpu.vector_store_idx %arg6[%add3A_521], %gather3A_515 : memref<53248xf32, #tpu.memory_space<vmem>>[vector<16xi32>], vector<16xf32>,
        %mul3A_522 = arith.constant 16 : i32
        %mul3A_523 = arith.muli %scan3A_14, %mul3A_522 : i32
        %add3A_524 = arith.constant 8 : i32
        %add3A_525 = arith.addi %mul3A_523, %add3A_524 : i32
        %mul3A_526 = arith.constant 32 : i32
        %mul3A_527 = arith.muli %add3A_525, %mul3A_526 : i32
        %add3A_528 = vector.broadcast %mul3A_527 : i32 to vector<16xi32>
        %add3A_529 = arith.addi %add3A_528, %add3A_353 : vector<16xi32>
        %shift_right_arithmetic3A_530 = arith.constant 7 : i32
        %shift_right_arithmetic3A_531 = vector.broadcast %shift_right_arithmetic3A_530 : i32 to vector<16xi32>
        %shift_right_arithmetic3A_532 = arith.shrsi %add3A_529, %shift_right_arithmetic3A_531 : vector<16xi32>
        %and3A_533 = arith.constant 127 : i32
        %and3A_534 = vector.broadcast %and3A_533 : i32 to vector<16xi32>
        %and3A_535 = arith.andi %add3A_529, %and3A_534 : vector<16xi32>
        %gather3A_536 = tpu.vector_load_idx %arg7[%shift_right_arithmetic3A_532, %and3A_535] : memref<104x128xf32, #tpu.memory_space<vmem>>[vector<16xi32>, vector<16xi32>], vector<16xf32>,
        %mul3A_537 = arith.constant 16 : i32
        %mul3A_538 = vector.broadcast %mul3A_537 : i32 to vector<16xi32>
        %mul3A_539 = arith.muli %add3A_353, %mul3A_538 : vector<16xi32>
        %add3A_540 = arith.constant 8 : i32
        %add3A_541 = vector.broadcast %add3A_540 : i32 to vector<16xi32>
        %add3A_542 = arith.addi %mul3A_539, %add3A_541 : vector<16xi32>
        tpu.vector_store_idx %arg6[%add3A_542], %gather3A_536 : memref<53248xf32, #tpu.memory_space<vmem>>[vector<16xi32>], vector<16xf32>,
        %mul3A_543 = arith.constant 16 : i32
        %mul3A_544 = arith.muli %scan3A_14, %mul3A_543 : i32
        %add3A_545 = arith.constant 9 : i32
        %add3A_546 = arith.addi %mul3A_544, %add3A_545 : i32
        %mul3A_547 = arith.constant 32 : i32
        %mul3A_548 = arith.muli %add3A_546, %mul3A_547 : i32
        %add3A_549 = vector.broadcast %mul3A_548 : i32 to vector<16xi32>
        %add3A_550 = arith.addi %add3A_549, %add3A_353 : vector<16xi32>
        %shift_right_arithmetic3A_551 = arith.constant 7 : i32
        %shift_right_arithmetic3A_552 = vector.broadcast %shift_right_arithmetic3A_551 : i32 to vector<16xi32>
        %shift_right_arithmetic3A_553 = arith.shrsi %add3A_550, %shift_right_arithmetic3A_552 : vector<16xi32>
        %and3A_554 = arith.constant 127 : i32
        %and3A_555 = vector.broadcast %and3A_554 : i32 to vector<16xi32>
        %and3A_556 = arith.andi %add3A_550, %and3A_555 : vector<16xi32>
        %gather3A_557 = tpu.vector_load_idx %arg7[%shift_right_arithmetic3A_553, %and3A_556] : memref<104x128xf32, #tpu.memory_space<vmem>>[vector<16xi32>, vector<16xi32>], vector<16xf32>,
        %mul3A_558 = arith.constant 16 : i32
        %mul3A_559 = vector.broadcast %mul3A_558 : i32 to vector<16xi32>
        %mul3A_560 = arith.muli %add3A_353, %mul3A_559 : vector<16xi32>
        %add3A_561 = arith.constant 9 : i32
        %add3A_562 = vector.broadcast %add3A_561 : i32 to vector<16xi32>
        %add3A_563 = arith.addi %mul3A_560, %add3A_562 : vector<16xi32>
        tpu.vector_store_idx %arg6[%add3A_563], %gather3A_557 : memref<53248xf32, #tpu.memory_space<vmem>>[vector<16xi32>], vector<16xf32>,
        %mul3A_564 = arith.constant 16 : i32
        %mul3A_565 = arith.muli %scan3A_14, %mul3A_564 : i32
        %add3A_566 = arith.constant 10 : i32
        %add3A_567 = arith.addi %mul3A_565, %add3A_566 : i32
        %mul3A_568 = arith.constant 32 : i32
        %mul3A_569 = arith.muli %add3A_567, %mul3A_568 : i32
        %add3A_570 = vector.broadcast %mul3A_569 : i32 to vector<16xi32>
        %add3A_571 = arith.addi %add3A_570, %add3A_353 : vector<16xi32>
        %shift_right_arithmetic3A_572 = arith.constant 7 : i32
        %shift_right_arithmetic3A_573 = vector.broadcast %shift_right_arithmetic3A_572 : i32 to vector<16xi32>
        %shift_right_arithmetic3A_574 = arith.shrsi %add3A_571, %shift_right_arithmetic3A_573 : vector<16xi32>
        %and3A_575 = arith.constant 127 : i32
        %and3A_576 = vector.broadcast %and3A_575 : i32 to vector<16xi32>
        %and3A_577 = arith.andi %add3A_571, %and3A_576 : vector<16xi32>
        %gather3A_578 = tpu.vector_load_idx %arg7[%shift_right_arithmetic3A_574, %and3A_577] : memref<104x128xf32, #tpu.memory_space<vmem>>[vector<16xi32>, vector<16xi32>], vector<16xf32>,
        %mul3A_579 = arith.constant 16 : i32
        %mul3A_580 = vector.broadcast %mul3A_579 : i32 to vector<16xi32>
        %mul3A_581 = arith.muli %add3A_353, %mul3A_580 : vector<16xi32>
        %add3A_582 = arith.constant 10 : i32
        %add3A_583 = vector.broadcast %add3A_582 : i32 to vector<16xi32>
        %add3A_584 = arith.addi %mul3A_581, %add3A_583 : vector<16xi32>
        tpu.vector_store_idx %arg6[%add3A_584], %gather3A_578 : memref<53248xf32, #tpu.memory_space<vmem>>[vector<16xi32>], vector<16xf32>,
        %mul3A_585 = arith.constant 16 : i32
        %mul3A_586 = arith.muli %scan3A_14, %mul3A_585 : i32
        %add3A_587 = arith.constant 11 : i32
        %add3A_588 = arith.addi %mul3A_586, %add3A_587 : i32
        %mul3A_589 = arith.constant 32 : i32
        %mul3A_590 = arith.muli %add3A_588, %mul3A_589 : i32
        %add3A_591 = vector.broadcast %mul3A_590 : i32 to vector<16xi32>
        %add3A_592 = arith.addi %add3A_591, %add3A_353 : vector<16xi32>
        %shift_right_arithmetic3A_593 = arith.constant 7 : i32
        %shift_right_arithmetic3A_594 = vector.broadcast %shift_right_arithmetic3A_593 : i32 to vector<16xi32>
        %shift_right_arithmetic3A_595 = arith.shrsi %add3A_592, %shift_right_arithmetic3A_594 : vector<16xi32>
        %and3A_596 = arith.constant 127 : i32
        %and3A_597 = vector.broadcast %and3A_596 : i32 to vector<16xi32>
        %and3A_598 = arith.andi %add3A_592, %and3A_597 : vector<16xi32>
        %gather3A_599 = tpu.vector_load_idx %arg7[%shift_right_arithmetic3A_595, %and3A_598] : memref<104x128xf32, #tpu.memory_space<vmem>>[vector<16xi32>, vector<16xi32>], vector<16xf32>,
        %mul3A_600 = arith.constant 16 : i32
        %mul3A_601 = vector.broadcast %mul3A_600 : i32 to vector<16xi32>
        %mul3A_602 = arith.muli %add3A_353, %mul3A_601 : vector<16xi32>
        %add3A_603 = arith.constant 11 : i32
        %add3A_604 = vector.broadcast %add3A_603 : i32 to vector<16xi32>
        %add3A_605 = arith.addi %mul3A_602, %add3A_604 : vector<16xi32>
        tpu.vector_store_idx %arg6[%add3A_605], %gather3A_599 : memref<53248xf32, #tpu.memory_space<vmem>>[vector<16xi32>], vector<16xf32>,
        %mul3A_606 = arith.constant 16 : i32
        %mul3A_607 = arith.muli %scan3A_14, %mul3A_606 : i32
        %add3A_608 = arith.constant 12 : i32
        %add3A_609 = arith.addi %mul3A_607, %add3A_608 : i32
        %mul3A_610 = arith.constant 32 : i32
        %mul3A_611 = arith.muli %add3A_609, %mul3A_610 : i32
        %add3A_612 = vector.broadcast %mul3A_611 : i32 to vector<16xi32>
        %add3A_613 = arith.addi %add3A_612, %add3A_353 : vector<16xi32>
        %shift_right_arithmetic3A_614 = arith.constant 7 : i32
        %shift_right_arithmetic3A_615 = vector.broadcast %shift_right_arithmetic3A_614 : i32 to vector<16xi32>
        %shift_right_arithmetic3A_616 = arith.shrsi %add3A_613, %shift_right_arithmetic3A_615 : vector<16xi32>
        %and3A_617 = arith.constant 127 : i32
        %and3A_618 = vector.broadcast %and3A_617 : i32 to vector<16xi32>
        %and3A_619 = arith.andi %add3A_613, %and3A_618 : vector<16xi32>
        %gather3A_620 = tpu.vector_load_idx %arg7[%shift_right_arithmetic3A_616, %and3A_619] : memref<104x128xf32, #tpu.memory_space<vmem>>[vector<16xi32>, vector<16xi32>], vector<16xf32>,
        %mul3A_621 = arith.constant 16 : i32
        %mul3A_622 = vector.broadcast %mul3A_621 : i32 to vector<16xi32>
        %mul3A_623 = arith.muli %add3A_353, %mul3A_622 : vector<16xi32>
        %add3A_624 = arith.constant 12 : i32
        %add3A_625 = vector.broadcast %add3A_624 : i32 to vector<16xi32>
        %add3A_626 = arith.addi %mul3A_623, %add3A_625 : vector<16xi32>
        tpu.vector_store_idx %arg6[%add3A_626], %gather3A_620 : memref<53248xf32, #tpu.memory_space<vmem>>[vector<16xi32>], vector<16xf32>,
        %mul3A_627 = arith.constant 16 : i32
        %mul3A_628 = arith.muli %scan3A_14, %mul3A_627 : i32
        %add3A_629 = arith.constant 13 : i32
        %add3A_630 = arith.addi %mul3A_628, %add3A_629 : i32
        %mul3A_631 = arith.constant 32 : i32
        %mul3A_632 = arith.muli %add3A_630, %mul3A_631 : i32
        %add3A_633 = vector.broadcast %mul3A_632 : i32 to vector<16xi32>
        %add3A_634 = arith.addi %add3A_633, %add3A_353 : vector<16xi32>
        %shift_right_arithmetic3A_635 = arith.constant 7 : i32
        %shift_right_arithmetic3A_636 = vector.broadcast %shift_right_arithmetic3A_635 : i32 to vector<16xi32>
        %shift_right_arithmetic3A_637 = arith.shrsi %add3A_634, %shift_right_arithmetic3A_636 : vector<16xi32>
        %and3A_638 = arith.constant 127 : i32
        %and3A_639 = vector.broadcast %and3A_638 : i32 to vector<16xi32>
        %and3A_640 = arith.andi %add3A_634, %and3A_639 : vector<16xi32>
        %gather3A_641 = tpu.vector_load_idx %arg7[%shift_right_arithmetic3A_637, %and3A_640] : memref<104x128xf32, #tpu.memory_space<vmem>>[vector<16xi32>, vector<16xi32>], vector<16xf32>,
        %mul3A_642 = arith.constant 16 : i32
        %mul3A_643 = vector.broadcast %mul3A_642 : i32 to vector<16xi32>
        %mul3A_644 = arith.muli %add3A_353, %mul3A_643 : vector<16xi32>
        %add3A_645 = arith.constant 13 : i32
        %add3A_646 = vector.broadcast %add3A_645 : i32 to vector<16xi32>
        %add3A_647 = arith.addi %mul3A_644, %add3A_646 : vector<16xi32>
        tpu.vector_store_idx %arg6[%add3A_647], %gather3A_641 : memref<53248xf32, #tpu.memory_space<vmem>>[vector<16xi32>], vector<16xf32>,
        %mul3A_648 = arith.constant 16 : i32
        %mul3A_649 = arith.muli %scan3A_14, %mul3A_648 : i32
        %add3A_650 = arith.constant 14 : i32
        %add3A_651 = arith.addi %mul3A_649, %add3A_650 : i32
        %mul3A_652 = arith.constant 32 : i32
        %mul3A_653 = arith.muli %add3A_651, %mul3A_652 : i32
        %add3A_654 = vector.broadcast %mul3A_653 : i32 to vector<16xi32>
        %add3A_655 = arith.addi %add3A_654, %add3A_353 : vector<16xi32>
        %shift_right_arithmetic3A_656 = arith.constant 7 : i32
        %shift_right_arithmetic3A_657 = vector.broadcast %shift_right_arithmetic3A_656 : i32 to vector<16xi32>
        %shift_right_arithmetic3A_658 = arith.shrsi %add3A_655, %shift_right_arithmetic3A_657 : vector<16xi32>
        %and3A_659 = arith.constant 127 : i32
        %and3A_660 = vector.broadcast %and3A_659 : i32 to vector<16xi32>
        %and3A_661 = arith.andi %add3A_655, %and3A_660 : vector<16xi32>
        %gather3A_662 = tpu.vector_load_idx %arg7[%shift_right_arithmetic3A_658, %and3A_661] : memref<104x128xf32, #tpu.memory_space<vmem>>[vector<16xi32>, vector<16xi32>], vector<16xf32>,
        %mul3A_663 = arith.constant 16 : i32
        %mul3A_664 = vector.broadcast %mul3A_663 : i32 to vector<16xi32>
        %mul3A_665 = arith.muli %add3A_353, %mul3A_664 : vector<16xi32>
        %add3A_666 = arith.constant 14 : i32
        %add3A_667 = vector.broadcast %add3A_666 : i32 to vector<16xi32>
        %add3A_668 = arith.addi %mul3A_665, %add3A_667 : vector<16xi32>
        tpu.vector_store_idx %arg6[%add3A_668], %gather3A_662 : memref<53248xf32, #tpu.memory_space<vmem>>[vector<16xi32>], vector<16xf32>,
        %mul3A_669 = arith.constant 16 : i32
        %mul3A_670 = arith.muli %scan3A_14, %mul3A_669 : i32
        %add3A_671 = arith.constant 15 : i32
        %add3A_672 = arith.addi %mul3A_670, %add3A_671 : i32
        %mul3A_673 = arith.constant 32 : i32
        %mul3A_674 = arith.muli %add3A_672, %mul3A_673 : i32
        %add3A_675 = vector.broadcast %mul3A_674 : i32 to vector<16xi32>
        %add3A_676 = arith.addi %add3A_675, %add3A_353 : vector<16xi32>
        %shift_right_arithmetic3A_677 = arith.constant 7 : i32
        %shift_right_arithmetic3A_678 = vector.broadcast %shift_right_arithmetic3A_677 : i32 to vector<16xi32>
        %shift_right_arithmetic3A_679 = arith.shrsi %add3A_676, %shift_right_arithmetic3A_678 : vector<16xi32>
        %and3A_680 = arith.constant 127 : i32
        %and3A_681 = vector.broadcast %and3A_680 : i32 to vector<16xi32>
        %and3A_682 = arith.andi %add3A_676, %and3A_681 : vector<16xi32>
        %gather3A_683 = tpu.vector_load_idx %arg7[%shift_right_arithmetic3A_679, %and3A_682] : memref<104x128xf32, #tpu.memory_space<vmem>>[vector<16xi32>, vector<16xi32>], vector<16xf32>,
        %mul3A_684 = arith.constant 16 : i32
        %mul3A_685 = vector.broadcast %mul3A_684 : i32 to vector<16xi32>
        %mul3A_686 = arith.muli %add3A_353, %mul3A_685 : vector<16xi32>
        %add3A_687 = arith.constant 15 : i32
        %add3A_688 = vector.broadcast %add3A_687 : i32 to vector<16xi32>
        %add3A_689 = arith.addi %mul3A_686, %add3A_688 : vector<16xi32>
        tpu.vector_store_idx %arg6[%add3A_689], %gather3A_683 : memref<53248xf32, #tpu.memory_space<vmem>>[vector<16xi32>], vector<16xf32>,
        %mul3A_690 = arith.constant 100000 : i32
        %mul3A_691 = arith.muli %scan3A_14, %mul3A_690 : i32
        %add3A_692 = arith.constant 99968 : i32
        %add3A_693 = arith.addi %mul3A_691, %add3A_692 : i32
        %mul3A_694 = arith.constant 16 : i32
        %mul3A_695 = arith.muli %add3A_693, %mul3A_694 : i32
        "tpu.region"() ({
          %run_scoped3A = tpu.sem_alloc : memref<!tpu.dma_semaphore, #tpu.memory_space<semaphore_mem>>
          %dma_start3A = arith.constant 0 : i32
          %dma_start3A_696 = tpu.memref_slice %arg6[%dma_start3A] : memref<53248xf32, #tpu.memory_space<vmem>> -> memref<512xf32, #tpu.memory_space<vmem>>
          %dma_start3A_697 = tpu.memref_slice %arg4[%mul3A_695] : memref<41600000xf32, #tpu.memory_space<hbm>> -> memref<512xf32, #tpu.memory_space<hbm>>
          %dma_start3A_698 = tpu.memref_slice %arg4[%mul3A_695] : memref<41600000xf32, #tpu.memory_space<hbm>> -> memref<512xf32, #tpu.memory_space<hbm>>
          %dma_start3A_699 = arith.constant 0 : i32
          %dma_start3A_700 = tpu.memref_slice %arg6[%dma_start3A_699] : memref<53248xf32, #tpu.memory_space<vmem>> -> memref<512xf32, #tpu.memory_space<vmem>>
          tpu.enqueue_dma source(%dma_start3A_700 : memref<512xf32, #tpu.memory_space<vmem>>) target(%dma_start3A_698 : memref<512xf32, #tpu.memory_space<hbm>>) target_semaphore(%run_scoped3A : memref<!tpu.dma_semaphore, #tpu.memory_space<semaphore_mem>>)
          %dma_wait3A = arith.constant 0 : i32
          %dma_wait3A_701 = tpu.memref_slice %arg6[%dma_wait3A] : memref<53248xf32, #tpu.memory_space<vmem>> -> memref<512xf32, #tpu.memory_space<vmem>>
          %dma_wait3A_702 = tpu.memref_slice %arg4[%mul3A_695] : memref<41600000xf32, #tpu.memory_space<hbm>> -> memref<512xf32, #tpu.memory_space<hbm>>
          %dma_wait3A_703 = tpu.memref_slice %arg4[%mul3A_695] : memref<41600000xf32, #tpu.memory_space<hbm>> -> memref<512xf32, #tpu.memory_space<hbm>>
          %dma_wait3A_704 = arith.constant 0 : i32
          %dma_wait3A_705 = tpu.memref_slice %arg6[%dma_wait3A_704] : memref<53248xf32, #tpu.memory_space<vmem>> -> memref<512xf32, #tpu.memory_space<vmem>>
          tpu.wait_dma2 semaphore(%run_scoped3A : memref<!tpu.dma_semaphore, #tpu.memory_space<semaphore_mem>>) src(%dma_wait3A_705 : memref<512xf32, #tpu.memory_space<vmem>>) dst(%dma_wait3A_703 : memref<512xf32, #tpu.memory_space<hbm>>)
          tpu.yield
        }) : () -> ()
      }
      %scan3A_13 = arith.constant 26 : i32
    } else {
    }
    return
  }
}

#map = affine_map<(d0, d1) -> (0, 0)>
#map1 = affine_map<(d0, d1) -> (0, 0, 0)>
module attributes {stable_mosaic.version = 14 : i64} {
  func.func @gather_k(%arg0: i32, %arg1: i32, %arg2: memref<2600000x16xf32, #tpu.memory_space<hbm>>, %arg3: memref<32x104x128xi32, #tpu.memory_space<hbm>>, %arg4: memref<425984x16xf32, #tpu.memory_space<hbm>>, %arg5: memref<104x128xi32, #tpu.memory_space<vmem>>, %arg6: memref<1024x16xf32, #tpu.memory_space<vmem>>, %arg7: memref<!tpu.dma_semaphore, #tpu.memory_space<semaphore_mem>>) attributes {dimension_semantics = [#tpu.dimension_semantics<core_parallel>, #tpu.dimension_semantics<subcore_parallel>], iteration_bounds = array<i64: 2, 16>, scalar_prefetch = 0 : i64, scratch_operands = 3 : i64, tpu.core_type = #tpu.core_type<sc_vector_subcore>, window_params = [{transform_indices = #map}, {transform_indices = #map1}, {transform_indices = #map}]} {
    %mul3A = arith.constant 2 : i32
    %mul3A_0 = arith.muli %arg1, %mul3A : i32
    %add3A = arith.addi %mul3A_0, %arg0 : i32
    %mul3A_1 = arith.constant 13312 : i32
    %mul3A_2 = arith.muli %add3A, %mul3A_1 : i32
    "tpu.region"() ({
      %run_scoped3A = tpu.sem_alloc : memref<!tpu.dma_semaphore, #tpu.memory_space<semaphore_mem>>
      %dma_start3A = arith.constant 0 : i32
      %dma_start3A_8 = arith.constant 0 : i32
      %dma_start3A_9 = tpu.memref_slice %arg3[%add3A, %dma_start3A, %dma_start3A_8] : memref<32x104x128xi32, #tpu.memory_space<hbm>> -> memref<1x104x128xi32, #tpu.memory_space<hbm>>
      %dma_start3A_10 = tpu.memref_squeeze %dma_start3A_9 : memref<1x104x128xi32, #tpu.memory_space<hbm>> -> memref<104x128xi32, #tpu.memory_space<hbm>>
      %dma_start3A_11 = arith.constant 0 : i32
      %dma_start3A_12 = arith.constant 0 : i32
      %dma_start3A_13 = tpu.memref_slice %arg3[%add3A, %dma_start3A_11, %dma_start3A_12] : memref<32x104x128xi32, #tpu.memory_space<hbm>> -> memref<1x104x128xi32, #tpu.memory_space<hbm>>
      %dma_start3A_14 = tpu.memref_squeeze %dma_start3A_13 : memref<1x104x128xi32, #tpu.memory_space<hbm>> -> memref<104x128xi32, #tpu.memory_space<hbm>>
      tpu.enqueue_dma source(%dma_start3A_14 : memref<104x128xi32, #tpu.memory_space<hbm>>) target(%arg5 : memref<104x128xi32, #tpu.memory_space<vmem>>) target_semaphore(%run_scoped3A : memref<!tpu.dma_semaphore, #tpu.memory_space<semaphore_mem>>)
      %dma_wait3A = arith.constant 0 : i32
      %dma_wait3A_15 = arith.constant 0 : i32
      %dma_wait3A_16 = tpu.memref_slice %arg3[%add3A, %dma_wait3A, %dma_wait3A_15] : memref<32x104x128xi32, #tpu.memory_space<hbm>> -> memref<1x104x128xi32, #tpu.memory_space<hbm>>
      %dma_wait3A_17 = tpu.memref_squeeze %dma_wait3A_16 : memref<1x104x128xi32, #tpu.memory_space<hbm>> -> memref<104x128xi32, #tpu.memory_space<hbm>>
      %dma_wait3A_18 = arith.constant 0 : i32
      %dma_wait3A_19 = arith.constant 0 : i32
      %dma_wait3A_20 = tpu.memref_slice %arg3[%add3A, %dma_wait3A_18, %dma_wait3A_19] : memref<32x104x128xi32, #tpu.memory_space<hbm>> -> memref<1x104x128xi32, #tpu.memory_space<hbm>>
      %dma_wait3A_21 = tpu.memref_squeeze %dma_wait3A_20 : memref<1x104x128xi32, #tpu.memory_space<hbm>> -> memref<104x128xi32, #tpu.memory_space<hbm>>
      tpu.wait_dma2 semaphore(%run_scoped3A : memref<!tpu.dma_semaphore, #tpu.memory_space<semaphore_mem>>) src(%dma_wait3A_21 : memref<104x128xi32, #tpu.memory_space<hbm>>) dst(%arg5 : memref<104x128xi32, #tpu.memory_space<vmem>>)
      tpu.yield
    }) : () -> ()
    %scan3A = arith.constant 0 : i32
    %scan3A_3 = arith.constant 0 : i32
    %scan3A_4 = arith.constant 13 : i32
    %scan3A_5 = arith.addi %scan3A_3, %scan3A_4 : i32
    %scan3A_6 = arith.constant 1 : i32
    scf.for %scan3A_8 = %scan3A_3 to %scan3A_5 step %scan3A_6  : i32 {
      %mul3A_9 = arith.constant 8 : i32
      %mul3A_10 = arith.muli %scan3A_8, %mul3A_9 : i32
      %add3A_11 = arith.constant 0 : i32
      %add3A_12 = arith.addi %mul3A_10, %add3A_11 : i32
      %dma_start3A = arith.constant 0 : i32
      %dma_start3A_13 = arith.constant 0 : i32
      %dma_start3A_14 = tpu.memref_slice %arg6[%dma_start3A, %dma_start3A_13] : memref<1024x16xf32, #tpu.memory_space<vmem>> -> memref<128x16xf32, #tpu.memory_space<vmem>>
      %dma_start3A_15 = arith.constant 0 : i32
      %dma_start3A_16 = tpu.memref_slice %arg5[%add3A_12, %dma_start3A_15] : memref<104x128xi32, #tpu.memory_space<vmem>> -> memref<1x128xi32, #tpu.memory_space<vmem>>
      %dma_start3A_17 = tpu.memref_squeeze %dma_start3A_16 : memref<1x128xi32, #tpu.memory_space<vmem>> -> memref<128xi32, #tpu.memory_space<vmem>>
      %dma_start3A_18 = arith.constant 0 : i32
      %dma_start3A_19 = arith.constant 0 : i32
      %dma_start3A_20 = tpu.memref_slice %arg2[%dma_start3A_18, %dma_start3A_19] : memref<2600000x16xf32, #tpu.memory_space<hbm>> -> memref<2600000x16xf32, #tpu.memory_space<hbm>>
      tpu.enqueue_indirect_dma source(%dma_start3A_20 : memref<2600000x16xf32, #tpu.memory_space<hbm>>) target(%dma_start3A_14 : memref<128x16xf32, #tpu.memory_space<vmem>>) offsets(%dma_start3A_17 : memref<128xi32, #tpu.memory_space<vmem>>) semaphore(%arg7 : memref<!tpu.dma_semaphore, #tpu.memory_space<semaphore_mem>>)
      %mul3A_21 = arith.constant 8 : i32
      %mul3A_22 = arith.muli %scan3A_8, %mul3A_21 : i32
      %add3A_23 = arith.constant 1 : i32
      %add3A_24 = arith.addi %mul3A_22, %add3A_23 : i32
      %dma_start3A_25 = arith.constant 128 : i32
      %dma_start3A_26 = arith.constant 0 : i32
      %dma_start3A_27 = tpu.memref_slice %arg6[%dma_start3A_25, %dma_start3A_26] : memref<1024x16xf32, #tpu.memory_space<vmem>> -> memref<128x16xf32, #tpu.memory_space<vmem>>
      %dma_start3A_28 = arith.constant 0 : i32
      %dma_start3A_29 = tpu.memref_slice %arg5[%add3A_24, %dma_start3A_28] : memref<104x128xi32, #tpu.memory_space<vmem>> -> memref<1x128xi32, #tpu.memory_space<vmem>>
      %dma_start3A_30 = tpu.memref_squeeze %dma_start3A_29 : memref<1x128xi32, #tpu.memory_space<vmem>> -> memref<128xi32, #tpu.memory_space<vmem>>
      %dma_start3A_31 = arith.constant 0 : i32
      %dma_start3A_32 = arith.constant 0 : i32
      %dma_start3A_33 = tpu.memref_slice %arg2[%dma_start3A_31, %dma_start3A_32] : memref<2600000x16xf32, #tpu.memory_space<hbm>> -> memref<2600000x16xf32, #tpu.memory_space<hbm>>
      tpu.enqueue_indirect_dma source(%dma_start3A_33 : memref<2600000x16xf32, #tpu.memory_space<hbm>>) target(%dma_start3A_27 : memref<128x16xf32, #tpu.memory_space<vmem>>) offsets(%dma_start3A_30 : memref<128xi32, #tpu.memory_space<vmem>>) semaphore(%arg7 : memref<!tpu.dma_semaphore, #tpu.memory_space<semaphore_mem>>)
      %mul3A_34 = arith.constant 8 : i32
      %mul3A_35 = arith.muli %scan3A_8, %mul3A_34 : i32
      %add3A_36 = arith.constant 2 : i32
      %add3A_37 = arith.addi %mul3A_35, %add3A_36 : i32
      %dma_start3A_38 = arith.constant 256 : i32
      %dma_start3A_39 = arith.constant 0 : i32
      %dma_start3A_40 = tpu.memref_slice %arg6[%dma_start3A_38, %dma_start3A_39] : memref<1024x16xf32, #tpu.memory_space<vmem>> -> memref<128x16xf32, #tpu.memory_space<vmem>>
      %dma_start3A_41 = arith.constant 0 : i32
      %dma_start3A_42 = tpu.memref_slice %arg5[%add3A_37, %dma_start3A_41] : memref<104x128xi32, #tpu.memory_space<vmem>> -> memref<1x128xi32, #tpu.memory_space<vmem>>
      %dma_start3A_43 = tpu.memref_squeeze %dma_start3A_42 : memref<1x128xi32, #tpu.memory_space<vmem>> -> memref<128xi32, #tpu.memory_space<vmem>>
      %dma_start3A_44 = arith.constant 0 : i32
      %dma_start3A_45 = arith.constant 0 : i32
      %dma_start3A_46 = tpu.memref_slice %arg2[%dma_start3A_44, %dma_start3A_45] : memref<2600000x16xf32, #tpu.memory_space<hbm>> -> memref<2600000x16xf32, #tpu.memory_space<hbm>>
      tpu.enqueue_indirect_dma source(%dma_start3A_46 : memref<2600000x16xf32, #tpu.memory_space<hbm>>) target(%dma_start3A_40 : memref<128x16xf32, #tpu.memory_space<vmem>>) offsets(%dma_start3A_43 : memref<128xi32, #tpu.memory_space<vmem>>) semaphore(%arg7 : memref<!tpu.dma_semaphore, #tpu.memory_space<semaphore_mem>>)
      %mul3A_47 = arith.constant 8 : i32
      %mul3A_48 = arith.muli %scan3A_8, %mul3A_47 : i32
      %add3A_49 = arith.constant 3 : i32
      %add3A_50 = arith.addi %mul3A_48, %add3A_49 : i32
      %dma_start3A_51 = arith.constant 384 : i32
      %dma_start3A_52 = arith.constant 0 : i32
      %dma_start3A_53 = tpu.memref_slice %arg6[%dma_start3A_51, %dma_start3A_52] : memref<1024x16xf32, #tpu.memory_space<vmem>> -> memref<128x16xf32, #tpu.memory_space<vmem>>
      %dma_start3A_54 = arith.constant 0 : i32
      %dma_start3A_55 = tpu.memref_slice %arg5[%add3A_50, %dma_start3A_54] : memref<104x128xi32, #tpu.memory_space<vmem>> -> memref<1x128xi32, #tpu.memory_space<vmem>>
      %dma_start3A_56 = tpu.memref_squeeze %dma_start3A_55 : memref<1x128xi32, #tpu.memory_space<vmem>> -> memref<128xi32, #tpu.memory_space<vmem>>
      %dma_start3A_57 = arith.constant 0 : i32
      %dma_start3A_58 = arith.constant 0 : i32
      %dma_start3A_59 = tpu.memref_slice %arg2[%dma_start3A_57, %dma_start3A_58] : memref<2600000x16xf32, #tpu.memory_space<hbm>> -> memref<2600000x16xf32, #tpu.memory_space<hbm>>
      tpu.enqueue_indirect_dma source(%dma_start3A_59 : memref<2600000x16xf32, #tpu.memory_space<hbm>>) target(%dma_start3A_53 : memref<128x16xf32, #tpu.memory_space<vmem>>) offsets(%dma_start3A_56 : memref<128xi32, #tpu.memory_space<vmem>>) semaphore(%arg7 : memref<!tpu.dma_semaphore, #tpu.memory_space<semaphore_mem>>)
      %mul3A_60 = arith.constant 8 : i32
      %mul3A_61 = arith.muli %scan3A_8, %mul3A_60 : i32
      %add3A_62 = arith.constant 4 : i32
      %add3A_63 = arith.addi %mul3A_61, %add3A_62 : i32
      %dma_start3A_64 = arith.constant 512 : i32
      %dma_start3A_65 = arith.constant 0 : i32
      %dma_start3A_66 = tpu.memref_slice %arg6[%dma_start3A_64, %dma_start3A_65] : memref<1024x16xf32, #tpu.memory_space<vmem>> -> memref<128x16xf32, #tpu.memory_space<vmem>>
      %dma_start3A_67 = arith.constant 0 : i32
      %dma_start3A_68 = tpu.memref_slice %arg5[%add3A_63, %dma_start3A_67] : memref<104x128xi32, #tpu.memory_space<vmem>> -> memref<1x128xi32, #tpu.memory_space<vmem>>
      %dma_start3A_69 = tpu.memref_squeeze %dma_start3A_68 : memref<1x128xi32, #tpu.memory_space<vmem>> -> memref<128xi32, #tpu.memory_space<vmem>>
      %dma_start3A_70 = arith.constant 0 : i32
      %dma_start3A_71 = arith.constant 0 : i32
      %dma_start3A_72 = tpu.memref_slice %arg2[%dma_start3A_70, %dma_start3A_71] : memref<2600000x16xf32, #tpu.memory_space<hbm>> -> memref<2600000x16xf32, #tpu.memory_space<hbm>>
      tpu.enqueue_indirect_dma source(%dma_start3A_72 : memref<2600000x16xf32, #tpu.memory_space<hbm>>) target(%dma_start3A_66 : memref<128x16xf32, #tpu.memory_space<vmem>>) offsets(%dma_start3A_69 : memref<128xi32, #tpu.memory_space<vmem>>) semaphore(%arg7 : memref<!tpu.dma_semaphore, #tpu.memory_space<semaphore_mem>>)
      %mul3A_73 = arith.constant 8 : i32
      %mul3A_74 = arith.muli %scan3A_8, %mul3A_73 : i32
      %add3A_75 = arith.constant 5 : i32
      %add3A_76 = arith.addi %mul3A_74, %add3A_75 : i32
      %dma_start3A_77 = arith.constant 640 : i32
      %dma_start3A_78 = arith.constant 0 : i32
      %dma_start3A_79 = tpu.memref_slice %arg6[%dma_start3A_77, %dma_start3A_78] : memref<1024x16xf32, #tpu.memory_space<vmem>> -> memref<128x16xf32, #tpu.memory_space<vmem>>
      %dma_start3A_80 = arith.constant 0 : i32
      %dma_start3A_81 = tpu.memref_slice %arg5[%add3A_76, %dma_start3A_80] : memref<104x128xi32, #tpu.memory_space<vmem>> -> memref<1x128xi32, #tpu.memory_space<vmem>>
      %dma_start3A_82 = tpu.memref_squeeze %dma_start3A_81 : memref<1x128xi32, #tpu.memory_space<vmem>> -> memref<128xi32, #tpu.memory_space<vmem>>
      %dma_start3A_83 = arith.constant 0 : i32
      %dma_start3A_84 = arith.constant 0 : i32
      %dma_start3A_85 = tpu.memref_slice %arg2[%dma_start3A_83, %dma_start3A_84] : memref<2600000x16xf32, #tpu.memory_space<hbm>> -> memref<2600000x16xf32, #tpu.memory_space<hbm>>
      tpu.enqueue_indirect_dma source(%dma_start3A_85 : memref<2600000x16xf32, #tpu.memory_space<hbm>>) target(%dma_start3A_79 : memref<128x16xf32, #tpu.memory_space<vmem>>) offsets(%dma_start3A_82 : memref<128xi32, #tpu.memory_space<vmem>>) semaphore(%arg7 : memref<!tpu.dma_semaphore, #tpu.memory_space<semaphore_mem>>)
      %mul3A_86 = arith.constant 8 : i32
      %mul3A_87 = arith.muli %scan3A_8, %mul3A_86 : i32
      %add3A_88 = arith.constant 6 : i32
      %add3A_89 = arith.addi %mul3A_87, %add3A_88 : i32
      %dma_start3A_90 = arith.constant 768 : i32
      %dma_start3A_91 = arith.constant 0 : i32
      %dma_start3A_92 = tpu.memref_slice %arg6[%dma_start3A_90, %dma_start3A_91] : memref<1024x16xf32, #tpu.memory_space<vmem>> -> memref<128x16xf32, #tpu.memory_space<vmem>>
      %dma_start3A_93 = arith.constant 0 : i32
      %dma_start3A_94 = tpu.memref_slice %arg5[%add3A_89, %dma_start3A_93] : memref<104x128xi32, #tpu.memory_space<vmem>> -> memref<1x128xi32, #tpu.memory_space<vmem>>
      %dma_start3A_95 = tpu.memref_squeeze %dma_start3A_94 : memref<1x128xi32, #tpu.memory_space<vmem>> -> memref<128xi32, #tpu.memory_space<vmem>>
      %dma_start3A_96 = arith.constant 0 : i32
      %dma_start3A_97 = arith.constant 0 : i32
      %dma_start3A_98 = tpu.memref_slice %arg2[%dma_start3A_96, %dma_start3A_97] : memref<2600000x16xf32, #tpu.memory_space<hbm>> -> memref<2600000x16xf32, #tpu.memory_space<hbm>>
      tpu.enqueue_indirect_dma source(%dma_start3A_98 : memref<2600000x16xf32, #tpu.memory_space<hbm>>) target(%dma_start3A_92 : memref<128x16xf32, #tpu.memory_space<vmem>>) offsets(%dma_start3A_95 : memref<128xi32, #tpu.memory_space<vmem>>) semaphore(%arg7 : memref<!tpu.dma_semaphore, #tpu.memory_space<semaphore_mem>>)
      %mul3A_99 = arith.constant 8 : i32
      %mul3A_100 = arith.muli %scan3A_8, %mul3A_99 : i32
      %add3A_101 = arith.constant 7 : i32
      %add3A_102 = arith.addi %mul3A_100, %add3A_101 : i32
      %dma_start3A_103 = arith.constant 896 : i32
      %dma_start3A_104 = arith.constant 0 : i32
      %dma_start3A_105 = tpu.memref_slice %arg6[%dma_start3A_103, %dma_start3A_104] : memref<1024x16xf32, #tpu.memory_space<vmem>> -> memref<128x16xf32, #tpu.memory_space<vmem>>
      %dma_start3A_106 = arith.constant 0 : i32
      %dma_start3A_107 = tpu.memref_slice %arg5[%add3A_102, %dma_start3A_106] : memref<104x128xi32, #tpu.memory_space<vmem>> -> memref<1x128xi32, #tpu.memory_space<vmem>>
      %dma_start3A_108 = tpu.memref_squeeze %dma_start3A_107 : memref<1x128xi32, #tpu.memory_space<vmem>> -> memref<128xi32, #tpu.memory_space<vmem>>
      %dma_start3A_109 = arith.constant 0 : i32
      %dma_start3A_110 = arith.constant 0 : i32
      %dma_start3A_111 = tpu.memref_slice %arg2[%dma_start3A_109, %dma_start3A_110] : memref<2600000x16xf32, #tpu.memory_space<hbm>> -> memref<2600000x16xf32, #tpu.memory_space<hbm>>
      tpu.enqueue_indirect_dma source(%dma_start3A_111 : memref<2600000x16xf32, #tpu.memory_space<hbm>>) target(%dma_start3A_105 : memref<128x16xf32, #tpu.memory_space<vmem>>) offsets(%dma_start3A_108 : memref<128xi32, #tpu.memory_space<vmem>>) semaphore(%arg7 : memref<!tpu.dma_semaphore, #tpu.memory_space<semaphore_mem>>)
      %dma_wait3A = arith.constant 0 : i32
      %dma_wait3A_112 = arith.constant 0 : i32
      %dma_wait3A_113 = tpu.memref_slice %arg6[%dma_wait3A, %dma_wait3A_112] : memref<1024x16xf32, #tpu.memory_space<vmem>> -> memref<128x16xf32, #tpu.memory_space<vmem>>
      %dma_wait3A_114 = arith.constant 0 : i32
      %dma_wait3A_115 = tpu.memref_slice %arg5[%add3A_12, %dma_wait3A_114] : memref<104x128xi32, #tpu.memory_space<vmem>> -> memref<1x128xi32, #tpu.memory_space<vmem>>
      %dma_wait3A_116 = tpu.memref_squeeze %dma_wait3A_115 : memref<1x128xi32, #tpu.memory_space<vmem>> -> memref<128xi32, #tpu.memory_space<vmem>>
      %dma_wait3A_117 = arith.constant 0 : i32
      %dma_wait3A_118 = arith.constant 0 : i32
      %dma_wait3A_119 = tpu.memref_slice %arg2[%dma_wait3A_117, %dma_wait3A_118] : memref<2600000x16xf32, #tpu.memory_space<hbm>> -> memref<2600000x16xf32, #tpu.memory_space<hbm>>
      tpu.wait_indirect_dma semaphore(%arg7 : memref<!tpu.dma_semaphore, #tpu.memory_space<semaphore_mem>>) src(%dma_wait3A_119 : memref<2600000x16xf32, #tpu.memory_space<hbm>>) dst(%dma_wait3A_113 : memref<128x16xf32, #tpu.memory_space<vmem>>)
      %dma_wait3A_120 = arith.constant 128 : i32
      %dma_wait3A_121 = arith.constant 0 : i32
      %dma_wait3A_122 = tpu.memref_slice %arg6[%dma_wait3A_120, %dma_wait3A_121] : memref<1024x16xf32, #tpu.memory_space<vmem>> -> memref<128x16xf32, #tpu.memory_space<vmem>>
      %dma_wait3A_123 = arith.constant 0 : i32
      %dma_wait3A_124 = tpu.memref_slice %arg5[%add3A_24, %dma_wait3A_123] : memref<104x128xi32, #tpu.memory_space<vmem>> -> memref<1x128xi32, #tpu.memory_space<vmem>>
      %dma_wait3A_125 = tpu.memref_squeeze %dma_wait3A_124 : memref<1x128xi32, #tpu.memory_space<vmem>> -> memref<128xi32, #tpu.memory_space<vmem>>
      %dma_wait3A_126 = arith.constant 0 : i32
      %dma_wait3A_127 = arith.constant 0 : i32
      %dma_wait3A_128 = tpu.memref_slice %arg2[%dma_wait3A_126, %dma_wait3A_127] : memref<2600000x16xf32, #tpu.memory_space<hbm>> -> memref<2600000x16xf32, #tpu.memory_space<hbm>>
      tpu.wait_indirect_dma semaphore(%arg7 : memref<!tpu.dma_semaphore, #tpu.memory_space<semaphore_mem>>) src(%dma_wait3A_128 : memref<2600000x16xf32, #tpu.memory_space<hbm>>) dst(%dma_wait3A_122 : memref<128x16xf32, #tpu.memory_space<vmem>>)
      %dma_wait3A_129 = arith.constant 256 : i32
      %dma_wait3A_130 = arith.constant 0 : i32
      %dma_wait3A_131 = tpu.memref_slice %arg6[%dma_wait3A_129, %dma_wait3A_130] : memref<1024x16xf32, #tpu.memory_space<vmem>> -> memref<128x16xf32, #tpu.memory_space<vmem>>
      %dma_wait3A_132 = arith.constant 0 : i32
      %dma_wait3A_133 = tpu.memref_slice %arg5[%add3A_37, %dma_wait3A_132] : memref<104x128xi32, #tpu.memory_space<vmem>> -> memref<1x128xi32, #tpu.memory_space<vmem>>
      %dma_wait3A_134 = tpu.memref_squeeze %dma_wait3A_133 : memref<1x128xi32, #tpu.memory_space<vmem>> -> memref<128xi32, #tpu.memory_space<vmem>>
      %dma_wait3A_135 = arith.constant 0 : i32
      %dma_wait3A_136 = arith.constant 0 : i32
      %dma_wait3A_137 = tpu.memref_slice %arg2[%dma_wait3A_135, %dma_wait3A_136] : memref<2600000x16xf32, #tpu.memory_space<hbm>> -> memref<2600000x16xf32, #tpu.memory_space<hbm>>
      tpu.wait_indirect_dma semaphore(%arg7 : memref<!tpu.dma_semaphore, #tpu.memory_space<semaphore_mem>>) src(%dma_wait3A_137 : memref<2600000x16xf32, #tpu.memory_space<hbm>>) dst(%dma_wait3A_131 : memref<128x16xf32, #tpu.memory_space<vmem>>)
      %dma_wait3A_138 = arith.constant 384 : i32
      %dma_wait3A_139 = arith.constant 0 : i32
      %dma_wait3A_140 = tpu.memref_slice %arg6[%dma_wait3A_138, %dma_wait3A_139] : memref<1024x16xf32, #tpu.memory_space<vmem>> -> memref<128x16xf32, #tpu.memory_space<vmem>>
      %dma_wait3A_141 = arith.constant 0 : i32
      %dma_wait3A_142 = tpu.memref_slice %arg5[%add3A_50, %dma_wait3A_141] : memref<104x128xi32, #tpu.memory_space<vmem>> -> memref<1x128xi32, #tpu.memory_space<vmem>>
      %dma_wait3A_143 = tpu.memref_squeeze %dma_wait3A_142 : memref<1x128xi32, #tpu.memory_space<vmem>> -> memref<128xi32, #tpu.memory_space<vmem>>
      %dma_wait3A_144 = arith.constant 0 : i32
      %dma_wait3A_145 = arith.constant 0 : i32
      %dma_wait3A_146 = tpu.memref_slice %arg2[%dma_wait3A_144, %dma_wait3A_145] : memref<2600000x16xf32, #tpu.memory_space<hbm>> -> memref<2600000x16xf32, #tpu.memory_space<hbm>>
      tpu.wait_indirect_dma semaphore(%arg7 : memref<!tpu.dma_semaphore, #tpu.memory_space<semaphore_mem>>) src(%dma_wait3A_146 : memref<2600000x16xf32, #tpu.memory_space<hbm>>) dst(%dma_wait3A_140 : memref<128x16xf32, #tpu.memory_space<vmem>>)
      %dma_wait3A_147 = arith.constant 512 : i32
      %dma_wait3A_148 = arith.constant 0 : i32
      %dma_wait3A_149 = tpu.memref_slice %arg6[%dma_wait3A_147, %dma_wait3A_148] : memref<1024x16xf32, #tpu.memory_space<vmem>> -> memref<128x16xf32, #tpu.memory_space<vmem>>
      %dma_wait3A_150 = arith.constant 0 : i32
      %dma_wait3A_151 = tpu.memref_slice %arg5[%add3A_63, %dma_wait3A_150] : memref<104x128xi32, #tpu.memory_space<vmem>> -> memref<1x128xi32, #tpu.memory_space<vmem>>
      %dma_wait3A_152 = tpu.memref_squeeze %dma_wait3A_151 : memref<1x128xi32, #tpu.memory_space<vmem>> -> memref<128xi32, #tpu.memory_space<vmem>>
      %dma_wait3A_153 = arith.constant 0 : i32
      %dma_wait3A_154 = arith.constant 0 : i32
      %dma_wait3A_155 = tpu.memref_slice %arg2[%dma_wait3A_153, %dma_wait3A_154] : memref<2600000x16xf32, #tpu.memory_space<hbm>> -> memref<2600000x16xf32, #tpu.memory_space<hbm>>
      tpu.wait_indirect_dma semaphore(%arg7 : memref<!tpu.dma_semaphore, #tpu.memory_space<semaphore_mem>>) src(%dma_wait3A_155 : memref<2600000x16xf32, #tpu.memory_space<hbm>>) dst(%dma_wait3A_149 : memref<128x16xf32, #tpu.memory_space<vmem>>)
      %dma_wait3A_156 = arith.constant 640 : i32
      %dma_wait3A_157 = arith.constant 0 : i32
      %dma_wait3A_158 = tpu.memref_slice %arg6[%dma_wait3A_156, %dma_wait3A_157] : memref<1024x16xf32, #tpu.memory_space<vmem>> -> memref<128x16xf32, #tpu.memory_space<vmem>>
      %dma_wait3A_159 = arith.constant 0 : i32
      %dma_wait3A_160 = tpu.memref_slice %arg5[%add3A_76, %dma_wait3A_159] : memref<104x128xi32, #tpu.memory_space<vmem>> -> memref<1x128xi32, #tpu.memory_space<vmem>>
      %dma_wait3A_161 = tpu.memref_squeeze %dma_wait3A_160 : memref<1x128xi32, #tpu.memory_space<vmem>> -> memref<128xi32, #tpu.memory_space<vmem>>
      %dma_wait3A_162 = arith.constant 0 : i32
      %dma_wait3A_163 = arith.constant 0 : i32
      %dma_wait3A_164 = tpu.memref_slice %arg2[%dma_wait3A_162, %dma_wait3A_163] : memref<2600000x16xf32, #tpu.memory_space<hbm>> -> memref<2600000x16xf32, #tpu.memory_space<hbm>>
      tpu.wait_indirect_dma semaphore(%arg7 : memref<!tpu.dma_semaphore, #tpu.memory_space<semaphore_mem>>) src(%dma_wait3A_164 : memref<2600000x16xf32, #tpu.memory_space<hbm>>) dst(%dma_wait3A_158 : memref<128x16xf32, #tpu.memory_space<vmem>>)
      %dma_wait3A_165 = arith.constant 768 : i32
      %dma_wait3A_166 = arith.constant 0 : i32
      %dma_wait3A_167 = tpu.memref_slice %arg6[%dma_wait3A_165, %dma_wait3A_166] : memref<1024x16xf32, #tpu.memory_space<vmem>> -> memref<128x16xf32, #tpu.memory_space<vmem>>
      %dma_wait3A_168 = arith.constant 0 : i32
      %dma_wait3A_169 = tpu.memref_slice %arg5[%add3A_89, %dma_wait3A_168] : memref<104x128xi32, #tpu.memory_space<vmem>> -> memref<1x128xi32, #tpu.memory_space<vmem>>
      %dma_wait3A_170 = tpu.memref_squeeze %dma_wait3A_169 : memref<1x128xi32, #tpu.memory_space<vmem>> -> memref<128xi32, #tpu.memory_space<vmem>>
      %dma_wait3A_171 = arith.constant 0 : i32
      %dma_wait3A_172 = arith.constant 0 : i32
      %dma_wait3A_173 = tpu.memref_slice %arg2[%dma_wait3A_171, %dma_wait3A_172] : memref<2600000x16xf32, #tpu.memory_space<hbm>> -> memref<2600000x16xf32, #tpu.memory_space<hbm>>
      tpu.wait_indirect_dma semaphore(%arg7 : memref<!tpu.dma_semaphore, #tpu.memory_space<semaphore_mem>>) src(%dma_wait3A_173 : memref<2600000x16xf32, #tpu.memory_space<hbm>>) dst(%dma_wait3A_167 : memref<128x16xf32, #tpu.memory_space<vmem>>)
      %dma_wait3A_174 = arith.constant 896 : i32
      %dma_wait3A_175 = arith.constant 0 : i32
      %dma_wait3A_176 = tpu.memref_slice %arg6[%dma_wait3A_174, %dma_wait3A_175] : memref<1024x16xf32, #tpu.memory_space<vmem>> -> memref<128x16xf32, #tpu.memory_space<vmem>>
      %dma_wait3A_177 = arith.constant 0 : i32
      %dma_wait3A_178 = tpu.memref_slice %arg5[%add3A_102, %dma_wait3A_177] : memref<104x128xi32, #tpu.memory_space<vmem>> -> memref<1x128xi32, #tpu.memory_space<vmem>>
      %dma_wait3A_179 = tpu.memref_squeeze %dma_wait3A_178 : memref<1x128xi32, #tpu.memory_space<vmem>> -> memref<128xi32, #tpu.memory_space<vmem>>
      %dma_wait3A_180 = arith.constant 0 : i32
      %dma_wait3A_181 = arith.constant 0 : i32
      %dma_wait3A_182 = tpu.memref_slice %arg2[%dma_wait3A_180, %dma_wait3A_181] : memref<2600000x16xf32, #tpu.memory_space<hbm>> -> memref<2600000x16xf32, #tpu.memory_space<hbm>>
      tpu.wait_indirect_dma semaphore(%arg7 : memref<!tpu.dma_semaphore, #tpu.memory_space<semaphore_mem>>) src(%dma_wait3A_182 : memref<2600000x16xf32, #tpu.memory_space<hbm>>) dst(%dma_wait3A_176 : memref<128x16xf32, #tpu.memory_space<vmem>>)
      %mul3A_183 = arith.constant 1024 : i32
      %mul3A_184 = arith.muli %scan3A_8, %mul3A_183 : i32
      %add3A_185 = arith.addi %mul3A_2, %mul3A_184 : i32
      %multiple_of3A = tpu.assume_multiple %add3A_185, 1024 : i32
      "tpu.region"() ({
        %run_scoped3A = tpu.sem_alloc : memref<!tpu.dma_semaphore, #tpu.memory_space<semaphore_mem>>
        %dma_start3A_186 = arith.constant 0 : i32
        %dma_start3A_187 = tpu.memref_slice %arg4[%multiple_of3A, %dma_start3A_186] : memref<425984x16xf32, #tpu.memory_space<hbm>> -> memref<1024x16xf32, #tpu.memory_space<hbm>>
        %dma_start3A_188 = arith.constant 0 : i32
        %dma_start3A_189 = tpu.memref_slice %arg4[%multiple_of3A, %dma_start3A_188] : memref<425984x16xf32, #tpu.memory_space<hbm>> -> memref<1024x16xf32, #tpu.memory_space<hbm>>
        tpu.enqueue_dma source(%arg6 : memref<1024x16xf32, #tpu.memory_space<vmem>>) target(%dma_start3A_189 : memref<1024x16xf32, #tpu.memory_space<hbm>>) target_semaphore(%run_scoped3A : memref<!tpu.dma_semaphore, #tpu.memory_space<semaphore_mem>>)
        %dma_wait3A_190 = arith.constant 0 : i32
        %dma_wait3A_191 = tpu.memref_slice %arg4[%multiple_of3A, %dma_wait3A_190] : memref<425984x16xf32, #tpu.memory_space<hbm>> -> memref<1024x16xf32, #tpu.memory_space<hbm>>
        %dma_wait3A_192 = arith.constant 0 : i32
        %dma_wait3A_193 = tpu.memref_slice %arg4[%multiple_of3A, %dma_wait3A_192] : memref<425984x16xf32, #tpu.memory_space<hbm>> -> memref<1024x16xf32, #tpu.memory_space<hbm>>
        tpu.wait_dma2 semaphore(%run_scoped3A : memref<!tpu.dma_semaphore, #tpu.memory_space<semaphore_mem>>) src(%arg6 : memref<1024x16xf32, #tpu.memory_space<vmem>>) dst(%dma_wait3A_193 : memref<1024x16xf32, #tpu.memory_space<hbm>>)
        tpu.yield
      }) : () -> ()
    }
    %scan3A_7 = arith.constant 13 : i32
    return
  }
}

module attributes {stable_mosaic.version = 14 : i64} {
  func.func @mlp_k(%arg0: i32, %arg1: memref<2048x416xf32, #tpu.memory_space<vmem>>, %arg2: memref<416x512xf32, #tpu.memory_space<vmem>>, %arg3: memref<1x512xf32, #tpu.memory_space<vmem>>, %arg4: memref<512x1xf32, #tpu.memory_space<vmem>>, %arg5: memref<1x1xf32, #tpu.memory_space<vmem>>, %arg6: memref<2048x1xf32, #tpu.memory_space<vmem>>) attributes {dimension_semantics = [#tpu.dimension_semantics<arbitrary>], iteration_bounds = array<i64: 8>, scalar_prefetch = 0 : i64, scratch_operands = 0 : i64, tpu.core_type = #tpu.core_type<tc>, window_params = [{transform_indices = @transform_0, window_bounds = array<i64: 2048, 416>}, {pipeline_mode = #tpu.pipeline_mode<synchronous>, transform_indices = @transform_1, window_bounds = array<i64: 416, 512>}, {pipeline_mode = #tpu.pipeline_mode<synchronous>, transform_indices = @transform_2, window_bounds = array<i64: 1, 512>}, {pipeline_mode = #tpu.pipeline_mode<synchronous>, transform_indices = @transform_3, window_bounds = array<i64: 512, 1>}, {pipeline_mode = #tpu.pipeline_mode<synchronous>, transform_indices = @transform_4, window_bounds = array<i64: 1, 1>}, {transform_indices = @transform_5, window_bounds = array<i64: 2048, 1>}]} {
    %get3A = arith.constant 0 : index
    %get3A_0 = arith.constant 0 : index
    %get3A_1 = vector.load %arg1[%get3A, %get3A_0] : memref<2048x416xf32, #tpu.memory_space<vmem>>, vector<2048x416xf32>
    %get3A_2 = arith.constant 0 : index
    %get3A_3 = arith.constant 0 : index
    %get3A_4 = vector.load %arg2[%get3A_2, %get3A_3] : memref<416x512xf32, #tpu.memory_space<vmem>>, vector<416x512xf32>
    %dot_general3A = arith.constant dense<0.000000e+00> : vector<2048x512xf32>
    %dot_general3A_5 = tpu.matmul %get3A_1, %get3A_4, %dot_general3A {dimension_numbers = #tpu.dot_dimension_numbers<[1], [0], [0], [1], [0, 0, 1, 1], [], []>, transpose_lhs_hint = false} : vector<2048x416xf32>, vector<416x512xf32>, vector<2048x512xf32> -> vector<2048x512xf32>
    %get3A_6 = arith.constant 0 : index
    %get3A_7 = arith.constant 0 : index
    %get3A_8 = vector.load %arg3[%get3A_6, %get3A_7] : memref<1x512xf32, #tpu.memory_space<vmem>>, vector<1x512xf32>
    %add3A = vector.broadcast %get3A_8 : vector<1x512xf32> to vector<2048x512xf32>
    %add3A_9 = arith.addf %dot_general3A_5, %add3A : vector<2048x512xf32>
    %max3A = arith.constant 0.000000e+00 : f32
    %max3A_10 = vector.broadcast %max3A : f32 to vector<2048x512xf32>
    %max3A_11 = arith.maximumf %add3A_9, %max3A_10 : vector<2048x512xf32>
    %get3A_12 = arith.constant 0 : index
    %get3A_13 = arith.constant 0 : index
    %get3A_14 = vector.load %arg4[%get3A_12, %get3A_13] : memref<512x1xf32, #tpu.memory_space<vmem>>, vector<512x1xf32>
    %dot_general3A_15 = arith.constant dense<0.000000e+00> : vector<2048x1xf32>
    %dot_general3A_16 = tpu.matmul %max3A_11, %get3A_14, %dot_general3A_15 {dimension_numbers = #tpu.dot_dimension_numbers<[1], [0], [0], [1], [0, 0, 1, 1], [], []>, transpose_lhs_hint = false} : vector<2048x512xf32>, vector<512x1xf32>, vector<2048x1xf32> -> vector<2048x1xf32>
    %get3A_17 = arith.constant 0 : index
    %get3A_18 = arith.constant 0 : index
    %get3A_19 = vector.load %arg5[%get3A_17, %get3A_18] : memref<1x1xf32, #tpu.memory_space<vmem>>, vector<1x1xf32>
    %add3A_20 = vector.broadcast %get3A_19 : vector<1x1xf32> to vector<2048x1xf32>
    %add3A_21 = arith.addf %dot_general3A_16, %add3A_20 : vector<2048x1xf32>
    %logistic3A = arith.negf %add3A_21 : vector<2048x1xf32>
    %logistic3A_22 = math.exp %logistic3A : vector<2048x1xf32>
    %logistic3A_23 = arith.constant 1.000000e+00 : f32
    %logistic3A_24 = vector.broadcast %logistic3A_23 : f32 to vector<2048x1xf32>
    %logistic3A_25 = arith.addf %logistic3A_24, %logistic3A_22 : vector<2048x1xf32>
    %logistic3A_26 = arith.divf %logistic3A_24, %logistic3A_25 : vector<2048x1xf32>
    %swap3A = arith.constant 0 : index
    %swap3A_27 = arith.constant 0 : index
    %swap3A_28 = vector.load %arg6[%swap3A, %swap3A_27] : memref<2048x1xf32, #tpu.memory_space<vmem>>, vector<2048x1xf32>
    tpu.vector_store %arg6[%swap3A, %swap3A_27], %logistic3A_26 {strides = array<i32>} : memref<2048x1xf32, #tpu.memory_space<vmem>>, vector<2048x1xf32>,
    return
  }
  func.func @transform_0(%arg0: i32) -> (i32, i32) {
    %c0_i32 = arith.constant 0 : i32
    %c0_i32_0 = arith.constant 0 : i32
    return %arg0, %c0_i32 : i32, i32
  }
  func.func @transform_1(%arg0: i32) -> (i32, i32) {
    %c0_i32 = arith.constant 0 : i32
    %c0_i32_0 = arith.constant 0 : i32
    %c0_i32_1 = arith.constant 0 : i32
    return %c0_i32, %c0_i32_0 : i32, i32
  }
  func.func @transform_2(%arg0: i32) -> (i32, i32) {
    %c0_i32 = arith.constant 0 : i32
    %c0_i32_0 = arith.constant 0 : i32
    %c0_i32_1 = arith.constant 0 : i32
    return %c0_i32, %c0_i32_0 : i32, i32
  }
  func.func @transform_3(%arg0: i32) -> (i32, i32) {
    %c0_i32 = arith.constant 0 : i32
    %c0_i32_0 = arith.constant 0 : i32
    %c0_i32_1 = arith.constant 0 : i32
    return %c0_i32, %c0_i32_0 : i32, i32
  }
  func.func @transform_4(%arg0: i32) -> (i32, i32) {
    %c0_i32 = arith.constant 0 : i32
    %c0_i32_0 = arith.constant 0 : i32
    %c0_i32_1 = arith.constant 0 : i32
    return %c0_i32, %c0_i32_0 : i32, i32
  }
  func.func @transform_5(%arg0: i32) -> (i32, i32) {
    %c0_i32 = arith.constant 0 : i32
    %c0_i32_0 = arith.constant 0 : i32
    return %arg0, %c0_i32 : i32, i32
  }
}

</mosaic_0001>

<sc_bundles>
// kernel: kernel.5.cloned.1.call-start
scs
__scs_entry_jumppad:
0x0: {  	(pc) =	sbr.rel $0x88, $3  }
0x1: {  	(tag) =	ssettag $0x0;
	lr =	simm.s32 $0x1  }
0x2: {  	[smem:$0x3F9B] =	sst lr;
	_ =	strace $0xD0000000  }
0x3: {  	_ = 	snop  }
0x4: {  	_ = 	snop  }
0x5: {  	_ = 	snop  }
0x6: {  	_ = 	snop  }
0x7: {  	_ = 	snop  }
__scs_overlays_trampoline_lowered:
0x8: {  	[smem:$0x3FAA] =	sst s0  }
0x9: {  	[smem:$0x3FAB] =	sst s1  }
0xa: {  	[smem:$0x3FAC] =	sst s2  }
0xb: {  	[smem:$0x3FAD] =	sst s3  }
0xc: {  	[smem:$0x3FAE] =	sst s4  }
0xd: {  	[smem:$0x3FAF] =	sst s5  }
0xe: {  	[smem:$0x3FB0] =	sst s6  }
0xf: {  	[smem:$0x3FB1] =	sst s7  }
0x10: {  	[smem:$0x3FB2] =	sst s8  }
0x11: {  	[smem:$0x3FB3] =	sst s9;
	s0 =	simm.s32 @!p0 $0x0  }
0x12: {  	s1 =	sld [smem:$0x3F99];
	s0 =	simm.s32 @p0 $0x1  }
0x13: {  	[smem:$0x3FB4] =	sst s0;
	s0 =	simm.s32 @!p1 $0x0  }
0x14: {  	s2 =	sld [smem:$0x3F98];
	s0 =	simm.s32 @p1 $0x1  }
0x15: {  	[smem:$0x3FB5] =	sst s0;
	s0 =	simm.s32 @!p2 $0x0  }
0x16: {  	s3 =	sld [smem:$0x3FDB];
	s0 =	simm.s32 @p2 $0x1  }
0x17: {  	s4 =	simm.s32 $0x1BF5;
	[smem:$0x3FB7] =	sst s0  }
0x18: {  	s0 =	sld [smem:$0x3F9A];
	_ =	swait.ge [sflag:s4], $0x0  }
0x19: {  	s7 =	sld [smem:$0x3F9B]  }
0x1a: {  	s8 =	sadd.s32 $0xFFFFE003, lr  }
0x1b: {  	s9 =	sadd.s32 $0xFFFFFEF7, lr;
	s5 =	simm.s32 $0xFFFFFFFF;
	p2 =	slt.u32 s8, $0xFFFFF086  }
0x1c: {  	p1 =	slt.u32 s9, $0xF7A;
	s5 =	simm.s32 @!p2 $0x0  }
0x1d: {  	s5 =	simm.s32 @p1 $0x1;
	p0 =	seq.s32 s7, s2  }
0x1e: {  	s7 =	smul.u32 @!p0 $0xF7A, s2;
	p2 =	seq.s32 @!p0 s5, $0x0  }
0x1f: {  	s9 =	smul.u32 $0xF7A, s1;
	s8 =	simm.s32 @!p0 $0x1BF5;
	p2 =	por !p2, p0  }
0x20: {  	[sflag:s8] =	ssyncset.s32 @!p0 $0xFFFFF086;
	s6 =	sadd.s32 @!p0 s3, s7;
	s7 =	simm.s32 @!p0 $0x108  }
0x21: {  	s3 =	sadd.s32 s3, s9;
	s6 =	sadd.s32 @!p0 $0x88, s6;
	s7 =	simm.s32 @p2 $0x1082  }
0x22: {  	[simem:s7], [sflag:s8] =	dma.local @!p0 [hbm:s6], $0xF7A  }
0x23: {  	s9 =	sor.u32 $0xD0000000, s2;
	s6 =	simm.s32 $0x108;
	_ =	swait.ge @!p0 [sflag:s8], $0x0  }
0x24: {  	s3 =	sadd.s32 $0x88, s3;
	s6 =	simm.s32 @!p1 $0x1082;
	[sflag:s4] =	ssyncset.s32 $0xFFFFF086  }
0x25: {  	[simem:s6], [sflag:s4] =	dma.local [hbm:s3], $0xF7A  }
0x26: {  	[smem:$0x3F9B] =	sst s1;
	(tag) =	ssettag s2;
	_ =	strace s9  }
0x27: {  	s1 =	sld [smem:$0x3FAB]  }
0x28: {  	s2 =	sld [smem:$0x3FAC]  }
0x29: {  	s4 =	sld [smem:$0x3FAE]  }
0x2a: {  	p0 =	seq.s32 s5, $0x0;
	s5 =	sld [smem:$0x3FAF]  }
0x2b: {  	s6 =	sld [smem:$0x3FB0]  }
0x2c: {  	s7 =	sld [smem:$0x3FB1]  }
0x2d: {  	s3 =	simm.s32 $0x108;
	s8 =	sld [smem:$0x3FB2]  }
0x2e: {  	s3 =	simm.s32 @!p0 $0x1082;
	s9 =	sld [smem:$0x3FB3]  }
0x2f: {  	lr =	sadd.s32 s0, s3;
	s0 =	sld [smem:$0x3FAA]  }
0x30: {  	s3 =	sld [smem:$0x3FAD]  }
0x31: {  	[smem:$0x3FB6] =	sst s10  }
0x32: {  	s10 =	sld [smem:$0x3FB4];
	_ =	sdelay $0x3  }
0x33: {  	p0 =	seq.s32 s10, $0x1;
	s10 =	sld [smem:$0x3FB6];
	_ =	sdelay $0x3  }
0x34: {  	[smem:$0x3FB6] =	sst s10  }
0x35: {  	s10 =	sld [smem:$0x3FB5];
	_ =	sdelay $0x3  }
0x36: {  	p1 =	seq.s32 s10, $0x1;
	s10 =	sld [smem:$0x3FB6];
	_ =	sdelay $0x3  }
0x37: {  	[smem:$0x3FB6] =	sst s10  }
0x38: {  	s10 =	sld [smem:$0x3FB7]  }
0x39: {  	_ = 	snop;
	(pc) =	sbr.ind lr, $3  }
0x3a: {  	_ = 	snop  }
0x3b: {  	_ = 	snop  }
0x3c: {  	p2 =	seq.s32 s10, $0x1;
	s10 =	sld [smem:$0x3FB6]  }
0x3d: {  	_ =	shalt  }
0x3e: {  	_ =	shalt  }
0x3f: {  	_ =	shalt  }
0x40: {  	_ =	shalt  }
0x41: {  	_ =	shalt  }
0x42: {  	_ =	shalt  }
0x43: {  	_ =	shalt  }
0x44: {  	_ =	shalt  }
0x45: {  	_ =	shalt  }
0x46: {  	_ =	shalt  }
0x47: {  	_ =	shalt  }
0x48: {  	_ =	shalt  }
0x49: {  	_ =	shalt  }
0x4a: {  	_ =	shalt  }
0x4b: {  	_ =	shalt  }
0x4c: {  	_ =	shalt  }
0x4d: {  	_ =	shalt  }
0x4e: {  	_ =	shalt  }
0x4f: {  	_ =	shalt  }
0x50: {  	_ =	shalt  }
0x51: {  	_ =	shalt  }
0x52: {  	_ =	shalt  }
0x53: {  	_ =	shalt  }
0x54: {  	_ =	shalt  }
0x55: {  	_ =	shalt  }
0x56: {  	_ =	shalt  }
0x57: {  	_ =	shalt  }
0x58: {  	_ =	shalt  }
0x59: {  	_ =	shalt  }
0x5a: {  	_ =	shalt  }
0x5b: {  	_ =	shalt  }
0x5c: {  	_ =	shalt  }
0x5d: {  	_ =	shalt  }
0x5e: {  	_ =	shalt  }
0x5f: {  	_ =	shalt  }
0x60: {  	_ =	shalt  }
0x61: {  	_ =	shalt  }
0x62: {  	_ =	shalt  }
0x63: {  	_ =	shalt  }
0x64: {  	_ =	shalt  }
0x65: {  	_ =	shalt  }
0x66: {  	_ =	shalt  }
0x67: {  	_ =	shalt  }
0x68: {  	_ =	shalt  }
0x69: {  	_ =	shalt  }
0x6a: {  	_ =	shalt  }
0x6b: {  	_ =	shalt  }
0x6c: {  	_ =	shalt  }
0x6d: {  	_ =	shalt  }
0x6e: {  	_ =	shalt  }
0x6f: {  	_ =	shalt  }
0x70: {  	_ =	shalt  }
0x71: {  	_ =	shalt  }
0x72: {  	_ =	shalt  }
0x73: {  	_ =	shalt  }
0x74: {  	_ =	shalt  }
0x75: {  	_ =	shalt  }
0x76: {  	_ =	shalt  }
0x77: {  	_ =	shalt  }
0x78: {  	_ =	shalt  }
0x79: {  	_ =	shalt  }
0x7a: {  	_ =	shalt  }
0x7b: {  	_ =	shalt  }
0x7c: {  	_ =	shalt  }
0x7d: {  	_ =	shalt  }
0x7e: {  	_ =	shalt  }
0x7f: {  	_ =	shalt  }
0x80: {  	_ =	shalt  }
0x81: {  	_ =	shalt  }
0x82: {  	_ =	shalt  }
0x83: {  	_ =	shalt  }
0x84: {  	_ =	shalt  }
0x85: {  	_ =	shalt  }
0x86: {  	_ =	shalt  }
0x87: {  	_ =	shalt  }
.Lfunc_end0:
.L_simem_size_0:
called_computation_lowered:
.L_overlay_start_0:
0x88: {  	s2 =	sld [smem:$0x3FD9]  }
0x89: {  	s3 =	sld [smem:$0x3FFE];
	_ =	sdelay $0x1  }
0x8a: {  	s1 =	srdreg.scid  }
0x8b: {  	s0 =	sand.u32 $0x1, s1  }
0x8c: {  	s17 =	sshll.u32 s0, $0xA;
	s2 =	sadd.s32 s3, s2  }
0x8d: {  	s2 =	sadd.s32 s2, s17  }
0x8e: {  	[smem:$0x3FC2] =	sst s2  }
0x8f: {  	_ = 	snop  }
0x90: {  	s2 =	sld [smem:$0x3FC8]  }
0x91: {  	s18 =	sld [smem:$0x3FD0];
	(tm) =	ssettm $0x1  }
0x92: {  	s4 =	sld [smem:$0x3FFB];
	_ =	sdelay $0x3  }
0x93: {  	_ =	strace s4  }
0x94: {  	s4 =	sld [smem:$0x3FFC];
	_ =	sdelay $0x3  }
0x95: {  	_ =	strace s4  }
0x96: {  	s4 =	sld [smem:$0x3FFD];
	_ =	sdelay $0x3  }
0x97: {  	_ =	strace s4  }
0x98: {  	_ =	strace $0x8FFFFFFF  }
0x99: {  	s19 =	sld [smem:$0x3FDB];
	_ =	sdelay $0x1  }
0x9a: {  	s5 =	simm.s32 $_scs_section_size  }
0x9b: {  	s6 =	simm.s32 $_size__tile_overlayer_lowered;
	s7 =	simm.s32 $_tile_overlayer_lowered  }
0x9c: {  	s22 =	simm.s32 $0x1BFF;
	s21 =	sshll.u32 s7, $0x1;
	s4 =	sadd.s32 s5, s19  }
0x9d: {  	s8 =	simm.s32 $0x0;
	s20 =	sshll.u32 s6, $0x1;
	s6 =	sadd.s32 s21, s4  }
0x9e: {  	[timem:s8], [sflag:s22] =	dma.local [hbm:s6], s20  }
0x9f: {  	_ =	swait.ge [sflag:s22], s20  }
0xa0: {  	s5 =	ssub.s32 $0x0, s20;
	[sflag:s22] =	ssyncset.done $0x0  }
0xa1: {  	[sflag:s22] =	ssyncadd.s32 s5;
	_ =	sdelay $0x1  }
0xa2: {  	s23 =	simm.s32 $0x1B8B  }
0xa3: {  	_ =	swait.ge [sflag:s23], $0x1  }
0xa4: {  	[sflag:s23] =	ssyncset.done $0x0  }
0xa5: {  	s25 =	simm.s32 $0x1B8E;
	s24 =	sld [smem:$0x3FFE];
	[sflag:s23] =	ssyncadd.s32 $0xFFFFFFFF  }
0xa6: {  	s26 =	simm.s32 $execute0_lowered;
	[smem:$0x3FD2] =	sst s25  }
0xa7: {  	s6 =	sshll.u32 s26, $0x1;
	_ =	strace $0x80000046;
	[dreg:$0x1] =	wrdreg $0xFFFFFFFF  }
0xa8: {  	s28 =	simm.s32 $_size_execute0_lowered;
	s4 =	sadd.s32 s4, s6;
	[dreg:$0x0] =	wrdreg $0x0  }
0xa9: {  	s6 =	sshll.u32 s28, $0x1;
	[dreg:$0x2] =	wrdreg s4  }
0xaa: {  	[dreg:$0x3] =	wrdreg s6  }
0xab: {  	[dreg:$0x4] =	wrdreg $0xC0  }
0xac: {  	_ =	task [dreg:s8], $0x5FFFF  }
0xad: {  	[dreg:$0x1] =	wrdreg $0xFFFFFFFF  }
0xae: {  	[dreg:$0x0] =	wrdreg $0x60  }
0xaf: {  	[dreg:$0x2] =	wrdreg s2  }
0xb0: {  	[dreg:$0x3] =	wrdreg s18  }
0xb1: {  	[dreg:$0x4] =	wrdreg s24  }
0xb2: {  	[dreg:$0x5] =	wrdreg $0x9  }
0xb3: {  	_ =	task.clear_ibuf [dreg:s8], $0x6FFFF;
	_ =	strace $0x90000046  }
0xb4: {  	s29 =	simm.s32 $0x9;
	_ =	strace $0x80000048  }
0xb5: {  	_ =	swait.ge [sflag:s29], $0x1  }
0xb6: {  	[sflag:s29] =	ssyncadd.s32 $0xFFFFFFFF  }
0xb7: {  	_ =	strace $0x90000048  }
0xb8: {  	_ =	sfence  }
0xb9: {  	s30 =	sld [smem:$0x0];
	_ =	sdelay $0x2  }
0xba: {  	s31 =	sshll.u32 s1, $0xD;
	s1 =	sshrl.u32 s1, $0x2  }
0xbb: {  	s3 =	sand.u32 $0x4000, s31;
	s1 =	sadd.s32 s1, s30  }
0xbc: {  	s0 =	sor.u32 s3, s0;
	s1 =	sshll.u32 s1, $0x11  }
0xbd: {  	s0 =	sor.u32 s1, s0  }
0xbe: {  	s0 =	sadd.s32 $0x8F2B, s0  }
0xbf: {  	[sflag:s0] =	ssyncadd.remote.s32 $0x1  }
0xc0: {  	_ =	sfence.sel $0xFFFF  }
0xc1: {  	[dreg:$0x0] =	wrdreg $0xFFFFFFFF;
	(pc) =	sbr.abs _section_cstart, $3  }
0xc2: {  	[dreg:$0x1] =	wrdreg $0xFFFFFFFF  }
0xc3: {  	_ =	task.clear_ibuf [dreg:s8], $0x2FFFF;
	_ =	strace $0x9FFFFFFF  }
0xc4: {  	(tm) =	ssettm $0x7FFFFFFF  }
0xc5: {  	_ =	shalt  }
tec
execute0_lowered:
.L_overlay_start_1:
0x0: {  	(tag) =	ssettag $0x1  }
0x1: {  	v0 =	vlaneseq.u32  }
0x2: {  	v1 =	vand.u32 $0x7, v0  }
0x3: {  	v25 =	vor.u32 $0x20, v0;
	v26 =	vor.u32 $0x40, v0;
	v27 =	vor.u32 $0x60, v0  }
0x4: {  	v28 =	vor.u32 $0x10, v0;
	v24 =	vmul.u32 $0x10, v1;
	v1 =	vmul.u32 $0x10, v0  }
0x5: {  	v30 =	vor.u32 $0x30, v0;
	v32 =	vor.u32 $0x50, v0;
	v34 =	vor.u32 $0x70, v0  }
0x6: {  	v2 =	vor.u32 $0xFFFFFC80, v24;
	v3 =	vor.u32 $0x1, v1;
	v4 =	vor.u32 $0x2, v1  }
0x7: {  	v5 =	vor.u32 $0x3, v1;
	v6 =	vor.u32 $0x4, v1;
	v7 =	vor.u32 $0x5, v1  }
0x8: {  	v8 =	vor.u32 $0x6, v1;
	v9 =	vor.u32 $0x7, v1;
	v10 =	vor.u32 $0xFFFFFD80, v24  }
0x9: {  	s0 =	rddreg [dreg:$0x0];
	v11 =	vor.u32 $0xFFFFFE80, v24;
	v12 =	vor.u32 $0xFFFFFF80, v24;
	v13 =	vor.u32 $0x8, v1  }
0xa: {  	s1 =	srdreg.scid;
	s2 =	rddreg [dreg:$0x2];
	v14 =	vor.u32 $0xFFFFFC88, v24;
	v15 =	vor.u32 $0x9, v1;
	v16 =	vor.u32 $0xA, v1  }
0xb: {  	s3 =	simm.s32 $0x0;
	s6 =	stileid.u32;
	s9 =	simm.s32 $0x6800;
	v17 =	vor.u32 $0xB, v1;
	v18 =	vor.u32 $0xC, v1;
	v19 =	vor.u32 $0xD, v1  }
0xc: {  	s10 =	simm.s32 $0x1;
	s11 =	simm.s32 $0xD000;
	s12 =	simm.s32 $0x3;
	v20 =	vor.u32 $0xE, v1;
	v21 =	vor.u32 $0xF, v1;
	v22 =	vor.u32 $0xFFFFFD88, v24  }
0xd: {  	s13 =	simm.s32 $0x2;
	s14 =	simm.s32 $0x1A000;
	s1 =	sand.u32 $0x1, s1;
	v23 =	vor.u32 $0xFFFFFE88, v24;
	v24 =	vor.u32 $0xFFFFFF88, v24;
	v29 =	vor.u32 $0x100, v1  }
.Ltmp0:
0xe: {  	[smem:$0x7FF] =	sst s3;
	s4 =	ssub.s32 $0x2, s1;
	v31 =	vor.u32 $0x101, v1;
	v33 =	vor.u32 $0x102, v1;
	v35 =	vor.u32 $0x103, v1;
	(pc) =	sbr.rel .LBB2_1-.Ltmp0, $4  }
0xf: {  	s6 =	sshll.u32 s6, $0x1;
	s31 =	sadd.s32 $0x31D00, s2;
	s5 =	sshrl.u32 s4, $0x1;
	v36 =	vor.u32 $0x104, v1;
	v37 =	vor.u32 $0x105, v1;
	v38 =	vor.u32 $0x106, v1  }
0x10: {  	_ =	strace $0x80000047;
	s6 =	sor.u32 s1, s6;
	s4 =	ssub.s32 s4, s5;
	v39 =	vor.u32 $0x107, v1;
	v40 =	vor.u32 $0x108, v1;
	v41 =	vor.u32 $0x109, v1  }
0x11: {  	[dreg:$0x5] =	wrdreg s31;
	p0 =	sne.s32 s6, $0x1F;
	v42 =	vor.u32 $0x10A, v1;
	v43 =	vor.u32 $0x10B, v1;
	v44 =	vor.u32 $0x10C, v1;
	s30 =	smax.u32 s4, $0x1  }
0x12: {  	s5 =	sadd.s32 $0x1000, s2;
	v45 =	vor.u32 $0x10D, v1;
	v46 =	vor.u32 $0x10E, v1;
	v47 =	vor.u32 $0x10F, v1;
	s2 =	simm.s32 $0x0;
	[dreg:$0x4] =	wrdreg s30  }
.LBB2_21:
0x13: {  	s2 =	sadd.s32 $0x1, s2;
	s1 =	rddreg [dreg:$0x4]  }
0x14: {  	p1 =	sne.s32 s2, s1  }
.Ltmp1:
0x15: {  	_ = 	snop;
	(pc) =	sbr.rel @!p1 .LBB2_22-.Ltmp1, $1  }
0x16: {  	_ =	sdelay $0x3  }
.LBB2_1:
.Ltmp2:
0x17: {  	(pc) =	sbr.rel .LBB2_2-.Ltmp2, $2  }
0x18: {  	_ =	sdelay $0x2  }
0x19: {  	[dreg:$0x6] =	wrdreg s2;
	s16 =	simm.s32 $0x0  }
.LBB2_16:
0x1a: {  	s16 =	sadd.s32 $0x1, s16  }
0x1b: {  	p1 =	sne.s32 s16, $0x1A  }
.Ltmp3:
0x1c: {  	_ = 	snop;
	(pc) =	sbr.rel @!p1 .LBB2_17-.Ltmp3, $1  }
0x1d: {  	_ =	sdelay $0x3  }
.LBB2_2:
.Ltmp4:
0x1e: {  	(pc) =	sbr.rel .LBB2_3-.Ltmp4, $4  }
0x1f: {  	s1 =	smul.u32 $0x30D40, s16  }
0x20: {  	s17 =	smul.u32 $0x187000, s16  }
0x21: {  	s18 =	smul.u32 $0x1F, s16  }
0x22: {  	s21 =	simm.s32 $0x0;
	s19 =	sadd.s32 $0xC3800, s17;
	s20 =	sadd.s32 s5, s1  }
.LBB2_8:
0x23: {  	_ =	sdelay $0x1  }
0x24: {  	s1 =	smul.u32 $0x1A00, s21;
	_ =	sdelay $0x1  }
0x25: {  	[tilespmem:v49+s11+$0x0] =	vst.idx.msk $0xffff, v48;
	s1 =	sadd.s32 s20, s1  }
0x26: {  	[hbm4b:s1+s3] =	stream.linear.scatter [tilespmem:s11], [sflag:$0x3], $0xD000, $0x38;
	[tilespmem:$0x1D400] =	vst v63  }
0x27: {  	_ =	swait.ge [sflag:s12], $0xD000  }
0x28: {  	[sflag:s12] =	ssyncset.done $0x0  }
0x29: {  	[sflag:s12] =	ssyncadd.s32 $0xFFFF3000  }
.LBB2_9:
0x2a: {  	s21 =	sadd.s32 $0x1, s21  }
0x2b: {  	p1 =	sne.s32 s21, $0x1E  }
.Ltmp5:
0x2c: {  	_ = 	snop;
	(pc) =	sbr.rel @!p1 .LBB2_10-.Ltmp5, $1  }
0x2d: {  	_ =	sdelay $0x3  }
.LBB2_3:
0x2e: {  	s1 =	sadd.s32 s18, s21  }
0x2f: {  	s1 =	sand.u32 $0x1F, s1  }
0x30: {  	p1 =	sne.s32 s1, s6  }
.Ltmp6:
0x31: {  	_ = 	snop;
	(pc) =	sbr.rel @p1 .LBB2_9-.Ltmp6, $1  }
0x32: {  	_ =	sdelay $0x3  }
0x33: {  	s1 =	smul.u32 $0x6800, s21;
	_ =	sdelay $0x1  }
0x34: {  	s2 =	sadd.s32 s17, s1  }
0x35: {  	s1 =	sadd.s32 s19, s1;
	s2 =	sshrl.u32 s2, $0x3  }
0x36: {  	s22 =	simm.s32 $0x0;
	s1 =	sshrl.u32 s1, $0x3;
	s2 =	sadd.s32 s0, s2  }
0x37: {  	[tilespmem:s22], [sflag:$0x1] =	stream.linear.gather [hbm4b:s2+s22], $0x6800, $0x38;
	[tilespmem:$0x1D400] =	vst v63  }
0x38: {  	s1 =	sadd.s32 s0, s1  }
0x39: {  	[tilespmem:s9], [sflag:$0x1] =	stream.linear.gather [hbm4b:s1+s22], $0x6800, $0x38;
	[tilespmem:$0x1D400] =	vst v63  }
0x3a: {  	s29 =	simm.s32 $0x0;
	s30 =	simm.s32 $0x0;
	_ =	swait.ge [sflag:s10], $0x6800  }
0x3b: {  	s4 =	sand.u32 $0x40, s29;
	s1 =	sand.u32 $0x7C00, s22;
	[sflag:s10] =	ssyncset.done $0x0  }
0x3c: {  	v48 =	vor.u32 s30, v1;
	s4 =	sor.u32 s4, s1;
	[sflag:s10] =	ssyncadd.s32 $0xFFFF9800  }
0x3d: {  	v48 =	vand.u32 v2, v48;
	v49 =	vld [tilespmem:s4+$0x0];
	_ =	sdelay $0x4  }
0x3e: {  	[tilespmem:v48+s11+$0x0] =	vst.idx.msk $0xffff, v49  }
0x3f: {  	v58 =	vor.u32 s30, v3;
	v48 =	vld [tilespmem:s4+$0x80];
	_ =	sdelay $0x4  }
0x40: {  	[tilespmem:v58+s11+$0x0] =	vst.idx.msk $0xffff, v48  }
0x41: {  	v59 =	vor.u32 s30, v4;
	v48 =	vld [tilespmem:s4+$0x100];
	_ =	sdelay $0x4  }
0x42: {  	[tilespmem:v59+s11+$0x0] =	vst.idx.msk $0xffff, v48  }
0x43: {  	v60 =	vor.u32 s30, v5;
	v48 =	vld [tilespmem:s4+$0x180]  }
0x44: {  	p1 =	por $0x0, $0x0;
	s4 =	simm.s32 $0x1  }
0x45: {  	s4 =	simm.s32 @!p1 $0x0  }
0x46: {  	s4 =	sshll.u32 s4, $0x6  }
0x47: {  	s4 =	sadd.s32 $0x0, s4  }
0x48: {  	s7 =	sor.u32 $0x200, s4;
	[tilespmem:v60+s11+$0x0] =	vst.idx.msk $0xffff, v48  }
0x49: {  	v61 =	vor.u32 s30, v6;
	v48 =	vld [tilespmem:s7+$0x0];
	_ =	sdelay $0x4  }
0x4a: {  	s31 =	sor.u32 $0x280, s4;
	[tilespmem:v61+s11+$0x0] =	vst.idx.msk $0xffff, v48  }
0x4b: {  	v62 =	vor.u32 s30, v7;
	v48 =	vld [tilespmem:s31+$0x0];
	_ =	sdelay $0x4  }
0x4c: {  	s8 =	sor.u32 $0x300, s4;
	[tilespmem:v62+s11+$0x0] =	vst.idx.msk $0xffff, v48  }
0x4d: {  	v63 =	vor.u32 s30, v8;
	v48 =	vld [tilespmem:s8+$0x0];
	_ =	sdelay $0x4  }
0x4e: {  	s4 =	sor.u32 $0x380, s4;
	[tilespmem:v63+s11+$0x0] =	vst.idx.msk $0xffff, v48  }
0x4f: {  	v52 =	vor.u32 s30, v9;
	v48 =	vld [tilespmem:s4+$0x0];
	_ =	sdelay $0x2  }
0x50: {  	s15 =	simm.s32 $0x10  }
0x51: {  	s23 =	simm.s32 $0x100;
	s2 =	sand.u32 $0x50, s15  }
0x52: {  	v53 =	vor.u32 s23, v1;
	s2 =	sor.u32 s2, s1;
	[tilespmem:v52+s11+$0x0] =	vst.idx.msk $0xffff, v48  }
0x53: {  	v48 =	vand.u32 v10, v53;
	v49 =	vld [tilespmem:s2+$0x0];
	_ =	sdelay $0x4  }
0x54: {  	[tilespmem:v48+s11+$0x0] =	vst.idx.msk $0xffff, v49  }
0x55: {  	v54 =	vor.u32 s23, v3;
	v48 =	vld [tilespmem:s2+$0x80];
	_ =	sdelay $0x4  }
0x56: {  	[tilespmem:v54+s11+$0x0] =	vst.idx.msk $0xffff, v48  }
0x57: {  	v55 =	vor.u32 s23, v4;
	v48 =	vld [tilespmem:s2+$0x100];
	_ =	sdelay $0x4  }
0x58: {  	[tilespmem:v55+s11+$0x0] =	vst.idx.msk $0xffff, v48  }
0x59: {  	v56 =	vor.u32 s23, v5;
	v48 =	vld [tilespmem:s2+$0x180]  }
0x5a: {  	s24 =	sand.u32 $0x7, s22  }
0x5b: {  	s2 =	sshll.u32 s24, $0x4  }
0x5c: {  	s2 =	sadd.s32 $0x0, s2  }
0x5d: {  	s25 =	sadd.s32 $0x10, s2  }
0x5e: {  	s8 =	sor.u32 $0x200, s25;
	[tilespmem:v56+s11+$0x0] =	vst.idx.msk $0xffff, v48  }
0x5f: {  	v57 =	vor.u32 s23, v6;
	v48 =	vld [tilespmem:s8+$0x0];
	_ =	sdelay $0x4  }
0x60: {  	s26 =	sor.u32 $0x280, s25;
	[tilespmem:v57+s11+$0x0] =	vst.idx.msk $0xffff, v48  }
0x61: {  	v58 =	vor.u32 s23, v7;
	v48 =	vld [tilespmem:s26+$0x0];
	_ =	sdelay $0x4  }
0x62: {  	s29 =	sor.u32 $0x300, s25;
	[tilespmem:v58+s11+$0x0] =	vst.idx.msk $0xffff, v48  }
0x63: {  	v59 =	vor.u32 s23, v8;
	v48 =	vld [tilespmem:s29+$0x0];
	_ =	sdelay $0x4  }
0x64: {  	s7 =	sor.u32 $0x380, s25;
	[tilespmem:v59+s11+$0x0] =	vst.idx.msk $0xffff, v48  }
0x65: {  	v60 =	vor.u32 s23, v9;
	v48 =	vld [tilespmem:s7+$0x0];
	_ =	sdelay $0x2  }
0x66: {  	s30 =	simm.s32 $0x20  }
0x67: {  	s31 =	simm.s32 $0x200;
	s4 =	sand.u32 $0x60, s30  }
0x68: {  	v61 =	vor.u32 s31, v1;
	s4 =	sor.u32 s4, s1;
	[tilespmem:v60+s11+$0x0] =	vst.idx.msk $0xffff, v48  }
0x69: {  	v48 =	vand.u32 v11, v61;
	v49 =	vld [tilespmem:s4+$0x0];
	_ =	sdelay $0x4  }
0x6a: {  	[tilespmem:v48+s11+$0x0] =	vst.idx.msk $0xffff, v49  }
0x6b: {  	v62 =	vor.u32 s31, v3;
	v48 =	vld [tilespmem:s4+$0x80];
	_ =	sdelay $0x4  }
0x6c: {  	[tilespmem:v62+s11+$0x0] =	vst.idx.msk $0xffff, v48  }
0x6d: {  	v63 =	vor.u32 s31, v4;
	v48 =	vld [tilespmem:s4+$0x100];
	_ =	sdelay $0x4  }
0x6e: {  	[tilespmem:v63+s11+$0x0] =	vst.idx.msk $0xffff, v48  }
0x6f: {  	v52 =	vor.u32 s31, v5;
	v48 =	vld [tilespmem:s4+$0x180]  }
0x70: {  	s8 =	sand.u32 $0x3, s22  }
0x71: {  	s4 =	sshll.u32 s8, $0x5  }
0x72: {  	s4 =	sadd.s32 $0x0, s4  }
0x73: {  	s4 =	sadd.s32 $0x20, s4  }
0x74: {  	s15 =	sor.u32 $0x200, s4;
	[tilespmem:v52+s11+$0x0] =	vst.idx.msk $0xffff, v48  }
0x75: {  	v53 =	vor.u32 s31, v6;
	v48 =	vld [tilespmem:s15+$0x0];
	_ =	sdelay $0x4  }
0x76: {  	s23 =	sor.u32 $0x280, s4;
	[tilespmem:v53+s11+$0x0] =	vst.idx.msk $0xffff, v48  }
0x77: {  	v54 =	vor.u32 s31, v7;
	v48 =	vld [tilespmem:s23+$0x0];
	_ =	sdelay $0x4  }
0x78: {  	s24 =	sor.u32 $0x300, s4;
	[tilespmem:v54+s11+$0x0] =	vst.idx.msk $0xffff, v48  }
0x79: {  	v55 =	vor.u32 s31, v8;
	v48 =	vld [tilespmem:s24+$0x0];
	_ =	sdelay $0x4  }
0x7a: {  	s4 =	sor.u32 $0x380, s4;
	[tilespmem:v55+s11+$0x0] =	vst.idx.msk $0xffff, v48  }
0x7b: {  	v56 =	vor.u32 s31, v9;
	v48 =	vld [tilespmem:s4+$0x0];
	_ =	sdelay $0x2  }
0x7c: {  	s25 =	simm.s32 $0x30  }
0x7d: {  	s26 =	simm.s32 $0x300;
	s4 =	sand.u32 $0x70, s25  }
0x7e: {  	v57 =	vor.u32 s26, v1;
	s1 =	sor.u32 s4, s1;
	[tilespmem:v56+s11+$0x0] =	vst.idx.msk $0xffff, v48  }
0x7f: {  	v48 =	vand.u32 v12, v57;
	v49 =	vld [tilespmem:s1+$0x0];
	_ =	sdelay $0x4  }
0x80: {  	[tilespmem:v48+s11+$0x0] =	vst.idx.msk $0xffff, v49  }
0x81: {  	v58 =	vor.u32 s26, v3;
	v48 =	vld [tilespmem:s1+$0x80];
	_ =	sdelay $0x4  }
0x82: {  	[tilespmem:v58+s11+$0x0] =	vst.idx.msk $0xffff, v48  }
0x83: {  	v59 =	vor.u32 s26, v4;
	v48 =	vld [tilespmem:s1+$0x100];
	_ =	sdelay $0x4  }
0x84: {  	[tilespmem:v59+s11+$0x0] =	vst.idx.msk $0xffff, v48  }
0x85: {  	v60 =	vor.u32 s26, v5;
	v48 =	vld [tilespmem:s1+$0x180];
	_ =	sdelay $0x3  }
0x86: {  	s29 =	sadd.s32 $0x30, s2  }
0x87: {  	s2 =	sor.u32 $0x200, s29;
	[tilespmem:v60+s11+$0x0] =	vst.idx.msk $0xffff, v48  }
0x88: {  	v61 =	vor.u32 s26, v6;
	v48 =	vld [tilespmem:s2+$0x0];
	_ =	sdelay $0x4  }
0x89: {  	s30 =	sor.u32 $0x280, s29;
	[tilespmem:v61+s11+$0x0] =	vst.idx.msk $0xffff, v48  }
0x8a: {  	v62 =	vor.u32 s26, v7;
	v48 =	vld [tilespmem:s30+$0x0];
	_ =	sdelay $0x4  }
0x8b: {  	s31 =	sor.u32 $0x300, s29;
	[tilespmem:v62+s11+$0x0] =	vst.idx.msk $0xffff, v48  }
0x8c: {  	v63 =	vor.u32 s26, v8;
	v48 =	vld [tilespmem:s31+$0x0];
	_ =	sdelay $0x4  }
0x8d: {  	s1 =	sor.u32 $0x380, s29;
	[tilespmem:v63+s11+$0x0] =	vst.idx.msk $0xffff, v48  }
0x8e: {  	v49 =	vor.u32 s26, v9;
	v48 =	vld [tilespmem:s1+$0x0]  }
0x8f: {  	s28 =	simm.s32 $0x0;
	s23 =	simm.s32 $0x0  }
0x90: {  	s24 =	simm.s32 $0x70;
	s25 =	simm.s32 $0x700;
	s26 =	simm.s32 $0x200  }
.LBB2_5:
0x91: {  	s1 =	sadd.s32 $0xFFFFFD00, s25;
	s2 =	sadd.s32 $0xFFFFFFD0, s24;
	s23 =	sadd.s32 $0x4, s23  }
0x92: {  	s29 =	sand.u32 $0x7C00, s26;
	s2 =	sand.u32 $0x40, s2;
	p2 =	slt.u32 s23, $0xCC  }
0x93: {  	v50 =	vor.u32 s1, v1;
	s2 =	sor.u32 s2, s29;
	[tilespmem:v49+s11+$0x0] =	vst.idx.msk $0xffff, v48  }
0x94: {  	v49 =	vand.u32 v2, v50;
	v48 =	vld [tilespmem:s2+$0x0];
	_ =	sdelay $0x4  }
0x95: {  	[tilespmem:v49+s11+$0x0] =	vst.idx.msk $0xffff, v48  }
0x96: {  	v49 =	vor.u32 s1, v3;
	v48 =	vld [tilespmem:s2+$0x80];
	_ =	sdelay $0x4  }
0x97: {  	[tilespmem:v49+s11+$0x0] =	vst.idx.msk $0xffff, v48  }
0x98: {  	v49 =	vor.u32 s1, v4;
	v48 =	vld [tilespmem:s2+$0x100];
	_ =	sdelay $0x4  }
0x99: {  	[tilespmem:v49+s11+$0x0] =	vst.idx.msk $0xffff, v48  }
0x9a: {  	v49 =	vor.u32 s1, v5;
	v48 =	vld [tilespmem:s2+$0x180]  }
0x9b: {  	p1 =	por !p1, !p1;
	s2 =	simm.s32 $0x1  }
0x9c: {  	s2 =	simm.s32 @!p1 $0x0  }
0x9d: {  	s2 =	sshll.u32 s2, $0x6  }
0x9e: {  	s2 =	sadd.s32 s2, s26  }
0x9f: {  	s4 =	sor.u32 $0x200, s2;
	[tilespmem:v49+s11+$0x0] =	vst.idx.msk $0xffff, v48  }
0xa0: {  	v49 =	vor.u32 s1, v6;
	v48 =	vld [tilespmem:s4+$0x0];
	_ =	sdelay $0x4  }
0xa1: {  	s4 =	sor.u32 $0x280, s2;
	[tilespmem:v49+s11+$0x0] =	vst.idx.msk $0xffff, v48  }
0xa2: {  	v49 =	vor.u32 s1, v7;
	v48 =	vld [tilespmem:s4+$0x0];
	_ =	sdelay $0x4  }
0xa3: {  	s4 =	sor.u32 $0x300, s2;
	[tilespmem:v49+s11+$0x0] =	vst.idx.msk $0xffff, v48  }
0xa4: {  	v49 =	vor.u32 s1, v8;
	v48 =	vld [tilespmem:s4+$0x0];
	_ =	sdelay $0x4  }
0xa5: {  	s2 =	sor.u32 $0x380, s2;
	[tilespmem:v49+s11+$0x0] =	vst.idx.msk $0xffff, v48  }
0xa6: {  	v49 =	vor.u32 s1, v9;
	v48 =	vld [tilespmem:s2+$0x0];
	_ =	sdelay $0x2  }
0xa7: {  	s1 =	sadd.s32 $0xFFFFFFE0, s24  }
0xa8: {  	s2 =	sadd.s32 $0xFFFFFE00, s25;
	s1 =	sand.u32 $0x50, s1  }
0xa9: {  	s1 =	sor.u32 s1, s29;
	[tilespmem:v49+s11+$0x0] =	vst.idx.msk $0xffff, v48;
	v48 =	vor.u32 s2, v1  }
0xaa: {  	v49 =	vld [tilespmem:s1+$0x0];
	v48 =	vand.u32 v10, v48;
	_ =	sdelay $0x4  }
0xab: {  	[tilespmem:v48+s11+$0x0] =	vst.idx.msk $0xffff, v49  }
0xac: {  	v49 =	vor.u32 s2, v3;
	v48 =	vld [tilespmem:s1+$0x80];
	_ =	sdelay $0x4  }
0xad: {  	[tilespmem:v49+s11+$0x0] =	vst.idx.msk $0xffff, v48  }
0xae: {  	v49 =	vor.u32 s2, v4;
	v48 =	vld [tilespmem:s1+$0x100];
	_ =	sdelay $0x4  }
0xaf: {  	[tilespmem:v49+s11+$0x0] =	vst.idx.msk $0xffff, v48  }
0xb0: {  	s22 =	sadd.s32 $0x4, s22;
	v49 =	vor.u32 s2, v5;
	v48 =	vld [tilespmem:s1+$0x180]  }
0xb1: {  	s1 =	sand.u32 $0x7, s22  }
0xb2: {  	s1 =	sshll.u32 s1, $0x4  }
0xb3: {  	s1 =	sadd.s32 s26, s1  }
0xb4: {  	s4 =	sadd.s32 $0x10, s1  }
0xb5: {  	s7 =	sor.u32 $0x200, s4;
	[tilespmem:v49+s11+$0x0] =	vst.idx.msk $0xffff, v48  }
0xb6: {  	v49 =	vor.u32 s2, v6;
	v48 =	vld [tilespmem:s7+$0x0];
	_ =	sdelay $0x4  }
0xb7: {  	s7 =	sor.u32 $0x280, s4;
	[tilespmem:v49+s11+$0x0] =	vst.idx.msk $0xffff, v48  }
0xb8: {  	v49 =	vor.u32 s2, v7;
	v48 =	vld [tilespmem:s7+$0x0];
	_ =	sdelay $0x4  }
0xb9: {  	s7 =	sor.u32 $0x300, s4;
	[tilespmem:v49+s11+$0x0] =	vst.idx.msk $0xffff, v48  }
0xba: {  	v49 =	vor.u32 s2, v8;
	v48 =	vld [tilespmem:s7+$0x0];
	_ =	sdelay $0x4  }
0xbb: {  	s4 =	sor.u32 $0x380, s4;
	[tilespmem:v49+s11+$0x0] =	vst.idx.msk $0xffff, v48  }
0xbc: {  	v49 =	vor.u32 s2, v9;
	v48 =	vld [tilespmem:s4+$0x0];
	_ =	sdelay $0x2  }
0xbd: {  	s4 =	sadd.s32 $0xFFFFFFF0, s24  }
0xbe: {  	s2 =	sadd.s32 $0xFFFFFF00, s25;
	s4 =	sand.u32 $0x60, s4  }
0xbf: {  	s4 =	sor.u32 s4, s29;
	[tilespmem:v49+s11+$0x0] =	vst.idx.msk $0xffff, v48;
	v48 =	vor.u32 s2, v1  }
0xc0: {  	v49 =	vld [tilespmem:s4+$0x0];
	v48 =	vand.u32 v11, v48;
	_ =	sdelay $0x4  }
0xc1: {  	[tilespmem:v48+s11+$0x0] =	vst.idx.msk $0xffff, v49  }
0xc2: {  	v49 =	vor.u32 s2, v3;
	v48 =	vld [tilespmem:s4+$0x80];
	_ =	sdelay $0x4  }
0xc3: {  	[tilespmem:v49+s11+$0x0] =	vst.idx.msk $0xffff, v48  }
0xc4: {  	v49 =	vor.u32 s2, v4;
	v48 =	vld [tilespmem:s4+$0x100];
	_ =	sdelay $0x4  }
0xc5: {  	[tilespmem:v49+s11+$0x0] =	vst.idx.msk $0xffff, v48  }
0xc6: {  	s28 =	sadd.s32 $0x2, s28;
	v49 =	vor.u32 s2, v5;
	v48 =	vld [tilespmem:s4+$0x180]  }
0xc7: {  	s4 =	sand.u32 $0x3, s28  }
0xc8: {  	s4 =	sshll.u32 s4, $0x5  }
0xc9: {  	s4 =	sadd.s32 s26, s4  }
0xca: {  	s4 =	sadd.s32 $0x20, s4  }
0xcb: {  	s7 =	sor.u32 $0x200, s4;
	[tilespmem:v49+s11+$0x0] =	vst.idx.msk $0xffff, v48  }
0xcc: {  	v49 =	vor.u32 s2, v6;
	v48 =	vld [tilespmem:s7+$0x0];
	_ =	sdelay $0x4  }
0xcd: {  	s7 =	sor.u32 $0x280, s4;
	[tilespmem:v49+s11+$0x0] =	vst.idx.msk $0xffff, v48  }
0xce: {  	v49 =	vor.u32 s2, v7;
	v48 =	vld [tilespmem:s7+$0x0];
	_ =	sdelay $0x4  }
0xcf: {  	s7 =	sor.u32 $0x300, s4;
	[tilespmem:v49+s11+$0x0] =	vst.idx.msk $0xffff, v48  }
0xd0: {  	v49 =	vor.u32 s2, v8;
	v48 =	vld [tilespmem:s7+$0x0];
	_ =	sdelay $0x4  }
0xd1: {  	s4 =	sor.u32 $0x380, s4;
	[tilespmem:v49+s11+$0x0] =	vst.idx.msk $0xffff, v48  }
0xd2: {  	v49 =	vor.u32 s2, v9;
	v48 =	vld [tilespmem:s4+$0x0];
	_ =	sdelay $0x3  }
0xd3: {  	s2 =	sand.u32 $0x70, s24  }
0xd4: {  	s2 =	sor.u32 s2, s29;
	[tilespmem:v49+s11+$0x0] =	vst.idx.msk $0xffff, v48;
	v48 =	vor.u32 s25, v1  }
0xd5: {  	v49 =	vld [tilespmem:s2+$0x0];
	v48 =	vand.u32 v12, v48;
	_ =	sdelay $0x4  }
0xd6: {  	[tilespmem:v48+s11+$0x0] =	vst.idx.msk $0xffff, v49  }
0xd7: {  	v49 =	vor.u32 s25, v3;
	v48 =	vld [tilespmem:s2+$0x80];
	_ =	sdelay $0x4  }
0xd8: {  	[tilespmem:v49+s11+$0x0] =	vst.idx.msk $0xffff, v48  }
0xd9: {  	v49 =	vor.u32 s25, v4;
	v48 =	vld [tilespmem:s2+$0x100];
	_ =	sdelay $0x4  }
0xda: {  	[tilespmem:v49+s11+$0x0] =	vst.idx.msk $0xffff, v48  }
0xdb: {  	v49 =	vor.u32 s25, v5;
	v48 =	vld [tilespmem:s2+$0x180];
	_ =	sdelay $0x3  }
0xdc: {  	s1 =	sadd.s32 $0x30, s1  }
0xdd: {  	s2 =	sor.u32 $0x200, s1;
	[tilespmem:v49+s11+$0x0] =	vst.idx.msk $0xffff, v48  }
0xde: {  	v49 =	vor.u32 s25, v6;
	v48 =	vld [tilespmem:s2+$0x0];
	_ =	sdelay $0x4  }
0xdf: {  	s2 =	sor.u32 $0x280, s1;
	[tilespmem:v49+s11+$0x0] =	vst.idx.msk $0xffff, v48  }
0xe0: {  	v49 =	vor.u32 s25, v7;
	v48 =	vld [tilespmem:s2+$0x0];
	_ =	sdelay $0x4  }
0xe1: {  	s2 =	sor.u32 $0x300, s1;
	[tilespmem:v49+s11+$0x0] =	vst.idx.msk $0xffff, v48  }
0xe2: {  	v49 =	vor.u32 s25, v8;
	v48 =	vld [tilespmem:s2+$0x0];
	_ =	sdelay $0x3  }
.Ltmp7:
0xe3: {  	(pc) =	sbr.rel @p2 .LBB2_5-.Ltmp7, $3  }
0xe4: {  	s1 =	sor.u32 $0x380, s1;
	[tilespmem:v49+s11+$0x0] =	vst.idx.msk $0xffff, v48  }
0xe5: {  	v49 =	vor.u32 s25, v9;
	v48 =	vld [tilespmem:s1+$0x0];
	_ =	sdelay $0x1  }
0xe6: {  	s26 =	sadd.s32 $0x200, s26;
	s24 =	sadd.s32 $0x40, s24;
	s25 =	sadd.s32 $0x400, s25  }
0xe7: {  	_ =	sdelay $0x3  }
0xe8: {  	s22 =	simm.s32 $0x0;
	s1 =	simm.s32 $0x0;
	[tilespmem:v49+s11+$0x0] =	vst.idx.msk $0xffff, v48  }
0xe9: {  	s8 =	simm.s32 $0x0;
	s7 =	sand.u32 $0x7C00, s22;
	_ =	swait.ge [sflag:s10], $0x6800  }
0xea: {  	s23 =	sand.u32 $0x40, s1;
	s1 =	sadd.s32 $0x6800, s7;
	[sflag:s10] =	ssyncset.done $0x0  }
0xeb: {  	v56 =	vor.u32 s8, v13;
	s2 =	sor.u32 s23, s1;
	[sflag:s10] =	ssyncadd.s32 $0xFFFF9800  }
0xec: {  	v48 =	vand.u32 v14, v56;
	v57 =	vld [tilespmem:s2+$0x0];
	_ =	sdelay $0x3  }
0xed: {  	s2 =	sadd.s32 $0x6880, s7  }
0xee: {  	s4 =	sor.u32 s23, s2;
	[tilespmem:v48+s11+$0x0] =	vst.idx.msk $0xffff, v57  }
0xef: {  	v58 =	vor.u32 s8, v15;
	v48 =	vld [tilespmem:s4+$0x0];
	_ =	sdelay $0x3  }
0xf0: {  	s4 =	sadd.s32 $0x6900, s7  }
0xf1: {  	s24 =	sor.u32 s23, s4;
	[tilespmem:v58+s11+$0x0] =	vst.idx.msk $0xffff, v48  }
0xf2: {  	v59 =	vor.u32 s8, v16;
	v48 =	vld [tilespmem:s24+$0x0];
	_ =	sdelay $0x3  }
0xf3: {  	s24 =	sadd.s32 $0x6980, s7  }
0xf4: {  	s25 =	sor.u32 s23, s24;
	[tilespmem:v59+s11+$0x0] =	vst.idx.msk $0xffff, v48  }
0xf5: {  	v60 =	vor.u32 s8, v17;
	v48 =	vld [tilespmem:s25+$0x0];
	_ =	sdelay $0x3  }
0xf6: {  	s25 =	sadd.s32 $0x6A00, s7  }
0xf7: {  	s26 =	sor.u32 s23, s25;
	[tilespmem:v60+s11+$0x0] =	vst.idx.msk $0xffff, v48  }
0xf8: {  	v61 =	vor.u32 s8, v18;
	v48 =	vld [tilespmem:s26+$0x0];
	_ =	sdelay $0x3  }
0xf9: {  	s26 =	sadd.s32 $0x6A80, s7  }
0xfa: {  	s28 =	sor.u32 s23, s26;
	[tilespmem:v61+s11+$0x0] =	vst.idx.msk $0xffff, v48  }
0xfb: {  	v62 =	vor.u32 s8, v19;
	v48 =	vld [tilespmem:s28+$0x0];
	_ =	sdelay $0x3  }
0xfc: {  	s28 =	sadd.s32 $0x6B00, s7  }
0xfd: {  	s29 =	sor.u32 s23, s28;
	[tilespmem:v62+s11+$0x0] =	vst.idx.msk $0xffff, v48  }
0xfe: {  	v63 =	vor.u32 s8, v20;
	v48 =	vld [tilespmem:s29+$0x0];
	_ =	sdelay $0x3  }
0xff: {  	s29 =	sadd.s32 $0x6B80, s7  }
0x100: {  	s7 =	sor.u32 s23, s29;
	[tilespmem:v63+s11+$0x0] =	vst.idx.msk $0xffff, v48  }
0x101: {  	v52 =	vor.u32 s8, v21;
	v48 =	vld [tilespmem:s7+$0x0];
	_ =	sdelay $0x2  }
0x102: {  	s31 =	simm.s32 $0x10  }
0x103: {  	s8 =	simm.s32 $0x100;
	s7 =	sand.u32 $0x50, s31  }
0x104: {  	v53 =	vor.u32 s8, v13;
	s15 =	sor.u32 s7, s1;
	[tilespmem:v52+s11+$0x0] =	vst.idx.msk $0xffff, v48  }
0x105: {  	v48 =	vand.u32 v22, v53;
	v49 =	vld [tilespmem:s15+$0x0];
	_ =	sdelay $0x4  }
0x106: {  	s30 =	sor.u32 s7, s2;
	[tilespmem:v48+s11+$0x0] =	vst.idx.msk $0xffff, v49  }
0x107: {  	v54 =	vor.u32 s8, v15;
	v48 =	vld [tilespmem:s30+$0x0];
	_ =	sdelay $0x4  }
0x108: {  	s31 =	sor.u32 s7, s4;
	[tilespmem:v54+s11+$0x0] =	vst.idx.msk $0xffff, v48  }
0x109: {  	v55 =	vor.u32 s8, v16;
	v48 =	vld [tilespmem:s31+$0x0];
	_ =	sdelay $0x4  }
0x10a: {  	s15 =	sor.u32 s7, s24;
	[tilespmem:v55+s11+$0x0] =	vst.idx.msk $0xffff, v48  }
0x10b: {  	v56 =	vor.u32 s8, v17;
	v48 =	vld [tilespmem:s15+$0x0];
	_ =	sdelay $0x4  }
0x10c: {  	s30 =	sor.u32 s7, s25;
	[tilespmem:v56+s11+$0x0] =	vst.idx.msk $0xffff, v48  }
0x10d: {  	v57 =	vor.u32 s8, v18;
	v48 =	vld [tilespmem:s30+$0x0];
	_ =	sdelay $0x4  }
0x10e: {  	s31 =	sor.u32 s7, s26;
	[tilespmem:v57+s11+$0x0] =	vst.idx.msk $0xffff, v48  }
0x10f: {  	v58 =	vor.u32 s8, v19;
	v48 =	vld [tilespmem:s31+$0x0];
	_ =	sdelay $0x4  }
0x110: {  	s15 =	sor.u32 s7, s28;
	[tilespmem:v58+s11+$0x0] =	vst.idx.msk $0xffff, v48  }
0x111: {  	v59 =	vor.u32 s8, v20;
	v48 =	vld [tilespmem:s15+$0x0];
	_ =	sdelay $0x4  }
0x112: {  	s7 =	sor.u32 s7, s29;
	[tilespmem:v59+s11+$0x0] =	vst.idx.msk $0xffff, v48  }
0x113: {  	v60 =	vor.u32 s8, v21;
	v48 =	vld [tilespmem:s7+$0x0];
	_ =	sdelay $0x2  }
0x114: {  	s23 =	simm.s32 $0x20  }
0x115: {  	s8 =	simm.s32 $0x200;
	s7 =	sand.u32 $0x60, s23  }
0x116: {  	v61 =	vor.u32 s8, v13;
	s30 =	sor.u32 s7, s1;
	[tilespmem:v60+s11+$0x0] =	vst.idx.msk $0xffff, v48  }
0x117: {  	v48 =	vand.u32 v23, v61;
	v49 =	vld [tilespmem:s30+$0x0];
	_ =	sdelay $0x4  }
0x118: {  	s31 =	sor.u32 s7, s2;
	[tilespmem:v48+s11+$0x0] =	vst.idx.msk $0xffff, v49  }
0x119: {  	v62 =	vor.u32 s8, v15;
	v48 =	vld [tilespmem:s31+$0x0];
	_ =	sdelay $0x4  }
0x11a: {  	s15 =	sor.u32 s7, s4;
	[tilespmem:v62+s11+$0x0] =	vst.idx.msk $0xffff, v48  }
0x11b: {  	v63 =	vor.u32 s8, v16;
	v48 =	vld [tilespmem:s15+$0x0];
	_ =	sdelay $0x4  }
0x11c: {  	s30 =	sor.u32 s7, s24;
	[tilespmem:v63+s11+$0x0] =	vst.idx.msk $0xffff, v48  }
0x11d: {  	v52 =	vor.u32 s8, v17;
	v48 =	vld [tilespmem:s30+$0x0];
	_ =	sdelay $0x4  }
0x11e: {  	s31 =	sor.u32 s7, s25;
	[tilespmem:v52+s11+$0x0] =	vst.idx.msk $0xffff, v48  }
0x11f: {  	v53 =	vor.u32 s8, v18;
	v48 =	vld [tilespmem:s31+$0x0];
	_ =	sdelay $0x4  }
0x120: {  	s15 =	sor.u32 s7, s26;
	[tilespmem:v53+s11+$0x0] =	vst.idx.msk $0xffff, v48  }
0x121: {  	v54 =	vor.u32 s8, v19;
	v48 =	vld [tilespmem:s15+$0x0];
	_ =	sdelay $0x4  }
0x122: {  	s30 =	sor.u32 s7, s28;
	[tilespmem:v54+s11+$0x0] =	vst.idx.msk $0xffff, v48  }
0x123: {  	v55 =	vor.u32 s8, v20;
	v48 =	vld [tilespmem:s30+$0x0];
	_ =	sdelay $0x4  }
0x124: {  	s7 =	sor.u32 s7, s29;
	[tilespmem:v55+s11+$0x0] =	vst.idx.msk $0xffff, v48  }
0x125: {  	v56 =	vor.u32 s8, v21;
	v48 =	vld [tilespmem:s7+$0x0];
	_ =	sdelay $0x2  }
0x126: {  	s23 =	simm.s32 $0x30  }
0x127: {  	s31 =	sand.u32 $0x70, s23;
	s7 =	simm.s32 $0x300  }
0x128: {  	s1 =	sor.u32 s31, s1;
	v57 =	vor.u32 s7, v13;
	[tilespmem:v56+s11+$0x0] =	vst.idx.msk $0xffff, v48  }
0x129: {  	v48 =	vand.u32 v24, v57;
	v49 =	vld [tilespmem:s1+$0x0];
	_ =	sdelay $0x4  }
0x12a: {  	s2 =	sor.u32 s31, s2;
	[tilespmem:v48+s11+$0x0] =	vst.idx.msk $0xffff, v49  }
0x12b: {  	v58 =	vor.u32 s7, v15;
	v48 =	vld [tilespmem:s2+$0x0];
	_ =	sdelay $0x4  }
0x12c: {  	s15 =	sor.u32 s31, s4;
	[tilespmem:v58+s11+$0x0] =	vst.idx.msk $0xffff, v48  }
0x12d: {  	v59 =	vor.u32 s7, v16;
	v48 =	vld [tilespmem:s15+$0x0];
	_ =	sdelay $0x4  }
0x12e: {  	s24 =	sor.u32 s31, s24;
	[tilespmem:v59+s11+$0x0] =	vst.idx.msk $0xffff, v48  }
0x12f: {  	v60 =	vor.u32 s7, v17;
	v48 =	vld [tilespmem:s24+$0x0];
	_ =	sdelay $0x4  }
0x130: {  	s25 =	sor.u32 s31, s25;
	[tilespmem:v60+s11+$0x0] =	vst.idx.msk $0xffff, v48  }
0x131: {  	v61 =	vor.u32 s7, v18;
	v48 =	vld [tilespmem:s25+$0x0];
	_ =	sdelay $0x4  }
0x132: {  	s26 =	sor.u32 s31, s26;
	[tilespmem:v61+s11+$0x0] =	vst.idx.msk $0xffff, v48  }
0x133: {  	v62 =	vor.u32 s7, v19;
	v48 =	vld [tilespmem:s26+$0x0];
	_ =	sdelay $0x4  }
0x134: {  	s30 =	sor.u32 s31, s28;
	[tilespmem:v62+s11+$0x0] =	vst.idx.msk $0xffff, v48  }
0x135: {  	v63 =	vor.u32 s7, v20;
	v48 =	vld [tilespmem:s30+$0x0];
	_ =	sdelay $0x4  }
0x136: {  	s31 =	sor.u32 s31, s29;
	[tilespmem:v63+s11+$0x0] =	vst.idx.msk $0xffff, v48  }
0x137: {  	v49 =	vor.u32 s7, v21;
	v48 =	vld [tilespmem:s31+$0x0]  }
0x138: {  	s24 =	simm.s32 $0x0;
	s25 =	simm.s32 $0x700  }
.LBB2_7:
0x139: {  	s7 =	sadd.s32 $0xFFFFFD00, s25;
	s23 =	sadd.s32 $0x40, s23;
	s22 =	sadd.s32 $0x200, s22  }
0x13a: {  	s24 =	sadd.s32 $0x4, s24;
	s2 =	sadd.s32 $0xFFFFFFD0, s23;
	s1 =	sand.u32 $0x7C00, s22  }
0x13b: {  	p1 =	slt.u32 s24, $0xCC;
	s8 =	sand.u32 $0x40, s2;
	s26 =	sadd.s32 $0x6800, s1  }
0x13c: {  	v50 =	vor.u32 s7, v13;
	s2 =	sor.u32 s8, s26;
	[tilespmem:v49+s11+$0x0] =	vst.idx.msk $0xffff, v48  }
0x13d: {  	v49 =	vand.u32 v14, v50;
	v48 =	vld [tilespmem:s2+$0x0];
	_ =	sdelay $0x3  }
0x13e: {  	s28 =	sadd.s32 $0x6880, s1  }
0x13f: {  	s2 =	sor.u32 s8, s28;
	[tilespmem:v49+s11+$0x0] =	vst.idx.msk $0xffff, v48  }
0x140: {  	v49 =	vor.u32 s7, v15;
	v48 =	vld [tilespmem:s2+$0x0];
	_ =	sdelay $0x3  }
0x141: {  	s29 =	sadd.s32 $0x6900, s1  }
0x142: {  	s2 =	sor.u32 s8, s29;
	[tilespmem:v49+s11+$0x0] =	vst.idx.msk $0xffff, v48  }
0x143: {  	v49 =	vor.u32 s7, v16;
	v48 =	vld [tilespmem:s2+$0x0];
	_ =	sdelay $0x3  }
0x144: {  	s30 =	sadd.s32 $0x6980, s1  }
0x145: {  	s2 =	sor.u32 s8, s30;
	[tilespmem:v49+s11+$0x0] =	vst.idx.msk $0xffff, v48  }
0x146: {  	v49 =	vor.u32 s7, v17;
	v48 =	vld [tilespmem:s2+$0x0];
	_ =	sdelay $0x3  }
0x147: {  	s31 =	sadd.s32 $0x6A00, s1  }
0x148: {  	s2 =	sor.u32 s8, s31;
	[tilespmem:v49+s11+$0x0] =	vst.idx.msk $0xffff, v48  }
0x149: {  	v49 =	vor.u32 s7, v18;
	v48 =	vld [tilespmem:s2+$0x0];
	_ =	sdelay $0x3  }
0x14a: {  	s2 =	sadd.s32 $0x6A80, s1  }
0x14b: {  	s4 =	sor.u32 s8, s2;
	[tilespmem:v49+s11+$0x0] =	vst.idx.msk $0xffff, v48  }
0x14c: {  	v49 =	vor.u32 s7, v19;
	v48 =	vld [tilespmem:s4+$0x0];
	_ =	sdelay $0x3  }
0x14d: {  	s4 =	sadd.s32 $0x6B00, s1  }
0x14e: {  	s15 =	sor.u32 s8, s4;
	[tilespmem:v49+s11+$0x0] =	vst.idx.msk $0xffff, v48  }
0x14f: {  	v49 =	vor.u32 s7, v20;
	v48 =	vld [tilespmem:s15+$0x0];
	_ =	sdelay $0x3  }
0x150: {  	s1 =	sadd.s32 $0x6B80, s1  }
0x151: {  	s8 =	sor.u32 s8, s1;
	[tilespmem:v49+s11+$0x0] =	vst.idx.msk $0xffff, v48  }
0x152: {  	v49 =	vor.u32 s7, v21;
	v48 =	vld [tilespmem:s8+$0x0];
	_ =	sdelay $0x2  }
0x153: {  	s8 =	sadd.s32 $0xFFFFFFE0, s23  }
0x154: {  	s7 =	sadd.s32 $0xFFFFFE00, s25;
	s8 =	sand.u32 $0x50, s8  }
0x155: {  	s15 =	sor.u32 s8, s26;
	[tilespmem:v49+s11+$0x0] =	vst.idx.msk $0xffff, v48;
	v48 =	vor.u32 s7, v13  }
0x156: {  	v49 =	vld [tilespmem:s15+$0x0];
	v48 =	vand.u32 v22, v48;
	_ =	sdelay $0x4  }
0x157: {  	s15 =	sor.u32 s8, s28;
	[tilespmem:v48+s11+$0x0] =	vst.idx.msk $0xffff, v49  }
0x158: {  	v49 =	vor.u32 s7, v15;
	v48 =	vld [tilespmem:s15+$0x0];
	_ =	sdelay $0x4  }
0x159: {  	s15 =	sor.u32 s8, s29;
	[tilespmem:v49+s11+$0x0] =	vst.idx.msk $0xffff, v48  }
0x15a: {  	v49 =	vor.u32 s7, v16;
	v48 =	vld [tilespmem:s15+$0x0];
	_ =	sdelay $0x4  }
0x15b: {  	s15 =	sor.u32 s8, s30;
	[tilespmem:v49+s11+$0x0] =	vst.idx.msk $0xffff, v48  }
0x15c: {  	v49 =	vor.u32 s7, v17;
	v48 =	vld [tilespmem:s15+$0x0];
	_ =	sdelay $0x4  }
0x15d: {  	s15 =	sor.u32 s8, s31;
	[tilespmem:v49+s11+$0x0] =	vst.idx.msk $0xffff, v48  }
0x15e: {  	v49 =	vor.u32 s7, v18;
	v48 =	vld [tilespmem:s15+$0x0];
	_ =	sdelay $0x4  }
0x15f: {  	s15 =	sor.u32 s8, s2;
	[tilespmem:v49+s11+$0x0] =	vst.idx.msk $0xffff, v48  }
0x160: {  	v49 =	vor.u32 s7, v19;
	v48 =	vld [tilespmem:s15+$0x0];
	_ =	sdelay $0x4  }
0x161: {  	s15 =	sor.u32 s8, s4;
	[tilespmem:v49+s11+$0x0] =	vst.idx.msk $0xffff, v48  }
0x162: {  	v49 =	vor.u32 s7, v20;
	v48 =	vld [tilespmem:s15+$0x0];
	_ =	sdelay $0x4  }
0x163: {  	s8 =	sor.u32 s8, s1;
	[tilespmem:v49+s11+$0x0] =	vst.idx.msk $0xffff, v48  }
0x164: {  	v49 =	vor.u32 s7, v21;
	v48 =	vld [tilespmem:s8+$0x0];
	_ =	sdelay $0x2  }
0x165: {  	s8 =	sadd.s32 $0xFFFFFFF0, s23  }
0x166: {  	s7 =	sadd.s32 $0xFFFFFF00, s25;
	s8 =	sand.u32 $0x60, s8  }
0x167: {  	s15 =	sor.u32 s8, s26;
	[tilespmem:v49+s11+$0x0] =	vst.idx.msk $0xffff, v48;
	v48 =	vor.u32 s7, v13  }
0x168: {  	v49 =	vld [tilespmem:s15+$0x0];
	v48 =	vand.u32 v23, v48;
	_ =	sdelay $0x4  }
0x169: {  	s15 =	sor.u32 s8, s28;
	[tilespmem:v48+s11+$0x0] =	vst.idx.msk $0xffff, v49  }
0x16a: {  	v49 =	vor.u32 s7, v15;
	v48 =	vld [tilespmem:s15+$0x0];
	_ =	sdelay $0x4  }
0x16b: {  	s15 =	sor.u32 s8, s29;
	[tilespmem:v49+s11+$0x0] =	vst.idx.msk $0xffff, v48  }
0x16c: {  	v49 =	vor.u32 s7, v16;
	v48 =	vld [tilespmem:s15+$0x0];
	_ =	sdelay $0x4  }
0x16d: {  	s15 =	sor.u32 s8, s30;
	[tilespmem:v49+s11+$0x0] =	vst.idx.msk $0xffff, v48  }
0x16e: {  	v49 =	vor.u32 s7, v17;
	v48 =	vld [tilespmem:s15+$0x0];
	_ =	sdelay $0x4  }
0x16f: {  	s15 =	sor.u32 s8, s31;
	[tilespmem:v49+s11+$0x0] =	vst.idx.msk $0xffff, v48  }
0x170: {  	v49 =	vor.u32 s7, v18;
	v48 =	vld [tilespmem:s15+$0x0];
	_ =	sdelay $0x4  }
0x171: {  	s15 =	sor.u32 s8, s2;
	[tilespmem:v49+s11+$0x0] =	vst.idx.msk $0xffff, v48  }
0x172: {  	v49 =	vor.u32 s7, v19;
	v48 =	vld [tilespmem:s15+$0x0];
	_ =	sdelay $0x4  }
0x173: {  	s15 =	sor.u32 s8, s4;
	[tilespmem:v49+s11+$0x0] =	vst.idx.msk $0xffff, v48  }
0x174: {  	v49 =	vor.u32 s7, v20;
	v48 =	vld [tilespmem:s15+$0x0];
	_ =	sdelay $0x4  }
0x175: {  	s8 =	sor.u32 s8, s1;
	[tilespmem:v49+s11+$0x0] =	vst.idx.msk $0xffff, v48  }
0x176: {  	v49 =	vor.u32 s7, v21;
	v48 =	vld [tilespmem:s8+$0x0];
	_ =	sdelay $0x3  }
0x177: {  	s7 =	sand.u32 $0x70, s23  }
0x178: {  	s8 =	sor.u32 s7, s26;
	[tilespmem:v49+s11+$0x0] =	vst.idx.msk $0xffff, v48;
	v48 =	vor.u32 s25, v13  }
0x179: {  	v49 =	vld [tilespmem:s8+$0x0];
	v48 =	vand.u32 v24, v48;
	_ =	sdelay $0x4  }
0x17a: {  	s8 =	sor.u32 s7, s28;
	[tilespmem:v48+s11+$0x0] =	vst.idx.msk $0xffff, v49  }
0x17b: {  	v49 =	vor.u32 s25, v15;
	v48 =	vld [tilespmem:s8+$0x0];
	_ =	sdelay $0x4  }
0x17c: {  	s8 =	sor.u32 s7, s29;
	[tilespmem:v49+s11+$0x0] =	vst.idx.msk $0xffff, v48  }
0x17d: {  	v49 =	vor.u32 s25, v16;
	v48 =	vld [tilespmem:s8+$0x0];
	_ =	sdelay $0x4  }
0x17e: {  	s8 =	sor.u32 s7, s30;
	[tilespmem:v49+s11+$0x0] =	vst.idx.msk $0xffff, v48  }
0x17f: {  	v49 =	vor.u32 s25, v17;
	v48 =	vld [tilespmem:s8+$0x0];
	_ =	sdelay $0x4  }
0x180: {  	s8 =	sor.u32 s7, s31;
	[tilespmem:v49+s11+$0x0] =	vst.idx.msk $0xffff, v48  }
0x181: {  	v49 =	vor.u32 s25, v18;
	v48 =	vld [tilespmem:s8+$0x0];
	_ =	sdelay $0x4  }
0x182: {  	s2 =	sor.u32 s7, s2;
	[tilespmem:v49+s11+$0x0] =	vst.idx.msk $0xffff, v48  }
0x183: {  	v49 =	vor.u32 s25, v19;
	v48 =	vld [tilespmem:s2+$0x0];
	_ =	sdelay $0x4  }
0x184: {  	s2 =	sor.u32 s7, s4;
	[tilespmem:v49+s11+$0x0] =	vst.idx.msk $0xffff, v48  }
0x185: {  	v49 =	vor.u32 s25, v20;
	v48 =	vld [tilespmem:s2+$0x0];
	_ =	sdelay $0x2  }
.Ltmp8:
0x186: {  	(pc) =	sbr.rel @p1 .LBB2_7-.Ltmp8, $4  }
0x187: {  	_ = 	snop  }
0x188: {  	s1 =	sor.u32 s7, s1;
	[tilespmem:v49+s11+$0x0] =	vst.idx.msk $0xffff, v48  }
0x189: {  	v49 =	vor.u32 s25, v21;
	v48 =	vld [tilespmem:s1+$0x0]  }
0x18a: {  	s25 =	sadd.s32 $0x400, s25  }
.Ltmp9:
0x18b: {  	_ = 	snop;
	(pc) =	sbr.rel .LBB2_8-.Ltmp9, $1  }
0x18c: {  	_ =	sdelay $0x3  }
.LBB2_10:
0x18d: {  	s1 =	sadd.s32 $0x1E, s18  }
0x18e: {  	s1 =	sand.u32 $0x1F, s1  }
0x18f: {  	p1 =	sne.s32 s1, s6  }
.Ltmp10:
0x190: {  	_ = 	snop;
	(pc) =	sbr.rel @p1 .LBB2_16-.Ltmp10, $1  }
0x191: {  	_ =	sdelay $0x3  }
0x192: {  	s1 =	sshrl.u32 s17, $0x3  }
0x193: {  	s2 =	sadd.s32 s0, s1  }
0x194: {  	s1 =	simm.s32 $0x0;
	s4 =	sadd.s32 $0x18600, s2  }
0x195: {  	[tilespmem:s1], [sflag:$0x1] =	stream.linear.gather [hbm4b:s4+s1], $0x400, $0x38;
	[tilespmem:$0x1D400] =	vst v63  }
0x196: {  	s2 =	sadd.s32 $0x30D00, s2  }
0x197: {  	[tilespmem:s9], [sflag:$0x1] =	stream.linear.gather [hbm4b:s2+s1], $0x400, $0x38;
	[tilespmem:$0x1D400] =	vst v63  }
0x198: {  	_ =	swait.ge [sflag:s10], $0x400  }
0x199: {  	[sflag:s10] =	ssyncset.done $0x0  }
0x19a: {  	p1 =	por $0x1, $0x1;
	[sflag:s10] =	ssyncadd.s32 $0xFFFFFC00  }
.LBB2_12:
0x19b: {  	s2 =	sshll.u32 s1, $0x8;
	s4 =	sshll.u32 s1, $0x4  }
0x19c: {  	v48 =	vor.u32 s2, v1;
	s4 =	sand.u32 $0x3FFFFFF0, s4  }
0x19d: {  	v49 =	vld [tilespmem:s4+$0x0];
	v48 =	vand.u32 v2, v48;
	_ =	sdelay $0x4  }
0x19e: {  	[tilespmem:v48+s11+$0x0] =	vst.idx.msk $0xffff, v49  }
0x19f: {  	v57 =	vor.u32 s2, v3;
	v48 =	vld [tilespmem:s4+$0x80];
	_ =	sdelay $0x4  }
0x1a0: {  	[tilespmem:v57+s11+$0x0] =	vst.idx.msk $0xffff, v48  }
0x1a1: {  	v58 =	vor.u32 s2, v4;
	v48 =	vld [tilespmem:s4+$0x100];
	_ =	sdelay $0x4  }
0x1a2: {  	[tilespmem:v58+s11+$0x0] =	vst.idx.msk $0xffff, v48  }
0x1a3: {  	v59 =	vor.u32 s2, v5;
	v48 =	vld [tilespmem:s4+$0x180];
	_ =	sdelay $0x4  }
0x1a4: {  	[tilespmem:v59+s11+$0x0] =	vst.idx.msk $0xffff, v48  }
0x1a5: {  	v60 =	vor.u32 s2, v6;
	v48 =	vld [tilespmem:s4+$0x200];
	_ =	sdelay $0x4  }
0x1a6: {  	[tilespmem:v60+s11+$0x0] =	vst.idx.msk $0xffff, v48  }
0x1a7: {  	v61 =	vor.u32 s2, v7;
	v48 =	vld [tilespmem:s4+$0x280];
	_ =	sdelay $0x4  }
0x1a8: {  	[tilespmem:v61+s11+$0x0] =	vst.idx.msk $0xffff, v48  }
0x1a9: {  	v62 =	vor.u32 s2, v8;
	v48 =	vld [tilespmem:s4+$0x300];
	_ =	sdelay $0x4  }
0x1aa: {  	[tilespmem:v62+s11+$0x0] =	vst.idx.msk $0xffff, v48  }
0x1ab: {  	v63 =	vor.u32 s2, v9;
	v48 =	vld [tilespmem:s4+$0x380];
	_ =	sdelay $0x2  }
0x1ac: {  	s25 =	sor.u32 $0x1, s1  }
0x1ad: {  	s26 =	sshll.u32 s25, $0x8;
	s2 =	sshll.u32 s25, $0x4  }
0x1ae: {  	v52 =	vor.u32 s26, v1;
	s2 =	sand.u32 $0x3FFFFFF0, s2;
	[tilespmem:v63+s11+$0x0] =	vst.idx.msk $0xffff, v48  }
0x1af: {  	v48 =	vand.u32 v10, v52;
	v49 =	vld [tilespmem:s2+$0x0];
	_ =	sdelay $0x4  }
0x1b0: {  	[tilespmem:v48+s11+$0x0] =	vst.idx.msk $0xffff, v49  }
0x1b1: {  	v53 =	vor.u32 s26, v3;
	v48 =	vld [tilespmem:s2+$0x80];
	_ =	sdelay $0x4  }
0x1b2: {  	[tilespmem:v53+s11+$0x0] =	vst.idx.msk $0xffff, v48  }
0x1b3: {  	v54 =	vor.u32 s26, v4;
	v48 =	vld [tilespmem:s2+$0x100];
	_ =	sdelay $0x4  }
0x1b4: {  	[tilespmem:v54+s11+$0x0] =	vst.idx.msk $0xffff, v48  }
0x1b5: {  	v55 =	vor.u32 s26, v5;
	v48 =	vld [tilespmem:s2+$0x180];
	_ =	sdelay $0x4  }
0x1b6: {  	[tilespmem:v55+s11+$0x0] =	vst.idx.msk $0xffff, v48  }
0x1b7: {  	v56 =	vor.u32 s26, v6;
	v48 =	vld [tilespmem:s2+$0x200];
	_ =	sdelay $0x4  }
0x1b8: {  	[tilespmem:v56+s11+$0x0] =	vst.idx.msk $0xffff, v48  }
0x1b9: {  	v57 =	vor.u32 s26, v7;
	v48 =	vld [tilespmem:s2+$0x280];
	_ =	sdelay $0x4  }
0x1ba: {  	[tilespmem:v57+s11+$0x0] =	vst.idx.msk $0xffff, v48  }
0x1bb: {  	v58 =	vor.u32 s26, v8;
	v48 =	vld [tilespmem:s2+$0x300];
	_ =	sdelay $0x4  }
0x1bc: {  	[tilespmem:v58+s11+$0x0] =	vst.idx.msk $0xffff, v48  }
0x1bd: {  	v59 =	vor.u32 s26, v9;
	v48 =	vld [tilespmem:s2+$0x380];
	_ =	sdelay $0x2  }
0x1be: {  	s28 =	sor.u32 $0x2, s1  }
0x1bf: {  	s29 =	sshll.u32 s28, $0x8;
	s2 =	sshll.u32 s28, $0x4  }
0x1c0: {  	v60 =	vor.u32 s29, v1;
	s2 =	sand.u32 $0x3FFFFFF0, s2;
	[tilespmem:v59+s11+$0x0] =	vst.idx.msk $0xffff, v48  }
0x1c1: {  	v48 =	vand.u32 v11, v60;
	v49 =	vld [tilespmem:s2+$0x0];
	_ =	sdelay $0x4  }
0x1c2: {  	[tilespmem:v48+s11+$0x0] =	vst.idx.msk $0xffff, v49  }
0x1c3: {  	v61 =	vor.u32 s29, v3;
	v48 =	vld [tilespmem:s2+$0x80];
	_ =	sdelay $0x4  }
0x1c4: {  	[tilespmem:v61+s11+$0x0] =	vst.idx.msk $0xffff, v48  }
0x1c5: {  	v62 =	vor.u32 s29, v4;
	v48 =	vld [tilespmem:s2+$0x100];
	_ =	sdelay $0x4  }
0x1c6: {  	[tilespmem:v62+s11+$0x0] =	vst.idx.msk $0xffff, v48  }
0x1c7: {  	v63 =	vor.u32 s29, v5;
	v48 =	vld [tilespmem:s2+$0x180];
	_ =	sdelay $0x4  }
0x1c8: {  	[tilespmem:v63+s11+$0x0] =	vst.idx.msk $0xffff, v48  }
0x1c9: {  	v52 =	vor.u32 s29, v6;
	v48 =	vld [tilespmem:s2+$0x200];
	_ =	sdelay $0x4  }
0x1ca: {  	[tilespmem:v52+s11+$0x0] =	vst.idx.msk $0xffff, v48  }
0x1cb: {  	v53 =	vor.u32 s29, v7;
	v48 =	vld [tilespmem:s2+$0x280];
	_ =	sdelay $0x4  }
0x1cc: {  	[tilespmem:v53+s11+$0x0] =	vst.idx.msk $0xffff, v48  }
0x1cd: {  	v54 =	vor.u32 s29, v8;
	v48 =	vld [tilespmem:s2+$0x300];
	_ =	sdelay $0x4  }
0x1ce: {  	[tilespmem:v54+s11+$0x0] =	vst.idx.msk $0xffff, v48  }
0x1cf: {  	v55 =	vor.u32 s29, v9;
	v48 =	vld [tilespmem:s2+$0x380];
	_ =	sdelay $0x2  }
0x1d0: {  	s30 =	sor.u32 $0x3, s1  }
0x1d1: {  	s31 =	sshll.u32 s30, $0x8;
	s1 =	sshll.u32 s30, $0x4  }
0x1d2: {  	s1 =	sand.u32 $0x3FFFFFF0, s1;
	v56 =	vor.u32 s31, v1;
	[tilespmem:v55+s11+$0x0] =	vst.idx.msk $0xffff, v48  }
0x1d3: {  	v48 =	vand.u32 v12, v56;
	v49 =	vld [tilespmem:s1+$0x0];
	_ =	sdelay $0x4  }
0x1d4: {  	[tilespmem:v48+s11+$0x0] =	vst.idx.msk $0xffff, v49  }
0x1d5: {  	v57 =	vor.u32 s31, v3;
	v48 =	vld [tilespmem:s1+$0x80];
	_ =	sdelay $0x4  }
0x1d6: {  	[tilespmem:v57+s11+$0x0] =	vst.idx.msk $0xffff, v48  }
0x1d7: {  	v58 =	vor.u32 s31, v4;
	v48 =	vld [tilespmem:s1+$0x100];
	_ =	sdelay $0x4  }
0x1d8: {  	[tilespmem:v58+s11+$0x0] =	vst.idx.msk $0xffff, v48  }
0x1d9: {  	v59 =	vor.u32 s31, v5;
	v48 =	vld [tilespmem:s1+$0x180];
	_ =	sdelay $0x4  }
0x1da: {  	[tilespmem:v59+s11+$0x0] =	vst.idx.msk $0xffff, v48  }
0x1db: {  	v60 =	vor.u32 s31, v6;
	v48 =	vld [tilespmem:s1+$0x200];
	_ =	sdelay $0x4  }
0x1dc: {  	[tilespmem:v60+s11+$0x0] =	vst.idx.msk $0xffff, v48  }
0x1dd: {  	v61 =	vor.u32 s31, v7;
	v48 =	vld [tilespmem:s1+$0x280];
	_ =	sdelay $0x4  }
0x1de: {  	[tilespmem:v61+s11+$0x0] =	vst.idx.msk $0xffff, v48  }
0x1df: {  	v62 =	vor.u32 s31, v8;
	v48 =	vld [tilespmem:s1+$0x300];
	_ =	sdelay $0x4  }
0x1e0: {  	[tilespmem:v62+s11+$0x0] =	vst.idx.msk $0xffff, v48  }
0x1e1: {  	p2 =	por p1, p1;
	v63 =	vor.u32 s31, v9;
	v48 =	vld [tilespmem:s1+$0x380]  }
.Ltmp11:
0x1e2: {  	_ = 	snop;
	(pc) =	sbr.rel @p2 .LBB2_12-.Ltmp11, $2  }
0x1e3: {  	_ =	sdelay $0x2  }
0x1e4: {  	p1 =	por $0x0, $0x0;
	s1 =	simm.s32 $0x4;
	[tilespmem:v63+s11+$0x0] =	vst.idx.msk $0xffff, v48  }
0x1e5: {  	_ =	swait.ge [sflag:s10], $0x400  }
0x1e6: {  	[sflag:s10] =	ssyncset.done $0x0  }
0x1e7: {  	s1 =	simm.s32 $0x0;
	p1 =	por $0x1, $0x1;
	[sflag:s10] =	ssyncadd.s32 $0xFFFFFC00  }
.LBB2_14:
0x1e8: {  	s2 =	sshll.u32 s1, $0x8  }
0x1e9: {  	s4 =	sshll.u32 s1, $0x4;
	v48 =	vor.u32 s2, v13  }
0x1ea: {  	v49 =	vld [tilespmem:s4+$0x6800];
	v48 =	vand.u32 v14, v48;
	_ =	sdelay $0x4  }
0x1eb: {  	[tilespmem:v48+s11+$0x0] =	vst.idx.msk $0xffff, v49  }
0x1ec: {  	v57 =	vor.u32 s2, v15;
	v48 =	vld [tilespmem:s4+$0x6880];
	_ =	sdelay $0x4  }
0x1ed: {  	[tilespmem:v57+s11+$0x0] =	vst.idx.msk $0xffff, v48  }
0x1ee: {  	v58 =	vor.u32 s2, v16;
	v48 =	vld [tilespmem:s4+$0x6900];
	_ =	sdelay $0x4  }
0x1ef: {  	[tilespmem:v58+s11+$0x0] =	vst.idx.msk $0xffff, v48  }
0x1f0: {  	v59 =	vor.u32 s2, v17;
	v48 =	vld [tilespmem:s4+$0x6980];
	_ =	sdelay $0x4  }
0x1f1: {  	[tilespmem:v59+s11+$0x0] =	vst.idx.msk $0xffff, v48  }
0x1f2: {  	v60 =	vor.u32 s2, v18;
	v48 =	vld [tilespmem:s4+$0x6A00];
	_ =	sdelay $0x4  }
0x1f3: {  	[tilespmem:v60+s11+$0x0] =	vst.idx.msk $0xffff, v48  }
0x1f4: {  	v61 =	vor.u32 s2, v19;
	v48 =	vld [tilespmem:s4+$0x6A80];
	_ =	sdelay $0x4  }
0x1f5: {  	[tilespmem:v61+s11+$0x0] =	vst.idx.msk $0xffff, v48  }
0x1f6: {  	v62 =	vor.u32 s2, v20;
	v48 =	vld [tilespmem:s4+$0x6B00];
	_ =	sdelay $0x4  }
0x1f7: {  	[tilespmem:v62+s11+$0x0] =	vst.idx.msk $0xffff, v48  }
0x1f8: {  	v63 =	vor.u32 s2, v21;
	v48 =	vld [tilespmem:s4+$0x6B80];
	_ =	sdelay $0x2  }
0x1f9: {  	s25 =	sor.u32 $0x1, s1  }
0x1fa: {  	s26 =	sshll.u32 s25, $0x8  }
0x1fb: {  	s2 =	sshll.u32 s25, $0x4;
	v52 =	vor.u32 s26, v13;
	[tilespmem:v63+s11+$0x0] =	vst.idx.msk $0xffff, v48  }
0x1fc: {  	v48 =	vand.u32 v22, v52;
	v49 =	vld [tilespmem:s2+$0x6800];
	_ =	sdelay $0x4  }
0x1fd: {  	[tilespmem:v48+s11+$0x0] =	vst.idx.msk $0xffff, v49  }
0x1fe: {  	v53 =	vor.u32 s26, v15;
	v48 =	vld [tilespmem:s2+$0x6880];
	_ =	sdelay $0x4  }
0x1ff: {  	[tilespmem:v53+s11+$0x0] =	vst.idx.msk $0xffff, v48  }
0x200: {  	v54 =	vor.u32 s26, v16;
	v48 =	vld [tilespmem:s2+$0x6900];
	_ =	sdelay $0x4  }
0x201: {  	[tilespmem:v54+s11+$0x0] =	vst.idx.msk $0xffff, v48  }
0x202: {  	v55 =	vor.u32 s26, v17;
	v48 =	vld [tilespmem:s2+$0x6980];
	_ =	sdelay $0x4  }
0x203: {  	[tilespmem:v55+s11+$0x0] =	vst.idx.msk $0xffff, v48  }
0x204: {  	v56 =	vor.u32 s26, v18;
	v48 =	vld [tilespmem:s2+$0x6A00];
	_ =	sdelay $0x4  }
0x205: {  	[tilespmem:v56+s11+$0x0] =	vst.idx.msk $0xffff, v48  }
0x206: {  	v57 =	vor.u32 s26, v19;
	v48 =	vld [tilespmem:s2+$0x6A80];
	_ =	sdelay $0x4  }
0x207: {  	[tilespmem:v57+s11+$0x0] =	vst.idx.msk $0xffff, v48  }
0x208: {  	v58 =	vor.u32 s26, v20;
	v48 =	vld [tilespmem:s2+$0x6B00];
	_ =	sdelay $0x4  }
0x209: {  	[tilespmem:v58+s11+$0x0] =	vst.idx.msk $0xffff, v48  }
0x20a: {  	v59 =	vor.u32 s26, v21;
	v48 =	vld [tilespmem:s2+$0x6B80];
	_ =	sdelay $0x2  }
0x20b: {  	s28 =	sor.u32 $0x2, s1  }
0x20c: {  	s29 =	sshll.u32 s28, $0x8  }
0x20d: {  	v60 =	vor.u32 s29, v13;
	s2 =	sshll.u32 s28, $0x4;
	[tilespmem:v59+s11+$0x0] =	vst.idx.msk $0xffff, v48  }
0x20e: {  	v48 =	vand.u32 v23, v60;
	v49 =	vld [tilespmem:s2+$0x6800];
	_ =	sdelay $0x4  }
0x20f: {  	[tilespmem:v48+s11+$0x0] =	vst.idx.msk $0xffff, v49  }
0x210: {  	v61 =	vor.u32 s29, v15;
	v48 =	vld [tilespmem:s2+$0x6880];
	_ =	sdelay $0x4  }
0x211: {  	[tilespmem:v61+s11+$0x0] =	vst.idx.msk $0xffff, v48  }
0x212: {  	v62 =	vor.u32 s29, v16;
	v48 =	vld [tilespmem:s2+$0x6900];
	_ =	sdelay $0x4  }
0x213: {  	[tilespmem:v62+s11+$0x0] =	vst.idx.msk $0xffff, v48  }
0x214: {  	v63 =	vor.u32 s29, v17;
	v48 =	vld [tilespmem:s2+$0x6980];
	_ =	sdelay $0x4  }
0x215: {  	[tilespmem:v63+s11+$0x0] =	vst.idx.msk $0xffff, v48  }
0x216: {  	v52 =	vor.u32 s29, v18;
	v48 =	vld [tilespmem:s2+$0x6A00];
	_ =	sdelay $0x4  }
0x217: {  	[tilespmem:v52+s11+$0x0] =	vst.idx.msk $0xffff, v48  }
0x218: {  	v53 =	vor.u32 s29, v19;
	v48 =	vld [tilespmem:s2+$0x6A80];
	_ =	sdelay $0x4  }
0x219: {  	[tilespmem:v53+s11+$0x0] =	vst.idx.msk $0xffff, v48  }
0x21a: {  	v54 =	vor.u32 s29, v20;
	v48 =	vld [tilespmem:s2+$0x6B00];
	_ =	sdelay $0x4  }
0x21b: {  	[tilespmem:v54+s11+$0x0] =	vst.idx.msk $0xffff, v48  }
0x21c: {  	v55 =	vor.u32 s29, v21;
	v48 =	vld [tilespmem:s2+$0x6B80];
	_ =	sdelay $0x2  }
0x21d: {  	s30 =	sor.u32 $0x3, s1  }
0x21e: {  	s31 =	sshll.u32 s30, $0x8  }
0x21f: {  	s1 =	sshll.u32 s30, $0x4;
	v56 =	vor.u32 s31, v13;
	[tilespmem:v55+s11+$0x0] =	vst.idx.msk $0xffff, v48  }
0x220: {  	v48 =	vand.u32 v24, v56;
	v49 =	vld [tilespmem:s1+$0x6800];
	_ =	sdelay $0x4  }
0x221: {  	[tilespmem:v48+s11+$0x0] =	vst.idx.msk $0xffff, v49  }
0x222: {  	v57 =	vor.u32 s31, v15;
	v48 =	vld [tilespmem:s1+$0x6880];
	_ =	sdelay $0x4  }
0x223: {  	[tilespmem:v57+s11+$0x0] =	vst.idx.msk $0xffff, v48  }
0x224: {  	v58 =	vor.u32 s31, v16;
	v48 =	vld [tilespmem:s1+$0x6900];
	_ =	sdelay $0x4  }
0x225: {  	[tilespmem:v58+s11+$0x0] =	vst.idx.msk $0xffff, v48  }
0x226: {  	v59 =	vor.u32 s31, v17;
	v48 =	vld [tilespmem:s1+$0x6980];
	_ =	sdelay $0x4  }
0x227: {  	[tilespmem:v59+s11+$0x0] =	vst.idx.msk $0xffff, v48  }
0x228: {  	v60 =	vor.u32 s31, v18;
	v48 =	vld [tilespmem:s1+$0x6A00];
	_ =	sdelay $0x4  }
0x229: {  	[tilespmem:v60+s11+$0x0] =	vst.idx.msk $0xffff, v48  }
0x22a: {  	v61 =	vor.u32 s31, v19;
	v48 =	vld [tilespmem:s1+$0x6A80];
	_ =	sdelay $0x4  }
0x22b: {  	[tilespmem:v61+s11+$0x0] =	vst.idx.msk $0xffff, v48  }
0x22c: {  	v62 =	vor.u32 s31, v20;
	v48 =	vld [tilespmem:s1+$0x6B00];
	_ =	sdelay $0x4  }
0x22d: {  	[tilespmem:v62+s11+$0x0] =	vst.idx.msk $0xffff, v48  }
0x22e: {  	p2 =	por p1, p1;
	v63 =	vor.u32 s31, v21;
	v48 =	vld [tilespmem:s1+$0x6B80]  }
.Ltmp12:
0x22f: {  	_ = 	snop;
	(pc) =	sbr.rel @p2 .LBB2_14-.Ltmp12, $2  }
0x230: {  	_ =	sdelay $0x2  }
0x231: {  	p1 =	por $0x0, $0x0;
	s1 =	simm.s32 $0x4;
	[tilespmem:v63+s11+$0x0] =	vst.idx.msk $0xffff, v48  }
0x232: {  	s1 =	smul.u32 $0x186A00, s16;
	_ =	sdelay $0x1  }
0x233: {  	s1 =	sshrl.u32 s1, $0x3  }
0x234: {  	s1 =	sadd.s32 s5, s1  }
.Ltmp13:
0x235: {  	s1 =	sadd.s32 $0x30C00, s1;
	(pc) =	sbr.rel .LBB2_16-.Ltmp13, $4  }
0x236: {  	[hbm4b:s1+s3] =	stream.linear.scatter [tilespmem:s11], [sflag:$0x2], $0x800, $0x38;
	[tilespmem:$0x1D400] =	vst v63  }
0x237: {  	_ =	swait.ge [sflag:s13], $0x800  }
0x238: {  	[sflag:s13] =	ssyncset.done $0x0  }
0x239: {  	[sflag:s13] =	ssyncadd.s32 $0xFFFFF800  }
.LBB2_17:
.Ltmp14:
0x23a: {  	(pc) =	sbr.rel @p0 .LBB2_21-.Ltmp14, $2  }
0x23b: {  	_ =	sdelay $0x2  }
0x23c: {  	s2 =	rddreg [dreg:$0x6]  }
0x23d: {  	s1 =	simm.s32 $0x0  }
0x23e: {  	s2 =	rddreg [dreg:$0x1];
	v48 =	vor.u32 s1, v0  }
0x23f: {  	[tilespmem:s14], [sflag:$0x2] =	stream.linear.gather [hbm4b:s2+s3], $0x3400, $0x38;
	[tilespmem:$0x1D400] =	vst v63  }
0x240: {  	_ =	swait.ge [sflag:s13], $0x3400  }
0x241: {  	[sflag:s13] =	ssyncset.done $0x0  }
0x242: {  	[sflag:s13] =	ssyncadd.s32 $0xFFFFCC00  }
0x243: {  	v48 =	vld.idx.msk [tilespmem:v48+s14+$0x0], $0xffff  }
0x244: {  	v49 =	vor.u32 s1, v25;
	_ =	sdelay $0x3  }
0x245: {  	[tilespmem:v1+s11+$0x0] =	vst.idx.msk $0xffff, v48  }
0x246: {  	v48 =	vld.idx.msk [tilespmem:v49+s14+$0x0], $0xffff  }
0x247: {  	v58 =	vor.u32 s1, v26;
	_ =	sdelay $0x3  }
0x248: {  	[tilespmem:v3+s11+$0x0] =	vst.idx.msk $0xffff, v48  }
0x249: {  	v48 =	vld.idx.msk [tilespmem:v58+s14+$0x0], $0xffff  }
0x24a: {  	v59 =	vor.u32 s1, v27;
	_ =	sdelay $0x3  }
0x24b: {  	[tilespmem:v4+s11+$0x0] =	vst.idx.msk $0xffff, v48  }
0x24c: {  	s31 =	simm.s32 $0x80;
	v48 =	vld.idx.msk [tilespmem:v59+s14+$0x0], $0xffff  }
0x24d: {  	v60 =	vor.u32 s31, v0;
	_ =	sdelay $0x3  }
0x24e: {  	[tilespmem:v5+s11+$0x0] =	vst.idx.msk $0xffff, v48  }
0x24f: {  	s4 =	simm.s32 $0xA0;
	v48 =	vld.idx.msk [tilespmem:v60+s14+$0x0], $0xffff  }
0x250: {  	v61 =	vor.u32 s4, v25;
	_ =	sdelay $0x3  }
0x251: {  	[tilespmem:v6+s11+$0x0] =	vst.idx.msk $0xffff, v48  }
0x252: {  	s7 =	simm.s32 $0xC0;
	v48 =	vld.idx.msk [tilespmem:v61+s14+$0x0], $0xffff  }
0x253: {  	v62 =	vor.u32 s7, v26;
	_ =	sdelay $0x3  }
0x254: {  	[tilespmem:v7+s11+$0x0] =	vst.idx.msk $0xffff, v48  }
0x255: {  	s8 =	simm.s32 $0xE0;
	v48 =	vld.idx.msk [tilespmem:v62+s14+$0x0], $0xffff  }
0x256: {  	v63 =	vor.u32 s8, v27;
	_ =	sdelay $0x3  }
0x257: {  	[tilespmem:v8+s11+$0x0] =	vst.idx.msk $0xffff, v48  }
0x258: {  	s15 =	simm.s32 $0x100;
	v48 =	vld.idx.msk [tilespmem:v63+s14+$0x0], $0xffff  }
0x259: {  	v52 =	vor.u32 s15, v0;
	_ =	sdelay $0x3  }
0x25a: {  	[tilespmem:v9+s11+$0x0] =	vst.idx.msk $0xffff, v48  }
0x25b: {  	s16 =	simm.s32 $0x120;
	v48 =	vld.idx.msk [tilespmem:v52+s14+$0x0], $0xffff  }
0x25c: {  	v53 =	vor.u32 s16, v25;
	_ =	sdelay $0x3  }
0x25d: {  	[tilespmem:v13+s11+$0x0] =	vst.idx.msk $0xffff, v48  }
0x25e: {  	s17 =	simm.s32 $0x140;
	v48 =	vld.idx.msk [tilespmem:v53+s14+$0x0], $0xffff  }
0x25f: {  	v54 =	vor.u32 s17, v26;
	_ =	sdelay $0x3  }
0x260: {  	[tilespmem:v15+s11+$0x0] =	vst.idx.msk $0xffff, v48  }
0x261: {  	s18 =	simm.s32 $0x160;
	v48 =	vld.idx.msk [tilespmem:v54+s14+$0x0], $0xffff  }
0x262: {  	v55 =	vor.u32 s18, v27;
	_ =	sdelay $0x3  }
0x263: {  	[tilespmem:v16+s11+$0x0] =	vst.idx.msk $0xffff, v48  }
0x264: {  	s19 =	simm.s32 $0x180;
	v48 =	vld.idx.msk [tilespmem:v55+s14+$0x0], $0xffff  }
0x265: {  	v56 =	vor.u32 s19, v0;
	_ =	sdelay $0x3  }
0x266: {  	[tilespmem:v17+s11+$0x0] =	vst.idx.msk $0xffff, v48  }
0x267: {  	s20 =	simm.s32 $0x1A0;
	v48 =	vld.idx.msk [tilespmem:v56+s14+$0x0], $0xffff  }
0x268: {  	v57 =	vor.u32 s20, v25;
	_ =	sdelay $0x3  }
0x269: {  	[tilespmem:v18+s11+$0x0] =	vst.idx.msk $0xffff, v48  }
0x26a: {  	s21 =	simm.s32 $0x1C0;
	v48 =	vld.idx.msk [tilespmem:v57+s14+$0x0], $0xffff  }
0x26b: {  	v58 =	vor.u32 s21, v26;
	_ =	sdelay $0x3  }
0x26c: {  	[tilespmem:v19+s11+$0x0] =	vst.idx.msk $0xffff, v48  }
0x26d: {  	s22 =	simm.s32 $0x1E0;
	v48 =	vld.idx.msk [tilespmem:v58+s14+$0x0], $0xffff  }
0x26e: {  	v59 =	vor.u32 s22, v27;
	_ =	sdelay $0x3  }
0x26f: {  	[tilespmem:v20+s11+$0x0] =	vst.idx.msk $0xffff, v48  }
0x270: {  	v48 =	vld.idx.msk [tilespmem:v59+s14+$0x0], $0xffff  }
0x271: {  	v60 =	vor.u32 s1, v28;
	_ =	sdelay $0x3  }
0x272: {  	[tilespmem:v21+s11+$0x0] =	vst.idx.msk $0xffff, v48  }
0x273: {  	v48 =	vld.idx.msk [tilespmem:v60+s14+$0x0], $0xffff  }
0x274: {  	v61 =	vor.u32 s1, v30;
	_ =	sdelay $0x3  }
0x275: {  	[tilespmem:v29+s11+$0x0] =	vst.idx.msk $0xffff, v48  }
0x276: {  	v48 =	vld.idx.msk [tilespmem:v61+s14+$0x0], $0xffff  }
0x277: {  	v62 =	vor.u32 s1, v32;
	_ =	sdelay $0x3  }
0x278: {  	[tilespmem:v31+s11+$0x0] =	vst.idx.msk $0xffff, v48  }
0x279: {  	v48 =	vld.idx.msk [tilespmem:v62+s14+$0x0], $0xffff  }
0x27a: {  	v63 =	vor.u32 s1, v34;
	_ =	sdelay $0x3  }
0x27b: {  	[tilespmem:v33+s11+$0x0] =	vst.idx.msk $0xffff, v48  }
0x27c: {  	v48 =	vld.idx.msk [tilespmem:v63+s14+$0x0], $0xffff  }
0x27d: {  	v52 =	vor.u32 s31, v28;
	_ =	sdelay $0x3  }
0x27e: {  	[tilespmem:v35+s11+$0x0] =	vst.idx.msk $0xffff, v48  }
0x27f: {  	v48 =	vld.idx.msk [tilespmem:v52+s14+$0x0], $0xffff  }
0x280: {  	v53 =	vor.u32 s4, v30;
	_ =	sdelay $0x3  }
0x281: {  	[tilespmem:v36+s11+$0x0] =	vst.idx.msk $0xffff, v48  }
0x282: {  	v48 =	vld.idx.msk [tilespmem:v53+s14+$0x0], $0xffff  }
0x283: {  	v54 =	vor.u32 s7, v32;
	_ =	sdelay $0x3  }
0x284: {  	[tilespmem:v37+s11+$0x0] =	vst.idx.msk $0xffff, v48  }
0x285: {  	v48 =	vld.idx.msk [tilespmem:v54+s14+$0x0], $0xffff  }
0x286: {  	v55 =	vor.u32 s8, v34;
	_ =	sdelay $0x3  }
0x287: {  	[tilespmem:v38+s11+$0x0] =	vst.idx.msk $0xffff, v48  }
0x288: {  	v48 =	vld.idx.msk [tilespmem:v55+s14+$0x0], $0xffff  }
0x289: {  	v56 =	vor.u32 s15, v28;
	_ =	sdelay $0x3  }
0x28a: {  	[tilespmem:v39+s11+$0x0] =	vst.idx.msk $0xffff, v48  }
0x28b: {  	v48 =	vld.idx.msk [tilespmem:v56+s14+$0x0], $0xffff  }
0x28c: {  	v57 =	vor.u32 s16, v30;
	_ =	sdelay $0x3  }
0x28d: {  	[tilespmem:v40+s11+$0x0] =	vst.idx.msk $0xffff, v48  }
0x28e: {  	v48 =	vld.idx.msk [tilespmem:v57+s14+$0x0], $0xffff  }
0x28f: {  	v58 =	vor.u32 s17, v32;
	_ =	sdelay $0x3  }
0x290: {  	[tilespmem:v41+s11+$0x0] =	vst.idx.msk $0xffff, v48  }
0x291: {  	v48 =	vld.idx.msk [tilespmem:v58+s14+$0x0], $0xffff  }
0x292: {  	v59 =	vor.u32 s18, v34;
	_ =	sdelay $0x3  }
0x293: {  	[tilespmem:v42+s11+$0x0] =	vst.idx.msk $0xffff, v48  }
0x294: {  	v48 =	vld.idx.msk [tilespmem:v59+s14+$0x0], $0xffff  }
0x295: {  	v60 =	vor.u32 s19, v28;
	_ =	sdelay $0x3  }
0x296: {  	[tilespmem:v43+s11+$0x0] =	vst.idx.msk $0xffff, v48  }
0x297: {  	v48 =	vld.idx.msk [tilespmem:v60+s14+$0x0], $0xffff  }
0x298: {  	v61 =	vor.u32 s20, v30;
	_ =	sdelay $0x3  }
0x299: {  	[tilespmem:v44+s11+$0x0] =	vst.idx.msk $0xffff, v48  }
0x29a: {  	v48 =	vld.idx.msk [tilespmem:v61+s14+$0x0], $0xffff  }
0x29b: {  	v62 =	vor.u32 s21, v32;
	_ =	sdelay $0x3  }
0x29c: {  	[tilespmem:v45+s11+$0x0] =	vst.idx.msk $0xffff, v48  }
0x29d: {  	v48 =	vld.idx.msk [tilespmem:v62+s14+$0x0], $0xffff  }
0x29e: {  	v63 =	vor.u32 s22, v34;
	_ =	sdelay $0x3  }
0x29f: {  	[tilespmem:v46+s11+$0x0] =	vst.idx.msk $0xffff, v48  }
0x2a0: {  	v48 =	vld.idx.msk [tilespmem:v63+s14+$0x0], $0xffff;
	_ =	sdelay $0x4  }
0x2a1: {  	s17 =	rddreg [dreg:$0x5];
	s20 =	simm.s32 $0x200;
	[tilespmem:v47+s11+$0x0] =	vst.idx.msk $0xffff, v48  }
0x2a2: {  	v48 =	vor.u32 s20, v0;
	[hbm4b:s17+s3] =	stream.linear.scatter [tilespmem:s11], [sflag:$0x2], $0x200, $0x38;
	[tilespmem:$0x1D400] =	vst v63  }
0x2a3: {  	_ =	swait.ge [sflag:s13], $0x200  }
0x2a4: {  	s1 =	simm.s32 $0x5E0;
	s16 =	simm.s32 $0x3E0;
	[sflag:s13] =	ssyncset.done $0x0  }
.LBB2_19:
0x2a5: {  	[sflag:s13] =	ssyncadd.s32 $0xFFFFFE00  }
0x2a6: {  	s17 =	sadd.s32 $0x30D40, s17;
	s19 =	smov.u32 s1;
	s18 =	sadd.s32 $0x200, s1  }
0x2a7: {  	p1 =	sne.s32 s1, $0x33E0;
	v48 =	vld.idx.msk [tilespmem:v48+s14+$0x0], $0xffff;
	_ =	sdelay $0x1  }
0x2a8: {  	v49 =	vor.u32 s20, v25;
	_ =	sdelay $0x3  }
0x2a9: {  	[tilespmem:v1+s11+$0x0] =	vst.idx.msk $0xffff, v48  }
0x2aa: {  	v48 =	vld.idx.msk [tilespmem:v49+s14+$0x0], $0xffff;
	_ =	sdelay $0x1  }
0x2ab: {  	v49 =	vor.u32 s20, v26;
	_ =	sdelay $0x3  }
0x2ac: {  	[tilespmem:v3+s11+$0x0] =	vst.idx.msk $0xffff, v48  }
0x2ad: {  	v48 =	vld.idx.msk [tilespmem:v49+s14+$0x0], $0xffff;
	_ =	sdelay $0x1  }
0x2ae: {  	v49 =	vor.u32 s20, v27;
	_ =	sdelay $0x3  }
0x2af: {  	[tilespmem:v4+s11+$0x0] =	vst.idx.msk $0xffff, v48  }
0x2b0: {  	v48 =	vld.idx.msk [tilespmem:v49+s14+$0x0], $0xffff  }
0x2b1: {  	s1 =	sadd.s32 $0xFFFFFEA0, s16  }
0x2b2: {  	v49 =	vor.u32 s1, v0;
	_ =	sdelay $0x3  }
0x2b3: {  	[tilespmem:v5+s11+$0x0] =	vst.idx.msk $0xffff, v48  }
0x2b4: {  	v48 =	vld.idx.msk [tilespmem:v49+s14+$0x0], $0xffff  }
0x2b5: {  	s2 =	sadd.s32 $0xFFFFFEC0, s16  }
0x2b6: {  	v49 =	vor.u32 s2, v25;
	_ =	sdelay $0x3  }
0x2b7: {  	[tilespmem:v6+s11+$0x0] =	vst.idx.msk $0xffff, v48  }
0x2b8: {  	v48 =	vld.idx.msk [tilespmem:v49+s14+$0x0], $0xffff  }
0x2b9: {  	s4 =	sadd.s32 $0xFFFFFEE0, s16  }
0x2ba: {  	v49 =	vor.u32 s4, v26;
	_ =	sdelay $0x3  }
0x2bb: {  	[tilespmem:v7+s11+$0x0] =	vst.idx.msk $0xffff, v48  }
0x2bc: {  	v48 =	vld.idx.msk [tilespmem:v49+s14+$0x0], $0xffff  }
0x2bd: {  	s21 =	sadd.s32 $0xFFFFFF00, s16  }
0x2be: {  	v49 =	vor.u32 s21, v27;
	_ =	sdelay $0x3  }
0x2bf: {  	[tilespmem:v8+s11+$0x0] =	vst.idx.msk $0xffff, v48  }
0x2c0: {  	v48 =	vld.idx.msk [tilespmem:v49+s14+$0x0], $0xffff  }
0x2c1: {  	s22 =	sadd.s32 $0xFFFFFF20, s16  }
0x2c2: {  	v49 =	vor.u32 s22, v0;
	_ =	sdelay $0x3  }
0x2c3: {  	[tilespmem:v9+s11+$0x0] =	vst.idx.msk $0xffff, v48  }
0x2c4: {  	v48 =	vld.idx.msk [tilespmem:v49+s14+$0x0], $0xffff  }
0x2c5: {  	s23 =	sadd.s32 $0xFFFFFF40, s16  }
0x2c6: {  	v49 =	vor.u32 s23, v25;
	_ =	sdelay $0x3  }
0x2c7: {  	[tilespmem:v13+s11+$0x0] =	vst.idx.msk $0xffff, v48  }
0x2c8: {  	v48 =	vld.idx.msk [tilespmem:v49+s14+$0x0], $0xffff  }
0x2c9: {  	s24 =	sadd.s32 $0xFFFFFF60, s16  }
0x2ca: {  	v49 =	vor.u32 s24, v26;
	_ =	sdelay $0x3  }
0x2cb: {  	[tilespmem:v15+s11+$0x0] =	vst.idx.msk $0xffff, v48  }
0x2cc: {  	v48 =	vld.idx.msk [tilespmem:v49+s14+$0x0], $0xffff  }
0x2cd: {  	s25 =	sadd.s32 $0xFFFFFF80, s16  }
0x2ce: {  	v49 =	vor.u32 s25, v27;
	_ =	sdelay $0x3  }
0x2cf: {  	[tilespmem:v16+s11+$0x0] =	vst.idx.msk $0xffff, v48  }
0x2d0: {  	v48 =	vld.idx.msk [tilespmem:v49+s14+$0x0], $0xffff  }
0x2d1: {  	s26 =	sadd.s32 $0xFFFFFFA0, s16  }
0x2d2: {  	v49 =	vor.u32 s26, v0;
	_ =	sdelay $0x3  }
0x2d3: {  	[tilespmem:v17+s11+$0x0] =	vst.idx.msk $0xffff, v48  }
0x2d4: {  	v48 =	vld.idx.msk [tilespmem:v49+s14+$0x0], $0xffff  }
0x2d5: {  	s28 =	sadd.s32 $0xFFFFFFC0, s16  }
0x2d6: {  	v49 =	vor.u32 s28, v25;
	_ =	sdelay $0x3  }
0x2d7: {  	[tilespmem:v18+s11+$0x0] =	vst.idx.msk $0xffff, v48  }
0x2d8: {  	v48 =	vld.idx.msk [tilespmem:v49+s14+$0x0], $0xffff  }
0x2d9: {  	s29 =	sadd.s32 $0xFFFFFFE0, s16  }
0x2da: {  	v49 =	vor.u32 s29, v26;
	_ =	sdelay $0x3  }
0x2db: {  	[tilespmem:v19+s11+$0x0] =	vst.idx.msk $0xffff, v48  }
0x2dc: {  	v48 =	vld.idx.msk [tilespmem:v49+s14+$0x0], $0xffff;
	_ =	sdelay $0x1  }
0x2dd: {  	v49 =	vor.u32 s16, v27;
	_ =	sdelay $0x3  }
0x2de: {  	[tilespmem:v20+s11+$0x0] =	vst.idx.msk $0xffff, v48  }
0x2df: {  	v48 =	vld.idx.msk [tilespmem:v49+s14+$0x0], $0xffff;
	_ =	sdelay $0x1  }
0x2e0: {  	v49 =	vor.u32 s20, v28;
	_ =	sdelay $0x3  }
0x2e1: {  	[tilespmem:v21+s11+$0x0] =	vst.idx.msk $0xffff, v48  }
0x2e2: {  	v48 =	vld.idx.msk [tilespmem:v49+s14+$0x0], $0xffff;
	_ =	sdelay $0x1  }
0x2e3: {  	v49 =	vor.u32 s20, v30;
	_ =	sdelay $0x3  }
0x2e4: {  	[tilespmem:v29+s11+$0x0] =	vst.idx.msk $0xffff, v48  }
0x2e5: {  	v48 =	vld.idx.msk [tilespmem:v49+s14+$0x0], $0xffff;
	_ =	sdelay $0x1  }
0x2e6: {  	v49 =	vor.u32 s20, v32;
	_ =	sdelay $0x3  }
0x2e7: {  	[tilespmem:v31+s11+$0x0] =	vst.idx.msk $0xffff, v48  }
0x2e8: {  	v48 =	vld.idx.msk [tilespmem:v49+s14+$0x0], $0xffff;
	_ =	sdelay $0x1  }
0x2e9: {  	v49 =	vor.u32 s20, v34;
	_ =	sdelay $0x3  }
0x2ea: {  	[tilespmem:v33+s11+$0x0] =	vst.idx.msk $0xffff, v48  }
0x2eb: {  	v48 =	vld.idx.msk [tilespmem:v49+s14+$0x0], $0xffff;
	_ =	sdelay $0x1  }
0x2ec: {  	v49 =	vor.u32 s1, v28;
	_ =	sdelay $0x3  }
0x2ed: {  	[tilespmem:v35+s11+$0x0] =	vst.idx.msk $0xffff, v48  }
0x2ee: {  	v48 =	vld.idx.msk [tilespmem:v49+s14+$0x0], $0xffff;
	_ =	sdelay $0x1  }
0x2ef: {  	v49 =	vor.u32 s2, v30;
	_ =	sdelay $0x3  }
0x2f0: {  	[tilespmem:v36+s11+$0x0] =	vst.idx.msk $0xffff, v48  }
0x2f1: {  	v48 =	vld.idx.msk [tilespmem:v49+s14+$0x0], $0xffff;
	_ =	sdelay $0x1  }
0x2f2: {  	v49 =	vor.u32 s4, v32;
	_ =	sdelay $0x3  }
0x2f3: {  	[tilespmem:v37+s11+$0x0] =	vst.idx.msk $0xffff, v48  }
0x2f4: {  	v48 =	vld.idx.msk [tilespmem:v49+s14+$0x0], $0xffff;
	_ =	sdelay $0x1  }
0x2f5: {  	v49 =	vor.u32 s21, v34;
	_ =	sdelay $0x3  }
0x2f6: {  	[tilespmem:v38+s11+$0x0] =	vst.idx.msk $0xffff, v48  }
0x2f7: {  	v48 =	vld.idx.msk [tilespmem:v49+s14+$0x0], $0xffff;
	_ =	sdelay $0x1  }
0x2f8: {  	v49 =	vor.u32 s22, v28;
	_ =	sdelay $0x3  }
0x2f9: {  	[tilespmem:v39+s11+$0x0] =	vst.idx.msk $0xffff, v48  }
0x2fa: {  	v48 =	vld.idx.msk [tilespmem:v49+s14+$0x0], $0xffff;
	_ =	sdelay $0x1  }
0x2fb: {  	v49 =	vor.u32 s23, v30;
	_ =	sdelay $0x3  }
0x2fc: {  	[tilespmem:v40+s11+$0x0] =	vst.idx.msk $0xffff, v48  }
0x2fd: {  	v48 =	vld.idx.msk [tilespmem:v49+s14+$0x0], $0xffff;
	_ =	sdelay $0x1  }
0x2fe: {  	v49 =	vor.u32 s24, v32;
	_ =	sdelay $0x3  }
0x2ff: {  	[tilespmem:v41+s11+$0x0] =	vst.idx.msk $0xffff, v48  }
0x300: {  	v48 =	vld.idx.msk [tilespmem:v49+s14+$0x0], $0xffff;
	_ =	sdelay $0x1  }
0x301: {  	v49 =	vor.u32 s25, v34;
	_ =	sdelay $0x3  }
0x302: {  	[tilespmem:v42+s11+$0x0] =	vst.idx.msk $0xffff, v48  }
0x303: {  	v48 =	vld.idx.msk [tilespmem:v49+s14+$0x0], $0xffff;
	_ =	sdelay $0x1  }
0x304: {  	v49 =	vor.u32 s26, v28;
	_ =	sdelay $0x3  }
0x305: {  	[tilespmem:v43+s11+$0x0] =	vst.idx.msk $0xffff, v48  }
0x306: {  	v48 =	vld.idx.msk [tilespmem:v49+s14+$0x0], $0xffff;
	_ =	sdelay $0x1  }
0x307: {  	v49 =	vor.u32 s28, v30;
	_ =	sdelay $0x3  }
0x308: {  	[tilespmem:v44+s11+$0x0] =	vst.idx.msk $0xffff, v48  }
0x309: {  	v48 =	vld.idx.msk [tilespmem:v49+s14+$0x0], $0xffff;
	_ =	sdelay $0x1  }
0x30a: {  	v49 =	vor.u32 s29, v32;
	_ =	sdelay $0x3  }
0x30b: {  	[tilespmem:v45+s11+$0x0] =	vst.idx.msk $0xffff, v48  }
0x30c: {  	v48 =	vld.idx.msk [tilespmem:v49+s14+$0x0], $0xffff;
	_ =	sdelay $0x1  }
0x30d: {  	v49 =	vor.u32 s16, v34;
	s16 =	smov.u32 s19;
	_ =	sdelay $0x3  }
0x30e: {  	[tilespmem:v46+s11+$0x0] =	vst.idx.msk $0xffff, v48  }
0x30f: {  	v49 =	vld.idx.msk [tilespmem:v49+s14+$0x0], $0xffff;
	_ =	sdelay $0x4  }
.Ltmp15:
0x310: {  	s20 =	sadd.s32 $0xFFFFFE20, s16;
	(pc) =	sbr.rel @p1 .LBB2_19-.Ltmp15, $4  }
0x311: {  	v48 =	vor.u32 s20, v0;
	[tilespmem:v47+s11+$0x0] =	vst.idx.msk $0xffff, v49  }
0x312: {  	[hbm4b:s17+s3] =	stream.linear.scatter [tilespmem:s11], [sflag:$0x2], $0x200, $0x38;
	[tilespmem:$0x1D400] =	vst v63  }
0x313: {  	_ =	swait.ge [sflag:s13], $0x200  }
0x314: {  	s1 =	smov.u32 s18;
	[sflag:s13] =	ssyncset.done $0x0  }
0x315: {  	_ =	sdelay $0x2  }
0x316: {  	[sflag:s13] =	ssyncadd.s32 $0xFFFFFE00  }
0x317: {  	v48 =	vld.idx.msk [tilespmem:v48+s14+$0x0], $0xffff  }
0x318: {  	v49 =	vor.u32 s20, v25;
	_ =	sdelay $0x3  }
0x319: {  	[tilespmem:v1+s11+$0x0] =	vst.idx.msk $0xffff, v48  }
0x31a: {  	v48 =	vld.idx.msk [tilespmem:v49+s14+$0x0], $0xffff  }
0x31b: {  	v58 =	vor.u32 s20, v26;
	_ =	sdelay $0x3  }
0x31c: {  	[tilespmem:v3+s11+$0x0] =	vst.idx.msk $0xffff, v48  }
0x31d: {  	v48 =	vld.idx.msk [tilespmem:v58+s14+$0x0], $0xffff  }
0x31e: {  	v59 =	vor.u32 s20, v27;
	_ =	sdelay $0x3  }
0x31f: {  	[tilespmem:v4+s11+$0x0] =	vst.idx.msk $0xffff, v48  }
0x320: {  	s1 =	sadd.s32 $0xFFFFFEA0, s16;
	v48 =	vld.idx.msk [tilespmem:v59+s14+$0x0], $0xffff  }
0x321: {  	v60 =	vor.u32 s1, v0;
	_ =	sdelay $0x3  }
0x322: {  	[tilespmem:v5+s11+$0x0] =	vst.idx.msk $0xffff, v48  }
0x323: {  	s2 =	sadd.s32 $0xFFFFFEC0, s16;
	v48 =	vld.idx.msk [tilespmem:v60+s14+$0x0], $0xffff  }
0x324: {  	v61 =	vor.u32 s2, v25;
	_ =	sdelay $0x3  }
0x325: {  	[tilespmem:v6+s11+$0x0] =	vst.idx.msk $0xffff, v48  }
0x326: {  	s4 =	sadd.s32 $0xFFFFFEE0, s16;
	v48 =	vld.idx.msk [tilespmem:v61+s14+$0x0], $0xffff  }
0x327: {  	v62 =	vor.u32 s4, v26;
	_ =	sdelay $0x3  }
0x328: {  	[tilespmem:v7+s11+$0x0] =	vst.idx.msk $0xffff, v48  }
0x329: {  	s7 =	sadd.s32 $0xFFFFFF00, s16;
	v48 =	vld.idx.msk [tilespmem:v62+s14+$0x0], $0xffff  }
0x32a: {  	v63 =	vor.u32 s7, v27;
	_ =	sdelay $0x3  }
0x32b: {  	[tilespmem:v8+s11+$0x0] =	vst.idx.msk $0xffff, v48  }
0x32c: {  	s8 =	sadd.s32 $0xFFFFFF20, s16;
	v48 =	vld.idx.msk [tilespmem:v63+s14+$0x0], $0xffff  }
0x32d: {  	v52 =	vor.u32 s8, v0;
	_ =	sdelay $0x3  }
0x32e: {  	[tilespmem:v9+s11+$0x0] =	vst.idx.msk $0xffff, v48  }
0x32f: {  	s15 =	sadd.s32 $0xFFFFFF40, s16;
	v48 =	vld.idx.msk [tilespmem:v52+s14+$0x0], $0xffff  }
0x330: {  	v53 =	vor.u32 s15, v25;
	_ =	sdelay $0x3  }
0x331: {  	[tilespmem:v13+s11+$0x0] =	vst.idx.msk $0xffff, v48  }
0x332: {  	s18 =	sadd.s32 $0xFFFFFF60, s16;
	v48 =	vld.idx.msk [tilespmem:v53+s14+$0x0], $0xffff  }
0x333: {  	v54 =	vor.u32 s18, v26;
	_ =	sdelay $0x3  }
0x334: {  	[tilespmem:v15+s11+$0x0] =	vst.idx.msk $0xffff, v48  }
0x335: {  	s19 =	sadd.s32 $0xFFFFFF80, s16;
	v48 =	vld.idx.msk [tilespmem:v54+s14+$0x0], $0xffff  }
0x336: {  	v55 =	vor.u32 s19, v27;
	_ =	sdelay $0x3  }
0x337: {  	[tilespmem:v16+s11+$0x0] =	vst.idx.msk $0xffff, v48  }
0x338: {  	s21 =	sadd.s32 $0xFFFFFFA0, s16;
	v48 =	vld.idx.msk [tilespmem:v55+s14+$0x0], $0xffff  }
0x339: {  	v56 =	vor.u32 s21, v0;
	_ =	sdelay $0x3  }
0x33a: {  	[tilespmem:v17+s11+$0x0] =	vst.idx.msk $0xffff, v48  }
0x33b: {  	s22 =	sadd.s32 $0xFFFFFFC0, s16;
	v48 =	vld.idx.msk [tilespmem:v56+s14+$0x0], $0xffff  }
0x33c: {  	v57 =	vor.u32 s22, v25;
	_ =	sdelay $0x3  }
0x33d: {  	[tilespmem:v18+s11+$0x0] =	vst.idx.msk $0xffff, v48  }
0x33e: {  	s23 =	sadd.s32 $0xFFFFFFE0, s16;
	v48 =	vld.idx.msk [tilespmem:v57+s14+$0x0], $0xffff  }
0x33f: {  	v58 =	vor.u32 s23, v26;
	_ =	sdelay $0x3  }
0x340: {  	[tilespmem:v19+s11+$0x0] =	vst.idx.msk $0xffff, v48  }
0x341: {  	v48 =	vld.idx.msk [tilespmem:v58+s14+$0x0], $0xffff  }
0x342: {  	v59 =	vor.u32 s16, v27;
	_ =	sdelay $0x3  }
0x343: {  	[tilespmem:v20+s11+$0x0] =	vst.idx.msk $0xffff, v48  }
0x344: {  	v48 =	vld.idx.msk [tilespmem:v59+s14+$0x0], $0xffff  }
0x345: {  	v60 =	vor.u32 s20, v28;
	_ =	sdelay $0x3  }
0x346: {  	[tilespmem:v21+s11+$0x0] =	vst.idx.msk $0xffff, v48  }
0x347: {  	v48 =	vld.idx.msk [tilespmem:v60+s14+$0x0], $0xffff  }
0x348: {  	v61 =	vor.u32 s20, v30;
	_ =	sdelay $0x3  }
0x349: {  	[tilespmem:v29+s11+$0x0] =	vst.idx.msk $0xffff, v48  }
0x34a: {  	v48 =	vld.idx.msk [tilespmem:v61+s14+$0x0], $0xffff  }
0x34b: {  	v62 =	vor.u32 s20, v32;
	_ =	sdelay $0x3  }
0x34c: {  	[tilespmem:v31+s11+$0x0] =	vst.idx.msk $0xffff, v48  }
0x34d: {  	v48 =	vld.idx.msk [tilespmem:v62+s14+$0x0], $0xffff  }
0x34e: {  	v63 =	vor.u32 s20, v34;
	_ =	sdelay $0x3  }
0x34f: {  	[tilespmem:v33+s11+$0x0] =	vst.idx.msk $0xffff, v48  }
0x350: {  	v48 =	vld.idx.msk [tilespmem:v63+s14+$0x0], $0xffff  }
0x351: {  	v52 =	vor.u32 s1, v28;
	_ =	sdelay $0x3  }
0x352: {  	[tilespmem:v35+s11+$0x0] =	vst.idx.msk $0xffff, v48  }
0x353: {  	v48 =	vld.idx.msk [tilespmem:v52+s14+$0x0], $0xffff  }
0x354: {  	v53 =	vor.u32 s2, v30;
	_ =	sdelay $0x3  }
0x355: {  	[tilespmem:v36+s11+$0x0] =	vst.idx.msk $0xffff, v48  }
0x356: {  	v48 =	vld.idx.msk [tilespmem:v53+s14+$0x0], $0xffff  }
0x357: {  	v54 =	vor.u32 s4, v32;
	_ =	sdelay $0x3  }
0x358: {  	[tilespmem:v37+s11+$0x0] =	vst.idx.msk $0xffff, v48  }
0x359: {  	v48 =	vld.idx.msk [tilespmem:v54+s14+$0x0], $0xffff  }
0x35a: {  	v55 =	vor.u32 s7, v34;
	_ =	sdelay $0x3  }
0x35b: {  	[tilespmem:v38+s11+$0x0] =	vst.idx.msk $0xffff, v48  }
0x35c: {  	v48 =	vld.idx.msk [tilespmem:v55+s14+$0x0], $0xffff  }
0x35d: {  	v56 =	vor.u32 s8, v28;
	_ =	sdelay $0x3  }
0x35e: {  	[tilespmem:v39+s11+$0x0] =	vst.idx.msk $0xffff, v48  }
0x35f: {  	v48 =	vld.idx.msk [tilespmem:v56+s14+$0x0], $0xffff  }
0x360: {  	v57 =	vor.u32 s15, v30;
	_ =	sdelay $0x3  }
0x361: {  	[tilespmem:v40+s11+$0x0] =	vst.idx.msk $0xffff, v48  }
0x362: {  	v48 =	vld.idx.msk [tilespmem:v57+s14+$0x0], $0xffff  }
0x363: {  	v58 =	vor.u32 s18, v32;
	_ =	sdelay $0x3  }
0x364: {  	[tilespmem:v41+s11+$0x0] =	vst.idx.msk $0xffff, v48  }
0x365: {  	v48 =	vld.idx.msk [tilespmem:v58+s14+$0x0], $0xffff  }
0x366: {  	v59 =	vor.u32 s19, v34;
	_ =	sdelay $0x3  }
0x367: {  	[tilespmem:v42+s11+$0x0] =	vst.idx.msk $0xffff, v48  }
0x368: {  	v48 =	vld.idx.msk [tilespmem:v59+s14+$0x0], $0xffff  }
0x369: {  	v60 =	vor.u32 s21, v28;
	_ =	sdelay $0x3  }
0x36a: {  	[tilespmem:v43+s11+$0x0] =	vst.idx.msk $0xffff, v48  }
0x36b: {  	v48 =	vld.idx.msk [tilespmem:v60+s14+$0x0], $0xffff  }
0x36c: {  	v61 =	vor.u32 s22, v30;
	_ =	sdelay $0x3  }
0x36d: {  	[tilespmem:v44+s11+$0x0] =	vst.idx.msk $0xffff, v48  }
0x36e: {  	v48 =	vld.idx.msk [tilespmem:v61+s14+$0x0], $0xffff  }
0x36f: {  	v62 =	vor.u32 s23, v32;
	_ =	sdelay $0x3  }
0x370: {  	[tilespmem:v45+s11+$0x0] =	vst.idx.msk $0xffff, v48  }
0x371: {  	v48 =	vld.idx.msk [tilespmem:v62+s14+$0x0], $0xffff  }
0x372: {  	v63 =	vor.u32 s16, v34;
	_ =	sdelay $0x3  }
0x373: {  	[tilespmem:v46+s11+$0x0] =	vst.idx.msk $0xffff, v48  }
0x374: {  	v48 =	vld.idx.msk [tilespmem:v63+s14+$0x0], $0xffff;
	_ =	sdelay $0x4  }
.Ltmp16:
0x375: {  	s31 =	sadd.s32 $0x30D40, s17;
	[tilespmem:v47+s11+$0x0] =	vst.idx.msk $0xffff, v48;
	(pc) =	sbr.rel .LBB2_21-.Ltmp16, $4  }
0x376: {  	[hbm4b:s31+s3] =	stream.linear.scatter [tilespmem:s11], [sflag:$0x2], $0x200, $0x38;
	[tilespmem:$0x1D400] =	vst v63  }
0x377: {  	_ =	swait.ge [sflag:s13], $0x200  }
0x378: {  	[sflag:s13] =	ssyncset.done $0x0  }
0x379: {  	s2 =	rddreg [dreg:$0x6];
	[sflag:s13] =	ssyncadd.s32 $0xFFFFFE00  }
.LBB2_22:
0x37a: {  	_ =	sfence.sel $0x180000  }
0x37b: {  	[bflag:$0x0] =	sbarrier.arrive $0xFFFF  }
0x37c: {  	_ =	strace $0x90000047  }
0x37d: {  	s0 =	stileid.u32;
	[bflag:$0x2] =	sbarrier.arrive $0xFFFF  }
0x37e: {  	p0 =	sne.s32 s0, $0x0;
	s0 =	rddreg [dreg:$0x3]  }
0x37f: {  	s0 =	sadd.s32 @!p0 $0x100000, s0  }
0x380: {  	[sflag:s0] =	ssyncadd.tile.s32 @!p0 $0x1;
	_ =	shalt  }
.Lfunc_end2:
_tile_overlayer_lowered:
.L_overlay_start_2:
0x381: {  	(tag) =	ssettag $0x2  }
0x382: {  	s0 =	rddreg [dreg:$0x0];
	s2 =	stileid.u32  }
0x383: {  	s1 =	rddreg [dreg:$0x1];
	p0 =	sne.s32 s2, $0x0  }
0x384: {  	s3 =	rddreg [dreg:$0x2];
	[bflag:$0x3] =	sbarrier.arrive $0xFFFF;
	s2 =	simm.s32 @!p0 $0x1C02  }
0x385: {  	[timem:s3], [sflag:s2] =	dma.local @!p0 [hbm:s0], s1  }
0x386: {  	s0 =	simm.s32 @!p0 $0x2  }
0x387: {  	_ =	swait.ge @!p0 [sflag:s0], s1  }
0x388: {  	s1 =	ssub.s32 @!p0 $0x0, s1;
	[sflag:s0] =	ssyncset.done @!p0 $0x0  }
0x389: {  	[sflag:s0] =	ssyncadd.s32 @!p0 s1  }
0x38a: {  	[bflag:$0x3] =	sbarrier.arrive $0xFFFF  }
0x38b: {  	_ =	shalt  }

// kernel: kernel.8.cloned.1.call-start
scs
__scs_entry_jumppad:
0x0: {  	(pc) =	sbr.rel $0x88, $3  }
0x1: {  	(tag) =	ssettag $0x0;
	lr =	simm.s32 $0x1  }
0x2: {  	[smem:$0x3F9B] =	sst lr;
	_ =	strace $0xD0000000  }
0x3: {  	_ = 	snop  }
0x4: {  	_ = 	snop  }
0x5: {  	_ = 	snop  }
0x6: {  	_ = 	snop  }
0x7: {  	_ = 	snop  }
__scs_overlays_trampoline_lowered:
0x8: {  	[smem:$0x3FAA] =	sst s0  }
0x9: {  	[smem:$0x3FAB] =	sst s1  }
0xa: {  	[smem:$0x3FAC] =	sst s2  }
0xb: {  	[smem:$0x3FAD] =	sst s3  }
0xc: {  	[smem:$0x3FAE] =	sst s4  }
0xd: {  	[smem:$0x3FAF] =	sst s5  }
0xe: {  	[smem:$0x3FB0] =	sst s6  }
0xf: {  	[smem:$0x3FB1] =	sst s7  }
0x10: {  	[smem:$0x3FB2] =	sst s8  }
0x11: {  	[smem:$0x3FB3] =	sst s9;
	s0 =	simm.s32 @!p0 $0x0  }
0x12: {  	s1 =	sld [smem:$0x3F99];
	s0 =	simm.s32 @p0 $0x1  }
0x13: {  	[smem:$0x3FB4] =	sst s0;
	s0 =	simm.s32 @!p1 $0x0  }
0x14: {  	s2 =	sld [smem:$0x3F98];
	s0 =	simm.s32 @p1 $0x1  }
0x15: {  	[smem:$0x3FB5] =	sst s0;
	s0 =	simm.s32 @!p2 $0x0  }
0x16: {  	s3 =	sld [smem:$0x3FDB];
	s0 =	simm.s32 @p2 $0x1  }
0x17: {  	s4 =	simm.s32 $0x1BF5;
	[smem:$0x3FB7] =	sst s0  }
0x18: {  	s0 =	sld [smem:$0x3F9A];
	_ =	swait.ge [sflag:s4], $0x0  }
0x19: {  	s7 =	sld [smem:$0x3F9B]  }
0x1a: {  	s8 =	sadd.s32 $0xFFFFE003, lr  }
0x1b: {  	s9 =	sadd.s32 $0xFFFFFEF7, lr;
	s5 =	simm.s32 $0xFFFFFFFF;
	p2 =	slt.u32 s8, $0xFFFFF086  }
0x1c: {  	p1 =	slt.u32 s9, $0xF7A;
	s5 =	simm.s32 @!p2 $0x0  }
0x1d: {  	s5 =	simm.s32 @p1 $0x1;
	p0 =	seq.s32 s7, s2  }
0x1e: {  	s7 =	smul.u32 @!p0 $0xF7A, s2;
	p2 =	seq.s32 @!p0 s5, $0x0  }
0x1f: {  	s9 =	smul.u32 $0xF7A, s1;
	s8 =	simm.s32 @!p0 $0x1BF5;
	p2 =	por !p2, p0  }
0x20: {  	[sflag:s8] =	ssyncset.s32 @!p0 $0xFFFFF086;
	s6 =	sadd.s32 @!p0 s3, s7;
	s7 =	simm.s32 @!p0 $0x108  }
0x21: {  	s3 =	sadd.s32 s3, s9;
	s6 =	sadd.s32 @!p0 $0x88, s6;
	s7 =	simm.s32 @p2 $0x1082  }
0x22: {  	[simem:s7], [sflag:s8] =	dma.local @!p0 [hbm:s6], $0xF7A  }
0x23: {  	s9 =	sor.u32 $0xD0000000, s2;
	s6 =	simm.s32 $0x108;
	_ =	swait.ge @!p0 [sflag:s8], $0x0  }
0x24: {  	s3 =	sadd.s32 $0x88, s3;
	s6 =	simm.s32 @!p1 $0x1082;
	[sflag:s4] =	ssyncset.s32 $0xFFFFF086  }
0x25: {  	[simem:s6], [sflag:s4] =	dma.local [hbm:s3], $0xF7A  }
0x26: {  	[smem:$0x3F9B] =	sst s1;
	(tag) =	ssettag s2;
	_ =	strace s9  }
0x27: {  	s1 =	sld [smem:$0x3FAB]  }
0x28: {  	s2 =	sld [smem:$0x3FAC]  }
0x29: {  	s4 =	sld [smem:$0x3FAE]  }
0x2a: {  	p0 =	seq.s32 s5, $0x0;
	s5 =	sld [smem:$0x3FAF]  }
0x2b: {  	s6 =	sld [smem:$0x3FB0]  }
0x2c: {  	s7 =	sld [smem:$0x3FB1]  }
0x2d: {  	s3 =	simm.s32 $0x108;
	s8 =	sld [smem:$0x3FB2]  }
0x2e: {  	s3 =	simm.s32 @!p0 $0x1082;
	s9 =	sld [smem:$0x3FB3]  }
0x2f: {  	lr =	sadd.s32 s0, s3;
	s0 =	sld [smem:$0x3FAA]  }
0x30: {  	s3 =	sld [smem:$0x3FAD]  }
0x31: {  	[smem:$0x3FB6] =	sst s10  }
0x32: {  	s10 =	sld [smem:$0x3FB4];
	_ =	sdelay $0x3  }
0x33: {  	p0 =	seq.s32 s10, $0x1;
	s10 =	sld [smem:$0x3FB6];
	_ =	sdelay $0x3  }
0x34: {  	[smem:$0x3FB6] =	sst s10  }
0x35: {  	s10 =	sld [smem:$0x3FB5];
	_ =	sdelay $0x3  }
0x36: {  	p1 =	seq.s32 s10, $0x1;
	s10 =	sld [smem:$0x3FB6];
	_ =	sdelay $0x3  }
0x37: {  	[smem:$0x3FB6] =	sst s10  }
0x38: {  	s10 =	sld [smem:$0x3FB7]  }
0x39: {  	_ = 	snop;
	(pc) =	sbr.ind lr, $3  }
0x3a: {  	_ = 	snop  }
0x3b: {  	_ = 	snop  }
0x3c: {  	p2 =	seq.s32 s10, $0x1;
	s10 =	sld [smem:$0x3FB6]  }
0x3d: {  	_ =	shalt  }
0x3e: {  	_ =	shalt  }
0x3f: {  	_ =	shalt  }
0x40: {  	_ =	shalt  }
0x41: {  	_ =	shalt  }
0x42: {  	_ =	shalt  }
0x43: {  	_ =	shalt  }
0x44: {  	_ =	shalt  }
0x45: {  	_ =	shalt  }
0x46: {  	_ =	shalt  }
0x47: {  	_ =	shalt  }
0x48: {  	_ =	shalt  }
0x49: {  	_ =	shalt  }
0x4a: {  	_ =	shalt  }
0x4b: {  	_ =	shalt  }
0x4c: {  	_ =	shalt  }
0x4d: {  	_ =	shalt  }
0x4e: {  	_ =	shalt  }
0x4f: {  	_ =	shalt  }
0x50: {  	_ =	shalt  }
0x51: {  	_ =	shalt  }
0x52: {  	_ =	shalt  }
0x53: {  	_ =	shalt  }
0x54: {  	_ =	shalt  }
0x55: {  	_ =	shalt  }
0x56: {  	_ =	shalt  }
0x57: {  	_ =	shalt  }
0x58: {  	_ =	shalt  }
0x59: {  	_ =	shalt  }
0x5a: {  	_ =	shalt  }
0x5b: {  	_ =	shalt  }
0x5c: {  	_ =	shalt  }
0x5d: {  	_ =	shalt  }
0x5e: {  	_ =	shalt  }
0x5f: {  	_ =	shalt  }
0x60: {  	_ =	shalt  }
0x61: {  	_ =	shalt  }
0x62: {  	_ =	shalt  }
0x63: {  	_ =	shalt  }
0x64: {  	_ =	shalt  }
0x65: {  	_ =	shalt  }
0x66: {  	_ =	shalt  }
0x67: {  	_ =	shalt  }
0x68: {  	_ =	shalt  }
0x69: {  	_ =	shalt  }
0x6a: {  	_ =	shalt  }
0x6b: {  	_ =	shalt  }
0x6c: {  	_ =	shalt  }
0x6d: {  	_ =	shalt  }
0x6e: {  	_ =	shalt  }
0x6f: {  	_ =	shalt  }
0x70: {  	_ =	shalt  }
0x71: {  	_ =	shalt  }
0x72: {  	_ =	shalt  }
0x73: {  	_ =	shalt  }
0x74: {  	_ =	shalt  }
0x75: {  	_ =	shalt  }
0x76: {  	_ =	shalt  }
0x77: {  	_ =	shalt  }
0x78: {  	_ =	shalt  }
0x79: {  	_ =	shalt  }
0x7a: {  	_ =	shalt  }
0x7b: {  	_ =	shalt  }
0x7c: {  	_ =	shalt  }
0x7d: {  	_ =	shalt  }
0x7e: {  	_ =	shalt  }
0x7f: {  	_ =	shalt  }
0x80: {  	_ =	shalt  }
0x81: {  	_ =	shalt  }
0x82: {  	_ =	shalt  }
0x83: {  	_ =	shalt  }
0x84: {  	_ =	shalt  }
0x85: {  	_ =	shalt  }
0x86: {  	_ =	shalt  }
0x87: {  	_ =	shalt  }
.Lfunc_end0:
.L_simem_size_0:
called_computation.1_lowered:
.L_overlay_start_0:
0x88: {  	s2 =	sld [smem:$0x3FD9]  }
0x89: {  	s3 =	sld [smem:$0x3FFE];
	_ =	sdelay $0x1  }
0x8a: {  	s1 =	srdreg.scid  }
0x8b: {  	s0 =	sand.u32 $0x1, s1  }
0x8c: {  	s16 =	sshll.u32 s0, $0xA;
	s2 =	sadd.s32 s3, s2  }
0x8d: {  	s2 =	sadd.s32 s2, s16  }
0x8e: {  	[smem:$0x3FC2] =	sst s2  }
0x8f: {  	_ = 	snop  }
0x90: {  	(tm) =	ssettm $0x1  }
0x91: {  	s17 =	sld [smem:$0x3FFB];
	_ =	sdelay $0x3  }
0x92: {  	_ =	strace s17  }
0x93: {  	s2 =	sld [smem:$0x3FFC];
	_ =	sdelay $0x3  }
0x94: {  	_ =	strace s2  }
0x95: {  	s2 =	sld [smem:$0x3FFD];
	_ =	sdelay $0x3  }
0x96: {  	_ =	strace s2  }
0x97: {  	_ =	strace $0x8FFFFFFF  }
0x98: {  	s18 =	sld [smem:$0x3FDB];
	_ =	sdelay $0x1  }
0x99: {  	s19 =	simm.s32 $_scs_section_size  }
0x9a: {  	s4 =	simm.s32 $_size__tile_overlayer_lowered;
	s5 =	simm.s32 $_tile_overlayer_lowered  }
0x9b: {  	s22 =	simm.s32 $0x1BFF;
	s21 =	sshll.u32 s5, $0x1;
	s2 =	sadd.s32 s19, s18  }
0x9c: {  	s6 =	simm.s32 $0x0;
	s20 =	sshll.u32 s4, $0x1;
	s4 =	sadd.s32 s21, s2  }
0x9d: {  	[timem:s6], [sflag:s22] =	dma.local [hbm:s4], s20  }
0x9e: {  	_ =	swait.ge [sflag:s22], s20  }
0x9f: {  	s3 =	ssub.s32 $0x0, s20;
	[sflag:s22] =	ssyncset.done $0x0  }
0xa0: {  	[sflag:s22] =	ssyncadd.s32 s3;
	_ =	sdelay $0x1  }
0xa1: {  	s23 =	simm.s32 $0x1B8B  }
0xa2: {  	_ =	swait.ge [sflag:s23], $0x1  }
0xa3: {  	[sflag:s23] =	ssyncset.done $0x0  }
0xa4: {  	s25 =	simm.s32 $0x1B8E;
	s24 =	sld [smem:$0x3FFE];
	[sflag:s23] =	ssyncadd.s32 $0xFFFFFFFF  }
0xa5: {  	s26 =	simm.s32 $execute0_lowered;
	[smem:$0x3FD2] =	sst s25  }
0xa6: {  	s4 =	sshll.u32 s26, $0x1;
	_ =	strace $0x80000049;
	[dreg:$0x1] =	wrdreg $0xFFFFFFFF  }
0xa7: {  	s28 =	simm.s32 $_size_execute0_lowered;
	s2 =	sadd.s32 s2, s4;
	[dreg:$0x0] =	wrdreg $0x0  }
0xa8: {  	s4 =	sshll.u32 s28, $0x1;
	[dreg:$0x2] =	wrdreg s2  }
0xa9: {  	[dreg:$0x3] =	wrdreg s4  }
0xaa: {  	[dreg:$0x4] =	wrdreg $0xC0  }
0xab: {  	_ =	task [dreg:s6], $0x5FFFF  }
0xac: {  	[dreg:$0x1] =	wrdreg $0xFFFFFFFF  }
0xad: {  	[dreg:$0x0] =	wrdreg $0x60  }
0xae: {  	[dreg:$0x2] =	wrdreg s24  }
0xaf: {  	[dreg:$0x3] =	wrdreg $0x9  }
0xb0: {  	_ =	task.clear_ibuf [dreg:s6], $0x4FFFF;
	_ =	strace $0x90000049  }
0xb1: {  	s29 =	simm.s32 $0x9;
	_ =	strace $0x8000004B  }
0xb2: {  	_ =	swait.ge [sflag:s29], $0x1  }
0xb3: {  	[sflag:s29] =	ssyncadd.s32 $0xFFFFFFFF  }
0xb4: {  	_ =	strace $0x9000004B  }
0xb5: {  	_ =	sfence  }
0xb6: {  	s30 =	sld [smem:$0x0];
	_ =	sdelay $0x2  }
0xb7: {  	s31 =	sshll.u32 s1, $0xD;
	s1 =	sshrl.u32 s1, $0x2  }
0xb8: {  	s3 =	sand.u32 $0x4000, s31;
	s1 =	sadd.s32 s1, s30  }
0xb9: {  	s0 =	sor.u32 s3, s0;
	s1 =	sshll.u32 s1, $0x11  }
0xba: {  	s0 =	sor.u32 s1, s0  }
0xbb: {  	s0 =	sadd.s32 $0x8F2B, s0  }
0xbc: {  	[sflag:s0] =	ssyncadd.remote.s32 $0x1  }
0xbd: {  	_ =	sfence.sel $0xFFFF  }
0xbe: {  	[dreg:$0x0] =	wrdreg $0xFFFFFFFF;
	(pc) =	sbr.abs _section_cstart, $3  }
0xbf: {  	[dreg:$0x1] =	wrdreg $0xFFFFFFFF  }
0xc0: {  	_ =	task.clear_ibuf [dreg:s6], $0x2FFFF;
	_ =	strace $0x9FFFFFFF  }
0xc1: {  	(tm) =	ssettm $0x7FFFFFFF  }
tec
execute0_lowered:
.L_overlay_start_1:
0x0: {  	(tag) =	ssettag $0x1  }
0x1: {  	s4 =	rddreg [dreg:$0x0]  }
0x2: {  	s0 =	rddreg [dreg:$0x1];
	s3 =	srdreg.scid  }
0x3: {  	s1 =	stileid.u32;
	s2 =	simm.s32 $0x0;
	s10 =	simm.s32 $0x3C00  }
0x4: {  	s11 =	simm.s32 $0x4400;
	s12 =	simm.s32 $0x4C00;
	s13 =	simm.s32 $0x5400  }
0x5: {  	s14 =	simm.s32 $0x5C00;
	s15 =	simm.s32 $0x6400;
	s16 =	simm.s32 $0x6C00  }
0x6: {  	s17 =	simm.s32 $0x1;
	s18 =	simm.s32 $0x0;
	s3 =	sand.u32 $0x1, s3  }
0x7: {  	s5 =	smul.u32 $0x68000, s1;
	[smem:$0x7FF] =	sst s2;
	s6 =	sshll.u32 s1, $0x1  }
0x8: {  	s7 =	smul.u32 $0x34000, s3;
	s6 =	sor.u32 s3, s6;
	s30 =	ssub.s32 $0x2, s3  }
0x9: {  	_ =	strace $0x8000004A;
	s6 =	smul.u32 $0x680, s6;
	s8 =	sshrl.u32 s30, $0x1  }
0xa: {  	s3 =	sadd.s32 $0x1000, s4;
	s5 =	sadd.s32 s7, s5;
	s31 =	ssub.s32 s30, s8  }
0xb: {  	s7 =	simm.s32 $0x2;
	s5 =	sshrl.u32 s5, $0x3;
	s6 =	sadd.s32 s6, s4  }
0xc: {  	s8 =	simm.s32 $0x80;
	s9 =	sadd.s32 s5, s4;
	s4 =	sadd.s32 $0x4F6A00, s6  }
0xd: {  	s5 =	smax.u32 s31, $0x1;
	s6 =	sadd.s32 $0x503A00, s9;
	s9 =	simm.s32 $0x3400  }
.LBB2_1:
0xe: {  	[tilespmem:s2], [sflag:$0x2] =	stream.linear.gather [hbm4b:s4+s2], $0x3400, $0x38;
	[tilespmem:$0x7400] =	vst v63  }
0xf: {  	_ =	swait.ge [sflag:s7], $0x3400  }
0x10: {  	[sflag:s7] =	ssyncset.done $0x0  }
0x11: {  	s19 =	simm.s32 $0x0;
	[sflag:s7] =	ssyncadd.s32 $0xFFFFCC00  }
0x12: {  	[tilespmem:s9], [sflag:$0x1] =	stream.indirect.gather [hbm4b:s3+s8], $0x10, s19, s8, $0xb8;
	[tilespmem:$0x7400] =	vst v63  }
0x13: {  	s24 =	simm.s32 $0x80  }
0x14: {  	[tilespmem:s10], [sflag:$0x1] =	stream.indirect.gather [hbm4b:s3+s8], $0x10, s24, s8, $0xb8;
	[tilespmem:$0x7400] =	vst v63  }
0x15: {  	s25 =	simm.s32 $0x100  }
0x16: {  	[tilespmem:s11], [sflag:$0x1] =	stream.indirect.gather [hbm4b:s3+s8], $0x10, s25, s8, $0xb8;
	[tilespmem:$0x7400] =	vst v63  }
0x17: {  	s26 =	simm.s32 $0x180  }
0x18: {  	[tilespmem:s12], [sflag:$0x1] =	stream.indirect.gather [hbm4b:s3+s8], $0x10, s26, s8, $0xb8;
	[tilespmem:$0x7400] =	vst v63  }
0x19: {  	s28 =	simm.s32 $0x200  }
0x1a: {  	[tilespmem:s13], [sflag:$0x1] =	stream.indirect.gather [hbm4b:s3+s8], $0x10, s28, s8, $0xb8;
	[tilespmem:$0x7400] =	vst v63  }
0x1b: {  	s29 =	simm.s32 $0x280  }
0x1c: {  	[tilespmem:s14], [sflag:$0x1] =	stream.indirect.gather [hbm4b:s3+s8], $0x10, s29, s8, $0xb8;
	[tilespmem:$0x7400] =	vst v63  }
0x1d: {  	s30 =	simm.s32 $0x300  }
0x1e: {  	[tilespmem:s15], [sflag:$0x1] =	stream.indirect.gather [hbm4b:s3+s8], $0x10, s30, s8, $0xb8;
	[tilespmem:$0x7400] =	vst v63  }
0x1f: {  	s31 =	simm.s32 $0x380  }
0x20: {  	[tilespmem:s16], [sflag:$0x1] =	stream.indirect.gather [hbm4b:s3+s8], $0x10, s31, s8, $0xb8;
	[tilespmem:$0x7400] =	vst v63  }
0x21: {  	_ =	swait.ge [sflag:s17], $0x800  }
0x22: {  	[sflag:s17] =	ssyncset.done $0x0  }
0x23: {  	[sflag:s17] =	ssyncadd.s32 $0xFFFFF800  }
0x24: {  	_ =	swait.ge [sflag:s17], $0x800  }
0x25: {  	[sflag:s17] =	ssyncset.done $0x0  }
0x26: {  	[sflag:s17] =	ssyncadd.s32 $0xFFFFF800  }
0x27: {  	_ =	swait.ge [sflag:s17], $0x800  }
0x28: {  	[sflag:s17] =	ssyncset.done $0x0  }
0x29: {  	[sflag:s17] =	ssyncadd.s32 $0xFFFFF800  }
0x2a: {  	_ =	swait.ge [sflag:s17], $0x800  }
0x2b: {  	[sflag:s17] =	ssyncset.done $0x0  }
0x2c: {  	[sflag:s17] =	ssyncadd.s32 $0xFFFFF800  }
0x2d: {  	_ =	swait.ge [sflag:s17], $0x800  }
0x2e: {  	[sflag:s17] =	ssyncset.done $0x0  }
0x2f: {  	[sflag:s17] =	ssyncadd.s32 $0xFFFFF800  }
0x30: {  	_ =	swait.ge [sflag:s17], $0x800  }
0x31: {  	[sflag:s17] =	ssyncset.done $0x0  }
0x32: {  	[sflag:s17] =	ssyncadd.s32 $0xFFFFF800  }
0x33: {  	_ =	swait.ge [sflag:s17], $0x800  }
0x34: {  	[sflag:s17] =	ssyncset.done $0x0  }
0x35: {  	[sflag:s17] =	ssyncadd.s32 $0xFFFFF800  }
0x36: {  	_ =	swait.ge [sflag:s17], $0x800  }
0x37: {  	[sflag:s17] =	ssyncset.done $0x0  }
0x38: {  	[sflag:s17] =	ssyncadd.s32 $0xFFFFF800  }
0x39: {  	[hbm4b:s6+s2] =	stream.linear.scatter [tilespmem:s9], [sflag:$0x2], $0x4000, $0x38;
	[tilespmem:$0x7400] =	vst v63  }
0x3a: {  	s20 =	simm.s32 $0x1000;
	_ =	swait.ge [sflag:s7], $0x4000  }
0x3b: {  	s22 =	simm.s32 $0x2000;
	s19 =	sadd.s32 $0x800, s6;
	[sflag:s7] =	ssyncset.done $0x0  }
.LBB2_2:
0x3c: {  	s23 =	sshra.s32 s20, $0x2  }
0x3d: {  	[sflag:s7] =	ssyncadd.s32 $0xFFFFC000;
	s20 =	smov.u32 s22;
	s21 =	sadd.s32 $0x1000, s22  }
0x3e: {  	[tilespmem:s9], [sflag:$0x1] =	stream.indirect.gather [hbm4b:s3+s8], $0x10, s23, s8, $0xb8;
	[tilespmem:$0x7400] =	vst v63  }
0x3f: {  	p0 =	sne.s32 s22, $0xC000;
	s22 =	sadd.s32 $0x80, s23  }
0x40: {  	[tilespmem:s10], [sflag:$0x1] =	stream.indirect.gather [hbm4b:s3+s8], $0x10, s22, s8, $0xb8;
	[tilespmem:$0x7400] =	vst v63  }
0x41: {  	s22 =	sadd.s32 $0x100, s23  }
0x42: {  	[tilespmem:s11], [sflag:$0x1] =	stream.indirect.gather [hbm4b:s3+s8], $0x10, s22, s8, $0xb8;
	[tilespmem:$0x7400] =	vst v63  }
0x43: {  	s22 =	sadd.s32 $0x180, s23  }
0x44: {  	[tilespmem:s12], [sflag:$0x1] =	stream.indirect.gather [hbm4b:s3+s8], $0x10, s22, s8, $0xb8;
	[tilespmem:$0x7400] =	vst v63  }
0x45: {  	s22 =	sadd.s32 $0x200, s23  }
0x46: {  	[tilespmem:s13], [sflag:$0x1] =	stream.indirect.gather [hbm4b:s3+s8], $0x10, s22, s8, $0xb8;
	[tilespmem:$0x7400] =	vst v63  }
0x47: {  	s22 =	sadd.s32 $0x280, s23  }
0x48: {  	[tilespmem:s14], [sflag:$0x1] =	stream.indirect.gather [hbm4b:s3+s8], $0x10, s22, s8, $0xb8;
	[tilespmem:$0x7400] =	vst v63  }
0x49: {  	s22 =	sadd.s32 $0x300, s23  }
0x4a: {  	[tilespmem:s15], [sflag:$0x1] =	stream.indirect.gather [hbm4b:s3+s8], $0x10, s22, s8, $0xb8;
	[tilespmem:$0x7400] =	vst v63  }
0x4b: {  	s22 =	sadd.s32 $0x380, s23  }
0x4c: {  	[tilespmem:s16], [sflag:$0x1] =	stream.indirect.gather [hbm4b:s3+s8], $0x10, s22, s8, $0xb8;
	[tilespmem:$0x7400] =	vst v63  }
0x4d: {  	_ =	swait.ge [sflag:s17], $0x800  }
0x4e: {  	[sflag:s17] =	ssyncset.done $0x0  }
0x4f: {  	[sflag:s17] =	ssyncadd.s32 $0xFFFFF800  }
0x50: {  	_ =	swait.ge [sflag:s17], $0x800  }
0x51: {  	[sflag:s17] =	ssyncset.done $0x0  }
0x52: {  	[sflag:s17] =	ssyncadd.s32 $0xFFFFF800  }
0x53: {  	_ =	swait.ge [sflag:s17], $0x800  }
0x54: {  	[sflag:s17] =	ssyncset.done $0x0  }
0x55: {  	[sflag:s17] =	ssyncadd.s32 $0xFFFFF800  }
0x56: {  	_ =	swait.ge [sflag:s17], $0x800  }
0x57: {  	[sflag:s17] =	ssyncset.done $0x0  }
0x58: {  	[sflag:s17] =	ssyncadd.s32 $0xFFFFF800  }
0x59: {  	_ =	swait.ge [sflag:s17], $0x800  }
0x5a: {  	[sflag:s17] =	ssyncset.done $0x0  }
0x5b: {  	[sflag:s17] =	ssyncadd.s32 $0xFFFFF800  }
0x5c: {  	_ =	swait.ge [sflag:s17], $0x800  }
0x5d: {  	[sflag:s17] =	ssyncset.done $0x0  }
0x5e: {  	[sflag:s17] =	ssyncadd.s32 $0xFFFFF800  }
0x5f: {  	_ =	swait.ge [sflag:s17], $0x800  }
0x60: {  	[sflag:s17] =	ssyncset.done $0x0  }
0x61: {  	[sflag:s17] =	ssyncadd.s32 $0xFFFFF800  }
0x62: {  	_ =	swait.ge [sflag:s17], $0x800  }
.Ltmp0:
0x63: {  	[sflag:s17] =	ssyncset.done $0x0;
	(pc) =	sbr.rel @p0 .LBB2_2-.Ltmp0, $4  }
0x64: {  	[sflag:s17] =	ssyncadd.s32 $0xFFFFF800  }
0x65: {  	[hbm4b:s19+s2] =	stream.linear.scatter [tilespmem:s9], [sflag:$0x2], $0x4000, $0x38;
	[tilespmem:$0x7400] =	vst v63  }
0x66: {  	_ =	swait.ge [sflag:s7], $0x4000  }
0x67: {  	s22 =	smov.u32 s21;
	s19 =	sadd.s32 $0x800, s19;
	[sflag:s7] =	ssyncset.done $0x0  }
0x68: {  	s20 =	sshra.s32 s20, $0x2;
	[sflag:s7] =	ssyncadd.s32 $0xFFFFC000  }
0x69: {  	[tilespmem:s9], [sflag:$0x1] =	stream.indirect.gather [hbm4b:s3+s8], $0x10, s20, s8, $0xb8;
	[tilespmem:$0x7400] =	vst v63  }
0x6a: {  	s21 =	sadd.s32 $0x80, s20  }
0x6b: {  	[tilespmem:s10], [sflag:$0x1] =	stream.indirect.gather [hbm4b:s3+s8], $0x10, s21, s8, $0xb8;
	[tilespmem:$0x7400] =	vst v63  }
0x6c: {  	s26 =	sadd.s32 $0x100, s20  }
0x6d: {  	[tilespmem:s11], [sflag:$0x1] =	stream.indirect.gather [hbm4b:s3+s8], $0x10, s26, s8, $0xb8;
	[tilespmem:$0x7400] =	vst v63  }
0x6e: {  	s28 =	sadd.s32 $0x180, s20  }
0x6f: {  	[tilespmem:s12], [sflag:$0x1] =	stream.indirect.gather [hbm4b:s3+s8], $0x10, s28, s8, $0xb8;
	[tilespmem:$0x7400] =	vst v63  }
0x70: {  	s29 =	sadd.s32 $0x200, s20  }
0x71: {  	[tilespmem:s13], [sflag:$0x1] =	stream.indirect.gather [hbm4b:s3+s8], $0x10, s29, s8, $0xb8;
	[tilespmem:$0x7400] =	vst v63  }
0x72: {  	s30 =	sadd.s32 $0x280, s20  }
0x73: {  	[tilespmem:s14], [sflag:$0x1] =	stream.indirect.gather [hbm4b:s3+s8], $0x10, s30, s8, $0xb8;
	[tilespmem:$0x7400] =	vst v63  }
0x74: {  	s31 =	sadd.s32 $0x300, s20  }
0x75: {  	[tilespmem:s15], [sflag:$0x1] =	stream.indirect.gather [hbm4b:s3+s8], $0x10, s31, s8, $0xb8;
	[tilespmem:$0x7400] =	vst v63  }
0x76: {  	s20 =	sadd.s32 $0x380, s20  }
0x77: {  	[tilespmem:s16], [sflag:$0x1] =	stream.indirect.gather [hbm4b:s3+s8], $0x10, s20, s8, $0xb8;
	[tilespmem:$0x7400] =	vst v63  }
0x78: {  	_ =	swait.ge [sflag:s17], $0x800  }
0x79: {  	[sflag:s17] =	ssyncset.done $0x0  }
0x7a: {  	[sflag:s17] =	ssyncadd.s32 $0xFFFFF800  }
0x7b: {  	_ =	swait.ge [sflag:s17], $0x800  }
0x7c: {  	[sflag:s17] =	ssyncset.done $0x0  }
0x7d: {  	[sflag:s17] =	ssyncadd.s32 $0xFFFFF800  }
0x7e: {  	_ =	swait.ge [sflag:s17], $0x800  }
0x7f: {  	[sflag:s17] =	ssyncset.done $0x0  }
0x80: {  	[sflag:s17] =	ssyncadd.s32 $0xFFFFF800  }
0x81: {  	_ =	swait.ge [sflag:s17], $0x800  }
0x82: {  	[sflag:s17] =	ssyncset.done $0x0  }
0x83: {  	[sflag:s17] =	ssyncadd.s32 $0xFFFFF800  }
0x84: {  	_ =	swait.ge [sflag:s17], $0x800  }
0x85: {  	[sflag:s17] =	ssyncset.done $0x0  }
0x86: {  	[sflag:s17] =	ssyncadd.s32 $0xFFFFF800  }
0x87: {  	_ =	swait.ge [sflag:s17], $0x800  }
0x88: {  	[sflag:s17] =	ssyncset.done $0x0  }
0x89: {  	[sflag:s17] =	ssyncadd.s32 $0xFFFFF800  }
0x8a: {  	_ =	swait.ge [sflag:s17], $0x800  }
0x8b: {  	[sflag:s17] =	ssyncset.done $0x0  }
0x8c: {  	[sflag:s17] =	ssyncadd.s32 $0xFFFFF800  }
0x8d: {  	s18 =	sadd.s32 $0x1, s18;
	_ =	swait.ge [sflag:s17], $0x800  }
0x8e: {  	p0 =	sne.s32 s18, s5;
	[sflag:s17] =	ssyncset.done $0x0  }
.Ltmp1:
0x8f: {  	[sflag:s17] =	ssyncadd.s32 $0xFFFFF800;
	(pc) =	sbr.rel @p0 .LBB2_1-.Ltmp1, $4  }
0x90: {  	[hbm4b:s19+s2] =	stream.linear.scatter [tilespmem:s9], [sflag:$0x2], $0x4000, $0x38;
	[tilespmem:$0x7400] =	vst v63  }
0x91: {  	_ =	swait.ge [sflag:s7], $0x4000  }
0x92: {  	[sflag:s7] =	ssyncset.done $0x0  }
0x93: {  	[sflag:s7] =	ssyncadd.s32 $0xFFFFC000  }
0x94: {  	_ =	sfence.sel $0x180000  }
0x95: {  	[bflag:$0x0] =	sbarrier.arrive $0xFFFF  }
0x96: {  	p0 =	sne.s32 s1, $0x0;
	_ =	strace $0x9000004A  }
0x97: {  	s0 =	sadd.s32 @!p0 $0x100000, s0;
	[bflag:$0x2] =	sbarrier.arrive $0xFFFF  }
0x98: {  	[sflag:s0] =	ssyncadd.tile.s32 @!p0 $0x1;
	_ =	shalt  }
.Lfunc_end2:
_tile_overlayer_lowered:
.L_overlay_start_2:
0x99: {  	(tag) =	ssettag $0x2  }
0x9a: {  	s0 =	rddreg [dreg:$0x0];
	s2 =	stileid.u32  }
0x9b: {  	s1 =	rddreg [dreg:$0x1];
	p0 =	sne.s32 s2, $0x0  }
0x9c: {  	s3 =	rddreg [dreg:$0x2];
	[bflag:$0x3] =	sbarrier.arrive $0xFFFF;
	s2 =	simm.s32 @!p0 $0x1C02  }
0x9d: {  	[timem:s3], [sflag:s2] =	dma.local @!p0 [hbm:s0], s1  }
0x9e: {  	s0 =	simm.s32 @!p0 $0x2  }
0x9f: {  	_ =	swait.ge @!p0 [sflag:s0], s1  }
0xa0: {  	s1 =	ssub.s32 @!p0 $0x0, s1;
	[sflag:s0] =	ssyncset.done @!p0 $0x0  }
0xa1: {  	[sflag:s0] =	ssyncadd.s32 @!p0 s1  }
0xa2: {  	[bflag:$0x3] =	sbarrier.arrive $0xFFFF  }
0xa3: {  	_ =	shalt  }

</sc_bundles>
